<compile_context>
chip_gen: v7x
topology: tpu7x:2x2x1
jax: 0.10.2.dev20260603
libtpu: 0.0.44.dev20260713+nightly
codegen_flags: <defaults>
</compile_context>

<pallas_src>
import functools

import jax
import jax.numpy as jnp
from jax import lax
from jax.experimental import pallas as pl
from jax.experimental.pallas import tpu as pltpu
from jax.experimental.pallas import tpu_sc as plsc

_TAU = 0.07
_INV_TAU = 1.0 / 0.07

_N = 10000
_E = 320000
_D = 128
_DW = _D // 2
_NC = 2
_NS = 16
_NW = _NC * _NS
_EPT = _E // _NW
_BB = 2000
_NOUT = _EPT // _BB
_BS = 80
_GS = _BS // 16
_NSUB = _BB // _BS


def _prep_body(x_ref, xi_ref):
    x = x_ref[...]
    na = jnp.sqrt(jnp.sum(x * x, axis=1, keepdims=True))
    inv = jnp.where(na > 0.0, 1.0 / jnp.maximum(na, 1e-30), 0.0)
    xn = x * inv
    lo = jax.lax.bitcast_convert_type(
        xn[:, :_DW].astype(jnp.bfloat16), jnp.uint16).astype(jnp.uint32)
    hi = jax.lax.bitcast_convert_type(
        xn[:, _DW:].astype(jnp.bfloat16), jnp.uint16).astype(jnp.uint32)
    xi_ref[...] = (lo | (hi << 16)).astype(jnp.int32)


def _loss_body(exp_ref, den_ref, pos_ref, out_ref):
    e = exp_ref[...]
    d = den_ref[...]
    p = pos_ref[...]
    lp = -jnp.log(e / (e + d))
    out_ref[0, 0] = jnp.sum(lp * p) / jnp.sum(p)


def _ka_body(x_hbm, inter_hbm, src_hbm, ci_hbm,
             exp_out, pos_out, den2_out,
             ci_tab, idx_big, src_big,
             rw0, rw1, rw2, rw3,
             exp_big, pos_big, neg_big, den_sh,
             sem0, sem1, sem2, sem3):
    cid = lax.axis_index("c")
    sid = lax.axis_index("s")
    wid = sid * _NC + cid
    iota = lax.iota(jnp.int32, 16)
    rows = ((rw0, sem0), (rw1, sem1), (rw2, sem2), (rw3, sem3))

    @pl.when(sid == 0)
    def _():
        def zbody(i, _):
            exp_big[pl.ds(i * 16, 16)] = jnp.zeros((16,), jnp.float32)
            return 0
        lax.fori_loop(0, _BB // 16, zbody, 0, unroll=8)
        for q in range(_N // _BB):
            pltpu.sync_copy(exp_big, den_sh.at[pl.ds(q * _BB, _BB)])

    plsc.subcore_barrier()

    pltpu.sync_copy(ci_hbm, ci_tab)

    def fire(j, b):
        rw, sem = rows[b]
        ia = idx_big.at[pl.ds(j * (2 * _BS), _BS)]
        ib = idx_big.at[pl.ds(j * (2 * _BS) + _BS, _BS)]
        pltpu.make_async_copy(x_hbm.at[ia], rw.at[pl.ds(0, _BS)],
                              sem).start()
        pltpu.make_async_copy(x_hbm.at[ib], rw.at[pl.ds(_BS, _BS)],
                              sem).start()

    def compute(j, b):
        rw, sem = rows[b]
        pltpu.make_async_copy(x_hbm.at[idx_big.at[pl.ds(0, _BS)]],
                              rw.at[pl.ds(0, _BS)], sem).wait()
        pltpu.make_async_copy(x_hbm.at[idx_big.at[pl.ds(0, _BS)]],
                              rw.at[pl.ds(_BS, _BS)], sem).wait()
        ra = rw
        rb = rw

        def group_body(g, _):
            ridx = iota + g * 16
            ridx_b = ridx + _BS
            eoff = j * _BS + g * 16
            srcv = idx_big[pl.ds(j * (2 * _BS) + g * 16, 16)]
            dstv = idx_big[pl.ds(j * (2 * _BS) + _BS + g * 16, 16)]

            zero = jnp.zeros((16,), jnp.float32)

            def one(c):
                wa = plsc.bitcast(plsc.load_gather(ra, [ridx, c]),
                                  jnp.bfloat16)
                wb = plsc.bitcast(plsc.load_gather(rb, [ridx_b, c]),
                                  jnp.bfloat16)
                alo, ahi = plsc.unpack(wa, format=plsc.PackFormat.INTERLEAVED,
                                       preferred_element_type=jnp.float32)
                blo, bhi = plsc.unpack(wb, format=plsc.PackFormat.INTERLEAVED,
                                       preferred_element_type=jnp.float32)
                return alo * blo, ahi * bhi

            def cbody(k, carry):
                a0, a1, a2, a3, a4, a5, a6, a7, col = carry
                p0, q0 = one(col)
                p1, q1 = one((col + 1) & 63)
                p2, q2 = one((col + 2) & 63)
                p3, q3 = one((col + 3) & 63)
                return (a0 + p0, a1 + q0, a2 + p1, a3 + q1,
                        a4 + p2, a5 + q2, a6 + p3, a7 + q3,
                        (col + 4) & 63)

            out = lax.fori_loop(
                0, _DW // 4, cbody,
                (zero, zero, zero, zero, zero, zero, zero, zero, iota),
                unroll=2)
            dot = (((out[0] + out[1]) + (out[2] + out[3]))
                   + ((out[4] + out[5]) + (out[6] + out[7])))
            cis = plsc.load_gather(ci_tab, [srcv])
            cid_v = plsc.load_gather(ci_tab, [dstv])
            ex = jnp.exp(dot * _INV_TAU - _INV_TAU)
            posm = (cis == cid_v) & (cis != -1) & (cid_v != -1)
            exp_big[pl.ds(eoff, 16)] = ex
            pos_big[pl.ds(eoff, 16)] = jnp.where(posm, 1.0, 0.0)
            neg_big[pl.ds(eoff, 16)] = jnp.where(posm, 0.0, ex)
            return 0

        lax.fori_loop(0, _GS, group_body, 0)

    def outer_body(ko, _):
        off = pl.multiple_of(wid * _EPT + ko * _BB, 8)
        ioff = pl.multiple_of((wid * _EPT + ko * _BB) * 2, 8)
        pltpu.sync_copy(inter_hbm.at[pl.ds(ioff, 2 * _BB)], idx_big)
        pltpu.sync_copy(src_hbm.at[pl.ds(off, _BB)], src_big)

        fire(0, 0)
        fire(1, 1)
        fire(2, 2)

        def sub_body(m, _):
            for b in range(4):
                j = m * 4 + b

                @pl.when(j + 3 < _NSUB)
                def _():
                    fire(j + 3, (b + 3) % 4)

                compute(j, b)
            return 0

        lax.fori_loop(0, _NSUB // 4, sub_body, 0)
        compute(_NSUB - 1, (_NSUB - 1) % 4)

        pltpu.sync_copy(exp_big, exp_out.at[pl.ds(off, _BB)])
        pltpu.sync_copy(pos_big, pos_out.at[pl.ds(off, _BB)])
        pltpu.sync_copy(neg_big, den_sh.at[src_big], add=True)
        return 0

    lax.fori_loop(0, _NOUT, outer_body, 0)

    plsc.subcore_barrier()

    @pl.when(sid == 0)
    def _():
        pltpu.sync_copy(den_sh, den2_out.at[cid])


def _kb_body(den2_hbm, src_hbm, den_out, dtab, t1, sbuf, obuf):
    cid = lax.axis_index("c")
    sid = lax.axis_index("s")
    wid = sid * _NC + cid
    pltpu.sync_copy(den2_hbm.at[0], dtab)
    pltpu.sync_copy(den2_hbm.at[1], t1)

    def addb(i, _):
        o = i * 16
        dtab[pl.ds(o, 16)] = jnp.maximum(
            dtab[pl.ds(o, 16)] + t1[pl.ds(o, 16)], 0.0)
        return 0

    lax.fori_loop(0, _N // 16, addb, 0, unroll=8)

    def chunk_body(k, _):
        off = pl.multiple_of(wid * _EPT + k * _BB, 8)
        pltpu.sync_copy(src_hbm.at[pl.ds(off, _BB)], sbuf)

        def gb(g, _):
            o = g * 16
            sv = sbuf[pl.ds(o, 16)]
            obuf[pl.ds(o, 16)] = plsc.load_gather(dtab, [sv])
            return 0

        lax.fori_loop(0, _BB // 16, gb, 0, unroll=8)
        pltpu.sync_copy(obuf, den_out.at[pl.ds(off, _BB)])
        return 0

    lax.fori_loop(0, _NOUT, chunk_body, 0)


_SC_MESH = plsc.VectorSubcoreMesh(core_axis_name="c", subcore_axis_name="s")

_ka = functools.partial(
    pl.kernel,
    mesh=_SC_MESH,
    compiler_params=pltpu.CompilerParams(needs_layout_passes=False,
                                         use_tc_tiling_on_sc=False),
    out_type=[
        jax.ShapeDtypeStruct((_E,), jnp.float32),
        jax.ShapeDtypeStruct((_E,), jnp.float32),
        jax.ShapeDtypeStruct((_NC, _N), jnp.float32),
    ],
    scratch_types=[
        pltpu.VMEM((_N,), jnp.int32),
        pltpu.VMEM((2 * _BB,), jnp.int32),
        pltpu.VMEM((_BB,), jnp.int32),
        pltpu.VMEM((2 * _BS, _DW), jnp.int32),
        pltpu.VMEM((2 * _BS, _DW), jnp.int32),
        pltpu.VMEM((2 * _BS, _DW), jnp.int32),
        pltpu.VMEM((2 * _BS, _DW), jnp.int32),
        pltpu.VMEM((_BB,), jnp.float32),
        pltpu.VMEM((_BB,), jnp.float32),
        pltpu.VMEM((_BB,), jnp.float32),
        pltpu.VMEM_SHARED((_N,), jnp.float32),
        pltpu.SemaphoreType.DMA,
        pltpu.SemaphoreType.DMA,
        pltpu.SemaphoreType.DMA,
        pltpu.SemaphoreType.DMA,
    ],
)(_ka_body)

_kb = functools.partial(
    pl.kernel,
    mesh=_SC_MESH,
    compiler_params=pltpu.CompilerParams(needs_layout_passes=False),
    out_type=jax.ShapeDtypeStruct((_E,), jnp.float32),
    scratch_types=[
        pltpu.VMEM((_N,), jnp.float32),
        pltpu.VMEM((_N,), jnp.float32),
        pltpu.VMEM((_BB,), jnp.int32),
        pltpu.VMEM((_BB,), jnp.float32),
    ],
)(_kb_body)


def kernel(x, point_pairs, cluster_ids, recons, pts):
    src = point_pairs[0]
    dst = point_pairs[1]
    xi = pl.pallas_call(
        _prep_body,
        out_shape=jax.ShapeDtypeStruct((_N, _DW), jnp.int32),
    )(x)
    inter = jnp.stack(
        [src.reshape(_E // _BS, _BS), dst.reshape(_E // _BS, _BS)],
        axis=1).reshape(2 * _E)

    expv, posf, den2 = _ka(xi, inter, src, cluster_ids.astype(jnp.int32))
    den = _kb(den2, src)

    W = 128
    out = pl.pallas_call(
        _loss_body,
        out_shape=jax.ShapeDtypeStruct((1, 1), jnp.float32),
        out_specs=pl.BlockSpec(memory_space=pltpu.SMEM),
    )(expv.reshape(_E // W, W), den.reshape(_E // W, W),
      posf.reshape(_E // W, W))
    return out[0, 0]

# --- scband reference (transcript-rebuilt; emitter-appended) ---
"""Pipeline reference for scband-info-nceloss-55516747268533 (READ-ONLY COPY).

The authoritative reference and input builder live on the scoring server;
editing this copy changes nothing except your own understanding.
"""

import jax, jax.numpy as jnp
import numpy as np

TAU = 0.07


def setup_inputs(seed: int = 0) -> dict:
    key = jax.random.key(seed)
    k1, k2, k3, k4, k5 = jax.random.split(key, 5)
    N, E, D = 10000, 320000, 128
    x = jax.random.normal(k1, (N, D), dtype=jnp.float32)
    point_pairs = jax.random.randint(k2, (2, E), 0, N)
    cluster_ids = jax.random.randint(k3, (N,), 0, 100)
    recons = jax.random.normal(k4, (N, 3), dtype=jnp.float32)
    pts = jax.random.normal(k5, (N, 3), dtype=jnp.float32)
    return {"x": x, "point_pairs": point_pairs, "cluster_ids": cluster_ids, "recons": recons, "pts": pts}


def reference(x, point_pairs, cluster_ids, recons, pts):
    src = point_pairs[0]
    dst = point_pairs[1]
    ci0 = cluster_ids[src]
    ci1 = cluster_ids[dst]
    pos_mask = (ci0 == ci1) & (ci0 != -1) & (ci1 != -1)
    neg_mask = ~pos_mask
    # cosine similarity (torch F.cosine_similarity semantics, eps=1e-8)
    a = jnp.take(x, src, axis=0)
    b = jnp.take(x, dst, axis=0)
    na = jnp.linalg.norm(a, ord=2, axis=-1)
    nb = jnp.linalg.norm(b, ord=2, axis=-1)
    similarity = jnp.sum(a * b, axis=-1) / jnp.maximum(na * nb, 1e-8)
    # InfoNCE with max-subtraction for numerical stability
    max_sim = jnp.max(similarity / TAU)
    exp_sim = jnp.exp(similarity / TAU - max_sim)
    # deterministic scatter-sum of negative similarities over anchor node (pairs[0])
    neg_contrib = jnp.where(neg_mask, exp_sim, 0.0)
    denominator_full = jax.ops.segment_sum(neg_contrib, src, num_segments=x.shape[0])
    denominator_full = jnp.maximum(denominator_full, 0.0)  # clamp(min=0)
    denom = jnp.take(denominator_full, src, axis=0)
    loss_per_pair = -jnp.log(exp_sim / (exp_sim + denom))
    posf = pos_mask.astype(jnp.float32)
    # mean over positive pairs only
    return jnp.sum(loss_per_pair * posf) / jnp.sum(posf)

if __name__ == "__main__":
    import jax
    _d = setup_inputs()
    print(jax.jit(kernel)(*tuple(_d.values())))

</pallas_src>

<mosaic_0001>
#map = affine_map<(d0, d1) -> (0, 0)>
#map1 = affine_map<(d0, d1) -> (0)>
module attributes {stable_mosaic.version = 14 : i64} {
  func.func @_kb_body(%arg0: i32, %arg1: i32, %arg2: memref<2x10000xf32, #tpu.memory_space<hbm>>, %arg3: memref<320000xi32, #tpu.memory_space<hbm>>, %arg4: memref<320000xf32, #tpu.memory_space<hbm>>, %arg5: memref<10000xf32, #tpu.memory_space<vmem>>, %arg6: memref<10000xf32, #tpu.memory_space<vmem>>, %arg7: memref<2000xi32, #tpu.memory_space<vmem>>, %arg8: memref<2000xf32, #tpu.memory_space<vmem>>) attributes {dimension_semantics = [#tpu.dimension_semantics<core_parallel>, #tpu.dimension_semantics<subcore_parallel>], iteration_bounds = array<i64: 2, 16>, scalar_prefetch = 0 : i64, scratch_operands = 4 : i64, tpu.core_type = #tpu.core_type<sc_vector_subcore>, window_params = [{transform_indices = #map}, {transform_indices = #map1}, {transform_indices = #map1}]} {
    %mul3A = arith.constant 2 : i32
    %mul3A_0 = arith.muli %arg1, %mul3A : i32
    %add3A = arith.addi %mul3A_0, %arg0 : i32
    %run_scoped3A = arith.constant 0 : i32
    "tpu.region"() ({
      %run_scoped3A_27 = tpu.sem_alloc : memref<!tpu.dma_semaphore, #tpu.memory_space<semaphore_mem>>
      %dma_start3A = arith.constant 0 : i32
      %dma_start3A_28 = tpu.memref_slice %arg2[%run_scoped3A, %dma_start3A] : memref<2x10000xf32, #tpu.memory_space<hbm>> -> memref<1x10000xf32, #tpu.memory_space<hbm>>
      %dma_start3A_29 = tpu.memref_squeeze %dma_start3A_28 : memref<1x10000xf32, #tpu.memory_space<hbm>> -> memref<10000xf32, #tpu.memory_space<hbm>>
      %dma_start3A_30 = arith.constant 0 : i32
      %dma_start3A_31 = tpu.memref_slice %arg2[%run_scoped3A, %dma_start3A_30] : memref<2x10000xf32, #tpu.memory_space<hbm>> -> memref<1x10000xf32, #tpu.memory_space<hbm>>
      %dma_start3A_32 = tpu.memref_squeeze %dma_start3A_31 : memref<1x10000xf32, #tpu.memory_space<hbm>> -> memref<10000xf32, #tpu.memory_space<hbm>>
      tpu.enqueue_dma source(%dma_start3A_32 : memref<10000xf32, #tpu.memory_space<hbm>>) target(%arg5 : memref<10000xf32, #tpu.memory_space<vmem>>) target_semaphore(%run_scoped3A_27 : memref<!tpu.dma_semaphore, #tpu.memory_space<semaphore_mem>>)
      %dma_wait3A = arith.constant 0 : i32
      %dma_wait3A_33 = tpu.memref_slice %arg2[%run_scoped3A, %dma_wait3A] : memref<2x10000xf32, #tpu.memory_space<hbm>> -> memref<1x10000xf32, #tpu.memory_space<hbm>>
      %dma_wait3A_34 = tpu.memref_squeeze %dma_wait3A_33 : memref<1x10000xf32, #tpu.memory_space<hbm>> -> memref<10000xf32, #tpu.memory_space<hbm>>
      %dma_wait3A_35 = arith.constant 0 : i32
      %dma_wait3A_36 = tpu.memref_slice %arg2[%run_scoped3A, %dma_wait3A_35] : memref<2x10000xf32, #tpu.memory_space<hbm>> -> memref<1x10000xf32, #tpu.memory_space<hbm>>
      %dma_wait3A_37 = tpu.memref_squeeze %dma_wait3A_36 : memref<1x10000xf32, #tpu.memory_space<hbm>> -> memref<10000xf32, #tpu.memory_space<hbm>>
      tpu.wait_dma2 semaphore(%run_scoped3A_27 : memref<!tpu.dma_semaphore, #tpu.memory_space<semaphore_mem>>) src(%dma_wait3A_37 : memref<10000xf32, #tpu.memory_space<hbm>>) dst(%arg5 : memref<10000xf32, #tpu.memory_space<vmem>>)
      tpu.yield
    }) : () -> ()
    %run_scoped3A_1 = arith.constant 1 : i32
    "tpu.region"() ({
      %run_scoped3A_27 = tpu.sem_alloc : memref<!tpu.dma_semaphore, #tpu.memory_space<semaphore_mem>>
      %dma_start3A = arith.constant 0 : i32
      %dma_start3A_28 = tpu.memref_slice %arg2[%run_scoped3A_1, %dma_start3A] : memref<2x10000xf32, #tpu.memory_space<hbm>> -> memref<1x10000xf32, #tpu.memory_space<hbm>>
      %dma_start3A_29 = tpu.memref_squeeze %dma_start3A_28 : memref<1x10000xf32, #tpu.memory_space<hbm>> -> memref<10000xf32, #tpu.memory_space<hbm>>
      %dma_start3A_30 = arith.constant 0 : i32
      %dma_start3A_31 = tpu.memref_slice %arg2[%run_scoped3A_1, %dma_start3A_30] : memref<2x10000xf32, #tpu.memory_space<hbm>> -> memref<1x10000xf32, #tpu.memory_space<hbm>>
      %dma_start3A_32 = tpu.memref_squeeze %dma_start3A_31 : memref<1x10000xf32, #tpu.memory_space<hbm>> -> memref<10000xf32, #tpu.memory_space<hbm>>
      tpu.enqueue_dma source(%dma_start3A_32 : memref<10000xf32, #tpu.memory_space<hbm>>) target(%arg6 : memref<10000xf32, #tpu.memory_space<vmem>>) target_semaphore(%run_scoped3A_27 : memref<!tpu.dma_semaphore, #tpu.memory_space<semaphore_mem>>)
      %dma_wait3A = arith.constant 0 : i32
      %dma_wait3A_33 = tpu.memref_slice %arg2[%run_scoped3A_1, %dma_wait3A] : memref<2x10000xf32, #tpu.memory_space<hbm>> -> memref<1x10000xf32, #tpu.memory_space<hbm>>
      %dma_wait3A_34 = tpu.memref_squeeze %dma_wait3A_33 : memref<1x10000xf32, #tpu.memory_space<hbm>> -> memref<10000xf32, #tpu.memory_space<hbm>>
      %dma_wait3A_35 = arith.constant 0 : i32
      %dma_wait3A_36 = tpu.memref_slice %arg2[%run_scoped3A_1, %dma_wait3A_35] : memref<2x10000xf32, #tpu.memory_space<hbm>> -> memref<1x10000xf32, #tpu.memory_space<hbm>>
      %dma_wait3A_37 = tpu.memref_squeeze %dma_wait3A_36 : memref<1x10000xf32, #tpu.memory_space<hbm>> -> memref<10000xf32, #tpu.memory_space<hbm>>
      tpu.wait_dma2 semaphore(%run_scoped3A_27 : memref<!tpu.dma_semaphore, #tpu.memory_space<semaphore_mem>>) src(%dma_wait3A_37 : memref<10000xf32, #tpu.memory_space<hbm>>) dst(%arg6 : memref<10000xf32, #tpu.memory_space<vmem>>)
      tpu.yield
    }) : () -> ()
    %scan3A = arith.constant 0 : i32
    %scan3A_2 = arith.constant 0 : i32
    %scan3A_3 = arith.constant 624 : i32
    %scan3A_4 = arith.addi %scan3A_2, %scan3A_3 : i32
    %scan3A_5 = arith.constant 8 : i32
    %scan3A_6 = scf.for %scan3A_27 = %scan3A_2 to %scan3A_4 step %scan3A_5 iter_args(%scan3A_28 = %scan3A) -> (i32)  : i32 {
      %mul3A_29 = arith.constant 16 : i32
      %mul3A_30 = arith.muli %scan3A_27, %mul3A_29 : i32
      %get3A_31 = arith.index_cast %mul3A_30 : i32 to index
      %get3A_32 = tpu.vector_load %arg5[%get3A_31] {strides = array<i32>} : memref<10000xf32, #tpu.memory_space<vmem>>, vector<16xf32>,
      %get3A_33 = arith.index_cast %mul3A_30 : i32 to index
      %get3A_34 = tpu.vector_load %arg6[%get3A_33] {strides = array<i32>} : memref<10000xf32, #tpu.memory_space<vmem>>, vector<16xf32>,
      %add3A_35 = arith.addf %get3A_32, %get3A_34 : vector<16xf32>
      %max3A_36 = arith.constant 0.000000e+00 : f32
      %max3A_37 = vector.broadcast %max3A_36 : f32 to vector<16xf32>
      %max3A_38 = arith.maximumf %add3A_35, %max3A_37 : vector<16xf32>
      %swap3A_39 = arith.index_cast %mul3A_30 : i32 to index
      %swap3A_40 = tpu.vector_load %arg5[%swap3A_39] {strides = array<i32>} : memref<10000xf32, #tpu.memory_space<vmem>>, vector<16xf32>,
      tpu.vector_store %arg5[%swap3A_39], %max3A_38 {strides = array<i32>} : memref<10000xf32, #tpu.memory_space<vmem>>, vector<16xf32>,
      %scan3A_41 = arith.constant 0 : i32
      %scan3A_42 = arith.constant 1 : i32
      %scan3A_43 = arith.addi %scan3A_27, %scan3A_42 : i32
      %mul3A_44 = arith.constant 16 : i32
      %mul3A_45 = arith.muli %scan3A_43, %mul3A_44 : i32
      %get3A_46 = arith.index_cast %mul3A_45 : i32 to index
      %get3A_47 = tpu.vector_load %arg5[%get3A_46] {strides = array<i32>} : memref<10000xf32, #tpu.memory_space<vmem>>, vector<16xf32>,
      %get3A_48 = arith.index_cast %mul3A_45 : i32 to index
      %get3A_49 = tpu.vector_load %arg6[%get3A_48] {strides = array<i32>} : memref<10000xf32, #tpu.memory_space<vmem>>, vector<16xf32>,
      %add3A_50 = arith.addf %get3A_47, %get3A_49 : vector<16xf32>
      %max3A_51 = arith.constant 0.000000e+00 : f32
      %max3A_52 = vector.broadcast %max3A_51 : f32 to vector<16xf32>
      %max3A_53 = arith.maximumf %add3A_50, %max3A_52 : vector<16xf32>
      %swap3A_54 = arith.index_cast %mul3A_45 : i32 to index
      %swap3A_55 = tpu.vector_load %arg5[%swap3A_54] {strides = array<i32>} : memref<10000xf32, #tpu.memory_space<vmem>>, vector<16xf32>,
      tpu.vector_store %arg5[%swap3A_54], %max3A_53 {strides = array<i32>} : memref<10000xf32, #tpu.memory_space<vmem>>, vector<16xf32>,
      %scan3A_56 = arith.constant 0 : i32
      %scan3A_57 = arith.constant 2 : i32
      %scan3A_58 = arith.addi %scan3A_27, %scan3A_57 : i32
      %mul3A_59 = arith.constant 16 : i32
      %mul3A_60 = arith.muli %scan3A_58, %mul3A_59 : i32
      %get3A_61 = arith.index_cast %mul3A_60 : i32 to index
      %get3A_62 = tpu.vector_load %arg5[%get3A_61] {strides = array<i32>} : memref<10000xf32, #tpu.memory_space<vmem>>, vector<16xf32>,
      %get3A_63 = arith.index_cast %mul3A_60 : i32 to index
      %get3A_64 = tpu.vector_load %arg6[%get3A_63] {strides = array<i32>} : memref<10000xf32, #tpu.memory_space<vmem>>, vector<16xf32>,
      %add3A_65 = arith.addf %get3A_62, %get3A_64 : vector<16xf32>
      %max3A_66 = arith.constant 0.000000e+00 : f32
      %max3A_67 = vector.broadcast %max3A_66 : f32 to vector<16xf32>
      %max3A_68 = arith.maximumf %add3A_65, %max3A_67 : vector<16xf32>
      %swap3A_69 = arith.index_cast %mul3A_60 : i32 to index
      %swap3A_70 = tpu.vector_load %arg5[%swap3A_69] {strides = array<i32>} : memref<10000xf32, #tpu.memory_space<vmem>>, vector<16xf32>,
      tpu.vector_store %arg5[%swap3A_69], %max3A_68 {strides = array<i32>} : memref<10000xf32, #tpu.memory_space<vmem>>, vector<16xf32>,
      %scan3A_71 = arith.constant 0 : i32
      %scan3A_72 = arith.constant 3 : i32
      %scan3A_73 = arith.addi %scan3A_27, %scan3A_72 : i32
      %mul3A_74 = arith.constant 16 : i32
      %mul3A_75 = arith.muli %scan3A_73, %mul3A_74 : i32
      %get3A_76 = arith.index_cast %mul3A_75 : i32 to index
      %get3A_77 = tpu.vector_load %arg5[%get3A_76] {strides = array<i32>} : memref<10000xf32, #tpu.memory_space<vmem>>, vector<16xf32>,
      %get3A_78 = arith.index_cast %mul3A_75 : i32 to index
      %get3A_79 = tpu.vector_load %arg6[%get3A_78] {strides = array<i32>} : memref<10000xf32, #tpu.memory_space<vmem>>, vector<16xf32>,
      %add3A_80 = arith.addf %get3A_77, %get3A_79 : vector<16xf32>
      %max3A_81 = arith.constant 0.000000e+00 : f32
      %max3A_82 = vector.broadcast %max3A_81 : f32 to vector<16xf32>
      %max3A_83 = arith.maximumf %add3A_80, %max3A_82 : vector<16xf32>
      %swap3A_84 = arith.index_cast %mul3A_75 : i32 to index
      %swap3A_85 = tpu.vector_load %arg5[%swap3A_84] {strides = array<i32>} : memref<10000xf32, #tpu.memory_space<vmem>>, vector<16xf32>,
      tpu.vector_store %arg5[%swap3A_84], %max3A_83 {strides = array<i32>} : memref<10000xf32, #tpu.memory_space<vmem>>, vector<16xf32>,
      %scan3A_86 = arith.constant 0 : i32
      %scan3A_87 = arith.constant 4 : i32
      %scan3A_88 = arith.addi %scan3A_27, %scan3A_87 : i32
      %mul3A_89 = arith.constant 16 : i32
      %mul3A_90 = arith.muli %scan3A_88, %mul3A_89 : i32
      %get3A_91 = arith.index_cast %mul3A_90 : i32 to index
      %get3A_92 = tpu.vector_load %arg5[%get3A_91] {strides = array<i32>} : memref<10000xf32, #tpu.memory_space<vmem>>, vector<16xf32>,
      %get3A_93 = arith.index_cast %mul3A_90 : i32 to index
      %get3A_94 = tpu.vector_load %arg6[%get3A_93] {strides = array<i32>} : memref<10000xf32, #tpu.memory_space<vmem>>, vector<16xf32>,
      %add3A_95 = arith.addf %get3A_92, %get3A_94 : vector<16xf32>
      %max3A_96 = arith.constant 0.000000e+00 : f32
      %max3A_97 = vector.broadcast %max3A_96 : f32 to vector<16xf32>
      %max3A_98 = arith.maximumf %add3A_95, %max3A_97 : vector<16xf32>
      %swap3A_99 = arith.index_cast %mul3A_90 : i32 to index
      %swap3A_100 = tpu.vector_load %arg5[%swap3A_99] {strides = array<i32>} : memref<10000xf32, #tpu.memory_space<vmem>>, vector<16xf32>,
      tpu.vector_store %arg5[%swap3A_99], %max3A_98 {strides = array<i32>} : memref<10000xf32, #tpu.memory_space<vmem>>, vector<16xf32>,
      %scan3A_101 = arith.constant 0 : i32
      %scan3A_102 = arith.constant 5 : i32
      %scan3A_103 = arith.addi %scan3A_27, %scan3A_102 : i32
      %mul3A_104 = arith.constant 16 : i32
      %mul3A_105 = arith.muli %scan3A_103, %mul3A_104 : i32
      %get3A_106 = arith.index_cast %mul3A_105 : i32 to index
      %get3A_107 = tpu.vector_load %arg5[%get3A_106] {strides = array<i32>} : memref<10000xf32, #tpu.memory_space<vmem>>, vector<16xf32>,
      %get3A_108 = arith.index_cast %mul3A_105 : i32 to index
      %get3A_109 = tpu.vector_load %arg6[%get3A_108] {strides = array<i32>} : memref<10000xf32, #tpu.memory_space<vmem>>, vector<16xf32>,
      %add3A_110 = arith.addf %get3A_107, %get3A_109 : vector<16xf32>
      %max3A_111 = arith.constant 0.000000e+00 : f32
      %max3A_112 = vector.broadcast %max3A_111 : f32 to vector<16xf32>
      %max3A_113 = arith.maximumf %add3A_110, %max3A_112 : vector<16xf32>
      %swap3A_114 = arith.index_cast %mul3A_105 : i32 to index
      %swap3A_115 = tpu.vector_load %arg5[%swap3A_114] {strides = array<i32>} : memref<10000xf32, #tpu.memory_space<vmem>>, vector<16xf32>,
      tpu.vector_store %arg5[%swap3A_114], %max3A_113 {strides = array<i32>} : memref<10000xf32, #tpu.memory_space<vmem>>, vector<16xf32>,
      %scan3A_116 = arith.constant 0 : i32
      %scan3A_117 = arith.constant 6 : i32
      %scan3A_118 = arith.addi %scan3A_27, %scan3A_117 : i32
      %mul3A_119 = arith.constant 16 : i32
      %mul3A_120 = arith.muli %scan3A_118, %mul3A_119 : i32
      %get3A_121 = arith.index_cast %mul3A_120 : i32 to index
      %get3A_122 = tpu.vector_load %arg5[%get3A_121] {strides = array<i32>} : memref<10000xf32, #tpu.memory_space<vmem>>, vector<16xf32>,
      %get3A_123 = arith.index_cast %mul3A_120 : i32 to index
      %get3A_124 = tpu.vector_load %arg6[%get3A_123] {strides = array<i32>} : memref<10000xf32, #tpu.memory_space<vmem>>, vector<16xf32>,
      %add3A_125 = arith.addf %get3A_122, %get3A_124 : vector<16xf32>
      %max3A_126 = arith.constant 0.000000e+00 : f32
      %max3A_127 = vector.broadcast %max3A_126 : f32 to vector<16xf32>
      %max3A_128 = arith.maximumf %add3A_125, %max3A_127 : vector<16xf32>
      %swap3A_129 = arith.index_cast %mul3A_120 : i32 to index
      %swap3A_130 = tpu.vector_load %arg5[%swap3A_129] {strides = array<i32>} : memref<10000xf32, #tpu.memory_space<vmem>>, vector<16xf32>,
      tpu.vector_store %arg5[%swap3A_129], %max3A_128 {strides = array<i32>} : memref<10000xf32, #tpu.memory_space<vmem>>, vector<16xf32>,
      %scan3A_131 = arith.constant 0 : i32
      %scan3A_132 = arith.constant 7 : i32
      %scan3A_133 = arith.addi %scan3A_27, %scan3A_132 : i32
      %mul3A_134 = arith.constant 16 : i32
      %mul3A_135 = arith.muli %scan3A_133, %mul3A_134 : i32
      %get3A_136 = arith.index_cast %mul3A_135 : i32 to index
      %get3A_137 = tpu.vector_load %arg5[%get3A_136] {strides = array<i32>} : memref<10000xf32, #tpu.memory_space<vmem>>, vector<16xf32>,
      %get3A_138 = arith.index_cast %mul3A_135 : i32 to index
      %get3A_139 = tpu.vector_load %arg6[%get3A_138] {strides = array<i32>} : memref<10000xf32, #tpu.memory_space<vmem>>, vector<16xf32>,
      %add3A_140 = arith.addf %get3A_137, %get3A_139 : vector<16xf32>
      %max3A_141 = arith.constant 0.000000e+00 : f32
      %max3A_142 = vector.broadcast %max3A_141 : f32 to vector<16xf32>
      %max3A_143 = arith.maximumf %add3A_140, %max3A_142 : vector<16xf32>
      %swap3A_144 = arith.index_cast %mul3A_135 : i32 to index
      %swap3A_145 = tpu.vector_load %arg5[%swap3A_144] {strides = array<i32>} : memref<10000xf32, #tpu.memory_space<vmem>>, vector<16xf32>,
      tpu.vector_store %arg5[%swap3A_144], %max3A_143 {strides = array<i32>} : memref<10000xf32, #tpu.memory_space<vmem>>, vector<16xf32>,
      %scan3A_146 = arith.constant 0 : i32
      scf.yield %scan3A_146 : i32
    }
    %scan3A_7 = arith.constant 624 : i32
    %scan3A_8 = arith.addi %scan3A_2, %scan3A_7 : i32
    %mul3A_9 = arith.constant 16 : i32
    %mul3A_10 = arith.muli %scan3A_8, %mul3A_9 : i32
    %get3A = arith.index_cast %mul3A_10 : i32 to index
    %get3A_11 = tpu.vector_load %arg5[%get3A] {strides = array<i32>} : memref<10000xf32, #tpu.memory_space<vmem>>, vector<16xf32>,
    %get3A_12 = arith.index_cast %mul3A_10 : i32 to index
    %get3A_13 = tpu.vector_load %arg6[%get3A_12] {strides = array<i32>} : memref<10000xf32, #tpu.memory_space<vmem>>, vector<16xf32>,
    %add3A_14 = arith.addf %get3A_11, %get3A_13 : vector<16xf32>
    %max3A = arith.constant 0.000000e+00 : f32
    %max3A_15 = vector.broadcast %max3A : f32 to vector<16xf32>
    %max3A_16 = arith.maximumf %add3A_14, %max3A_15 : vector<16xf32>
    %swap3A = arith.index_cast %mul3A_10 : i32 to index
    %swap3A_17 = tpu.vector_load %arg5[%swap3A] {strides = array<i32>} : memref<10000xf32, #tpu.memory_space<vmem>>, vector<16xf32>,
    tpu.vector_store %arg5[%swap3A], %max3A_16 {strides = array<i32>} : memref<10000xf32, #tpu.memory_space<vmem>>, vector<16xf32>,
    %scan3A_18 = arith.constant 0 : i32
    %scan3A_19 = arith.constant 625 : i32
    %scan3A_20 = arith.constant 0 : i32
    %scan3A_21 = arith.constant 0 : i32
    %scan3A_22 = arith.constant 5 : i32
    %scan3A_23 = arith.addi %scan3A_21, %scan3A_22 : i32
    %scan3A_24 = arith.constant 1 : i32
    %scan3A_25 = scf.for %scan3A_27 = %scan3A_21 to %scan3A_23 step %scan3A_24 iter_args(%scan3A_28 = %scan3A_20) -> (i32)  : i32 {
      %mul3A_29 = arith.constant 10000 : i32
      %mul3A_30 = arith.muli %add3A, %mul3A_29 : i32
      %mul3A_31 = arith.constant 2000 : i32
      %mul3A_32 = arith.muli %scan3A_27, %mul3A_31 : i32
      %add3A_33 = arith.addi %mul3A_30, %mul3A_32 : i32
      %multiple_of3A = tpu.assume_multiple %add3A_33, 8 : i32
      "tpu.region"() ({
        %run_scoped3A_91 = tpu.sem_alloc : memref<!tpu.dma_semaphore, #tpu.memory_space<semaphore_mem>>
        %dma_start3A = tpu.memref_slice %arg3[%multiple_of3A] : memref<320000xi32, #tpu.memory_space<hbm>> -> memref<2000xi32, #tpu.memory_space<hbm>>
        %dma_start3A_92 = tpu.memref_slice %arg3[%multiple_of3A] : memref<320000xi32, #tpu.memory_space<hbm>> -> memref<2000xi32, #tpu.memory_space<hbm>>
        tpu.enqueue_dma source(%dma_start3A_92 : memref<2000xi32, #tpu.memory_space<hbm>>) target(%arg7 : memref<2000xi32, #tpu.memory_space<vmem>>) target_semaphore(%run_scoped3A_91 : memref<!tpu.dma_semaphore, #tpu.memory_space<semaphore_mem>>)
        %dma_wait3A = tpu.memref_slice %arg3[%multiple_of3A] : memref<320000xi32, #tpu.memory_space<hbm>> -> memref<2000xi32, #tpu.memory_space<hbm>>
        %dma_wait3A_93 = tpu.memref_slice %arg3[%multiple_of3A] : memref<320000xi32, #tpu.memory_space<hbm>> -> memref<2000xi32, #tpu.memory_space<hbm>>
        tpu.wait_dma2 semaphore(%run_scoped3A_91 : memref<!tpu.dma_semaphore, #tpu.memory_space<semaphore_mem>>) src(%dma_wait3A_93 : memref<2000xi32, #tpu.memory_space<hbm>>) dst(%arg7 : memref<2000xi32, #tpu.memory_space<vmem>>)
        tpu.yield
      }) : () -> ()
      %scan3A_34 = arith.constant 0 : i32
      %scan3A_35 = arith.constant 0 : i32
      %scan3A_36 = arith.constant 120 : i32
      %scan3A_37 = arith.addi %scan3A_35, %scan3A_36 : i32
      %scan3A_38 = arith.constant 8 : i32
      %scan3A_39 = scf.for %scan3A_91 = %scan3A_35 to %scan3A_37 step %scan3A_38 iter_args(%scan3A_92 = %scan3A_34) -> (i32)  : i32 {
        %mul3A_93 = arith.constant 16 : i32
        %mul3A_94 = arith.muli %scan3A_91, %mul3A_93 : i32
        %get3A_95 = arith.index_cast %mul3A_94 : i32 to index
        %get3A_96 = tpu.vector_load %arg7[%get3A_95] {strides = array<i32>} : memref<2000xi32, #tpu.memory_space<vmem>>, vector<16xi32>,
        %gather3A_97 = tpu.vector_load_idx %arg5[%get3A_96] : memref<10000xf32, #tpu.memory_space<vmem>>[vector<16xi32>], vector<16xf32>,
        %swap3A_98 = arith.index_cast %mul3A_94 : i32 to index
        %swap3A_99 = tpu.vector_load %arg8[%swap3A_98] {strides = array<i32>} : memref<2000xf32, #tpu.memory_space<vmem>>, vector<16xf32>,
        tpu.vector_store %arg8[%swap3A_98], %gather3A_97 {strides = array<i32>} : memref<2000xf32, #tpu.memory_space<vmem>>, vector<16xf32>,
        %scan3A_100 = arith.constant 0 : i32
        %scan3A_101 = arith.constant 1 : i32
        %scan3A_102 = arith.addi %scan3A_91, %scan3A_101 : i32
        %mul3A_103 = arith.constant 16 : i32
        %mul3A_104 = arith.muli %scan3A_102, %mul3A_103 : i32
        %get3A_105 = arith.index_cast %mul3A_104 : i32 to index
        %get3A_106 = tpu.vector_load %arg7[%get3A_105] {strides = array<i32>} : memref<2000xi32, #tpu.memory_space<vmem>>, vector<16xi32>,
        %gather3A_107 = tpu.vector_load_idx %arg5[%get3A_106] : memref<10000xf32, #tpu.memory_space<vmem>>[vector<16xi32>], vector<16xf32>,
        %swap3A_108 = arith.index_cast %mul3A_104 : i32 to index
        %swap3A_109 = tpu.vector_load %arg8[%swap3A_108] {strides = array<i32>} : memref<2000xf32, #tpu.memory_space<vmem>>, vector<16xf32>,
        tpu.vector_store %arg8[%swap3A_108], %gather3A_107 {strides = array<i32>} : memref<2000xf32, #tpu.memory_space<vmem>>, vector<16xf32>,
        %scan3A_110 = arith.constant 0 : i32
        %scan3A_111 = arith.constant 2 : i32
        %scan3A_112 = arith.addi %scan3A_91, %scan3A_111 : i32
        %mul3A_113 = arith.constant 16 : i32
        %mul3A_114 = arith.muli %scan3A_112, %mul3A_113 : i32
        %get3A_115 = arith.index_cast %mul3A_114 : i32 to index
        %get3A_116 = tpu.vector_load %arg7[%get3A_115] {strides = array<i32>} : memref<2000xi32, #tpu.memory_space<vmem>>, vector<16xi32>,
        %gather3A_117 = tpu.vector_load_idx %arg5[%get3A_116] : memref<10000xf32, #tpu.memory_space<vmem>>[vector<16xi32>], vector<16xf32>,
        %swap3A_118 = arith.index_cast %mul3A_114 : i32 to index
        %swap3A_119 = tpu.vector_load %arg8[%swap3A_118] {strides = array<i32>} : memref<2000xf32, #tpu.memory_space<vmem>>, vector<16xf32>,
        tpu.vector_store %arg8[%swap3A_118], %gather3A_117 {strides = array<i32>} : memref<2000xf32, #tpu.memory_space<vmem>>, vector<16xf32>,
        %scan3A_120 = arith.constant 0 : i32
        %scan3A_121 = arith.constant 3 : i32
        %scan3A_122 = arith.addi %scan3A_91, %scan3A_121 : i32
        %mul3A_123 = arith.constant 16 : i32
        %mul3A_124 = arith.muli %scan3A_122, %mul3A_123 : i32
        %get3A_125 = arith.index_cast %mul3A_124 : i32 to index
        %get3A_126 = tpu.vector_load %arg7[%get3A_125] {strides = array<i32>} : memref<2000xi32, #tpu.memory_space<vmem>>, vector<16xi32>,
        %gather3A_127 = tpu.vector_load_idx %arg5[%get3A_126] : memref<10000xf32, #tpu.memory_space<vmem>>[vector<16xi32>], vector<16xf32>,
        %swap3A_128 = arith.index_cast %mul3A_124 : i32 to index
        %swap3A_129 = tpu.vector_load %arg8[%swap3A_128] {strides = array<i32>} : memref<2000xf32, #tpu.memory_space<vmem>>, vector<16xf32>,
        tpu.vector_store %arg8[%swap3A_128], %gather3A_127 {strides = array<i32>} : memref<2000xf32, #tpu.memory_space<vmem>>, vector<16xf32>,
        %scan3A_130 = arith.constant 0 : i32
        %scan3A_131 = arith.constant 4 : i32
        %scan3A_132 = arith.addi %scan3A_91, %scan3A_131 : i32
        %mul3A_133 = arith.constant 16 : i32
        %mul3A_134 = arith.muli %scan3A_132, %mul3A_133 : i32
        %get3A_135 = arith.index_cast %mul3A_134 : i32 to index
        %get3A_136 = tpu.vector_load %arg7[%get3A_135] {strides = array<i32>} : memref<2000xi32, #tpu.memory_space<vmem>>, vector<16xi32>,
        %gather3A_137 = tpu.vector_load_idx %arg5[%get3A_136] : memref<10000xf32, #tpu.memory_space<vmem>>[vector<16xi32>], vector<16xf32>,
        %swap3A_138 = arith.index_cast %mul3A_134 : i32 to index
        %swap3A_139 = tpu.vector_load %arg8[%swap3A_138] {strides = array<i32>} : memref<2000xf32, #tpu.memory_space<vmem>>, vector<16xf32>,
        tpu.vector_store %arg8[%swap3A_138], %gather3A_137 {strides = array<i32>} : memref<2000xf32, #tpu.memory_space<vmem>>, vector<16xf32>,
        %scan3A_140 = arith.constant 0 : i32
        %scan3A_141 = arith.constant 5 : i32
        %scan3A_142 = arith.addi %scan3A_91, %scan3A_141 : i32
        %mul3A_143 = arith.constant 16 : i32
        %mul3A_144 = arith.muli %scan3A_142, %mul3A_143 : i32
        %get3A_145 = arith.index_cast %mul3A_144 : i32 to index
        %get3A_146 = tpu.vector_load %arg7[%get3A_145] {strides = array<i32>} : memref<2000xi32, #tpu.memory_space<vmem>>, vector<16xi32>,
        %gather3A_147 = tpu.vector_load_idx %arg5[%get3A_146] : memref<10000xf32, #tpu.memory_space<vmem>>[vector<16xi32>], vector<16xf32>,
        %swap3A_148 = arith.index_cast %mul3A_144 : i32 to index
        %swap3A_149 = tpu.vector_load %arg8[%swap3A_148] {strides = array<i32>} : memref<2000xf32, #tpu.memory_space<vmem>>, vector<16xf32>,
        tpu.vector_store %arg8[%swap3A_148], %gather3A_147 {strides = array<i32>} : memref<2000xf32, #tpu.memory_space<vmem>>, vector<16xf32>,
        %scan3A_150 = arith.constant 0 : i32
        %scan3A_151 = arith.constant 6 : i32
        %scan3A_152 = arith.addi %scan3A_91, %scan3A_151 : i32
        %mul3A_153 = arith.constant 16 : i32
        %mul3A_154 = arith.muli %scan3A_152, %mul3A_153 : i32
        %get3A_155 = arith.index_cast %mul3A_154 : i32 to index
        %get3A_156 = tpu.vector_load %arg7[%get3A_155] {strides = array<i32>} : memref<2000xi32, #tpu.memory_space<vmem>>, vector<16xi32>,
        %gather3A_157 = tpu.vector_load_idx %arg5[%get3A_156] : memref<10000xf32, #tpu.memory_space<vmem>>[vector<16xi32>], vector<16xf32>,
        %swap3A_158 = arith.index_cast %mul3A_154 : i32 to index
        %swap3A_159 = tpu.vector_load %arg8[%swap3A_158] {strides = array<i32>} : memref<2000xf32, #tpu.memory_space<vmem>>, vector<16xf32>,
        tpu.vector_store %arg8[%swap3A_158], %gather3A_157 {strides = array<i32>} : memref<2000xf32, #tpu.memory_space<vmem>>, vector<16xf32>,
        %scan3A_160 = arith.constant 0 : i32
        %scan3A_161 = arith.constant 7 : i32
        %scan3A_162 = arith.addi %scan3A_91, %scan3A_161 : i32
        %mul3A_163 = arith.constant 16 : i32
        %mul3A_164 = arith.muli %scan3A_162, %mul3A_163 : i32
        %get3A_165 = arith.index_cast %mul3A_164 : i32 to index
        %get3A_166 = tpu.vector_load %arg7[%get3A_165] {strides = array<i32>} : memref<2000xi32, #tpu.memory_space<vmem>>, vector<16xi32>,
        %gather3A_167 = tpu.vector_load_idx %arg5[%get3A_166] : memref<10000xf32, #tpu.memory_space<vmem>>[vector<16xi32>], vector<16xf32>,
        %swap3A_168 = arith.index_cast %mul3A_164 : i32 to index
        %swap3A_169 = tpu.vector_load %arg8[%swap3A_168] {strides = array<i32>} : memref<2000xf32, #tpu.memory_space<vmem>>, vector<16xf32>,
        tpu.vector_store %arg8[%swap3A_168], %gather3A_167 {strides = array<i32>} : memref<2000xf32, #tpu.memory_space<vmem>>, vector<16xf32>,
        %scan3A_170 = arith.constant 0 : i32
        scf.yield %scan3A_170 : i32
      }
      %scan3A_40 = arith.constant 120 : i32
      %scan3A_41 = arith.addi %scan3A_35, %scan3A_40 : i32
      %mul3A_42 = arith.constant 16 : i32
      %mul3A_43 = arith.muli %scan3A_41, %mul3A_42 : i32
      %get3A_44 = arith.index_cast %mul3A_43 : i32 to index
      %get3A_45 = tpu.vector_load %arg7[%get3A_44] {strides = array<i32>} : memref<2000xi32, #tpu.memory_space<vmem>>, vector<16xi32>,
      %gather3A = tpu.vector_load_idx %arg5[%get3A_45] : memref<10000xf32, #tpu.memory_space<vmem>>[vector<16xi32>], vector<16xf32>,
      %swap3A_46 = arith.index_cast %mul3A_43 : i32 to index
      %swap3A_47 = tpu.vector_load %arg8[%swap3A_46] {strides = array<i32>} : memref<2000xf32, #tpu.memory_space<vmem>>, vector<16xf32>,
      tpu.vector_store %arg8[%swap3A_46], %gather3A {strides = array<i32>} : memref<2000xf32, #tpu.memory_space<vmem>>, vector<16xf32>,
      %scan3A_48 = arith.constant 0 : i32
      %scan3A_49 = arith.constant 121 : i32
      %scan3A_50 = arith.addi %scan3A_35, %scan3A_49 : i32
      %mul3A_51 = arith.constant 16 : i32
      %mul3A_52 = arith.muli %scan3A_50, %mul3A_51 : i32
      %get3A_53 = arith.index_cast %mul3A_52 : i32 to index
      %get3A_54 = tpu.vector_load %arg7[%get3A_53] {strides = array<i32>} : memref<2000xi32, #tpu.memory_space<vmem>>, vector<16xi32>,
      %gather3A_55 = tpu.vector_load_idx %arg5[%get3A_54] : memref<10000xf32, #tpu.memory_space<vmem>>[vector<16xi32>], vector<16xf32>,
      %swap3A_56 = arith.index_cast %mul3A_52 : i32 to index
      %swap3A_57 = tpu.vector_load %arg8[%swap3A_56] {strides = array<i32>} : memref<2000xf32, #tpu.memory_space<vmem>>, vector<16xf32>,
      tpu.vector_store %arg8[%swap3A_56], %gather3A_55 {strides = array<i32>} : memref<2000xf32, #tpu.memory_space<vmem>>, vector<16xf32>,
      %scan3A_58 = arith.constant 0 : i32
      %scan3A_59 = arith.constant 122 : i32
      %scan3A_60 = arith.addi %scan3A_35, %scan3A_59 : i32
      %mul3A_61 = arith.constant 16 : i32
      %mul3A_62 = arith.muli %scan3A_60, %mul3A_61 : i32
      %get3A_63 = arith.index_cast %mul3A_62 : i32 to index
      %get3A_64 = tpu.vector_load %arg7[%get3A_63] {strides = array<i32>} : memref<2000xi32, #tpu.memory_space<vmem>>, vector<16xi32>,
      %gather3A_65 = tpu.vector_load_idx %arg5[%get3A_64] : memref<10000xf32, #tpu.memory_space<vmem>>[vector<16xi32>], vector<16xf32>,
      %swap3A_66 = arith.index_cast %mul3A_62 : i32 to index
      %swap3A_67 = tpu.vector_load %arg8[%swap3A_66] {strides = array<i32>} : memref<2000xf32, #tpu.memory_space<vmem>>, vector<16xf32>,
      tpu.vector_store %arg8[%swap3A_66], %gather3A_65 {strides = array<i32>} : memref<2000xf32, #tpu.memory_space<vmem>>, vector<16xf32>,
      %scan3A_68 = arith.constant 0 : i32
      %scan3A_69 = arith.constant 123 : i32
      %scan3A_70 = arith.addi %scan3A_35, %scan3A_69 : i32
      %mul3A_71 = arith.constant 16 : i32
      %mul3A_72 = arith.muli %scan3A_70, %mul3A_71 : i32
      %get3A_73 = arith.index_cast %mul3A_72 : i32 to index
      %get3A_74 = tpu.vector_load %arg7[%get3A_73] {strides = array<i32>} : memref<2000xi32, #tpu.memory_space<vmem>>, vector<16xi32>,
      %gather3A_75 = tpu.vector_load_idx %arg5[%get3A_74] : memref<10000xf32, #tpu.memory_space<vmem>>[vector<16xi32>], vector<16xf32>,
      %swap3A_76 = arith.index_cast %mul3A_72 : i32 to index
      %swap3A_77 = tpu.vector_load %arg8[%swap3A_76] {strides = array<i32>} : memref<2000xf32, #tpu.memory_space<vmem>>, vector<16xf32>,
      tpu.vector_store %arg8[%swap3A_76], %gather3A_75 {strides = array<i32>} : memref<2000xf32, #tpu.memory_space<vmem>>, vector<16xf32>,
      %scan3A_78 = arith.constant 0 : i32
      %scan3A_79 = arith.constant 124 : i32
      %scan3A_80 = arith.addi %scan3A_35, %scan3A_79 : i32
      %mul3A_81 = arith.constant 16 : i32
      %mul3A_82 = arith.muli %scan3A_80, %mul3A_81 : i32
      %get3A_83 = arith.index_cast %mul3A_82 : i32 to index
      %get3A_84 = tpu.vector_load %arg7[%get3A_83] {strides = array<i32>} : memref<2000xi32, #tpu.memory_space<vmem>>, vector<16xi32>,
      %gather3A_85 = tpu.vector_load_idx %arg5[%get3A_84] : memref<10000xf32, #tpu.memory_space<vmem>>[vector<16xi32>], vector<16xf32>,
      %swap3A_86 = arith.index_cast %mul3A_82 : i32 to index
      %swap3A_87 = tpu.vector_load %arg8[%swap3A_86] {strides = array<i32>} : memref<2000xf32, #tpu.memory_space<vmem>>, vector<16xf32>,
      tpu.vector_store %arg8[%swap3A_86], %gather3A_85 {strides = array<i32>} : memref<2000xf32, #tpu.memory_space<vmem>>, vector<16xf32>,
      %scan3A_88 = arith.constant 0 : i32
      %scan3A_89 = arith.constant 125 : i32
      "tpu.region"() ({
        %run_scoped3A_91 = tpu.sem_alloc : memref<!tpu.dma_semaphore, #tpu.memory_space<semaphore_mem>>
        %dma_start3A = tpu.memref_slice %arg4[%multiple_of3A] : memref<320000xf32, #tpu.memory_space<hbm>> -> memref<2000xf32, #tpu.memory_space<hbm>>
        %dma_start3A_92 = tpu.memref_slice %arg4[%multiple_of3A] : memref<320000xf32, #tpu.memory_space<hbm>> -> memref<2000xf32, #tpu.memory_space<hbm>>
        tpu.enqueue_dma source(%arg8 : memref<2000xf32, #tpu.memory_space<vmem>>) target(%dma_start3A_92 : memref<2000xf32, #tpu.memory_space<hbm>>) target_semaphore(%run_scoped3A_91 : memref<!tpu.dma_semaphore, #tpu.memory_space<semaphore_mem>>)
        %dma_wait3A = tpu.memref_slice %arg4[%multiple_of3A] : memref<320000xf32, #tpu.memory_space<hbm>> -> memref<2000xf32, #tpu.memory_space<hbm>>
        %dma_wait3A_93 = tpu.memref_slice %arg4[%multiple_of3A] : memref<320000xf32, #tpu.memory_space<hbm>> -> memref<2000xf32, #tpu.memory_space<hbm>>
        tpu.wait_dma2 semaphore(%run_scoped3A_91 : memref<!tpu.dma_semaphore, #tpu.memory_space<semaphore_mem>>) src(%arg8 : memref<2000xf32, #tpu.memory_space<vmem>>) dst(%dma_wait3A_93 : memref<2000xf32, #tpu.memory_space<hbm>>)
        tpu.yield
      }) : () -> ()
      %scan3A_90 = arith.constant 0 : i32
      scf.yield %scan3A_90 : i32
    }
    %scan3A_26 = arith.constant 5 : i32
    return
  }
}

#map = affine_map<(d0, d1) -> (0, 0)>
#map1 = affine_map<(d0, d1) -> (0)>
module attributes {stable_mosaic.version = 14 : i64} {
  func.func @_ka_body(%arg0: i32, %arg1: i32, %arg2: memref<10000x64xi32, #tpu.memory_space<hbm>>, %arg3: memref<640000xi32, #tpu.memory_space<hbm>>, %arg4: memref<320000xi32, #tpu.memory_space<hbm>>, %arg5: memref<10000xi32, #tpu.memory_space<hbm>>, %arg6: memref<320000xf32, #tpu.memory_space<hbm>>, %arg7: memref<320000xf32, #tpu.memory_space<hbm>>, %arg8: memref<2x10000xf32, #tpu.memory_space<hbm>>, %arg9: memref<10000xi32, #tpu.memory_space<vmem>>, %arg10: memref<4000xi32, #tpu.memory_space<vmem>>, %arg11: memref<2000xi32, #tpu.memory_space<vmem>>, %arg12: memref<160x64xi32, #tpu.memory_space<vmem>>, %arg13: memref<160x64xi32, #tpu.memory_space<vmem>>, %arg14: memref<160x64xi32, #tpu.memory_space<vmem>>, %arg15: memref<160x64xi32, #tpu.memory_space<vmem>>, %arg16: memref<2000xf32, #tpu.memory_space<vmem>>, %arg17: memref<2000xf32, #tpu.memory_space<vmem>>, %arg18: memref<2000xf32, #tpu.memory_space<vmem>>, %arg19: memref<10000xf32, #tpu.memory_space<vmem_shared>>, %arg20: memref<!tpu.dma_semaphore, #tpu.memory_space<semaphore_mem>>, %arg21: memref<!tpu.dma_semaphore, #tpu.memory_space<semaphore_mem>>, %arg22: memref<!tpu.dma_semaphore, #tpu.memory_space<semaphore_mem>>, %arg23: memref<!tpu.dma_semaphore, #tpu.memory_space<semaphore_mem>>) attributes {dimension_semantics = [#tpu.dimension_semantics<core_parallel>, #tpu.dimension_semantics<subcore_parallel>], iteration_bounds = array<i64: 2, 16>, scalar_prefetch = 0 : i64, scratch_operands = 15 : i64, tpu.core_type = #tpu.core_type<sc_vector_subcore>, window_params = [{transform_indices = #map}, {transform_indices = #map1}, {transform_indices = #map1}, {transform_indices = #map1}, {transform_indices = #map1}, {transform_indices = #map1}, {transform_indices = #map}]} {
    %mul3A = arith.constant 2 : i32
    %mul3A_0 = arith.muli %arg1, %mul3A : i32
    %add3A = arith.addi %mul3A_0, %arg0 : i32
    %iota3A = tpu.iota {dimensions = array<i32: 0>} : vector<16xi32>
    %eq3A = arith.constant 0 : i32
    %eq3A_1 = arith.cmpi eq, %arg1, %eq3A : i32
    %convert_element_type3A = arith.extui %eq3A_1 : i1 to i32
    %cond3A = arith.constant 0 : i32
    %cond3A_2 = arith.cmpi ne, %convert_element_type3A, %cond3A : i32
    scf.if %cond3A_2 {
      %scan3A_15 = arith.constant 0 : i32
      %scan3A_16 = arith.constant 0 : i32
      %scan3A_17 = arith.constant 120 : i32
      %scan3A_18 = arith.addi %scan3A_16, %scan3A_17 : i32
      %scan3A_19 = arith.constant 8 : i32
      %scan3A_20 = scf.for %scan3A_65 = %scan3A_16 to %scan3A_18 step %scan3A_19 iter_args(%scan3A_66 = %scan3A_15) -> (i32)  : i32 {
        %broadcast_in_dim3A_67 = arith.constant 0.000000e+00 : f32
        %broadcast_in_dim3A_68 = vector.broadcast %broadcast_in_dim3A_67 : f32 to vector<16xf32>
        %mul3A_69 = arith.constant 16 : i32
        %mul3A_70 = arith.muli %scan3A_65, %mul3A_69 : i32
        %swap3A_71 = arith.index_cast %mul3A_70 : i32 to index
        %swap3A_72 = tpu.vector_load %arg16[%swap3A_71] {strides = array<i32>} : memref<2000xf32, #tpu.memory_space<vmem>>, vector<16xf32>,
        tpu.vector_store %arg16[%swap3A_71], %broadcast_in_dim3A_68 {strides = array<i32>} : memref<2000xf32, #tpu.memory_space<vmem>>, vector<16xf32>,
        %scan3A_73 = arith.constant 0 : i32
        %scan3A_74 = arith.constant 1 : i32
        %scan3A_75 = arith.addi %scan3A_65, %scan3A_74 : i32
        %broadcast_in_dim3A_76 = arith.constant 0.000000e+00 : f32
        %broadcast_in_dim3A_77 = vector.broadcast %broadcast_in_dim3A_76 : f32 to vector<16xf32>
        %mul3A_78 = arith.constant 16 : i32
        %mul3A_79 = arith.muli %scan3A_75, %mul3A_78 : i32
        %swap3A_80 = arith.index_cast %mul3A_79 : i32 to index
        %swap3A_81 = tpu.vector_load %arg16[%swap3A_80] {strides = array<i32>} : memref<2000xf32, #tpu.memory_space<vmem>>, vector<16xf32>,
        tpu.vector_store %arg16[%swap3A_80], %broadcast_in_dim3A_77 {strides = array<i32>} : memref<2000xf32, #tpu.memory_space<vmem>>, vector<16xf32>,
        %scan3A_82 = arith.constant 0 : i32
        %scan3A_83 = arith.constant 2 : i32
        %scan3A_84 = arith.addi %scan3A_65, %scan3A_83 : i32
        %broadcast_in_dim3A_85 = arith.constant 0.000000e+00 : f32
        %broadcast_in_dim3A_86 = vector.broadcast %broadcast_in_dim3A_85 : f32 to vector<16xf32>
        %mul3A_87 = arith.constant 16 : i32
        %mul3A_88 = arith.muli %scan3A_84, %mul3A_87 : i32
        %swap3A_89 = arith.index_cast %mul3A_88 : i32 to index
        %swap3A_90 = tpu.vector_load %arg16[%swap3A_89] {strides = array<i32>} : memref<2000xf32, #tpu.memory_space<vmem>>, vector<16xf32>,
        tpu.vector_store %arg16[%swap3A_89], %broadcast_in_dim3A_86 {strides = array<i32>} : memref<2000xf32, #tpu.memory_space<vmem>>, vector<16xf32>,
        %scan3A_91 = arith.constant 0 : i32
        %scan3A_92 = arith.constant 3 : i32
        %scan3A_93 = arith.addi %scan3A_65, %scan3A_92 : i32
        %broadcast_in_dim3A_94 = arith.constant 0.000000e+00 : f32
        %broadcast_in_dim3A_95 = vector.broadcast %broadcast_in_dim3A_94 : f32 to vector<16xf32>
        %mul3A_96 = arith.constant 16 : i32
        %mul3A_97 = arith.muli %scan3A_93, %mul3A_96 : i32
        %swap3A_98 = arith.index_cast %mul3A_97 : i32 to index
        %swap3A_99 = tpu.vector_load %arg16[%swap3A_98] {strides = array<i32>} : memref<2000xf32, #tpu.memory_space<vmem>>, vector<16xf32>,
        tpu.vector_store %arg16[%swap3A_98], %broadcast_in_dim3A_95 {strides = array<i32>} : memref<2000xf32, #tpu.memory_space<vmem>>, vector<16xf32>,
        %scan3A_100 = arith.constant 0 : i32
        %scan3A_101 = arith.constant 4 : i32
        %scan3A_102 = arith.addi %scan3A_65, %scan3A_101 : i32
        %broadcast_in_dim3A_103 = arith.constant 0.000000e+00 : f32
        %broadcast_in_dim3A_104 = vector.broadcast %broadcast_in_dim3A_103 : f32 to vector<16xf32>
        %mul3A_105 = arith.constant 16 : i32
        %mul3A_106 = arith.muli %scan3A_102, %mul3A_105 : i32
        %swap3A_107 = arith.index_cast %mul3A_106 : i32 to index
        %swap3A_108 = tpu.vector_load %arg16[%swap3A_107] {strides = array<i32>} : memref<2000xf32, #tpu.memory_space<vmem>>, vector<16xf32>,
        tpu.vector_store %arg16[%swap3A_107], %broadcast_in_dim3A_104 {strides = array<i32>} : memref<2000xf32, #tpu.memory_space<vmem>>, vector<16xf32>,
        %scan3A_109 = arith.constant 0 : i32
        %scan3A_110 = arith.constant 5 : i32
        %scan3A_111 = arith.addi %scan3A_65, %scan3A_110 : i32
        %broadcast_in_dim3A_112 = arith.constant 0.000000e+00 : f32
        %broadcast_in_dim3A_113 = vector.broadcast %broadcast_in_dim3A_112 : f32 to vector<16xf32>
        %mul3A_114 = arith.constant 16 : i32
        %mul3A_115 = arith.muli %scan3A_111, %mul3A_114 : i32
        %swap3A_116 = arith.index_cast %mul3A_115 : i32 to index
        %swap3A_117 = tpu.vector_load %arg16[%swap3A_116] {strides = array<i32>} : memref<2000xf32, #tpu.memory_space<vmem>>, vector<16xf32>,
        tpu.vector_store %arg16[%swap3A_116], %broadcast_in_dim3A_113 {strides = array<i32>} : memref<2000xf32, #tpu.memory_space<vmem>>, vector<16xf32>,
        %scan3A_118 = arith.constant 0 : i32
        %scan3A_119 = arith.constant 6 : i32
        %scan3A_120 = arith.addi %scan3A_65, %scan3A_119 : i32
        %broadcast_in_dim3A_121 = arith.constant 0.000000e+00 : f32
        %broadcast_in_dim3A_122 = vector.broadcast %broadcast_in_dim3A_121 : f32 to vector<16xf32>
        %mul3A_123 = arith.constant 16 : i32
        %mul3A_124 = arith.muli %scan3A_120, %mul3A_123 : i32
        %swap3A_125 = arith.index_cast %mul3A_124 : i32 to index
        %swap3A_126 = tpu.vector_load %arg16[%swap3A_125] {strides = array<i32>} : memref<2000xf32, #tpu.memory_space<vmem>>, vector<16xf32>,
        tpu.vector_store %arg16[%swap3A_125], %broadcast_in_dim3A_122 {strides = array<i32>} : memref<2000xf32, #tpu.memory_space<vmem>>, vector<16xf32>,
        %scan3A_127 = arith.constant 0 : i32
        %scan3A_128 = arith.constant 7 : i32
        %scan3A_129 = arith.addi %scan3A_65, %scan3A_128 : i32
        %broadcast_in_dim3A_130 = arith.constant 0.000000e+00 : f32
        %broadcast_in_dim3A_131 = vector.broadcast %broadcast_in_dim3A_130 : f32 to vector<16xf32>
        %mul3A_132 = arith.constant 16 : i32
        %mul3A_133 = arith.muli %scan3A_129, %mul3A_132 : i32
        %swap3A_134 = arith.index_cast %mul3A_133 : i32 to index
        %swap3A_135 = tpu.vector_load %arg16[%swap3A_134] {strides = array<i32>} : memref<2000xf32, #tpu.memory_space<vmem>>, vector<16xf32>,
        tpu.vector_store %arg16[%swap3A_134], %broadcast_in_dim3A_131 {strides = array<i32>} : memref<2000xf32, #tpu.memory_space<vmem>>, vector<16xf32>,
        %scan3A_136 = arith.constant 0 : i32
        scf.yield %scan3A_136 : i32
      }
      %scan3A_21 = arith.constant 120 : i32
      %scan3A_22 = arith.addi %scan3A_16, %scan3A_21 : i32
      %broadcast_in_dim3A = arith.constant 0.000000e+00 : f32
      %broadcast_in_dim3A_23 = vector.broadcast %broadcast_in_dim3A : f32 to vector<16xf32>
      %mul3A_24 = arith.constant 16 : i32
      %mul3A_25 = arith.muli %scan3A_22, %mul3A_24 : i32
      %swap3A = arith.index_cast %mul3A_25 : i32 to index
      %swap3A_26 = tpu.vector_load %arg16[%swap3A] {strides = array<i32>} : memref<2000xf32, #tpu.memory_space<vmem>>, vector<16xf32>,
      tpu.vector_store %arg16[%swap3A], %broadcast_in_dim3A_23 {strides = array<i32>} : memref<2000xf32, #tpu.memory_space<vmem>>, vector<16xf32>,
      %scan3A_27 = arith.constant 0 : i32
      %scan3A_28 = arith.constant 121 : i32
      %scan3A_29 = arith.addi %scan3A_16, %scan3A_28 : i32
      %broadcast_in_dim3A_30 = arith.constant 0.000000e+00 : f32
      %broadcast_in_dim3A_31 = vector.broadcast %broadcast_in_dim3A_30 : f32 to vector<16xf32>
      %mul3A_32 = arith.constant 16 : i32
      %mul3A_33 = arith.muli %scan3A_29, %mul3A_32 : i32
      %swap3A_34 = arith.index_cast %mul3A_33 : i32 to index
      %swap3A_35 = tpu.vector_load %arg16[%swap3A_34] {strides = array<i32>} : memref<2000xf32, #tpu.memory_space<vmem>>, vector<16xf32>,
      tpu.vector_store %arg16[%swap3A_34], %broadcast_in_dim3A_31 {strides = array<i32>} : memref<2000xf32, #tpu.memory_space<vmem>>, vector<16xf32>,
      %scan3A_36 = arith.constant 0 : i32
      %scan3A_37 = arith.constant 122 : i32
      %scan3A_38 = arith.addi %scan3A_16, %scan3A_37 : i32
      %broadcast_in_dim3A_39 = arith.constant 0.000000e+00 : f32
      %broadcast_in_dim3A_40 = vector.broadcast %broadcast_in_dim3A_39 : f32 to vector<16xf32>
      %mul3A_41 = arith.constant 16 : i32
      %mul3A_42 = arith.muli %scan3A_38, %mul3A_41 : i32
      %swap3A_43 = arith.index_cast %mul3A_42 : i32 to index
      %swap3A_44 = tpu.vector_load %arg16[%swap3A_43] {strides = array<i32>} : memref<2000xf32, #tpu.memory_space<vmem>>, vector<16xf32>,
      tpu.vector_store %arg16[%swap3A_43], %broadcast_in_dim3A_40 {strides = array<i32>} : memref<2000xf32, #tpu.memory_space<vmem>>, vector<16xf32>,
      %scan3A_45 = arith.constant 0 : i32
      %scan3A_46 = arith.constant 123 : i32
      %scan3A_47 = arith.addi %scan3A_16, %scan3A_46 : i32
      %broadcast_in_dim3A_48 = arith.constant 0.000000e+00 : f32
      %broadcast_in_dim3A_49 = vector.broadcast %broadcast_in_dim3A_48 : f32 to vector<16xf32>
      %mul3A_50 = arith.constant 16 : i32
      %mul3A_51 = arith.muli %scan3A_47, %mul3A_50 : i32
      %swap3A_52 = arith.index_cast %mul3A_51 : i32 to index
      %swap3A_53 = tpu.vector_load %arg16[%swap3A_52] {strides = array<i32>} : memref<2000xf32, #tpu.memory_space<vmem>>, vector<16xf32>,
      tpu.vector_store %arg16[%swap3A_52], %broadcast_in_dim3A_49 {strides = array<i32>} : memref<2000xf32, #tpu.memory_space<vmem>>, vector<16xf32>,
      %scan3A_54 = arith.constant 0 : i32
      %scan3A_55 = arith.constant 124 : i32
      %scan3A_56 = arith.addi %scan3A_16, %scan3A_55 : i32
      %broadcast_in_dim3A_57 = arith.constant 0.000000e+00 : f32
      %broadcast_in_dim3A_58 = vector.broadcast %broadcast_in_dim3A_57 : f32 to vector<16xf32>
      %mul3A_59 = arith.constant 16 : i32
      %mul3A_60 = arith.muli %scan3A_56, %mul3A_59 : i32
      %swap3A_61 = arith.index_cast %mul3A_60 : i32 to index
      %swap3A_62 = tpu.vector_load %arg16[%swap3A_61] {strides = array<i32>} : memref<2000xf32, #tpu.memory_space<vmem>>, vector<16xf32>,
      tpu.vector_store %arg16[%swap3A_61], %broadcast_in_dim3A_58 {strides = array<i32>} : memref<2000xf32, #tpu.memory_space<vmem>>, vector<16xf32>,
      %scan3A_63 = arith.constant 0 : i32
      %scan3A_64 = arith.constant 125 : i32
      "tpu.region"() ({
        %run_scoped3A = tpu.sem_alloc : memref<!tpu.dma_semaphore, #tpu.memory_space<semaphore_mem>>
        %dma_start3A = arith.constant 0 : i32
        %dma_start3A_65 = tpu.memref_slice %arg19[%dma_start3A] : memref<10000xf32, #tpu.memory_space<vmem_shared>> -> memref<2000xf32, #tpu.memory_space<vmem_shared>>
        %dma_start3A_66 = arith.constant 0 : i32
        %dma_start3A_67 = tpu.memref_slice %arg19[%dma_start3A_66] : memref<10000xf32, #tpu.memory_space<vmem_shared>> -> memref<2000xf32, #tpu.memory_space<vmem_shared>>
        tpu.enqueue_dma source(%arg16 : memref<2000xf32, #tpu.memory_space<vmem>>) target(%dma_start3A_67 : memref<2000xf32, #tpu.memory_space<vmem_shared>>) target_semaphore(%run_scoped3A : memref<!tpu.dma_semaphore, #tpu.memory_space<semaphore_mem>>)
        %dma_wait3A = arith.constant 0 : i32
        %dma_wait3A_68 = tpu.memref_slice %arg19[%dma_wait3A] : memref<10000xf32, #tpu.memory_space<vmem_shared>> -> memref<2000xf32, #tpu.memory_space<vmem_shared>>
        %dma_wait3A_69 = arith.constant 0 : i32
        %dma_wait3A_70 = tpu.memref_slice %arg19[%dma_wait3A_69] : memref<10000xf32, #tpu.memory_space<vmem_shared>> -> memref<2000xf32, #tpu.memory_space<vmem_shared>>
        tpu.wait_dma2 semaphore(%run_scoped3A : memref<!tpu.dma_semaphore, #tpu.memory_space<semaphore_mem>>) src(%arg16 : memref<2000xf32, #tpu.memory_space<vmem>>) dst(%dma_wait3A_70 : memref<2000xf32, #tpu.memory_space<vmem_shared>>)
        tpu.yield
      }) : () -> ()
      "tpu.region"() ({
        %run_scoped3A = tpu.sem_alloc : memref<!tpu.dma_semaphore, #tpu.memory_space<semaphore_mem>>
        %dma_start3A = arith.constant 2000 : i32
        %dma_start3A_65 = tpu.memref_slice %arg19[%dma_start3A] : memref<10000xf32, #tpu.memory_space<vmem_shared>> -> memref<2000xf32, #tpu.memory_space<vmem_shared>>
        %dma_start3A_66 = arith.constant 2000 : i32
        %dma_start3A_67 = tpu.memref_slice %arg19[%dma_start3A_66] : memref<10000xf32, #tpu.memory_space<vmem_shared>> -> memref<2000xf32, #tpu.memory_space<vmem_shared>>
        tpu.enqueue_dma source(%arg16 : memref<2000xf32, #tpu.memory_space<vmem>>) target(%dma_start3A_67 : memref<2000xf32, #tpu.memory_space<vmem_shared>>) target_semaphore(%run_scoped3A : memref<!tpu.dma_semaphore, #tpu.memory_space<semaphore_mem>>)
        %dma_wait3A = arith.constant 2000 : i32
        %dma_wait3A_68 = tpu.memref_slice %arg19[%dma_wait3A] : memref<10000xf32, #tpu.memory_space<vmem_shared>> -> memref<2000xf32, #tpu.memory_space<vmem_shared>>
        %dma_wait3A_69 = arith.constant 2000 : i32
        %dma_wait3A_70 = tpu.memref_slice %arg19[%dma_wait3A_69] : memref<10000xf32, #tpu.memory_space<vmem_shared>> -> memref<2000xf32, #tpu.memory_space<vmem_shared>>
        tpu.wait_dma2 semaphore(%run_scoped3A : memref<!tpu.dma_semaphore, #tpu.memory_space<semaphore_mem>>) src(%arg16 : memref<2000xf32, #tpu.memory_space<vmem>>) dst(%dma_wait3A_70 : memref<2000xf32, #tpu.memory_space<vmem_shared>>)
        tpu.yield
      }) : () -> ()
      "tpu.region"() ({
        %run_scoped3A = tpu.sem_alloc : memref<!tpu.dma_semaphore, #tpu.memory_space<semaphore_mem>>
        %dma_start3A = arith.constant 4000 : i32
        %dma_start3A_65 = tpu.memref_slice %arg19[%dma_start3A] : memref<10000xf32, #tpu.memory_space<vmem_shared>> -> memref<2000xf32, #tpu.memory_space<vmem_shared>>
        %dma_start3A_66 = arith.constant 4000 : i32
        %dma_start3A_67 = tpu.memref_slice %arg19[%dma_start3A_66] : memref<10000xf32, #tpu.memory_space<vmem_shared>> -> memref<2000xf32, #tpu.memory_space<vmem_shared>>
        tpu.enqueue_dma source(%arg16 : memref<2000xf32, #tpu.memory_space<vmem>>) target(%dma_start3A_67 : memref<2000xf32, #tpu.memory_space<vmem_shared>>) target_semaphore(%run_scoped3A : memref<!tpu.dma_semaphore, #tpu.memory_space<semaphore_mem>>)
        %dma_wait3A = arith.constant 4000 : i32
        %dma_wait3A_68 = tpu.memref_slice %arg19[%dma_wait3A] : memref<10000xf32, #tpu.memory_space<vmem_shared>> -> memref<2000xf32, #tpu.memory_space<vmem_shared>>
        %dma_wait3A_69 = arith.constant 4000 : i32
        %dma_wait3A_70 = tpu.memref_slice %arg19[%dma_wait3A_69] : memref<10000xf32, #tpu.memory_space<vmem_shared>> -> memref<2000xf32, #tpu.memory_space<vmem_shared>>
        tpu.wait_dma2 semaphore(%run_scoped3A : memref<!tpu.dma_semaphore, #tpu.memory_space<semaphore_mem>>) src(%arg16 : memref<2000xf32, #tpu.memory_space<vmem>>) dst(%dma_wait3A_70 : memref<2000xf32, #tpu.memory_space<vmem_shared>>)
        tpu.yield
      }) : () -> ()
      "tpu.region"() ({
        %run_scoped3A = tpu.sem_alloc : memref<!tpu.dma_semaphore, #tpu.memory_space<semaphore_mem>>
        %dma_start3A = arith.constant 6000 : i32
        %dma_start3A_65 = tpu.memref_slice %arg19[%dma_start3A] : memref<10000xf32, #tpu.memory_space<vmem_shared>> -> memref<2000xf32, #tpu.memory_space<vmem_shared>>
        %dma_start3A_66 = arith.constant 6000 : i32
        %dma_start3A_67 = tpu.memref_slice %arg19[%dma_start3A_66] : memref<10000xf32, #tpu.memory_space<vmem_shared>> -> memref<2000xf32, #tpu.memory_space<vmem_shared>>
        tpu.enqueue_dma source(%arg16 : memref<2000xf32, #tpu.memory_space<vmem>>) target(%dma_start3A_67 : memref<2000xf32, #tpu.memory_space<vmem_shared>>) target_semaphore(%run_scoped3A : memref<!tpu.dma_semaphore, #tpu.memory_space<semaphore_mem>>)
        %dma_wait3A = arith.constant 6000 : i32
        %dma_wait3A_68 = tpu.memref_slice %arg19[%dma_wait3A] : memref<10000xf32, #tpu.memory_space<vmem_shared>> -> memref<2000xf32, #tpu.memory_space<vmem_shared>>
        %dma_wait3A_69 = arith.constant 6000 : i32
        %dma_wait3A_70 = tpu.memref_slice %arg19[%dma_wait3A_69] : memref<10000xf32, #tpu.memory_space<vmem_shared>> -> memref<2000xf32, #tpu.memory_space<vmem_shared>>
        tpu.wait_dma2 semaphore(%run_scoped3A : memref<!tpu.dma_semaphore, #tpu.memory_space<semaphore_mem>>) src(%arg16 : memref<2000xf32, #tpu.memory_space<vmem>>) dst(%dma_wait3A_70 : memref<2000xf32, #tpu.memory_space<vmem_shared>>)
        tpu.yield
      }) : () -> ()
      "tpu.region"() ({
        %run_scoped3A = tpu.sem_alloc : memref<!tpu.dma_semaphore, #tpu.memory_space<semaphore_mem>>
        %dma_start3A = arith.constant 8000 : i32
        %dma_start3A_65 = tpu.memref_slice %arg19[%dma_start3A] : memref<10000xf32, #tpu.memory_space<vmem_shared>> -> memref<2000xf32, #tpu.memory_space<vmem_shared>>
        %dma_start3A_66 = arith.constant 8000 : i32
        %dma_start3A_67 = tpu.memref_slice %arg19[%dma_start3A_66] : memref<10000xf32, #tpu.memory_space<vmem_shared>> -> memref<2000xf32, #tpu.memory_space<vmem_shared>>
        tpu.enqueue_dma source(%arg16 : memref<2000xf32, #tpu.memory_space<vmem>>) target(%dma_start3A_67 : memref<2000xf32, #tpu.memory_space<vmem_shared>>) target_semaphore(%run_scoped3A : memref<!tpu.dma_semaphore, #tpu.memory_space<semaphore_mem>>)
        %dma_wait3A = arith.constant 8000 : i32
        %dma_wait3A_68 = tpu.memref_slice %arg19[%dma_wait3A] : memref<10000xf32, #tpu.memory_space<vmem_shared>> -> memref<2000xf32, #tpu.memory_space<vmem_shared>>
        %dma_wait3A_69 = arith.constant 8000 : i32
        %dma_wait3A_70 = tpu.memref_slice %arg19[%dma_wait3A_69] : memref<10000xf32, #tpu.memory_space<vmem_shared>> -> memref<2000xf32, #tpu.memory_space<vmem_shared>>
        tpu.wait_dma2 semaphore(%run_scoped3A : memref<!tpu.dma_semaphore, #tpu.memory_space<semaphore_mem>>) src(%arg16 : memref<2000xf32, #tpu.memory_space<vmem>>) dst(%dma_wait3A_70 : memref<2000xf32, #tpu.memory_space<vmem_shared>>)
        tpu.yield
      }) : () -> ()
    } else {
    }
    %barrier3A = arith.constant 0 : index
    tpu.barrier barrier_id(%barrier3A)
    "tpu.region"() ({
      %run_scoped3A = tpu.sem_alloc : memref<!tpu.dma_semaphore, #tpu.memory_space<semaphore_mem>>
      tpu.enqueue_dma source(%arg5 : memref<10000xi32, #tpu.memory_space<hbm>>) target(%arg9 : memref<10000xi32, #tpu.memory_space<vmem>>) target_semaphore(%run_scoped3A : memref<!tpu.dma_semaphore, #tpu.memory_space<semaphore_mem>>)
      tpu.wait_dma2 semaphore(%run_scoped3A : memref<!tpu.dma_semaphore, #tpu.memory_space<semaphore_mem>>) src(%arg5 : memref<10000xi32, #tpu.memory_space<hbm>>) dst(%arg9 : memref<10000xi32, #tpu.memory_space<vmem>>)
      tpu.yield
    }) : () -> ()
    %scan3A = arith.constant 0 : i32
    %scan3A_3 = arith.constant 0 : i32
    %scan3A_4 = arith.constant 5 : i32
    %scan3A_5 = arith.addi %scan3A_3, %scan3A_4 : i32
    %scan3A_6 = arith.constant 1 : i32
    %scan3A_7 = scf.for %scan3A_15 = %scan3A_3 to %scan3A_5 step %scan3A_6 iter_args(%scan3A_16 = %scan3A) -> (i32)  : i32 {
      %mul3A_17 = arith.constant 10000 : i32
      %mul3A_18 = arith.muli %add3A, %mul3A_17 : i32
      %mul3A_19 = arith.constant 2000 : i32
      %mul3A_20 = arith.muli %scan3A_15, %mul3A_19 : i32
      %add3A_21 = arith.addi %mul3A_18, %mul3A_20 : i32
      %multiple_of3A = tpu.assume_multiple %add3A_21, 8 : i32
      %mul3A_22 = arith.constant 10000 : i32
      %mul3A_23 = arith.muli %add3A, %mul3A_22 : i32
      %mul3A_24 = arith.constant 2000 : i32
      %mul3A_25 = arith.muli %scan3A_15, %mul3A_24 : i32
      %add3A_26 = arith.addi %mul3A_23, %mul3A_25 : i32
      %mul3A_27 = arith.constant 2 : i32
      %mul3A_28 = arith.muli %add3A_26, %mul3A_27 : i32
      %multiple_of3A_29 = tpu.assume_multiple %mul3A_28, 8 : i32
      "tpu.region"() ({
        %run_scoped3A = tpu.sem_alloc : memref<!tpu.dma_semaphore, #tpu.memory_space<semaphore_mem>>
        %dma_start3A_107 = tpu.memref_slice %arg3[%multiple_of3A_29] : memref<640000xi32, #tpu.memory_space<hbm>> -> memref<4000xi32, #tpu.memory_space<hbm>>
        %dma_start3A_108 = tpu.memref_slice %arg3[%multiple_of3A_29] : memref<640000xi32, #tpu.memory_space<hbm>> -> memref<4000xi32, #tpu.memory_space<hbm>>
        tpu.enqueue_dma source(%dma_start3A_108 : memref<4000xi32, #tpu.memory_space<hbm>>) target(%arg10 : memref<4000xi32, #tpu.memory_space<vmem>>) target_semaphore(%run_scoped3A : memref<!tpu.dma_semaphore, #tpu.memory_space<semaphore_mem>>)
        %dma_wait3A_109 = tpu.memref_slice %arg3[%multiple_of3A_29] : memref<640000xi32, #tpu.memory_space<hbm>> -> memref<4000xi32, #tpu.memory_space<hbm>>
        %dma_wait3A_110 = tpu.memref_slice %arg3[%multiple_of3A_29] : memref<640000xi32, #tpu.memory_space<hbm>> -> memref<4000xi32, #tpu.memory_space<hbm>>
        tpu.wait_dma2 semaphore(%run_scoped3A : memref<!tpu.dma_semaphore, #tpu.memory_space<semaphore_mem>>) src(%dma_wait3A_110 : memref<4000xi32, #tpu.memory_space<hbm>>) dst(%arg10 : memref<4000xi32, #tpu.memory_space<vmem>>)
        tpu.yield
      }) : () -> ()
      "tpu.region"() ({
        %run_scoped3A = tpu.sem_alloc : memref<!tpu.dma_semaphore, #tpu.memory_space<semaphore_mem>>
        %dma_start3A_107 = tpu.memref_slice %arg4[%multiple_of3A] : memref<320000xi32, #tpu.memory_space<hbm>> -> memref<2000xi32, #tpu.memory_space<hbm>>
        %dma_start3A_108 = tpu.memref_slice %arg4[%multiple_of3A] : memref<320000xi32, #tpu.memory_space<hbm>> -> memref<2000xi32, #tpu.memory_space<hbm>>
        tpu.enqueue_dma source(%dma_start3A_108 : memref<2000xi32, #tpu.memory_space<hbm>>) target(%arg11 : memref<2000xi32, #tpu.memory_space<vmem>>) target_semaphore(%run_scoped3A : memref<!tpu.dma_semaphore, #tpu.memory_space<semaphore_mem>>)
        %dma_wait3A_109 = tpu.memref_slice %arg4[%multiple_of3A] : memref<320000xi32, #tpu.memory_space<hbm>> -> memref<2000xi32, #tpu.memory_space<hbm>>
        %dma_wait3A_110 = tpu.memref_slice %arg4[%multiple_of3A] : memref<320000xi32, #tpu.memory_space<hbm>> -> memref<2000xi32, #tpu.memory_space<hbm>>
        tpu.wait_dma2 semaphore(%run_scoped3A : memref<!tpu.dma_semaphore, #tpu.memory_space<semaphore_mem>>) src(%dma_wait3A_110 : memref<2000xi32, #tpu.memory_space<hbm>>) dst(%arg11 : memref<2000xi32, #tpu.memory_space<vmem>>)
        tpu.yield
      }) : () -> ()
      %dma_start3A = arith.constant 0 : i32
      %dma_start3A_30 = arith.constant 0 : i32
      %dma_start3A_31 = tpu.memref_slice %arg12[%dma_start3A, %dma_start3A_30] : memref<160x64xi32, #tpu.memory_space<vmem>> -> memref<80x64xi32, #tpu.memory_space<vmem>>
      %dma_start3A_32 = arith.constant 0 : i32
      %dma_start3A_33 = tpu.memref_slice %arg10[%dma_start3A_32] : memref<4000xi32, #tpu.memory_space<vmem>> -> memref<80xi32, #tpu.memory_space<vmem>>
      %dma_start3A_34 = arith.constant 0 : i32
      %dma_start3A_35 = arith.constant 0 : i32
      %dma_start3A_36 = tpu.memref_slice %arg2[%dma_start3A_34, %dma_start3A_35] : memref<10000x64xi32, #tpu.memory_space<hbm>> -> memref<10000x64xi32, #tpu.memory_space<hbm>>
      tpu.enqueue_indirect_dma source(%dma_start3A_36 : memref<10000x64xi32, #tpu.memory_space<hbm>>) target(%dma_start3A_31 : memref<80x64xi32, #tpu.memory_space<vmem>>) offsets(%dma_start3A_33 : memref<80xi32, #tpu.memory_space<vmem>>) semaphore(%arg20 : memref<!tpu.dma_semaphore, #tpu.memory_space<semaphore_mem>>)
      %dma_start3A_37 = arith.constant 80 : i32
      %dma_start3A_38 = arith.constant 0 : i32
      %dma_start3A_39 = tpu.memref_slice %arg12[%dma_start3A_37, %dma_start3A_38] : memref<160x64xi32, #tpu.memory_space<vmem>> -> memref<80x64xi32, #tpu.memory_space<vmem>>
      %dma_start3A_40 = arith.constant 80 : i32
      %dma_start3A_41 = tpu.memref_slice %arg10[%dma_start3A_40] : memref<4000xi32, #tpu.memory_space<vmem>> -> memref<80xi32, #tpu.memory_space<vmem>>
      %dma_start3A_42 = arith.constant 0 : i32
      %dma_start3A_43 = arith.constant 0 : i32
      %dma_start3A_44 = tpu.memref_slice %arg2[%dma_start3A_42, %dma_start3A_43] : memref<10000x64xi32, #tpu.memory_space<hbm>> -> memref<10000x64xi32, #tpu.memory_space<hbm>>
      tpu.enqueue_indirect_dma source(%dma_start3A_44 : memref<10000x64xi32, #tpu.memory_space<hbm>>) target(%dma_start3A_39 : memref<80x64xi32, #tpu.memory_space<vmem>>) offsets(%dma_start3A_41 : memref<80xi32, #tpu.memory_space<vmem>>) semaphore(%arg20 : memref<!tpu.dma_semaphore, #tpu.memory_space<semaphore_mem>>)
      %dma_start3A_45 = arith.constant 0 : i32
      %dma_start3A_46 = arith.constant 0 : i32
      %dma_start3A_47 = tpu.memref_slice %arg13[%dma_start3A_45, %dma_start3A_46] : memref<160x64xi32, #tpu.memory_space<vmem>> -> memref<80x64xi32, #tpu.memory_space<vmem>>
      %dma_start3A_48 = arith.constant 160 : i32
      %dma_start3A_49 = tpu.memref_slice %arg10[%dma_start3A_48] : memref<4000xi32, #tpu.memory_space<vmem>> -> memref<80xi32, #tpu.memory_space<vmem>>
      %dma_start3A_50 = arith.constant 0 : i32
      %dma_start3A_51 = arith.constant 0 : i32
      %dma_start3A_52 = tpu.memref_slice %arg2[%dma_start3A_50, %dma_start3A_51] : memref<10000x64xi32, #tpu.memory_space<hbm>> -> memref<10000x64xi32, #tpu.memory_space<hbm>>
      tpu.enqueue_indirect_dma source(%dma_start3A_52 : memref<10000x64xi32, #tpu.memory_space<hbm>>) target(%dma_start3A_47 : memref<80x64xi32, #tpu.memory_space<vmem>>) offsets(%dma_start3A_49 : memref<80xi32, #tpu.memory_space<vmem>>) semaphore(%arg21 : memref<!tpu.dma_semaphore, #tpu.memory_space<semaphore_mem>>)
      %dma_start3A_53 = arith.constant 80 : i32
      %dma_start3A_54 = arith.constant 0 : i32
      %dma_start3A_55 = tpu.memref_slice %arg13[%dma_start3A_53, %dma_start3A_54] : memref<160x64xi32, #tpu.memory_space<vmem>> -> memref<80x64xi32, #tpu.memory_space<vmem>>
      %dma_start3A_56 = arith.constant 240 : i32
      %dma_start3A_57 = tpu.memref_slice %arg10[%dma_start3A_56] : memref<4000xi32, #tpu.memory_space<vmem>> -> memref<80xi32, #tpu.memory_space<vmem>>
      %dma_start3A_58 = arith.constant 0 : i32
      %dma_start3A_59 = arith.constant 0 : i32
      %dma_start3A_60 = tpu.memref_slice %arg2[%dma_start3A_58, %dma_start3A_59] : memref<10000x64xi32, #tpu.memory_space<hbm>> -> memref<10000x64xi32, #tpu.memory_space<hbm>>
      tpu.enqueue_indirect_dma source(%dma_start3A_60 : memref<10000x64xi32, #tpu.memory_space<hbm>>) target(%dma_start3A_55 : memref<80x64xi32, #tpu.memory_space<vmem>>) offsets(%dma_start3A_57 : memref<80xi32, #tpu.memory_space<vmem>>) semaphore(%arg21 : memref<!tpu.dma_semaphore, #tpu.memory_space<semaphore_mem>>)
      %dma_start3A_61 = arith.constant 0 : i32
      %dma_start3A_62 = arith.constant 0 : i32
      %dma_start3A_63 = tpu.memref_slice %arg14[%dma_start3A_61, %dma_start3A_62] : memref<160x64xi32, #tpu.memory_space<vmem>> -> memref<80x64xi32, #tpu.memory_space<vmem>>
      %dma_start3A_64 = arith.constant 320 : i32
      %dma_start3A_65 = tpu.memref_slice %arg10[%dma_start3A_64] : memref<4000xi32, #tpu.memory_space<vmem>> -> memref<80xi32, #tpu.memory_space<vmem>>
      %dma_start3A_66 = arith.constant 0 : i32
      %dma_start3A_67 = arith.constant 0 : i32
      %dma_start3A_68 = tpu.memref_slice %arg2[%dma_start3A_66, %dma_start3A_67] : memref<10000x64xi32, #tpu.memory_space<hbm>> -> memref<10000x64xi32, #tpu.memory_space<hbm>>
      tpu.enqueue_indirect_dma source(%dma_start3A_68 : memref<10000x64xi32, #tpu.memory_space<hbm>>) target(%dma_start3A_63 : memref<80x64xi32, #tpu.memory_space<vmem>>) offsets(%dma_start3A_65 : memref<80xi32, #tpu.memory_space<vmem>>) semaphore(%arg22 : memref<!tpu.dma_semaphore, #tpu.memory_space<semaphore_mem>>)
      %dma_start3A_69 = arith.constant 80 : i32
      %dma_start3A_70 = arith.constant 0 : i32
      %dma_start3A_71 = tpu.memref_slice %arg14[%dma_start3A_69, %dma_start3A_70] : memref<160x64xi32, #tpu.memory_space<vmem>> -> memref<80x64xi32, #tpu.memory_space<vmem>>
      %dma_start3A_72 = arith.constant 400 : i32
      %dma_start3A_73 = tpu.memref_slice %arg10[%dma_start3A_72] : memref<4000xi32, #tpu.memory_space<vmem>> -> memref<80xi32, #tpu.memory_space<vmem>>
      %dma_start3A_74 = arith.constant 0 : i32
      %dma_start3A_75 = arith.constant 0 : i32
      %dma_start3A_76 = tpu.memref_slice %arg2[%dma_start3A_74, %dma_start3A_75] : memref<10000x64xi32, #tpu.memory_space<hbm>> -> memref<10000x64xi32, #tpu.memory_space<hbm>>
      tpu.enqueue_indirect_dma source(%dma_start3A_76 : memref<10000x64xi32, #tpu.memory_space<hbm>>) target(%dma_start3A_71 : memref<80x64xi32, #tpu.memory_space<vmem>>) offsets(%dma_start3A_73 : memref<80xi32, #tpu.memory_space<vmem>>) semaphore(%arg22 : memref<!tpu.dma_semaphore, #tpu.memory_space<semaphore_mem>>)
      %scan3A_77 = arith.constant 0 : i32
      %scan3A_78 = arith.constant 0 : i32
      %scan3A_79 = arith.constant 6 : i32
      %scan3A_80 = arith.addi %scan3A_78, %scan3A_79 : i32
      %scan3A_81 = arith.constant 1 : i32
      %scan3A_82 = scf.for %scan3A_107 = %scan3A_78 to %scan3A_80 step %scan3A_81 iter_args(%scan3A_108 = %scan3A_77) -> (i32)  : i32 {
        %mul3A_109 = arith.constant 4 : i32
        %mul3A_110 = arith.muli %scan3A_107, %mul3A_109 : i32
        %add3A_111 = arith.constant 0 : i32
        %add3A_112 = arith.addi %mul3A_110, %add3A_111 : i32
        %add3A_113 = arith.constant 3 : i32
        %add3A_114 = arith.addi %add3A_112, %add3A_113 : i32
        %lt3A = arith.constant 25 : i32
        %lt3A_115 = arith.cmpi slt, %add3A_114, %lt3A : i32
        %convert_element_type3A_116 = arith.extui %lt3A_115 : i1 to i32
        %cond3A_117 = arith.constant 0 : i32
        %cond3A_118 = arith.cmpi ne, %convert_element_type3A_116, %cond3A_117 : i32
        scf.if %cond3A_118 {
          %add3A_245 = arith.constant 3 : i32
          %add3A_246 = arith.addi %add3A_112, %add3A_245 : i32
          %mul3A_247 = arith.constant 160 : i32
          %mul3A_248 = arith.muli %add3A_246, %mul3A_247 : i32
          %mul3A_249 = arith.constant 160 : i32
          %mul3A_250 = arith.muli %add3A_246, %mul3A_249 : i32
          %add3A_251 = arith.constant 80 : i32
          %add3A_252 = arith.addi %mul3A_250, %add3A_251 : i32
          %dma_start3A_253 = arith.constant 0 : i32
          %dma_start3A_254 = arith.constant 0 : i32
          %dma_start3A_255 = tpu.memref_slice %arg15[%dma_start3A_253, %dma_start3A_254] : memref<160x64xi32, #tpu.memory_space<vmem>> -> memref<80x64xi32, #tpu.memory_space<vmem>>
          %dma_start3A_256 = tpu.memref_slice %arg10[%mul3A_248] : memref<4000xi32, #tpu.memory_space<vmem>> -> memref<80xi32, #tpu.memory_space<vmem>>
          %dma_start3A_257 = arith.constant 0 : i32
          %dma_start3A_258 = arith.constant 0 : i32
          %dma_start3A_259 = tpu.memref_slice %arg2[%dma_start3A_257, %dma_start3A_258] : memref<10000x64xi32, #tpu.memory_space<hbm>> -> memref<10000x64xi32, #tpu.memory_space<hbm>>
          tpu.enqueue_indirect_dma source(%dma_start3A_259 : memref<10000x64xi32, #tpu.memory_space<hbm>>) target(%dma_start3A_255 : memref<80x64xi32, #tpu.memory_space<vmem>>) offsets(%dma_start3A_256 : memref<80xi32, #tpu.memory_space<vmem>>) semaphore(%arg23 : memref<!tpu.dma_semaphore, #tpu.memory_space<semaphore_mem>>)
          %dma_start3A_260 = arith.constant 80 : i32
          %dma_start3A_261 = arith.constant 0 : i32
          %dma_start3A_262 = tpu.memref_slice %arg15[%dma_start3A_260, %dma_start3A_261] : memref<160x64xi32, #tpu.memory_space<vmem>> -> memref<80x64xi32, #tpu.memory_space<vmem>>
          %dma_start3A_263 = tpu.memref_slice %arg10[%add3A_252] : memref<4000xi32, #tpu.memory_space<vmem>> -> memref<80xi32, #tpu.memory_space<vmem>>
          %dma_start3A_264 = arith.constant 0 : i32
          %dma_start3A_265 = arith.constant 0 : i32
          %dma_start3A_266 = tpu.memref_slice %arg2[%dma_start3A_264, %dma_start3A_265] : memref<10000x64xi32, #tpu.memory_space<hbm>> -> memref<10000x64xi32, #tpu.memory_space<hbm>>
          tpu.enqueue_indirect_dma source(%dma_start3A_266 : memref<10000x64xi32, #tpu.memory_space<hbm>>) target(%dma_start3A_262 : memref<80x64xi32, #tpu.memory_space<vmem>>) offsets(%dma_start3A_263 : memref<80xi32, #tpu.memory_space<vmem>>) semaphore(%arg23 : memref<!tpu.dma_semaphore, #tpu.memory_space<semaphore_mem>>)
        } else {
        }
        %dma_wait3A_119 = arith.constant 0 : i32
        %dma_wait3A_120 = arith.constant 0 : i32
        %dma_wait3A_121 = tpu.memref_slice %arg12[%dma_wait3A_119, %dma_wait3A_120] : memref<160x64xi32, #tpu.memory_space<vmem>> -> memref<80x64xi32, #tpu.memory_space<vmem>>
        %dma_wait3A_122 = arith.constant 0 : i32
        %dma_wait3A_123 = tpu.memref_slice %arg10[%dma_wait3A_122] : memref<4000xi32, #tpu.memory_space<vmem>> -> memref<80xi32, #tpu.memory_space<vmem>>
        %dma_wait3A_124 = arith.constant 0 : i32
        %dma_wait3A_125 = arith.constant 0 : i32
        %dma_wait3A_126 = tpu.memref_slice %arg2[%dma_wait3A_124, %dma_wait3A_125] : memref<10000x64xi32, #tpu.memory_space<hbm>> -> memref<10000x64xi32, #tpu.memory_space<hbm>>
        tpu.wait_indirect_dma semaphore(%arg20 : memref<!tpu.dma_semaphore, #tpu.memory_space<semaphore_mem>>) src(%dma_wait3A_126 : memref<10000x64xi32, #tpu.memory_space<hbm>>) dst(%dma_wait3A_121 : memref<80x64xi32, #tpu.memory_space<vmem>>)
        %dma_wait3A_127 = arith.constant 80 : i32
        %dma_wait3A_128 = arith.constant 0 : i32
        %dma_wait3A_129 = tpu.memref_slice %arg12[%dma_wait3A_127, %dma_wait3A_128] : memref<160x64xi32, #tpu.memory_space<vmem>> -> memref<80x64xi32, #tpu.memory_space<vmem>>
        %dma_wait3A_130 = arith.constant 0 : i32
        %dma_wait3A_131 = tpu.memref_slice %arg10[%dma_wait3A_130] : memref<4000xi32, #tpu.memory_space<vmem>> -> memref<80xi32, #tpu.memory_space<vmem>>
        %dma_wait3A_132 = arith.constant 0 : i32
        %dma_wait3A_133 = arith.constant 0 : i32
        %dma_wait3A_134 = tpu.memref_slice %arg2[%dma_wait3A_132, %dma_wait3A_133] : memref<10000x64xi32, #tpu.memory_space<hbm>> -> memref<10000x64xi32, #tpu.memory_space<hbm>>
        tpu.wait_indirect_dma semaphore(%arg20 : memref<!tpu.dma_semaphore, #tpu.memory_space<semaphore_mem>>) src(%dma_wait3A_134 : memref<10000x64xi32, #tpu.memory_space<hbm>>) dst(%dma_wait3A_129 : memref<80x64xi32, #tpu.memory_space<vmem>>)
        %scan3A_135 = arith.constant 0 : i32
        %scan3A_136 = arith.constant 0 : i32
        %scan3A_137 = arith.constant 5 : i32
        %scan3A_138 = arith.addi %scan3A_136, %scan3A_137 : i32
        %scan3A_139 = arith.constant 1 : i32
        %scan3A_140 = scf.for %scan3A_245 = %scan3A_136 to %scan3A_138 step %scan3A_139 iter_args(%scan3A_246 = %scan3A_135) -> (i32)  : i32 {
          %mul3A_247 = arith.constant 16 : i32
          %mul3A_248 = arith.muli %scan3A_245, %mul3A_247 : i32
          %add3A_249 = vector.broadcast %mul3A_248 : i32 to vector<16xi32>
          %add3A_250 = arith.addi %iota3A, %add3A_249 : vector<16xi32>
          %add3A_251 = arith.constant 80 : i32
          %add3A_252 = vector.broadcast %add3A_251 : i32 to vector<16xi32>
          %add3A_253 = arith.addi %add3A_250, %add3A_252 : vector<16xi32>
          %mul3A_254 = arith.constant 80 : i32
          %mul3A_255 = arith.muli %add3A_112, %mul3A_254 : i32
          %mul3A_256 = arith.constant 16 : i32
          %mul3A_257 = arith.muli %scan3A_245, %mul3A_256 : i32
          %add3A_258 = arith.addi %mul3A_255, %mul3A_257 : i32
          %mul3A_259 = arith.constant 160 : i32
          %mul3A_260 = arith.muli %add3A_112, %mul3A_259 : i32
          %mul3A_261 = arith.constant 16 : i32
          %mul3A_262 = arith.muli %scan3A_245, %mul3A_261 : i32
          %add3A_263 = arith.addi %mul3A_260, %mul3A_262 : i32
          %get3A = arith.index_cast %add3A_263 : i32 to index
          %get3A_264 = tpu.vector_load %arg10[%get3A] {strides = array<i32>} : memref<4000xi32, #tpu.memory_space<vmem>>, vector<16xi32>,
          %mul3A_265 = arith.constant 160 : i32
          %mul3A_266 = arith.muli %add3A_112, %mul3A_265 : i32
          %add3A_267 = arith.constant 80 : i32
          %add3A_268 = arith.addi %mul3A_266, %add3A_267 : i32
          %mul3A_269 = arith.constant 16 : i32
          %mul3A_270 = arith.muli %scan3A_245, %mul3A_269 : i32
          %add3A_271 = arith.addi %add3A_268, %mul3A_270 : i32
          %get3A_272 = arith.index_cast %add3A_271 : i32 to index
          %get3A_273 = tpu.vector_load %arg10[%get3A_272] {strides = array<i32>} : memref<4000xi32, #tpu.memory_space<vmem>>, vector<16xi32>,
          %broadcast_in_dim3A = arith.constant 0.000000e+00 : f32
          %broadcast_in_dim3A_274 = vector.broadcast %broadcast_in_dim3A : f32 to vector<16xf32>
          %scan3A_275 = arith.constant 0 : i32
          %scan3A_276 = arith.constant 16 : i32
          %scan3A_277 = arith.addi %scan3A_275, %scan3A_276 : i32
          %scan3A_278 = arith.constant 2 : i32
          %scan3A_279:9 = scf.for %scan3A_313 = %scan3A_275 to %scan3A_277 step %scan3A_278 iter_args(%scan3A_314 = %broadcast_in_dim3A_274, %scan3A_315 = %broadcast_in_dim3A_274, %scan3A_316 = %broadcast_in_dim3A_274, %scan3A_317 = %broadcast_in_dim3A_274, %scan3A_318 = %broadcast_in_dim3A_274, %scan3A_319 = %broadcast_in_dim3A_274, %scan3A_320 = %broadcast_in_dim3A_274, %scan3A_321 = %broadcast_in_dim3A_274, %scan3A_322 = %iota3A) -> (vector<16xf32>, vector<16xf32>, vector<16xf32>, vector<16xf32>, vector<16xf32>, vector<16xf32>, vector<16xf32>, vector<16xf32>, vector<16xi32>)  : i32 {
            %gather3A_323 = tpu.vector_load_idx %arg12[%add3A_250, %scan3A_322] : memref<160x64xi32, #tpu.memory_space<vmem>>[vector<16xi32>, vector<16xi32>], vector<16xi32>,
            %bitcast3A = vector.bitcast %gather3A_323 : vector<16xi32> to vector<32xbf16>
            %gather3A_324 = tpu.vector_load_idx %arg12[%add3A_253, %scan3A_322] : memref<160x64xi32, #tpu.memory_space<vmem>>[vector<16xi32>, vector<16xi32>], vector<16xi32>,
            %bitcast3A_325 = vector.bitcast %gather3A_324 : vector<16xi32> to vector<32xbf16>
            %unpack3A = tpu.unpack_subelements %bitcast3A, 0 {pack_format = #tpu.pack_format<interleaved>} : vector<32xbf16> -> vector<16xf32>
            %unpack3A_326 = tpu.unpack_subelements %bitcast3A, 1 {pack_format = #tpu.pack_format<interleaved>} : vector<32xbf16> -> vector<16xf32>
            %unpack3A_327 = tpu.unpack_subelements %bitcast3A_325, 0 {pack_format = #tpu.pack_format<interleaved>} : vector<32xbf16> -> vector<16xf32>
            %unpack3A_328 = tpu.unpack_subelements %bitcast3A_325, 1 {pack_format = #tpu.pack_format<interleaved>} : vector<32xbf16> -> vector<16xf32>
            %mul3A_329 = arith.mulf %unpack3A, %unpack3A_327 : vector<16xf32>
            %mul3A_330 = arith.mulf %unpack3A_326, %unpack3A_328 : vector<16xf32>
            %add3A_331 = arith.constant 1 : i32
            %add3A_332 = vector.broadcast %add3A_331 : i32 to vector<16xi32>
            %add3A_333 = arith.addi %scan3A_322, %add3A_332 : vector<16xi32>
            %and3A_334 = arith.constant 63 : i32
            %and3A_335 = vector.broadcast %and3A_334 : i32 to vector<16xi32>
            %and3A_336 = arith.andi %add3A_333, %and3A_335 : vector<16xi32>
            %gather3A_337 = tpu.vector_load_idx %arg12[%add3A_250, %and3A_336] : memref<160x64xi32, #tpu.memory_space<vmem>>[vector<16xi32>, vector<16xi32>], vector<16xi32>,
            %bitcast3A_338 = vector.bitcast %gather3A_337 : vector<16xi32> to vector<32xbf16>
            %gather3A_339 = tpu.vector_load_idx %arg12[%add3A_253, %and3A_336] : memref<160x64xi32, #tpu.memory_space<vmem>>[vector<16xi32>, vector<16xi32>], vector<16xi32>,
            %bitcast3A_340 = vector.bitcast %gather3A_339 : vector<16xi32> to vector<32xbf16>
            %unpack3A_341 = tpu.unpack_subelements %bitcast3A_338, 0 {pack_format = #tpu.pack_format<interleaved>} : vector<32xbf16> -> vector<16xf32>
            %unpack3A_342 = tpu.unpack_subelements %bitcast3A_338, 1 {pack_format = #tpu.pack_format<interleaved>} : vector<32xbf16> -> vector<16xf32>
            %unpack3A_343 = tpu.unpack_subelements %bitcast3A_340, 0 {pack_format = #tpu.pack_format<interleaved>} : vector<32xbf16> -> vector<16xf32>
            %unpack3A_344 = tpu.unpack_subelements %bitcast3A_340, 1 {pack_format = #tpu.pack_format<interleaved>} : vector<32xbf16> -> vector<16xf32>
            %mul3A_345 = arith.mulf %unpack3A_341, %unpack3A_343 : vector<16xf32>
            %mul3A_346 = arith.mulf %unpack3A_342, %unpack3A_344 : vector<16xf32>
            %add3A_347 = arith.constant 2 : i32
            %add3A_348 = vector.broadcast %add3A_347 : i32 to vector<16xi32>
            %add3A_349 = arith.addi %scan3A_322, %add3A_348 : vector<16xi32>
            %and3A_350 = arith.constant 63 : i32
            %and3A_351 = vector.broadcast %and3A_350 : i32 to vector<16xi32>
            %and3A_352 = arith.andi %add3A_349, %and3A_351 : vector<16xi32>
            %gather3A_353 = tpu.vector_load_idx %arg12[%add3A_250, %and3A_352] : memref<160x64xi32, #tpu.memory_space<vmem>>[vector<16xi32>, vector<16xi32>], vector<16xi32>,
            %bitcast3A_354 = vector.bitcast %gather3A_353 : vector<16xi32> to vector<32xbf16>
            %gather3A_355 = tpu.vector_load_idx %arg12[%add3A_253, %and3A_352] : memref<160x64xi32, #tpu.memory_space<vmem>>[vector<16xi32>, vector<16xi32>], vector<16xi32>,
            %bitcast3A_356 = vector.bitcast %gather3A_355 : vector<16xi32> to vector<32xbf16>
            %unpack3A_357 = tpu.unpack_subelements %bitcast3A_354, 0 {pack_format = #tpu.pack_format<interleaved>} : vector<32xbf16> -> vector<16xf32>
            %unpack3A_358 = tpu.unpack_subelements %bitcast3A_354, 1 {pack_format = #tpu.pack_format<interleaved>} : vector<32xbf16> -> vector<16xf32>
            %unpack3A_359 = tpu.unpack_subelements %bitcast3A_356, 0 {pack_format = #tpu.pack_format<interleaved>} : vector<32xbf16> -> vector<16xf32>
            %unpack3A_360 = tpu.unpack_subelements %bitcast3A_356, 1 {pack_format = #tpu.pack_format<interleaved>} : vector<32xbf16> -> vector<16xf32>
            %mul3A_361 = arith.mulf %unpack3A_357, %unpack3A_359 : vector<16xf32>
            %mul3A_362 = arith.mulf %unpack3A_358, %unpack3A_360 : vector<16xf32>
            %add3A_363 = arith.constant 3 : i32
            %add3A_364 = vector.broadcast %add3A_363 : i32 to vector<16xi32>
            %add3A_365 = arith.addi %scan3A_322, %add3A_364 : vector<16xi32>
            %and3A_366 = arith.constant 63 : i32
            %and3A_367 = vector.broadcast %and3A_366 : i32 to vector<16xi32>
            %and3A_368 = arith.andi %add3A_365, %and3A_367 : vector<16xi32>
            %gather3A_369 = tpu.vector_load_idx %arg12[%add3A_250, %and3A_368] : memref<160x64xi32, #tpu.memory_space<vmem>>[vector<16xi32>, vector<16xi32>], vector<16xi32>,
            %bitcast3A_370 = vector.bitcast %gather3A_369 : vector<16xi32> to vector<32xbf16>
            %gather3A_371 = tpu.vector_load_idx %arg12[%add3A_253, %and3A_368] : memref<160x64xi32, #tpu.memory_space<vmem>>[vector<16xi32>, vector<16xi32>], vector<16xi32>,
            %bitcast3A_372 = vector.bitcast %gather3A_371 : vector<16xi32> to vector<32xbf16>
            %unpack3A_373 = tpu.unpack_subelements %bitcast3A_370, 0 {pack_format = #tpu.pack_format<interleaved>} : vector<32xbf16> -> vector<16xf32>
            %unpack3A_374 = tpu.unpack_subelements %bitcast3A_370, 1 {pack_format = #tpu.pack_format<interleaved>} : vector<32xbf16> -> vector<16xf32>
            %unpack3A_375 = tpu.unpack_subelements %bitcast3A_372, 0 {pack_format = #tpu.pack_format<interleaved>} : vector<32xbf16> -> vector<16xf32>
            %unpack3A_376 = tpu.unpack_subelements %bitcast3A_372, 1 {pack_format = #tpu.pack_format<interleaved>} : vector<32xbf16> -> vector<16xf32>
            %mul3A_377 = arith.mulf %unpack3A_373, %unpack3A_375 : vector<16xf32>
            %mul3A_378 = arith.mulf %unpack3A_374, %unpack3A_376 : vector<16xf32>
            %add3A_379 = arith.addf %scan3A_314, %mul3A_329 : vector<16xf32>
            %add3A_380 = arith.addf %scan3A_315, %mul3A_330 : vector<16xf32>
            %add3A_381 = arith.addf %scan3A_316, %mul3A_345 : vector<16xf32>
            %add3A_382 = arith.addf %scan3A_317, %mul3A_346 : vector<16xf32>
            %add3A_383 = arith.addf %scan3A_318, %mul3A_361 : vector<16xf32>
            %add3A_384 = arith.addf %scan3A_319, %mul3A_362 : vector<16xf32>
            %add3A_385 = arith.addf %scan3A_320, %mul3A_377 : vector<16xf32>
            %add3A_386 = arith.addf %scan3A_321, %mul3A_378 : vector<16xf32>
            %add3A_387 = arith.constant 4 : i32
            %add3A_388 = vector.broadcast %add3A_387 : i32 to vector<16xi32>
            %add3A_389 = arith.addi %scan3A_322, %add3A_388 : vector<16xi32>
            %and3A_390 = arith.constant 63 : i32
            %and3A_391 = vector.broadcast %and3A_390 : i32 to vector<16xi32>
            %and3A_392 = arith.andi %add3A_389, %and3A_391 : vector<16xi32>
            %scan3A_393 = arith.constant 1 : i32
            %scan3A_394 = arith.addi %scan3A_313, %scan3A_393 : i32
            %gather3A_395 = tpu.vector_load_idx %arg12[%add3A_250, %and3A_392] : memref<160x64xi32, #tpu.memory_space<vmem>>[vector<16xi32>, vector<16xi32>], vector<16xi32>,
            %bitcast3A_396 = vector.bitcast %gather3A_395 : vector<16xi32> to vector<32xbf16>
            %gather3A_397 = tpu.vector_load_idx %arg12[%add3A_253, %and3A_392] : memref<160x64xi32, #tpu.memory_space<vmem>>[vector<16xi32>, vector<16xi32>], vector<16xi32>,
            %bitcast3A_398 = vector.bitcast %gather3A_397 : vector<16xi32> to vector<32xbf16>
            %unpack3A_399 = tpu.unpack_subelements %bitcast3A_396, 0 {pack_format = #tpu.pack_format<interleaved>} : vector<32xbf16> -> vector<16xf32>
            %unpack3A_400 = tpu.unpack_subelements %bitcast3A_396, 1 {pack_format = #tpu.pack_format<interleaved>} : vector<32xbf16> -> vector<16xf32>
            %unpack3A_401 = tpu.unpack_subelements %bitcast3A_398, 0 {pack_format = #tpu.pack_format<interleaved>} : vector<32xbf16> -> vector<16xf32>
            %unpack3A_402 = tpu.unpack_subelements %bitcast3A_398, 1 {pack_format = #tpu.pack_format<interleaved>} : vector<32xbf16> -> vector<16xf32>
            %mul3A_403 = arith.mulf %unpack3A_399, %unpack3A_401 : vector<16xf32>
            %mul3A_404 = arith.mulf %unpack3A_400, %unpack3A_402 : vector<16xf32>
            %add3A_405 = arith.constant 1 : i32
            %add3A_406 = vector.broadcast %add3A_405 : i32 to vector<16xi32>
            %add3A_407 = arith.addi %and3A_392, %add3A_406 : vector<16xi32>
            %and3A_408 = arith.constant 63 : i32
            %and3A_409 = vector.broadcast %and3A_408 : i32 to vector<16xi32>
            %and3A_410 = arith.andi %add3A_407, %and3A_409 : vector<16xi32>
            %gather3A_411 = tpu.vector_load_idx %arg12[%add3A_250, %and3A_410] : memref<160x64xi32, #tpu.memory_space<vmem>>[vector<16xi32>, vector<16xi32>], vector<16xi32>,
            %bitcast3A_412 = vector.bitcast %gather3A_411 : vector<16xi32> to vector<32xbf16>
            %gather3A_413 = tpu.vector_load_idx %arg12[%add3A_253, %and3A_410] : memref<160x64xi32, #tpu.memory_space<vmem>>[vector<16xi32>, vector<16xi32>], vector<16xi32>,
            %bitcast3A_414 = vector.bitcast %gather3A_413 : vector<16xi32> to vector<32xbf16>
            %unpack3A_415 = tpu.unpack_subelements %bitcast3A_412, 0 {pack_format = #tpu.pack_format<interleaved>} : vector<32xbf16> -> vector<16xf32>
            %unpack3A_416 = tpu.unpack_subelements %bitcast3A_412, 1 {pack_format = #tpu.pack_format<interleaved>} : vector<32xbf16> -> vector<16xf32>
            %unpack3A_417 = tpu.unpack_subelements %bitcast3A_414, 0 {pack_format = #tpu.pack_format<interleaved>} : vector<32xbf16> -> vector<16xf32>
            %unpack3A_418 = tpu.unpack_subelements %bitcast3A_414, 1 {pack_format = #tpu.pack_format<interleaved>} : vector<32xbf16> -> vector<16xf32>
            %mul3A_419 = arith.mulf %unpack3A_415, %unpack3A_417 : vector<16xf32>
            %mul3A_420 = arith.mulf %unpack3A_416, %unpack3A_418 : vector<16xf32>
            %add3A_421 = arith.constant 2 : i32
            %add3A_422 = vector.broadcast %add3A_421 : i32 to vector<16xi32>
            %add3A_423 = arith.addi %and3A_392, %add3A_422 : vector<16xi32>
            %and3A_424 = arith.constant 63 : i32
            %and3A_425 = vector.broadcast %and3A_424 : i32 to vector<16xi32>
            %and3A_426 = arith.andi %add3A_423, %and3A_425 : vector<16xi32>
            %gather3A_427 = tpu.vector_load_idx %arg12[%add3A_250, %and3A_426] : memref<160x64xi32, #tpu.memory_space<vmem>>[vector<16xi32>, vector<16xi32>], vector<16xi32>,
            %bitcast3A_428 = vector.bitcast %gather3A_427 : vector<16xi32> to vector<32xbf16>
            %gather3A_429 = tpu.vector_load_idx %arg12[%add3A_253, %and3A_426] : memref<160x64xi32, #tpu.memory_space<vmem>>[vector<16xi32>, vector<16xi32>], vector<16xi32>,
            %bitcast3A_430 = vector.bitcast %gather3A_429 : vector<16xi32> to vector<32xbf16>
            %unpack3A_431 = tpu.unpack_subelements %bitcast3A_428, 0 {pack_format = #tpu.pack_format<interleaved>} : vector<32xbf16> -> vector<16xf32>
            %unpack3A_432 = tpu.unpack_subelements %bitcast3A_428, 1 {pack_format = #tpu.pack_format<interleaved>} : vector<32xbf16> -> vector<16xf32>
            %unpack3A_433 = tpu.unpack_subelements %bitcast3A_430, 0 {pack_format = #tpu.pack_format<interleaved>} : vector<32xbf16> -> vector<16xf32>
            %unpack3A_434 = tpu.unpack_subelements %bitcast3A_430, 1 {pack_format = #tpu.pack_format<interleaved>} : vector<32xbf16> -> vector<16xf32>
            %mul3A_435 = arith.mulf %unpack3A_431, %unpack3A_433 : vector<16xf32>
            %mul3A_436 = arith.mulf %unpack3A_432, %unpack3A_434 : vector<16xf32>
            %add3A_437 = arith.constant 3 : i32
            %add3A_438 = vector.broadcast %add3A_437 : i32 to vector<16xi32>
            %add3A_439 = arith.addi %and3A_392, %add3A_438 : vector<16xi32>
            %and3A_440 = arith.constant 63 : i32
            %and3A_441 = vector.broadcast %and3A_440 : i32 to vector<16xi32>
            %and3A_442 = arith.andi %add3A_439, %and3A_441 : vector<16xi32>
            %gather3A_443 = tpu.vector_load_idx %arg12[%add3A_250, %and3A_442] : memref<160x64xi32, #tpu.memory_space<vmem>>[vector<16xi32>, vector<16xi32>], vector<16xi32>,
            %bitcast3A_444 = vector.bitcast %gather3A_443 : vector<16xi32> to vector<32xbf16>
            %gather3A_445 = tpu.vector_load_idx %arg12[%add3A_253, %and3A_442] : memref<160x64xi32, #tpu.memory_space<vmem>>[vector<16xi32>, vector<16xi32>], vector<16xi32>,
            %bitcast3A_446 = vector.bitcast %gather3A_445 : vector<16xi32> to vector<32xbf16>
            %unpack3A_447 = tpu.unpack_subelements %bitcast3A_444, 0 {pack_format = #tpu.pack_format<interleaved>} : vector<32xbf16> -> vector<16xf32>
            %unpack3A_448 = tpu.unpack_subelements %bitcast3A_444, 1 {pack_format = #tpu.pack_format<interleaved>} : vector<32xbf16> -> vector<16xf32>
            %unpack3A_449 = tpu.unpack_subelements %bitcast3A_446, 0 {pack_format = #tpu.pack_format<interleaved>} : vector<32xbf16> -> vector<16xf32>
            %unpack3A_450 = tpu.unpack_subelements %bitcast3A_446, 1 {pack_format = #tpu.pack_format<interleaved>} : vector<32xbf16> -> vector<16xf32>
            %mul3A_451 = arith.mulf %unpack3A_447, %unpack3A_449 : vector<16xf32>
            %mul3A_452 = arith.mulf %unpack3A_448, %unpack3A_450 : vector<16xf32>
            %add3A_453 = arith.addf %add3A_379, %mul3A_403 : vector<16xf32>
            %add3A_454 = arith.addf %add3A_380, %mul3A_404 : vector<16xf32>
            %add3A_455 = arith.addf %add3A_381, %mul3A_419 : vector<16xf32>
            %add3A_456 = arith.addf %add3A_382, %mul3A_420 : vector<16xf32>
            %add3A_457 = arith.addf %add3A_383, %mul3A_435 : vector<16xf32>
            %add3A_458 = arith.addf %add3A_384, %mul3A_436 : vector<16xf32>
            %add3A_459 = arith.addf %add3A_385, %mul3A_451 : vector<16xf32>
            %add3A_460 = arith.addf %add3A_386, %mul3A_452 : vector<16xf32>
            %add3A_461 = arith.constant 4 : i32
            %add3A_462 = vector.broadcast %add3A_461 : i32 to vector<16xi32>
            %add3A_463 = arith.addi %and3A_392, %add3A_462 : vector<16xi32>
            %and3A_464 = arith.constant 63 : i32
            %and3A_465 = vector.broadcast %and3A_464 : i32 to vector<16xi32>
            %and3A_466 = arith.andi %add3A_463, %and3A_465 : vector<16xi32>
            scf.yield %add3A_453, %add3A_454, %add3A_455, %add3A_456, %add3A_457, %add3A_458, %add3A_459, %add3A_460, %and3A_466 : vector<16xf32>, vector<16xf32>, vector<16xf32>, vector<16xf32>, vector<16xf32>, vector<16xf32>, vector<16xf32>, vector<16xf32>, vector<16xi32>
          }
          %scan3A_280 = arith.constant 16 : i32
          %add3A_281 = arith.addf %scan3A_279#0, %scan3A_279#1 : vector<16xf32>
          %add3A_282 = arith.addf %scan3A_279#2, %scan3A_279#3 : vector<16xf32>
          %add3A_283 = arith.addf %add3A_281, %add3A_282 : vector<16xf32>
          %add3A_284 = arith.addf %scan3A_279#4, %scan3A_279#5 : vector<16xf32>
          %add3A_285 = arith.addf %scan3A_279#6, %scan3A_279#7 : vector<16xf32>
          %add3A_286 = arith.addf %add3A_284, %add3A_285 : vector<16xf32>
          %add3A_287 = arith.addf %add3A_283, %add3A_286 : vector<16xf32>
          %gather3A = tpu.vector_load_idx %arg9[%get3A_264] : memref<10000xi32, #tpu.memory_space<vmem>>[vector<16xi32>], vector<16xi32>,
          %gather3A_288 = tpu.vector_load_idx %arg9[%get3A_273] : memref<10000xi32, #tpu.memory_space<vmem>>[vector<16xi32>], vector<16xi32>,
          %mul3A_289 = arith.constant 14.2857141 : f32
          %mul3A_290 = vector.broadcast %mul3A_289 : f32 to vector<16xf32>
          %mul3A_291 = arith.mulf %add3A_287, %mul3A_290 : vector<16xf32>
          %sub3A = arith.constant 14.2857141 : f32
          %sub3A_292 = vector.broadcast %sub3A : f32 to vector<16xf32>
          %sub3A_293 = arith.subf %mul3A_291, %sub3A_292 : vector<16xf32>
          %exp3A = math.exp %sub3A_293 : vector<16xf32>
          %eq3A_294 = arith.cmpi eq, %gather3A, %gather3A_288 : vector<16xi32>
          %ne3A = arith.constant -1 : i32
          %ne3A_295 = vector.broadcast %ne3A : i32 to vector<16xi32>
          %ne3A_296 = arith.cmpi ne, %gather3A, %ne3A_295 : vector<16xi32>
          %and3A = arith.andi %eq3A_294, %ne3A_296 : vector<16xi1>
          %ne3A_297 = arith.constant -1 : i32
          %ne3A_298 = vector.broadcast %ne3A_297 : i32 to vector<16xi32>
          %ne3A_299 = arith.cmpi ne, %gather3A_288, %ne3A_298 : vector<16xi32>
          %and3A_300 = arith.andi %and3A, %ne3A_299 : vector<16xi1>
          %swap3A = arith.index_cast %add3A_258 : i32 to index
          %swap3A_301 = tpu.vector_load %arg16[%swap3A] {strides = array<i32>} : memref<2000xf32, #tpu.memory_space<vmem>>, vector<16xf32>,
          tpu.vector_store %arg16[%swap3A], %exp3A {strides = array<i32>} : memref<2000xf32, #tpu.memory_space<vmem>>, vector<16xf32>,
          %jit3A = arith.constant 1.000000e+00 : f32
          %jit3A_302 = arith.constant 0.000000e+00 : f32
          %broadcast_in_dim3A_303 = vector.broadcast %jit3A : f32 to vector<16xf32>
          %broadcast_in_dim3A_304 = vector.broadcast %jit3A_302 : f32 to vector<16xf32>
          %select_n3A = arith.select %and3A_300, %broadcast_in_dim3A_303, %broadcast_in_dim3A_304 : vector<16xi1>, vector<16xf32>
          %swap3A_305 = arith.index_cast %add3A_258 : i32 to index
          %swap3A_306 = tpu.vector_load %arg17[%swap3A_305] {strides = array<i32>} : memref<2000xf32, #tpu.memory_space<vmem>>, vector<16xf32>,
          tpu.vector_store %arg17[%swap3A_305], %select_n3A {strides = array<i32>} : memref<2000xf32, #tpu.memory_space<vmem>>, vector<16xf32>,
          %jit3A_307 = arith.constant 0.000000e+00 : f32
          %broadcast_in_dim3A_308 = vector.broadcast %jit3A_307 : f32 to vector<16xf32>
          %select_n3A_309 = arith.select %and3A_300, %broadcast_in_dim3A_308, %exp3A : vector<16xi1>, vector<16xf32>
          %swap3A_310 = arith.index_cast %add3A_258 : i32 to index
          %swap3A_311 = tpu.vector_load %arg18[%swap3A_310] {strides = array<i32>} : memref<2000xf32, #tpu.memory_space<vmem>>, vector<16xf32>,
          tpu.vector_store %arg18[%swap3A_310], %select_n3A_309 {strides = array<i32>} : memref<2000xf32, #tpu.memory_space<vmem>>, vector<16xf32>,
          %scan3A_312 = arith.constant 0 : i32
          scf.yield %scan3A_312 : i32
        }
        %scan3A_141 = arith.constant 5 : i32
        %mul3A_142 = arith.constant 4 : i32
        %mul3A_143 = arith.muli %scan3A_107, %mul3A_142 : i32
        %add3A_144 = arith.constant 1 : i32
        %add3A_145 = arith.addi %mul3A_143, %add3A_144 : i32
        %add3A_146 = arith.constant 3 : i32
        %add3A_147 = arith.addi %add3A_145, %add3A_146 : i32
        %lt3A_148 = arith.constant 25 : i32
        %lt3A_149 = arith.cmpi slt, %add3A_147, %lt3A_148 : i32
        %convert_element_type3A_150 = arith.extui %lt3A_149 : i1 to i32
        %cond3A_151 = arith.constant 0 : i32
        %cond3A_152 = arith.cmpi ne, %convert_element_type3A_150, %cond3A_151 : i32
        scf.if %cond3A_152 {
          %add3A_245 = arith.constant 3 : i32
          %add3A_246 = arith.addi %add3A_145, %add3A_245 : i32
          %mul3A_247 = arith.constant 160 : i32
          %mul3A_248 = arith.muli %add3A_246, %mul3A_247 : i32
          %mul3A_249 = arith.constant 160 : i32
          %mul3A_250 = arith.muli %add3A_246, %mul3A_249 : i32
          %add3A_251 = arith.constant 80 : i32
          %add3A_252 = arith.addi %mul3A_250, %add3A_251 : i32
          %dma_start3A_253 = arith.constant 0 : i32
          %dma_start3A_254 = arith.constant 0 : i32
          %dma_start3A_255 = tpu.memref_slice %arg12[%dma_start3A_253, %dma_start3A_254] : memref<160x64xi32, #tpu.memory_space<vmem>> -> memref<80x64xi32, #tpu.memory_space<vmem>>
          %dma_start3A_256 = tpu.memref_slice %arg10[%mul3A_248] : memref<4000xi32, #tpu.memory_space<vmem>> -> memref<80xi32, #tpu.memory_space<vmem>>
          %dma_start3A_257 = arith.constant 0 : i32
          %dma_start3A_258 = arith.constant 0 : i32
          %dma_start3A_259 = tpu.memref_slice %arg2[%dma_start3A_257, %dma_start3A_258] : memref<10000x64xi32, #tpu.memory_space<hbm>> -> memref<10000x64xi32, #tpu.memory_space<hbm>>
          tpu.enqueue_indirect_dma source(%dma_start3A_259 : memref<10000x64xi32, #tpu.memory_space<hbm>>) target(%dma_start3A_255 : memref<80x64xi32, #tpu.memory_space<vmem>>) offsets(%dma_start3A_256 : memref<80xi32, #tpu.memory_space<vmem>>) semaphore(%arg20 : memref<!tpu.dma_semaphore, #tpu.memory_space<semaphore_mem>>)
          %dma_start3A_260 = arith.constant 80 : i32
          %dma_start3A_261 = arith.constant 0 : i32
          %dma_start3A_262 = tpu.memref_slice %arg12[%dma_start3A_260, %dma_start3A_261] : memref<160x64xi32, #tpu.memory_space<vmem>> -> memref<80x64xi32, #tpu.memory_space<vmem>>
          %dma_start3A_263 = tpu.memref_slice %arg10[%add3A_252] : memref<4000xi32, #tpu.memory_space<vmem>> -> memref<80xi32, #tpu.memory_space<vmem>>
          %dma_start3A_264 = arith.constant 0 : i32
          %dma_start3A_265 = arith.constant 0 : i32
          %dma_start3A_266 = tpu.memref_slice %arg2[%dma_start3A_264, %dma_start3A_265] : memref<10000x64xi32, #tpu.memory_space<hbm>> -> memref<10000x64xi32, #tpu.memory_space<hbm>>
          tpu.enqueue_indirect_dma source(%dma_start3A_266 : memref<10000x64xi32, #tpu.memory_space<hbm>>) target(%dma_start3A_262 : memref<80x64xi32, #tpu.memory_space<vmem>>) offsets(%dma_start3A_263 : memref<80xi32, #tpu.memory_space<vmem>>) semaphore(%arg20 : memref<!tpu.dma_semaphore, #tpu.memory_space<semaphore_mem>>)
        } else {
        }
        %dma_wait3A_153 = arith.constant 0 : i32
        %dma_wait3A_154 = arith.constant 0 : i32
        %dma_wait3A_155 = tpu.memref_slice %arg13[%dma_wait3A_153, %dma_wait3A_154] : memref<160x64xi32, #tpu.memory_space<vmem>> -> memref<80x64xi32, #tpu.memory_space<vmem>>
        %dma_wait3A_156 = arith.constant 0 : i32
        %dma_wait3A_157 = tpu.memref_slice %arg10[%dma_wait3A_156] : memref<4000xi32, #tpu.memory_space<vmem>> -> memref<80xi32, #tpu.memory_space<vmem>>
        %dma_wait3A_158 = arith.constant 0 : i32
        %dma_wait3A_159 = arith.constant 0 : i32
        %dma_wait3A_160 = tpu.memref_slice %arg2[%dma_wait3A_158, %dma_wait3A_159] : memref<10000x64xi32, #tpu.memory_space<hbm>> -> memref<10000x64xi32, #tpu.memory_space<hbm>>
        tpu.wait_indirect_dma semaphore(%arg21 : memref<!tpu.dma_semaphore, #tpu.memory_space<semaphore_mem>>) src(%dma_wait3A_160 : memref<10000x64xi32, #tpu.memory_space<hbm>>) dst(%dma_wait3A_155 : memref<80x64xi32, #tpu.memory_space<vmem>>)
        %dma_wait3A_161 = arith.constant 80 : i32
        %dma_wait3A_162 = arith.constant 0 : i32
        %dma_wait3A_163 = tpu.memref_slice %arg13[%dma_wait3A_161, %dma_wait3A_162] : memref<160x64xi32, #tpu.memory_space<vmem>> -> memref<80x64xi32, #tpu.memory_space<vmem>>
        %dma_wait3A_164 = arith.constant 0 : i32
        %dma_wait3A_165 = tpu.memref_slice %arg10[%dma_wait3A_164] : memref<4000xi32, #tpu.memory_space<vmem>> -> memref<80xi32, #tpu.memory_space<vmem>>
        %dma_wait3A_166 = arith.constant 0 : i32
        %dma_wait3A_167 = arith.constant 0 : i32
        %dma_wait3A_168 = tpu.memref_slice %arg2[%dma_wait3A_166, %dma_wait3A_167] : memref<10000x64xi32, #tpu.memory_space<hbm>> -> memref<10000x64xi32, #tpu.memory_space<hbm>>
        tpu.wait_indirect_dma semaphore(%arg21 : memref<!tpu.dma_semaphore, #tpu.memory_space<semaphore_mem>>) src(%dma_wait3A_168 : memref<10000x64xi32, #tpu.memory_space<hbm>>) dst(%dma_wait3A_163 : memref<80x64xi32, #tpu.memory_space<vmem>>)
        %scan3A_169 = arith.constant 0 : i32
        %scan3A_170 = arith.constant 0 : i32
        %scan3A_171 = arith.constant 5 : i32
        %scan3A_172 = arith.addi %scan3A_170, %scan3A_171 : i32
        %scan3A_173 = arith.constant 1 : i32
        %scan3A_174 = scf.for %scan3A_245 = %scan3A_170 to %scan3A_172 step %scan3A_173 iter_args(%scan3A_246 = %scan3A_169) -> (i32)  : i32 {
          %mul3A_247 = arith.constant 16 : i32
          %mul3A_248 = arith.muli %scan3A_245, %mul3A_247 : i32
          %add3A_249 = vector.broadcast %mul3A_248 : i32 to vector<16xi32>
          %add3A_250 = arith.addi %iota3A, %add3A_249 : vector<16xi32>
          %add3A_251 = arith.constant 80 : i32
          %add3A_252 = vector.broadcast %add3A_251 : i32 to vector<16xi32>
          %add3A_253 = arith.addi %add3A_250, %add3A_252 : vector<16xi32>
          %mul3A_254 = arith.constant 80 : i32
          %mul3A_255 = arith.muli %add3A_145, %mul3A_254 : i32
          %mul3A_256 = arith.constant 16 : i32
          %mul3A_257 = arith.muli %scan3A_245, %mul3A_256 : i32
          %add3A_258 = arith.addi %mul3A_255, %mul3A_257 : i32
          %mul3A_259 = arith.constant 160 : i32
          %mul3A_260 = arith.muli %add3A_145, %mul3A_259 : i32
          %mul3A_261 = arith.constant 16 : i32
          %mul3A_262 = arith.muli %scan3A_245, %mul3A_261 : i32
          %add3A_263 = arith.addi %mul3A_260, %mul3A_262 : i32
          %get3A = arith.index_cast %add3A_263 : i32 to index
          %get3A_264 = tpu.vector_load %arg10[%get3A] {strides = array<i32>} : memref<4000xi32, #tpu.memory_space<vmem>>, vector<16xi32>,
          %mul3A_265 = arith.constant 160 : i32
          %mul3A_266 = arith.muli %add3A_145, %mul3A_265 : i32
          %add3A_267 = arith.constant 80 : i32
          %add3A_268 = arith.addi %mul3A_266, %add3A_267 : i32
          %mul3A_269 = arith.constant 16 : i32
          %mul3A_270 = arith.muli %scan3A_245, %mul3A_269 : i32
          %add3A_271 = arith.addi %add3A_268, %mul3A_270 : i32
          %get3A_272 = arith.index_cast %add3A_271 : i32 to index
          %get3A_273 = tpu.vector_load %arg10[%get3A_272] {strides = array<i32>} : memref<4000xi32, #tpu.memory_space<vmem>>, vector<16xi32>,
          %broadcast_in_dim3A = arith.constant 0.000000e+00 : f32
          %broadcast_in_dim3A_274 = vector.broadcast %broadcast_in_dim3A : f32 to vector<16xf32>
          %scan3A_275 = arith.constant 0 : i32
          %scan3A_276 = arith.constant 16 : i32
          %scan3A_277 = arith.addi %scan3A_275, %scan3A_276 : i32
          %scan3A_278 = arith.constant 2 : i32
          %scan3A_279:9 = scf.for %scan3A_313 = %scan3A_275 to %scan3A_277 step %scan3A_278 iter_args(%scan3A_314 = %broadcast_in_dim3A_274, %scan3A_315 = %broadcast_in_dim3A_274, %scan3A_316 = %broadcast_in_dim3A_274, %scan3A_317 = %broadcast_in_dim3A_274, %scan3A_318 = %broadcast_in_dim3A_274, %scan3A_319 = %broadcast_in_dim3A_274, %scan3A_320 = %broadcast_in_dim3A_274, %scan3A_321 = %broadcast_in_dim3A_274, %scan3A_322 = %iota3A) -> (vector<16xf32>, vector<16xf32>, vector<16xf32>, vector<16xf32>, vector<16xf32>, vector<16xf32>, vector<16xf32>, vector<16xf32>, vector<16xi32>)  : i32 {
            %gather3A_323 = tpu.vector_load_idx %arg13[%add3A_250, %scan3A_322] : memref<160x64xi32, #tpu.memory_space<vmem>>[vector<16xi32>, vector<16xi32>], vector<16xi32>,
            %bitcast3A = vector.bitcast %gather3A_323 : vector<16xi32> to vector<32xbf16>
            %gather3A_324 = tpu.vector_load_idx %arg13[%add3A_253, %scan3A_322] : memref<160x64xi32, #tpu.memory_space<vmem>>[vector<16xi32>, vector<16xi32>], vector<16xi32>,
            %bitcast3A_325 = vector.bitcast %gather3A_324 : vector<16xi32> to vector<32xbf16>
            %unpack3A = tpu.unpack_subelements %bitcast3A, 0 {pack_format = #tpu.pack_format<interleaved>} : vector<32xbf16> -> vector<16xf32>
            %unpack3A_326 = tpu.unpack_subelements %bitcast3A, 1 {pack_format = #tpu.pack_format<interleaved>} : vector<32xbf16> -> vector<16xf32>
            %unpack3A_327 = tpu.unpack_subelements %bitcast3A_325, 0 {pack_format = #tpu.pack_format<interleaved>} : vector<32xbf16> -> vector<16xf32>
            %unpack3A_328 = tpu.unpack_subelements %bitcast3A_325, 1 {pack_format = #tpu.pack_format<interleaved>} : vector<32xbf16> -> vector<16xf32>
            %mul3A_329 = arith.mulf %unpack3A, %unpack3A_327 : vector<16xf32>
            %mul3A_330 = arith.mulf %unpack3A_326, %unpack3A_328 : vector<16xf32>
            %add3A_331 = arith.constant 1 : i32
            %add3A_332 = vector.broadcast %add3A_331 : i32 to vector<16xi32>
            %add3A_333 = arith.addi %scan3A_322, %add3A_332 : vector<16xi32>
            %and3A_334 = arith.constant 63 : i32
            %and3A_335 = vector.broadcast %and3A_334 : i32 to vector<16xi32>
            %and3A_336 = arith.andi %add3A_333, %and3A_335 : vector<16xi32>
            %gather3A_337 = tpu.vector_load_idx %arg13[%add3A_250, %and3A_336] : memref<160x64xi32, #tpu.memory_space<vmem>>[vector<16xi32>, vector<16xi32>], vector<16xi32>,
            %bitcast3A_338 = vector.bitcast %gather3A_337 : vector<16xi32> to vector<32xbf16>
            %gather3A_339 = tpu.vector_load_idx %arg13[%add3A_253, %and3A_336] : memref<160x64xi32, #tpu.memory_space<vmem>>[vector<16xi32>, vector<16xi32>], vector<16xi32>,
            %bitcast3A_340 = vector.bitcast %gather3A_339 : vector<16xi32> to vector<32xbf16>
            %unpack3A_341 = tpu.unpack_subelements %bitcast3A_338, 0 {pack_format = #tpu.pack_format<interleaved>} : vector<32xbf16> -> vector<16xf32>
            %unpack3A_342 = tpu.unpack_subelements %bitcast3A_338, 1 {pack_format = #tpu.pack_format<interleaved>} : vector<32xbf16> -> vector<16xf32>
            %unpack3A_343 = tpu.unpack_subelements %bitcast3A_340, 0 {pack_format = #tpu.pack_format<interleaved>} : vector<32xbf16> -> vector<16xf32>
            %unpack3A_344 = tpu.unpack_subelements %bitcast3A_340, 1 {pack_format = #tpu.pack_format<interleaved>} : vector<32xbf16> -> vector<16xf32>
            %mul3A_345 = arith.mulf %unpack3A_341, %unpack3A_343 : vector<16xf32>
            %mul3A_346 = arith.mulf %unpack3A_342, %unpack3A_344 : vector<16xf32>
            %add3A_347 = arith.constant 2 : i32
            %add3A_348 = vector.broadcast %add3A_347 : i32 to vector<16xi32>
            %add3A_349 = arith.addi %scan3A_322, %add3A_348 : vector<16xi32>
            %and3A_350 = arith.constant 63 : i32
            %and3A_351 = vector.broadcast %and3A_350 : i32 to vector<16xi32>
            %and3A_352 = arith.andi %add3A_349, %and3A_351 : vector<16xi32>
            %gather3A_353 = tpu.vector_load_idx %arg13[%add3A_250, %and3A_352] : memref<160x64xi32, #tpu.memory_space<vmem>>[vector<16xi32>, vector<16xi32>], vector<16xi32>,
            %bitcast3A_354 = vector.bitcast %gather3A_353 : vector<16xi32> to vector<32xbf16>
            %gather3A_355 = tpu.vector_load_idx %arg13[%add3A_253, %and3A_352] : memref<160x64xi32, #tpu.memory_space<vmem>>[vector<16xi32>, vector<16xi32>], vector<16xi32>,
            %bitcast3A_356 = vector.bitcast %gather3A_355 : vector<16xi32> to vector<32xbf16>
            %unpack3A_357 = tpu.unpack_subelements %bitcast3A_354, 0 {pack_format = #tpu.pack_format<interleaved>} : vector<32xbf16> -> vector<16xf32>
            %unpack3A_358 = tpu.unpack_subelements %bitcast3A_354, 1 {pack_format = #tpu.pack_format<interleaved>} : vector<32xbf16> -> vector<16xf32>
            %unpack3A_359 = tpu.unpack_subelements %bitcast3A_356, 0 {pack_format = #tpu.pack_format<interleaved>} : vector<32xbf16> -> vector<16xf32>
            %unpack3A_360 = tpu.unpack_subelements %bitcast3A_356, 1 {pack_format = #tpu.pack_format<interleaved>} : vector<32xbf16> -> vector<16xf32>
            %mul3A_361 = arith.mulf %unpack3A_357, %unpack3A_359 : vector<16xf32>
            %mul3A_362 = arith.mulf %unpack3A_358, %unpack3A_360 : vector<16xf32>
            %add3A_363 = arith.constant 3 : i32
            %add3A_364 = vector.broadcast %add3A_363 : i32 to vector<16xi32>
            %add3A_365 = arith.addi %scan3A_322, %add3A_364 : vector<16xi32>
            %and3A_366 = arith.constant 63 : i32
            %and3A_367 = vector.broadcast %and3A_366 : i32 to vector<16xi32>
            %and3A_368 = arith.andi %add3A_365, %and3A_367 : vector<16xi32>
            %gather3A_369 = tpu.vector_load_idx %arg13[%add3A_250, %and3A_368] : memref<160x64xi32, #tpu.memory_space<vmem>>[vector<16xi32>, vector<16xi32>], vector<16xi32>,
            %bitcast3A_370 = vector.bitcast %gather3A_369 : vector<16xi32> to vector<32xbf16>
            %gather3A_371 = tpu.vector_load_idx %arg13[%add3A_253, %and3A_368] : memref<160x64xi32, #tpu.memory_space<vmem>>[vector<16xi32>, vector<16xi32>], vector<16xi32>,
            %bitcast3A_372 = vector.bitcast %gather3A_371 : vector<16xi32> to vector<32xbf16>
            %unpack3A_373 = tpu.unpack_subelements %bitcast3A_370, 0 {pack_format = #tpu.pack_format<interleaved>} : vector<32xbf16> -> vector<16xf32>
            %unpack3A_374 = tpu.unpack_subelements %bitcast3A_370, 1 {pack_format = #tpu.pack_format<interleaved>} : vector<32xbf16> -> vector<16xf32>
            %unpack3A_375 = tpu.unpack_subelements %bitcast3A_372, 0 {pack_format = #tpu.pack_format<interleaved>} : vector<32xbf16> -> vector<16xf32>
            %unpack3A_376 = tpu.unpack_subelements %bitcast3A_372, 1 {pack_format = #tpu.pack_format<interleaved>} : vector<32xbf16> -> vector<16xf32>
            %mul3A_377 = arith.mulf %unpack3A_373, %unpack3A_375 : vector<16xf32>
            %mul3A_378 = arith.mulf %unpack3A_374, %unpack3A_376 : vector<16xf32>
            %add3A_379 = arith.addf %scan3A_314, %mul3A_329 : vector<16xf32>
            %add3A_380 = arith.addf %scan3A_315, %mul3A_330 : vector<16xf32>
            %add3A_381 = arith.addf %scan3A_316, %mul3A_345 : vector<16xf32>
            %add3A_382 = arith.addf %scan3A_317, %mul3A_346 : vector<16xf32>
            %add3A_383 = arith.addf %scan3A_318, %mul3A_361 : vector<16xf32>
            %add3A_384 = arith.addf %scan3A_319, %mul3A_362 : vector<16xf32>
            %add3A_385 = arith.addf %scan3A_320, %mul3A_377 : vector<16xf32>
            %add3A_386 = arith.addf %scan3A_321, %mul3A_378 : vector<16xf32>
            %add3A_387 = arith.constant 4 : i32
            %add3A_388 = vector.broadcast %add3A_387 : i32 to vector<16xi32>
            %add3A_389 = arith.addi %scan3A_322, %add3A_388 : vector<16xi32>
            %and3A_390 = arith.constant 63 : i32
            %and3A_391 = vector.broadcast %and3A_390 : i32 to vector<16xi32>
            %and3A_392 = arith.andi %add3A_389, %and3A_391 : vector<16xi32>
            %scan3A_393 = arith.constant 1 : i32
            %scan3A_394 = arith.addi %scan3A_313, %scan3A_393 : i32
            %gather3A_395 = tpu.vector_load_idx %arg13[%add3A_250, %and3A_392] : memref<160x64xi32, #tpu.memory_space<vmem>>[vector<16xi32>, vector<16xi32>], vector<16xi32>,
            %bitcast3A_396 = vector.bitcast %gather3A_395 : vector<16xi32> to vector<32xbf16>
            %gather3A_397 = tpu.vector_load_idx %arg13[%add3A_253, %and3A_392] : memref<160x64xi32, #tpu.memory_space<vmem>>[vector<16xi32>, vector<16xi32>], vector<16xi32>,
            %bitcast3A_398 = vector.bitcast %gather3A_397 : vector<16xi32> to vector<32xbf16>
            %unpack3A_399 = tpu.unpack_subelements %bitcast3A_396, 0 {pack_format = #tpu.pack_format<interleaved>} : vector<32xbf16> -> vector<16xf32>
            %unpack3A_400 = tpu.unpack_subelements %bitcast3A_396, 1 {pack_format = #tpu.pack_format<interleaved>} : vector<32xbf16> -> vector<16xf32>
            %unpack3A_401 = tpu.unpack_subelements %bitcast3A_398, 0 {pack_format = #tpu.pack_format<interleaved>} : vector<32xbf16> -> vector<16xf32>
            %unpack3A_402 = tpu.unpack_subelements %bitcast3A_398, 1 {pack_format = #tpu.pack_format<interleaved>} : vector<32xbf16> -> vector<16xf32>
            %mul3A_403 = arith.mulf %unpack3A_399, %unpack3A_401 : vector<16xf32>
            %mul3A_404 = arith.mulf %unpack3A_400, %unpack3A_402 : vector<16xf32>
            %add3A_405 = arith.constant 1 : i32
            %add3A_406 = vector.broadcast %add3A_405 : i32 to vector<16xi32>
            %add3A_407 = arith.addi %and3A_392, %add3A_406 : vector<16xi32>
            %and3A_408 = arith.constant 63 : i32
            %and3A_409 = vector.broadcast %and3A_408 : i32 to vector<16xi32>
            %and3A_410 = arith.andi %add3A_407, %and3A_409 : vector<16xi32>
            %gather3A_411 = tpu.vector_load_idx %arg13[%add3A_250, %and3A_410] : memref<160x64xi32, #tpu.memory_space<vmem>>[vector<16xi32>, vector<16xi32>], vector<16xi32>,
            %bitcast3A_412 = vector.bitcast %gather3A_411 : vector<16xi32> to vector<32xbf16>
            %gather3A_413 = tpu.vector_load_idx %arg13[%add3A_253, %and3A_410] : memref<160x64xi32, #tpu.memory_space<vmem>>[vector<16xi32>, vector<16xi32>], vector<16xi32>,
            %bitcast3A_414 = vector.bitcast %gather3A_413 : vector<16xi32> to vector<32xbf16>
            %unpack3A_415 = tpu.unpack_subelements %bitcast3A_412, 0 {pack_format = #tpu.pack_format<interleaved>} : vector<32xbf16> -> vector<16xf32>
            %unpack3A_416 = tpu.unpack_subelements %bitcast3A_412, 1 {pack_format = #tpu.pack_format<interleaved>} : vector<32xbf16> -> vector<16xf32>
            %unpack3A_417 = tpu.unpack_subelements %bitcast3A_414, 0 {pack_format = #tpu.pack_format<interleaved>} : vector<32xbf16> -> vector<16xf32>
            %unpack3A_418 = tpu.unpack_subelements %bitcast3A_414, 1 {pack_format = #tpu.pack_format<interleaved>} : vector<32xbf16> -> vector<16xf32>
            %mul3A_419 = arith.mulf %unpack3A_415, %unpack3A_417 : vector<16xf32>
            %mul3A_420 = arith.mulf %unpack3A_416, %unpack3A_418 : vector<16xf32>
            %add3A_421 = arith.constant 2 : i32
            %add3A_422 = vector.broadcast %add3A_421 : i32 to vector<16xi32>
            %add3A_423 = arith.addi %and3A_392, %add3A_422 : vector<16xi32>
            %and3A_424 = arith.constant 63 : i32
            %and3A_425 = vector.broadcast %and3A_424 : i32 to vector<16xi32>
            %and3A_426 = arith.andi %add3A_423, %and3A_425 : vector<16xi32>
            %gather3A_427 = tpu.vector_load_idx %arg13[%add3A_250, %and3A_426] : memref<160x64xi32, #tpu.memory_space<vmem>>[vector<16xi32>, vector<16xi32>], vector<16xi32>,
            %bitcast3A_428 = vector.bitcast %gather3A_427 : vector<16xi32> to vector<32xbf16>
            %gather3A_429 = tpu.vector_load_idx %arg13[%add3A_253, %and3A_426] : memref<160x64xi32, #tpu.memory_space<vmem>>[vector<16xi32>, vector<16xi32>], vector<16xi32>,
            %bitcast3A_430 = vector.bitcast %gather3A_429 : vector<16xi32> to vector<32xbf16>
            %unpack3A_431 = tpu.unpack_subelements %bitcast3A_428, 0 {pack_format = #tpu.pack_format<interleaved>} : vector<32xbf16> -> vector<16xf32>
            %unpack3A_432 = tpu.unpack_subelements %bitcast3A_428, 1 {pack_format = #tpu.pack_format<interleaved>} : vector<32xbf16> -> vector<16xf32>
            %unpack3A_433 = tpu.unpack_subelements %bitcast3A_430, 0 {pack_format = #tpu.pack_format<interleaved>} : vector<32xbf16> -> vector<16xf32>
            %unpack3A_434 = tpu.unpack_subelements %bitcast3A_430, 1 {pack_format = #tpu.pack_format<interleaved>} : vector<32xbf16> -> vector<16xf32>
            %mul3A_435 = arith.mulf %unpack3A_431, %unpack3A_433 : vector<16xf32>
            %mul3A_436 = arith.mulf %unpack3A_432, %unpack3A_434 : vector<16xf32>
            %add3A_437 = arith.constant 3 : i32
            %add3A_438 = vector.broadcast %add3A_437 : i32 to vector<16xi32>
            %add3A_439 = arith.addi %and3A_392, %add3A_438 : vector<16xi32>
            %and3A_440 = arith.constant 63 : i32
            %and3A_441 = vector.broadcast %and3A_440 : i32 to vector<16xi32>
            %and3A_442 = arith.andi %add3A_439, %and3A_441 : vector<16xi32>
            %gather3A_443 = tpu.vector_load_idx %arg13[%add3A_250, %and3A_442] : memref<160x64xi32, #tpu.memory_space<vmem>>[vector<16xi32>, vector<16xi32>], vector<16xi32>,
            %bitcast3A_444 = vector.bitcast %gather3A_443 : vector<16xi32> to vector<32xbf16>
            %gather3A_445 = tpu.vector_load_idx %arg13[%add3A_253, %and3A_442] : memref<160x64xi32, #tpu.memory_space<vmem>>[vector<16xi32>, vector<16xi32>], vector<16xi32>,
            %bitcast3A_446 = vector.bitcast %gather3A_445 : vector<16xi32> to vector<32xbf16>
            %unpack3A_447 = tpu.unpack_subelements %bitcast3A_444, 0 {pack_format = #tpu.pack_format<interleaved>} : vector<32xbf16> -> vector<16xf32>
            %unpack3A_448 = tpu.unpack_subelements %bitcast3A_444, 1 {pack_format = #tpu.pack_format<interleaved>} : vector<32xbf16> -> vector<16xf32>
            %unpack3A_449 = tpu.unpack_subelements %bitcast3A_446, 0 {pack_format = #tpu.pack_format<interleaved>} : vector<32xbf16> -> vector<16xf32>
            %unpack3A_450 = tpu.unpack_subelements %bitcast3A_446, 1 {pack_format = #tpu.pack_format<interleaved>} : vector<32xbf16> -> vector<16xf32>
            %mul3A_451 = arith.mulf %unpack3A_447, %unpack3A_449 : vector<16xf32>
            %mul3A_452 = arith.mulf %unpack3A_448, %unpack3A_450 : vector<16xf32>
            %add3A_453 = arith.addf %add3A_379, %mul3A_403 : vector<16xf32>
            %add3A_454 = arith.addf %add3A_380, %mul3A_404 : vector<16xf32>
            %add3A_455 = arith.addf %add3A_381, %mul3A_419 : vector<16xf32>
            %add3A_456 = arith.addf %add3A_382, %mul3A_420 : vector<16xf32>
            %add3A_457 = arith.addf %add3A_383, %mul3A_435 : vector<16xf32>
            %add3A_458 = arith.addf %add3A_384, %mul3A_436 : vector<16xf32>
            %add3A_459 = arith.addf %add3A_385, %mul3A_451 : vector<16xf32>
            %add3A_460 = arith.addf %add3A_386, %mul3A_452 : vector<16xf32>
            %add3A_461 = arith.constant 4 : i32
            %add3A_462 = vector.broadcast %add3A_461 : i32 to vector<16xi32>
            %add3A_463 = arith.addi %and3A_392, %add3A_462 : vector<16xi32>
            %and3A_464 = arith.constant 63 : i32
            %and3A_465 = vector.broadcast %and3A_464 : i32 to vector<16xi32>
            %and3A_466 = arith.andi %add3A_463, %and3A_465 : vector<16xi32>
            scf.yield %add3A_453, %add3A_454, %add3A_455, %add3A_456, %add3A_457, %add3A_458, %add3A_459, %add3A_460, %and3A_466 : vector<16xf32>, vector<16xf32>, vector<16xf32>, vector<16xf32>, vector<16xf32>, vector<16xf32>, vector<16xf32>, vector<16xf32>, vector<16xi32>
          }
          %scan3A_280 = arith.constant 16 : i32
          %add3A_281 = arith.addf %scan3A_279#0, %scan3A_279#1 : vector<16xf32>
          %add3A_282 = arith.addf %scan3A_279#2, %scan3A_279#3 : vector<16xf32>
          %add3A_283 = arith.addf %add3A_281, %add3A_282 : vector<16xf32>
          %add3A_284 = arith.addf %scan3A_279#4, %scan3A_279#5 : vector<16xf32>
          %add3A_285 = arith.addf %scan3A_279#6, %scan3A_279#7 : vector<16xf32>
          %add3A_286 = arith.addf %add3A_284, %add3A_285 : vector<16xf32>
          %add3A_287 = arith.addf %add3A_283, %add3A_286 : vector<16xf32>
          %gather3A = tpu.vector_load_idx %arg9[%get3A_264] : memref<10000xi32, #tpu.memory_space<vmem>>[vector<16xi32>], vector<16xi32>,
          %gather3A_288 = tpu.vector_load_idx %arg9[%get3A_273] : memref<10000xi32, #tpu.memory_space<vmem>>[vector<16xi32>], vector<16xi32>,
          %mul3A_289 = arith.constant 14.2857141 : f32
          %mul3A_290 = vector.broadcast %mul3A_289 : f32 to vector<16xf32>
          %mul3A_291 = arith.mulf %add3A_287, %mul3A_290 : vector<16xf32>
          %sub3A = arith.constant 14.2857141 : f32
          %sub3A_292 = vector.broadcast %sub3A : f32 to vector<16xf32>
          %sub3A_293 = arith.subf %mul3A_291, %sub3A_292 : vector<16xf32>
          %exp3A = math.exp %sub3A_293 : vector<16xf32>
          %eq3A_294 = arith.cmpi eq, %gather3A, %gather3A_288 : vector<16xi32>
          %ne3A = arith.constant -1 : i32
          %ne3A_295 = vector.broadcast %ne3A : i32 to vector<16xi32>
          %ne3A_296 = arith.cmpi ne, %gather3A, %ne3A_295 : vector<16xi32>
          %and3A = arith.andi %eq3A_294, %ne3A_296 : vector<16xi1>
          %ne3A_297 = arith.constant -1 : i32
          %ne3A_298 = vector.broadcast %ne3A_297 : i32 to vector<16xi32>
          %ne3A_299 = arith.cmpi ne, %gather3A_288, %ne3A_298 : vector<16xi32>
          %and3A_300 = arith.andi %and3A, %ne3A_299 : vector<16xi1>
          %swap3A = arith.index_cast %add3A_258 : i32 to index
          %swap3A_301 = tpu.vector_load %arg16[%swap3A] {strides = array<i32>} : memref<2000xf32, #tpu.memory_space<vmem>>, vector<16xf32>,
          tpu.vector_store %arg16[%swap3A], %exp3A {strides = array<i32>} : memref<2000xf32, #tpu.memory_space<vmem>>, vector<16xf32>,
          %jit3A = arith.constant 1.000000e+00 : f32
          %jit3A_302 = arith.constant 0.000000e+00 : f32
          %broadcast_in_dim3A_303 = vector.broadcast %jit3A : f32 to vector<16xf32>
          %broadcast_in_dim3A_304 = vector.broadcast %jit3A_302 : f32 to vector<16xf32>
          %select_n3A = arith.select %and3A_300, %broadcast_in_dim3A_303, %broadcast_in_dim3A_304 : vector<16xi1>, vector<16xf32>
          %swap3A_305 = arith.index_cast %add3A_258 : i32 to index
          %swap3A_306 = tpu.vector_load %arg17[%swap3A_305] {strides = array<i32>} : memref<2000xf32, #tpu.memory_space<vmem>>, vector<16xf32>,
          tpu.vector_store %arg17[%swap3A_305], %select_n3A {strides = array<i32>} : memref<2000xf32, #tpu.memory_space<vmem>>, vector<16xf32>,
          %jit3A_307 = arith.constant 0.000000e+00 : f32
          %broadcast_in_dim3A_308 = vector.broadcast %jit3A_307 : f32 to vector<16xf32>
          %select_n3A_309 = arith.select %and3A_300, %broadcast_in_dim3A_308, %exp3A : vector<16xi1>, vector<16xf32>
          %swap3A_310 = arith.index_cast %add3A_258 : i32 to index
          %swap3A_311 = tpu.vector_load %arg18[%swap3A_310] {strides = array<i32>} : memref<2000xf32, #tpu.memory_space<vmem>>, vector<16xf32>,
          tpu.vector_store %arg18[%swap3A_310], %select_n3A_309 {strides = array<i32>} : memref<2000xf32, #tpu.memory_space<vmem>>, vector<16xf32>,
          %scan3A_312 = arith.constant 0 : i32
          scf.yield %scan3A_312 : i32
        }
        %scan3A_175 = arith.constant 5 : i32
        %mul3A_176 = arith.constant 4 : i32
        %mul3A_177 = arith.muli %scan3A_107, %mul3A_176 : i32
        %add3A_178 = arith.constant 2 : i32
        %add3A_179 = arith.addi %mul3A_177, %add3A_178 : i32
        %add3A_180 = arith.constant 3 : i32
        %add3A_181 = arith.addi %add3A_179, %add3A_180 : i32
        %lt3A_182 = arith.constant 25 : i32
        %lt3A_183 = arith.cmpi slt, %add3A_181, %lt3A_182 : i32
        %convert_element_type3A_184 = arith.extui %lt3A_183 : i1 to i32
        %cond3A_185 = arith.constant 0 : i32
        %cond3A_186 = arith.cmpi ne, %convert_element_type3A_184, %cond3A_185 : i32
        scf.if %cond3A_186 {
          %add3A_245 = arith.constant 3 : i32
          %add3A_246 = arith.addi %add3A_179, %add3A_245 : i32
          %mul3A_247 = arith.constant 160 : i32
          %mul3A_248 = arith.muli %add3A_246, %mul3A_247 : i32
          %mul3A_249 = arith.constant 160 : i32
          %mul3A_250 = arith.muli %add3A_246, %mul3A_249 : i32
          %add3A_251 = arith.constant 80 : i32
          %add3A_252 = arith.addi %mul3A_250, %add3A_251 : i32
          %dma_start3A_253 = arith.constant 0 : i32
          %dma_start3A_254 = arith.constant 0 : i32
          %dma_start3A_255 = tpu.memref_slice %arg13[%dma_start3A_253, %dma_start3A_254] : memref<160x64xi32, #tpu.memory_space<vmem>> -> memref<80x64xi32, #tpu.memory_space<vmem>>
          %dma_start3A_256 = tpu.memref_slice %arg10[%mul3A_248] : memref<4000xi32, #tpu.memory_space<vmem>> -> memref<80xi32, #tpu.memory_space<vmem>>
          %dma_start3A_257 = arith.constant 0 : i32
          %dma_start3A_258 = arith.constant 0 : i32
          %dma_start3A_259 = tpu.memref_slice %arg2[%dma_start3A_257, %dma_start3A_258] : memref<10000x64xi32, #tpu.memory_space<hbm>> -> memref<10000x64xi32, #tpu.memory_space<hbm>>
          tpu.enqueue_indirect_dma source(%dma_start3A_259 : memref<10000x64xi32, #tpu.memory_space<hbm>>) target(%dma_start3A_255 : memref<80x64xi32, #tpu.memory_space<vmem>>) offsets(%dma_start3A_256 : memref<80xi32, #tpu.memory_space<vmem>>) semaphore(%arg21 : memref<!tpu.dma_semaphore, #tpu.memory_space<semaphore_mem>>)
          %dma_start3A_260 = arith.constant 80 : i32
          %dma_start3A_261 = arith.constant 0 : i32
          %dma_start3A_262 = tpu.memref_slice %arg13[%dma_start3A_260, %dma_start3A_261] : memref<160x64xi32, #tpu.memory_space<vmem>> -> memref<80x64xi32, #tpu.memory_space<vmem>>
          %dma_start3A_263 = tpu.memref_slice %arg10[%add3A_252] : memref<4000xi32, #tpu.memory_space<vmem>> -> memref<80xi32, #tpu.memory_space<vmem>>
          %dma_start3A_264 = arith.constant 0 : i32
          %dma_start3A_265 = arith.constant 0 : i32
          %dma_start3A_266 = tpu.memref_slice %arg2[%dma_start3A_264, %dma_start3A_265] : memref<10000x64xi32, #tpu.memory_space<hbm>> -> memref<10000x64xi32, #tpu.memory_space<hbm>>
          tpu.enqueue_indirect_dma source(%dma_start3A_266 : memref<10000x64xi32, #tpu.memory_space<hbm>>) target(%dma_start3A_262 : memref<80x64xi32, #tpu.memory_space<vmem>>) offsets(%dma_start3A_263 : memref<80xi32, #tpu.memory_space<vmem>>) semaphore(%arg21 : memref<!tpu.dma_semaphore, #tpu.memory_space<semaphore_mem>>)
        } else {
        }
        %dma_wait3A_187 = arith.constant 0 : i32
        %dma_wait3A_188 = arith.constant 0 : i32
        %dma_wait3A_189 = tpu.memref_slice %arg14[%dma_wait3A_187, %dma_wait3A_188] : memref<160x64xi32, #tpu.memory_space<vmem>> -> memref<80x64xi32, #tpu.memory_space<vmem>>
        %dma_wait3A_190 = arith.constant 0 : i32
        %dma_wait3A_191 = tpu.memref_slice %arg10[%dma_wait3A_190] : memref<4000xi32, #tpu.memory_space<vmem>> -> memref<80xi32, #tpu.memory_space<vmem>>
        %dma_wait3A_192 = arith.constant 0 : i32
        %dma_wait3A_193 = arith.constant 0 : i32
        %dma_wait3A_194 = tpu.memref_slice %arg2[%dma_wait3A_192, %dma_wait3A_193] : memref<10000x64xi32, #tpu.memory_space<hbm>> -> memref<10000x64xi32, #tpu.memory_space<hbm>>
        tpu.wait_indirect_dma semaphore(%arg22 : memref<!tpu.dma_semaphore, #tpu.memory_space<semaphore_mem>>) src(%dma_wait3A_194 : memref<10000x64xi32, #tpu.memory_space<hbm>>) dst(%dma_wait3A_189 : memref<80x64xi32, #tpu.memory_space<vmem>>)
        %dma_wait3A_195 = arith.constant 80 : i32
        %dma_wait3A_196 = arith.constant 0 : i32
        %dma_wait3A_197 = tpu.memref_slice %arg14[%dma_wait3A_195, %dma_wait3A_196] : memref<160x64xi32, #tpu.memory_space<vmem>> -> memref<80x64xi32, #tpu.memory_space<vmem>>
        %dma_wait3A_198 = arith.constant 0 : i32
        %dma_wait3A_199 = tpu.memref_slice %arg10[%dma_wait3A_198] : memref<4000xi32, #tpu.memory_space<vmem>> -> memref<80xi32, #tpu.memory_space<vmem>>
        %dma_wait3A_200 = arith.constant 0 : i32
        %dma_wait3A_201 = arith.constant 0 : i32
        %dma_wait3A_202 = tpu.memref_slice %arg2[%dma_wait3A_200, %dma_wait3A_201] : memref<10000x64xi32, #tpu.memory_space<hbm>> -> memref<10000x64xi32, #tpu.memory_space<hbm>>
        tpu.wait_indirect_dma semaphore(%arg22 : memref<!tpu.dma_semaphore, #tpu.memory_space<semaphore_mem>>) src(%dma_wait3A_202 : memref<10000x64xi32, #tpu.memory_space<hbm>>) dst(%dma_wait3A_197 : memref<80x64xi32, #tpu.memory_space<vmem>>)
        %scan3A_203 = arith.constant 0 : i32
        %scan3A_204 = arith.constant 0 : i32
        %scan3A_205 = arith.constant 5 : i32
        %scan3A_206 = arith.addi %scan3A_204, %scan3A_205 : i32
        %scan3A_207 = arith.constant 1 : i32
        %scan3A_208 = scf.for %scan3A_245 = %scan3A_204 to %scan3A_206 step %scan3A_207 iter_args(%scan3A_246 = %scan3A_203) -> (i32)  : i32 {
          %mul3A_247 = arith.constant 16 : i32
          %mul3A_248 = arith.muli %scan3A_245, %mul3A_247 : i32
          %add3A_249 = vector.broadcast %mul3A_248 : i32 to vector<16xi32>
          %add3A_250 = arith.addi %iota3A, %add3A_249 : vector<16xi32>
          %add3A_251 = arith.constant 80 : i32
          %add3A_252 = vector.broadcast %add3A_251 : i32 to vector<16xi32>
          %add3A_253 = arith.addi %add3A_250, %add3A_252 : vector<16xi32>
          %mul3A_254 = arith.constant 80 : i32
          %mul3A_255 = arith.muli %add3A_179, %mul3A_254 : i32
          %mul3A_256 = arith.constant 16 : i32
          %mul3A_257 = arith.muli %scan3A_245, %mul3A_256 : i32
          %add3A_258 = arith.addi %mul3A_255, %mul3A_257 : i32
          %mul3A_259 = arith.constant 160 : i32
          %mul3A_260 = arith.muli %add3A_179, %mul3A_259 : i32
          %mul3A_261 = arith.constant 16 : i32
          %mul3A_262 = arith.muli %scan3A_245, %mul3A_261 : i32
          %add3A_263 = arith.addi %mul3A_260, %mul3A_262 : i32
          %get3A = arith.index_cast %add3A_263 : i32 to index
          %get3A_264 = tpu.vector_load %arg10[%get3A] {strides = array<i32>} : memref<4000xi32, #tpu.memory_space<vmem>>, vector<16xi32>,
          %mul3A_265 = arith.constant 160 : i32
          %mul3A_266 = arith.muli %add3A_179, %mul3A_265 : i32
          %add3A_267 = arith.constant 80 : i32
          %add3A_268 = arith.addi %mul3A_266, %add3A_267 : i32
          %mul3A_269 = arith.constant 16 : i32
          %mul3A_270 = arith.muli %scan3A_245, %mul3A_269 : i32
          %add3A_271 = arith.addi %add3A_268, %mul3A_270 : i32
          %get3A_272 = arith.index_cast %add3A_271 : i32 to index
          %get3A_273 = tpu.vector_load %arg10[%get3A_272] {strides = array<i32>} : memref<4000xi32, #tpu.memory_space<vmem>>, vector<16xi32>,
          %broadcast_in_dim3A = arith.constant 0.000000e+00 : f32
          %broadcast_in_dim3A_274 = vector.broadcast %broadcast_in_dim3A : f32 to vector<16xf32>
          %scan3A_275 = arith.constant 0 : i32
          %scan3A_276 = arith.constant 16 : i32
          %scan3A_277 = arith.addi %scan3A_275, %scan3A_276 : i32
          %scan3A_278 = arith.constant 2 : i32
          %scan3A_279:9 = scf.for %scan3A_313 = %scan3A_275 to %scan3A_277 step %scan3A_278 iter_args(%scan3A_314 = %broadcast_in_dim3A_274, %scan3A_315 = %broadcast_in_dim3A_274, %scan3A_316 = %broadcast_in_dim3A_274, %scan3A_317 = %broadcast_in_dim3A_274, %scan3A_318 = %broadcast_in_dim3A_274, %scan3A_319 = %broadcast_in_dim3A_274, %scan3A_320 = %broadcast_in_dim3A_274, %scan3A_321 = %broadcast_in_dim3A_274, %scan3A_322 = %iota3A) -> (vector<16xf32>, vector<16xf32>, vector<16xf32>, vector<16xf32>, vector<16xf32>, vector<16xf32>, vector<16xf32>, vector<16xf32>, vector<16xi32>)  : i32 {
            %gather3A_323 = tpu.vector_load_idx %arg14[%add3A_250, %scan3A_322] : memref<160x64xi32, #tpu.memory_space<vmem>>[vector<16xi32>, vector<16xi32>], vector<16xi32>,
            %bitcast3A = vector.bitcast %gather3A_323 : vector<16xi32> to vector<32xbf16>
            %gather3A_324 = tpu.vector_load_idx %arg14[%add3A_253, %scan3A_322] : memref<160x64xi32, #tpu.memory_space<vmem>>[vector<16xi32>, vector<16xi32>], vector<16xi32>,
            %bitcast3A_325 = vector.bitcast %gather3A_324 : vector<16xi32> to vector<32xbf16>
            %unpack3A = tpu.unpack_subelements %bitcast3A, 0 {pack_format = #tpu.pack_format<interleaved>} : vector<32xbf16> -> vector<16xf32>
            %unpack3A_326 = tpu.unpack_subelements %bitcast3A, 1 {pack_format = #tpu.pack_format<interleaved>} : vector<32xbf16> -> vector<16xf32>
            %unpack3A_327 = tpu.unpack_subelements %bitcast3A_325, 0 {pack_format = #tpu.pack_format<interleaved>} : vector<32xbf16> -> vector<16xf32>
            %unpack3A_328 = tpu.unpack_subelements %bitcast3A_325, 1 {pack_format = #tpu.pack_format<interleaved>} : vector<32xbf16> -> vector<16xf32>
            %mul3A_329 = arith.mulf %unpack3A, %unpack3A_327 : vector<16xf32>
            %mul3A_330 = arith.mulf %unpack3A_326, %unpack3A_328 : vector<16xf32>
            %add3A_331 = arith.constant 1 : i32
            %add3A_332 = vector.broadcast %add3A_331 : i32 to vector<16xi32>
            %add3A_333 = arith.addi %scan3A_322, %add3A_332 : vector<16xi32>
            %and3A_334 = arith.constant 63 : i32
            %and3A_335 = vector.broadcast %and3A_334 : i32 to vector<16xi32>
            %and3A_336 = arith.andi %add3A_333, %and3A_335 : vector<16xi32>
            %gather3A_337 = tpu.vector_load_idx %arg14[%add3A_250, %and3A_336] : memref<160x64xi32, #tpu.memory_space<vmem>>[vector<16xi32>, vector<16xi32>], vector<16xi32>,
            %bitcast3A_338 = vector.bitcast %gather3A_337 : vector<16xi32> to vector<32xbf16>
            %gather3A_339 = tpu.vector_load_idx %arg14[%add3A_253, %and3A_336] : memref<160x64xi32, #tpu.memory_space<vmem>>[vector<16xi32>, vector<16xi32>], vector<16xi32>,
            %bitcast3A_340 = vector.bitcast %gather3A_339 : vector<16xi32> to vector<32xbf16>
            %unpack3A_341 = tpu.unpack_subelements %bitcast3A_338, 0 {pack_format = #tpu.pack_format<interleaved>} : vector<32xbf16> -> vector<16xf32>
            %unpack3A_342 = tpu.unpack_subelements %bitcast3A_338, 1 {pack_format = #tpu.pack_format<interleaved>} : vector<32xbf16> -> vector<16xf32>
            %unpack3A_343 = tpu.unpack_subelements %bitcast3A_340, 0 {pack_format = #tpu.pack_format<interleaved>} : vector<32xbf16> -> vector<16xf32>
            %unpack3A_344 = tpu.unpack_subelements %bitcast3A_340, 1 {pack_format = #tpu.pack_format<interleaved>} : vector<32xbf16> -> vector<16xf32>
            %mul3A_345 = arith.mulf %unpack3A_341, %unpack3A_343 : vector<16xf32>
            %mul3A_346 = arith.mulf %unpack3A_342, %unpack3A_344 : vector<16xf32>
            %add3A_347 = arith.constant 2 : i32
            %add3A_348 = vector.broadcast %add3A_347 : i32 to vector<16xi32>
            %add3A_349 = arith.addi %scan3A_322, %add3A_348 : vector<16xi32>
            %and3A_350 = arith.constant 63 : i32
            %and3A_351 = vector.broadcast %and3A_350 : i32 to vector<16xi32>
            %and3A_352 = arith.andi %add3A_349, %and3A_351 : vector<16xi32>
            %gather3A_353 = tpu.vector_load_idx %arg14[%add3A_250, %and3A_352] : memref<160x64xi32, #tpu.memory_space<vmem>>[vector<16xi32>, vector<16xi32>], vector<16xi32>,
            %bitcast3A_354 = vector.bitcast %gather3A_353 : vector<16xi32> to vector<32xbf16>
            %gather3A_355 = tpu.vector_load_idx %arg14[%add3A_253, %and3A_352] : memref<160x64xi32, #tpu.memory_space<vmem>>[vector<16xi32>, vector<16xi32>], vector<16xi32>,
            %bitcast3A_356 = vector.bitcast %gather3A_355 : vector<16xi32> to vector<32xbf16>
            %unpack3A_357 = tpu.unpack_subelements %bitcast3A_354, 0 {pack_format = #tpu.pack_format<interleaved>} : vector<32xbf16> -> vector<16xf32>
            %unpack3A_358 = tpu.unpack_subelements %bitcast3A_354, 1 {pack_format = #tpu.pack_format<interleaved>} : vector<32xbf16> -> vector<16xf32>
            %unpack3A_359 = tpu.unpack_subelements %bitcast3A_356, 0 {pack_format = #tpu.pack_format<interleaved>} : vector<32xbf16> -> vector<16xf32>
            %unpack3A_360 = tpu.unpack_subelements %bitcast3A_356, 1 {pack_format = #tpu.pack_format<interleaved>} : vector<32xbf16> -> vector<16xf32>
            %mul3A_361 = arith.mulf %unpack3A_357, %unpack3A_359 : vector<16xf32>
            %mul3A_362 = arith.mulf %unpack3A_358, %unpack3A_360 : vector<16xf32>
            %add3A_363 = arith.constant 3 : i32
            %add3A_364 = vector.broadcast %add3A_363 : i32 to vector<16xi32>
            %add3A_365 = arith.addi %scan3A_322, %add3A_364 : vector<16xi32>
            %and3A_366 = arith.constant 63 : i32
            %and3A_367 = vector.broadcast %and3A_366 : i32 to vector<16xi32>
            %and3A_368 = arith.andi %add3A_365, %and3A_367 : vector<16xi32>
            %gather3A_369 = tpu.vector_load_idx %arg14[%add3A_250, %and3A_368] : memref<160x64xi32, #tpu.memory_space<vmem>>[vector<16xi32>, vector<16xi32>], vector<16xi32>,
            %bitcast3A_370 = vector.bitcast %gather3A_369 : vector<16xi32> to vector<32xbf16>
            %gather3A_371 = tpu.vector_load_idx %arg14[%add3A_253, %and3A_368] : memref<160x64xi32, #tpu.memory_space<vmem>>[vector<16xi32>, vector<16xi32>], vector<16xi32>,
            %bitcast3A_372 = vector.bitcast %gather3A_371 : vector<16xi32> to vector<32xbf16>
            %unpack3A_373 = tpu.unpack_subelements %bitcast3A_370, 0 {pack_format = #tpu.pack_format<interleaved>} : vector<32xbf16> -> vector<16xf32>
            %unpack3A_374 = tpu.unpack_subelements %bitcast3A_370, 1 {pack_format = #tpu.pack_format<interleaved>} : vector<32xbf16> -> vector<16xf32>
            %unpack3A_375 = tpu.unpack_subelements %bitcast3A_372, 0 {pack_format = #tpu.pack_format<interleaved>} : vector<32xbf16> -> vector<16xf32>
            %unpack3A_376 = tpu.unpack_subelements %bitcast3A_372, 1 {pack_format = #tpu.pack_format<interleaved>} : vector<32xbf16> -> vector<16xf32>
            %mul3A_377 = arith.mulf %unpack3A_373, %unpack3A_375 : vector<16xf32>
            %mul3A_378 = arith.mulf %unpack3A_374, %unpack3A_376 : vector<16xf32>
            %add3A_379 = arith.addf %scan3A_314, %mul3A_329 : vector<16xf32>
            %add3A_380 = arith.addf %scan3A_315, %mul3A_330 : vector<16xf32>
            %add3A_381 = arith.addf %scan3A_316, %mul3A_345 : vector<16xf32>
            %add3A_382 = arith.addf %scan3A_317, %mul3A_346 : vector<16xf32>
            %add3A_383 = arith.addf %scan3A_318, %mul3A_361 : vector<16xf32>
            %add3A_384 = arith.addf %scan3A_319, %mul3A_362 : vector<16xf32>
            %add3A_385 = arith.addf %scan3A_320, %mul3A_377 : vector<16xf32>
            %add3A_386 = arith.addf %scan3A_321, %mul3A_378 : vector<16xf32>
            %add3A_387 = arith.constant 4 : i32
            %add3A_388 = vector.broadcast %add3A_387 : i32 to vector<16xi32>
            %add3A_389 = arith.addi %scan3A_322, %add3A_388 : vector<16xi32>
            %and3A_390 = arith.constant 63 : i32
            %and3A_391 = vector.broadcast %and3A_390 : i32 to vector<16xi32>
            %and3A_392 = arith.andi %add3A_389, %and3A_391 : vector<16xi32>
            %scan3A_393 = arith.constant 1 : i32
            %scan3A_394 = arith.addi %scan3A_313, %scan3A_393 : i32
            %gather3A_395 = tpu.vector_load_idx %arg14[%add3A_250, %and3A_392] : memref<160x64xi32, #tpu.memory_space<vmem>>[vector<16xi32>, vector<16xi32>], vector<16xi32>,
            %bitcast3A_396 = vector.bitcast %gather3A_395 : vector<16xi32> to vector<32xbf16>
            %gather3A_397 = tpu.vector_load_idx %arg14[%add3A_253, %and3A_392] : memref<160x64xi32, #tpu.memory_space<vmem>>[vector<16xi32>, vector<16xi32>], vector<16xi32>,
            %bitcast3A_398 = vector.bitcast %gather3A_397 : vector<16xi32> to vector<32xbf16>
            %unpack3A_399 = tpu.unpack_subelements %bitcast3A_396, 0 {pack_format = #tpu.pack_format<interleaved>} : vector<32xbf16> -> vector<16xf32>
            %unpack3A_400 = tpu.unpack_subelements %bitcast3A_396, 1 {pack_format = #tpu.pack_format<interleaved>} : vector<32xbf16> -> vector<16xf32>
            %unpack3A_401 = tpu.unpack_subelements %bitcast3A_398, 0 {pack_format = #tpu.pack_format<interleaved>} : vector<32xbf16> -> vector<16xf32>
            %unpack3A_402 = tpu.unpack_subelements %bitcast3A_398, 1 {pack_format = #tpu.pack_format<interleaved>} : vector<32xbf16> -> vector<16xf32>
            %mul3A_403 = arith.mulf %unpack3A_399, %unpack3A_401 : vector<16xf32>
            %mul3A_404 = arith.mulf %unpack3A_400, %unpack3A_402 : vector<16xf32>
            %add3A_405 = arith.constant 1 : i32
            %add3A_406 = vector.broadcast %add3A_405 : i32 to vector<16xi32>
            %add3A_407 = arith.addi %and3A_392, %add3A_406 : vector<16xi32>
            %and3A_408 = arith.constant 63 : i32
            %and3A_409 = vector.broadcast %and3A_408 : i32 to vector<16xi32>
            %and3A_410 = arith.andi %add3A_407, %and3A_409 : vector<16xi32>
            %gather3A_411 = tpu.vector_load_idx %arg14[%add3A_250, %and3A_410] : memref<160x64xi32, #tpu.memory_space<vmem>>[vector<16xi32>, vector<16xi32>], vector<16xi32>,
            %bitcast3A_412 = vector.bitcast %gather3A_411 : vector<16xi32> to vector<32xbf16>
            %gather3A_413 = tpu.vector_load_idx %arg14[%add3A_253, %and3A_410] : memref<160x64xi32, #tpu.memory_space<vmem>>[vector<16xi32>, vector<16xi32>], vector<16xi32>,
            %bitcast3A_414 = vector.bitcast %gather3A_413 : vector<16xi32> to vector<32xbf16>
            %unpack3A_415 = tpu.unpack_subelements %bitcast3A_412, 0 {pack_format = #tpu.pack_format<interleaved>} : vector<32xbf16> -> vector<16xf32>
            %unpack3A_416 = tpu.unpack_subelements %bitcast3A_412, 1 {pack_format = #tpu.pack_format<interleaved>} : vector<32xbf16> -> vector<16xf32>
            %unpack3A_417 = tpu.unpack_subelements %bitcast3A_414, 0 {pack_format = #tpu.pack_format<interleaved>} : vector<32xbf16> -> vector<16xf32>
            %unpack3A_418 = tpu.unpack_subelements %bitcast3A_414, 1 {pack_format = #tpu.pack_format<interleaved>} : vector<32xbf16> -> vector<16xf32>
            %mul3A_419 = arith.mulf %unpack3A_415, %unpack3A_417 : vector<16xf32>
            %mul3A_420 = arith.mulf %unpack3A_416, %unpack3A_418 : vector<16xf32>
            %add3A_421 = arith.constant 2 : i32
            %add3A_422 = vector.broadcast %add3A_421 : i32 to vector<16xi32>
            %add3A_423 = arith.addi %and3A_392, %add3A_422 : vector<16xi32>
            %and3A_424 = arith.constant 63 : i32
            %and3A_425 = vector.broadcast %and3A_424 : i32 to vector<16xi32>
            %and3A_426 = arith.andi %add3A_423, %and3A_425 : vector<16xi32>
            %gather3A_427 = tpu.vector_load_idx %arg14[%add3A_250, %and3A_426] : memref<160x64xi32, #tpu.memory_space<vmem>>[vector<16xi32>, vector<16xi32>], vector<16xi32>,
            %bitcast3A_428 = vector.bitcast %gather3A_427 : vector<16xi32> to vector<32xbf16>
            %gather3A_429 = tpu.vector_load_idx %arg14[%add3A_253, %and3A_426] : memref<160x64xi32, #tpu.memory_space<vmem>>[vector<16xi32>, vector<16xi32>], vector<16xi32>,
            %bitcast3A_430 = vector.bitcast %gather3A_429 : vector<16xi32> to vector<32xbf16>
            %unpack3A_431 = tpu.unpack_subelements %bitcast3A_428, 0 {pack_format = #tpu.pack_format<interleaved>} : vector<32xbf16> -> vector<16xf32>
            %unpack3A_432 = tpu.unpack_subelements %bitcast3A_428, 1 {pack_format = #tpu.pack_format<interleaved>} : vector<32xbf16> -> vector<16xf32>
            %unpack3A_433 = tpu.unpack_subelements %bitcast3A_430, 0 {pack_format = #tpu.pack_format<interleaved>} : vector<32xbf16> -> vector<16xf32>
            %unpack3A_434 = tpu.unpack_subelements %bitcast3A_430, 1 {pack_format = #tpu.pack_format<interleaved>} : vector<32xbf16> -> vector<16xf32>
            %mul3A_435 = arith.mulf %unpack3A_431, %unpack3A_433 : vector<16xf32>
            %mul3A_436 = arith.mulf %unpack3A_432, %unpack3A_434 : vector<16xf32>
            %add3A_437 = arith.constant 3 : i32
            %add3A_438 = vector.broadcast %add3A_437 : i32 to vector<16xi32>
            %add3A_439 = arith.addi %and3A_392, %add3A_438 : vector<16xi32>
            %and3A_440 = arith.constant 63 : i32
            %and3A_441 = vector.broadcast %and3A_440 : i32 to vector<16xi32>
            %and3A_442 = arith.andi %add3A_439, %and3A_441 : vector<16xi32>
            %gather3A_443 = tpu.vector_load_idx %arg14[%add3A_250, %and3A_442] : memref<160x64xi32, #tpu.memory_space<vmem>>[vector<16xi32>, vector<16xi32>], vector<16xi32>,
            %bitcast3A_444 = vector.bitcast %gather3A_443 : vector<16xi32> to vector<32xbf16>
            %gather3A_445 = tpu.vector_load_idx %arg14[%add3A_253, %and3A_442] : memref<160x64xi32, #tpu.memory_space<vmem>>[vector<16xi32>, vector<16xi32>], vector<16xi32>,
            %bitcast3A_446 = vector.bitcast %gather3A_445 : vector<16xi32> to vector<32xbf16>
            %unpack3A_447 = tpu.unpack_subelements %bitcast3A_444, 0 {pack_format = #tpu.pack_format<interleaved>} : vector<32xbf16> -> vector<16xf32>
            %unpack3A_448 = tpu.unpack_subelements %bitcast3A_444, 1 {pack_format = #tpu.pack_format<interleaved>} : vector<32xbf16> -> vector<16xf32>
            %unpack3A_449 = tpu.unpack_subelements %bitcast3A_446, 0 {pack_format = #tpu.pack_format<interleaved>} : vector<32xbf16> -> vector<16xf32>
            %unpack3A_450 = tpu.unpack_subelements %bitcast3A_446, 1 {pack_format = #tpu.pack_format<interleaved>} : vector<32xbf16> -> vector<16xf32>
            %mul3A_451 = arith.mulf %unpack3A_447, %unpack3A_449 : vector<16xf32>
            %mul3A_452 = arith.mulf %unpack3A_448, %unpack3A_450 : vector<16xf32>
            %add3A_453 = arith.addf %add3A_379, %mul3A_403 : vector<16xf32>
            %add3A_454 = arith.addf %add3A_380, %mul3A_404 : vector<16xf32>
            %add3A_455 = arith.addf %add3A_381, %mul3A_419 : vector<16xf32>
            %add3A_456 = arith.addf %add3A_382, %mul3A_420 : vector<16xf32>
            %add3A_457 = arith.addf %add3A_383, %mul3A_435 : vector<16xf32>
            %add3A_458 = arith.addf %add3A_384, %mul3A_436 : vector<16xf32>
            %add3A_459 = arith.addf %add3A_385, %mul3A_451 : vector<16xf32>
            %add3A_460 = arith.addf %add3A_386, %mul3A_452 : vector<16xf32>
            %add3A_461 = arith.constant 4 : i32
            %add3A_462 = vector.broadcast %add3A_461 : i32 to vector<16xi32>
            %add3A_463 = arith.addi %and3A_392, %add3A_462 : vector<16xi32>
            %and3A_464 = arith.constant 63 : i32
            %and3A_465 = vector.broadcast %and3A_464 : i32 to vector<16xi32>
            %and3A_466 = arith.andi %add3A_463, %and3A_465 : vector<16xi32>
            scf.yield %add3A_453, %add3A_454, %add3A_455, %add3A_456, %add3A_457, %add3A_458, %add3A_459, %add3A_460, %and3A_466 : vector<16xf32>, vector<16xf32>, vector<16xf32>, vector<16xf32>, vector<16xf32>, vector<16xf32>, vector<16xf32>, vector<16xf32>, vector<16xi32>
          }
          %scan3A_280 = arith.constant 16 : i32
          %add3A_281 = arith.addf %scan3A_279#0, %scan3A_279#1 : vector<16xf32>
          %add3A_282 = arith.addf %scan3A_279#2, %scan3A_279#3 : vector<16xf32>
          %add3A_283 = arith.addf %add3A_281, %add3A_282 : vector<16xf32>
          %add3A_284 = arith.addf %scan3A_279#4, %scan3A_279#5 : vector<16xf32>
          %add3A_285 = arith.addf %scan3A_279#6, %scan3A_279#7 : vector<16xf32>
          %add3A_286 = arith.addf %add3A_284, %add3A_285 : vector<16xf32>
          %add3A_287 = arith.addf %add3A_283, %add3A_286 : vector<16xf32>
          %gather3A = tpu.vector_load_idx %arg9[%get3A_264] : memref<10000xi32, #tpu.memory_space<vmem>>[vector<16xi32>], vector<16xi32>,
          %gather3A_288 = tpu.vector_load_idx %arg9[%get3A_273] : memref<10000xi32, #tpu.memory_space<vmem>>[vector<16xi32>], vector<16xi32>,
          %mul3A_289 = arith.constant 14.2857141 : f32
          %mul3A_290 = vector.broadcast %mul3A_289 : f32 to vector<16xf32>
          %mul3A_291 = arith.mulf %add3A_287, %mul3A_290 : vector<16xf32>
          %sub3A = arith.constant 14.2857141 : f32
          %sub3A_292 = vector.broadcast %sub3A : f32 to vector<16xf32>
          %sub3A_293 = arith.subf %mul3A_291, %sub3A_292 : vector<16xf32>
          %exp3A = math.exp %sub3A_293 : vector<16xf32>
          %eq3A_294 = arith.cmpi eq, %gather3A, %gather3A_288 : vector<16xi32>
          %ne3A = arith.constant -1 : i32
          %ne3A_295 = vector.broadcast %ne3A : i32 to vector<16xi32>
          %ne3A_296 = arith.cmpi ne, %gather3A, %ne3A_295 : vector<16xi32>
          %and3A = arith.andi %eq3A_294, %ne3A_296 : vector<16xi1>
          %ne3A_297 = arith.constant -1 : i32
          %ne3A_298 = vector.broadcast %ne3A_297 : i32 to vector<16xi32>
          %ne3A_299 = arith.cmpi ne, %gather3A_288, %ne3A_298 : vector<16xi32>
          %and3A_300 = arith.andi %and3A, %ne3A_299 : vector<16xi1>
          %swap3A = arith.index_cast %add3A_258 : i32 to index
          %swap3A_301 = tpu.vector_load %arg16[%swap3A] {strides = array<i32>} : memref<2000xf32, #tpu.memory_space<vmem>>, vector<16xf32>,
          tpu.vector_store %arg16[%swap3A], %exp3A {strides = array<i32>} : memref<2000xf32, #tpu.memory_space<vmem>>, vector<16xf32>,
          %jit3A = arith.constant 1.000000e+00 : f32
          %jit3A_302 = arith.constant 0.000000e+00 : f32
          %broadcast_in_dim3A_303 = vector.broadcast %jit3A : f32 to vector<16xf32>
          %broadcast_in_dim3A_304 = vector.broadcast %jit3A_302 : f32 to vector<16xf32>
          %select_n3A = arith.select %and3A_300, %broadcast_in_dim3A_303, %broadcast_in_dim3A_304 : vector<16xi1>, vector<16xf32>
          %swap3A_305 = arith.index_cast %add3A_258 : i32 to index
          %swap3A_306 = tpu.vector_load %arg17[%swap3A_305] {strides = array<i32>} : memref<2000xf32, #tpu.memory_space<vmem>>, vector<16xf32>,
          tpu.vector_store %arg17[%swap3A_305], %select_n3A {strides = array<i32>} : memref<2000xf32, #tpu.memory_space<vmem>>, vector<16xf32>,
          %jit3A_307 = arith.constant 0.000000e+00 : f32
          %broadcast_in_dim3A_308 = vector.broadcast %jit3A_307 : f32 to vector<16xf32>
          %select_n3A_309 = arith.select %and3A_300, %broadcast_in_dim3A_308, %exp3A : vector<16xi1>, vector<16xf32>
          %swap3A_310 = arith.index_cast %add3A_258 : i32 to index
          %swap3A_311 = tpu.vector_load %arg18[%swap3A_310] {strides = array<i32>} : memref<2000xf32, #tpu.memory_space<vmem>>, vector<16xf32>,
          tpu.vector_store %arg18[%swap3A_310], %select_n3A_309 {strides = array<i32>} : memref<2000xf32, #tpu.memory_space<vmem>>, vector<16xf32>,
          %scan3A_312 = arith.constant 0 : i32
          scf.yield %scan3A_312 : i32
        }
        %scan3A_209 = arith.constant 5 : i32
        %mul3A_210 = arith.constant 4 : i32
        %mul3A_211 = arith.muli %scan3A_107, %mul3A_210 : i32
        %add3A_212 = arith.constant 3 : i32
        %add3A_213 = arith.addi %mul3A_211, %add3A_212 : i32
        %add3A_214 = arith.constant 3 : i32
        %add3A_215 = arith.addi %add3A_213, %add3A_214 : i32
        %lt3A_216 = arith.constant 25 : i32
        %lt3A_217 = arith.cmpi slt, %add3A_215, %lt3A_216 : i32
        %convert_element_type3A_218 = arith.extui %lt3A_217 : i1 to i32
        %cond3A_219 = arith.constant 0 : i32
        %cond3A_220 = arith.cmpi ne, %convert_element_type3A_218, %cond3A_219 : i32
        scf.if %cond3A_220 {
          %add3A_245 = arith.constant 3 : i32
          %add3A_246 = arith.addi %add3A_213, %add3A_245 : i32
          %mul3A_247 = arith.constant 160 : i32
          %mul3A_248 = arith.muli %add3A_246, %mul3A_247 : i32
          %mul3A_249 = arith.constant 160 : i32
          %mul3A_250 = arith.muli %add3A_246, %mul3A_249 : i32
          %add3A_251 = arith.constant 80 : i32
          %add3A_252 = arith.addi %mul3A_250, %add3A_251 : i32
          %dma_start3A_253 = arith.constant 0 : i32
          %dma_start3A_254 = arith.constant 0 : i32
          %dma_start3A_255 = tpu.memref_slice %arg14[%dma_start3A_253, %dma_start3A_254] : memref<160x64xi32, #tpu.memory_space<vmem>> -> memref<80x64xi32, #tpu.memory_space<vmem>>
          %dma_start3A_256 = tpu.memref_slice %arg10[%mul3A_248] : memref<4000xi32, #tpu.memory_space<vmem>> -> memref<80xi32, #tpu.memory_space<vmem>>
          %dma_start3A_257 = arith.constant 0 : i32
          %dma_start3A_258 = arith.constant 0 : i32
          %dma_start3A_259 = tpu.memref_slice %arg2[%dma_start3A_257, %dma_start3A_258] : memref<10000x64xi32, #tpu.memory_space<hbm>> -> memref<10000x64xi32, #tpu.memory_space<hbm>>
          tpu.enqueue_indirect_dma source(%dma_start3A_259 : memref<10000x64xi32, #tpu.memory_space<hbm>>) target(%dma_start3A_255 : memref<80x64xi32, #tpu.memory_space<vmem>>) offsets(%dma_start3A_256 : memref<80xi32, #tpu.memory_space<vmem>>) semaphore(%arg22 : memref<!tpu.dma_semaphore, #tpu.memory_space<semaphore_mem>>)
          %dma_start3A_260 = arith.constant 80 : i32
          %dma_start3A_261 = arith.constant 0 : i32
          %dma_start3A_262 = tpu.memref_slice %arg14[%dma_start3A_260, %dma_start3A_261] : memref<160x64xi32, #tpu.memory_space<vmem>> -> memref<80x64xi32, #tpu.memory_space<vmem>>
          %dma_start3A_263 = tpu.memref_slice %arg10[%add3A_252] : memref<4000xi32, #tpu.memory_space<vmem>> -> memref<80xi32, #tpu.memory_space<vmem>>
          %dma_start3A_264 = arith.constant 0 : i32
          %dma_start3A_265 = arith.constant 0 : i32
          %dma_start3A_266 = tpu.memref_slice %arg2[%dma_start3A_264, %dma_start3A_265] : memref<10000x64xi32, #tpu.memory_space<hbm>> -> memref<10000x64xi32, #tpu.memory_space<hbm>>
          tpu.enqueue_indirect_dma source(%dma_start3A_266 : memref<10000x64xi32, #tpu.memory_space<hbm>>) target(%dma_start3A_262 : memref<80x64xi32, #tpu.memory_space<vmem>>) offsets(%dma_start3A_263 : memref<80xi32, #tpu.memory_space<vmem>>) semaphore(%arg22 : memref<!tpu.dma_semaphore, #tpu.memory_space<semaphore_mem>>)
        } else {
        }
        %dma_wait3A_221 = arith.constant 0 : i32
        %dma_wait3A_222 = arith.constant 0 : i32
        %dma_wait3A_223 = tpu.memref_slice %arg15[%dma_wait3A_221, %dma_wait3A_222] : memref<160x64xi32, #tpu.memory_space<vmem>> -> memref<80x64xi32, #tpu.memory_space<vmem>>
        %dma_wait3A_224 = arith.constant 0 : i32
        %dma_wait3A_225 = tpu.memref_slice %arg10[%dma_wait3A_224] : memref<4000xi32, #tpu.memory_space<vmem>> -> memref<80xi32, #tpu.memory_space<vmem>>
        %dma_wait3A_226 = arith.constant 0 : i32
        %dma_wait3A_227 = arith.constant 0 : i32
        %dma_wait3A_228 = tpu.memref_slice %arg2[%dma_wait3A_226, %dma_wait3A_227] : memref<10000x64xi32, #tpu.memory_space<hbm>> -> memref<10000x64xi32, #tpu.memory_space<hbm>>
        tpu.wait_indirect_dma semaphore(%arg23 : memref<!tpu.dma_semaphore, #tpu.memory_space<semaphore_mem>>) src(%dma_wait3A_228 : memref<10000x64xi32, #tpu.memory_space<hbm>>) dst(%dma_wait3A_223 : memref<80x64xi32, #tpu.memory_space<vmem>>)
        %dma_wait3A_229 = arith.constant 80 : i32
        %dma_wait3A_230 = arith.constant 0 : i32
        %dma_wait3A_231 = tpu.memref_slice %arg15[%dma_wait3A_229, %dma_wait3A_230] : memref<160x64xi32, #tpu.memory_space<vmem>> -> memref<80x64xi32, #tpu.memory_space<vmem>>
        %dma_wait3A_232 = arith.constant 0 : i32
        %dma_wait3A_233 = tpu.memref_slice %arg10[%dma_wait3A_232] : memref<4000xi32, #tpu.memory_space<vmem>> -> memref<80xi32, #tpu.memory_space<vmem>>
        %dma_wait3A_234 = arith.constant 0 : i32
        %dma_wait3A_235 = arith.constant 0 : i32
        %dma_wait3A_236 = tpu.memref_slice %arg2[%dma_wait3A_234, %dma_wait3A_235] : memref<10000x64xi32, #tpu.memory_space<hbm>> -> memref<10000x64xi32, #tpu.memory_space<hbm>>
        tpu.wait_indirect_dma semaphore(%arg23 : memref<!tpu.dma_semaphore, #tpu.memory_space<semaphore_mem>>) src(%dma_wait3A_236 : memref<10000x64xi32, #tpu.memory_space<hbm>>) dst(%dma_wait3A_231 : memref<80x64xi32, #tpu.memory_space<vmem>>)
        %scan3A_237 = arith.constant 0 : i32
        %scan3A_238 = arith.constant 0 : i32
        %scan3A_239 = arith.constant 5 : i32
        %scan3A_240 = arith.addi %scan3A_238, %scan3A_239 : i32
        %scan3A_241 = arith.constant 1 : i32
        %scan3A_242 = scf.for %scan3A_245 = %scan3A_238 to %scan3A_240 step %scan3A_241 iter_args(%scan3A_246 = %scan3A_237) -> (i32)  : i32 {
          %mul3A_247 = arith.constant 16 : i32
          %mul3A_248 = arith.muli %scan3A_245, %mul3A_247 : i32
          %add3A_249 = vector.broadcast %mul3A_248 : i32 to vector<16xi32>
          %add3A_250 = arith.addi %iota3A, %add3A_249 : vector<16xi32>
          %add3A_251 = arith.constant 80 : i32
          %add3A_252 = vector.broadcast %add3A_251 : i32 to vector<16xi32>
          %add3A_253 = arith.addi %add3A_250, %add3A_252 : vector<16xi32>
          %mul3A_254 = arith.constant 80 : i32
          %mul3A_255 = arith.muli %add3A_213, %mul3A_254 : i32
          %mul3A_256 = arith.constant 16 : i32
          %mul3A_257 = arith.muli %scan3A_245, %mul3A_256 : i32
          %add3A_258 = arith.addi %mul3A_255, %mul3A_257 : i32
          %mul3A_259 = arith.constant 160 : i32
          %mul3A_260 = arith.muli %add3A_213, %mul3A_259 : i32
          %mul3A_261 = arith.constant 16 : i32
          %mul3A_262 = arith.muli %scan3A_245, %mul3A_261 : i32
          %add3A_263 = arith.addi %mul3A_260, %mul3A_262 : i32
          %get3A = arith.index_cast %add3A_263 : i32 to index
          %get3A_264 = tpu.vector_load %arg10[%get3A] {strides = array<i32>} : memref<4000xi32, #tpu.memory_space<vmem>>, vector<16xi32>,
          %mul3A_265 = arith.constant 160 : i32
          %mul3A_266 = arith.muli %add3A_213, %mul3A_265 : i32
          %add3A_267 = arith.constant 80 : i32
          %add3A_268 = arith.addi %mul3A_266, %add3A_267 : i32
          %mul3A_269 = arith.constant 16 : i32
          %mul3A_270 = arith.muli %scan3A_245, %mul3A_269 : i32
          %add3A_271 = arith.addi %add3A_268, %mul3A_270 : i32
          %get3A_272 = arith.index_cast %add3A_271 : i32 to index
          %get3A_273 = tpu.vector_load %arg10[%get3A_272] {strides = array<i32>} : memref<4000xi32, #tpu.memory_space<vmem>>, vector<16xi32>,
          %broadcast_in_dim3A = arith.constant 0.000000e+00 : f32
          %broadcast_in_dim3A_274 = vector.broadcast %broadcast_in_dim3A : f32 to vector<16xf32>
          %scan3A_275 = arith.constant 0 : i32
          %scan3A_276 = arith.constant 16 : i32
          %scan3A_277 = arith.addi %scan3A_275, %scan3A_276 : i32
          %scan3A_278 = arith.constant 2 : i32
          %scan3A_279:9 = scf.for %scan3A_313 = %scan3A_275 to %scan3A_277 step %scan3A_278 iter_args(%scan3A_314 = %broadcast_in_dim3A_274, %scan3A_315 = %broadcast_in_dim3A_274, %scan3A_316 = %broadcast_in_dim3A_274, %scan3A_317 = %broadcast_in_dim3A_274, %scan3A_318 = %broadcast_in_dim3A_274, %scan3A_319 = %broadcast_in_dim3A_274, %scan3A_320 = %broadcast_in_dim3A_274, %scan3A_321 = %broadcast_in_dim3A_274, %scan3A_322 = %iota3A) -> (vector<16xf32>, vector<16xf32>, vector<16xf32>, vector<16xf32>, vector<16xf32>, vector<16xf32>, vector<16xf32>, vector<16xf32>, vector<16xi32>)  : i32 {
            %gather3A_323 = tpu.vector_load_idx %arg15[%add3A_250, %scan3A_322] : memref<160x64xi32, #tpu.memory_space<vmem>>[vector<16xi32>, vector<16xi32>], vector<16xi32>,
            %bitcast3A = vector.bitcast %gather3A_323 : vector<16xi32> to vector<32xbf16>
            %gather3A_324 = tpu.vector_load_idx %arg15[%add3A_253, %scan3A_322] : memref<160x64xi32, #tpu.memory_space<vmem>>[vector<16xi32>, vector<16xi32>], vector<16xi32>,
            %bitcast3A_325 = vector.bitcast %gather3A_324 : vector<16xi32> to vector<32xbf16>
            %unpack3A = tpu.unpack_subelements %bitcast3A, 0 {pack_format = #tpu.pack_format<interleaved>} : vector<32xbf16> -> vector<16xf32>
            %unpack3A_326 = tpu.unpack_subelements %bitcast3A, 1 {pack_format = #tpu.pack_format<interleaved>} : vector<32xbf16> -> vector<16xf32>
            %unpack3A_327 = tpu.unpack_subelements %bitcast3A_325, 0 {pack_format = #tpu.pack_format<interleaved>} : vector<32xbf16> -> vector<16xf32>
            %unpack3A_328 = tpu.unpack_subelements %bitcast3A_325, 1 {pack_format = #tpu.pack_format<interleaved>} : vector<32xbf16> -> vector<16xf32>
            %mul3A_329 = arith.mulf %unpack3A, %unpack3A_327 : vector<16xf32>
            %mul3A_330 = arith.mulf %unpack3A_326, %unpack3A_328 : vector<16xf32>
            %add3A_331 = arith.constant 1 : i32
            %add3A_332 = vector.broadcast %add3A_331 : i32 to vector<16xi32>
            %add3A_333 = arith.addi %scan3A_322, %add3A_332 : vector<16xi32>
            %and3A_334 = arith.constant 63 : i32
            %and3A_335 = vector.broadcast %and3A_334 : i32 to vector<16xi32>
            %and3A_336 = arith.andi %add3A_333, %and3A_335 : vector<16xi32>
            %gather3A_337 = tpu.vector_load_idx %arg15[%add3A_250, %and3A_336] : memref<160x64xi32, #tpu.memory_space<vmem>>[vector<16xi32>, vector<16xi32>], vector<16xi32>,
            %bitcast3A_338 = vector.bitcast %gather3A_337 : vector<16xi32> to vector<32xbf16>
            %gather3A_339 = tpu.vector_load_idx %arg15[%add3A_253, %and3A_336] : memref<160x64xi32, #tpu.memory_space<vmem>>[vector<16xi32>, vector<16xi32>], vector<16xi32>,
            %bitcast3A_340 = vector.bitcast %gather3A_339 : vector<16xi32> to vector<32xbf16>
            %unpack3A_341 = tpu.unpack_subelements %bitcast3A_338, 0 {pack_format = #tpu.pack_format<interleaved>} : vector<32xbf16> -> vector<16xf32>
            %unpack3A_342 = tpu.unpack_subelements %bitcast3A_338, 1 {pack_format = #tpu.pack_format<interleaved>} : vector<32xbf16> -> vector<16xf32>
            %unpack3A_343 = tpu.unpack_subelements %bitcast3A_340, 0 {pack_format = #tpu.pack_format<interleaved>} : vector<32xbf16> -> vector<16xf32>
            %unpack3A_344 = tpu.unpack_subelements %bitcast3A_340, 1 {pack_format = #tpu.pack_format<interleaved>} : vector<32xbf16> -> vector<16xf32>
            %mul3A_345 = arith.mulf %unpack3A_341, %unpack3A_343 : vector<16xf32>
            %mul3A_346 = arith.mulf %unpack3A_342, %unpack3A_344 : vector<16xf32>
            %add3A_347 = arith.constant 2 : i32
            %add3A_348 = vector.broadcast %add3A_347 : i32 to vector<16xi32>
            %add3A_349 = arith.addi %scan3A_322, %add3A_348 : vector<16xi32>
            %and3A_350 = arith.constant 63 : i32
            %and3A_351 = vector.broadcast %and3A_350 : i32 to vector<16xi32>
            %and3A_352 = arith.andi %add3A_349, %and3A_351 : vector<16xi32>
            %gather3A_353 = tpu.vector_load_idx %arg15[%add3A_250, %and3A_352] : memref<160x64xi32, #tpu.memory_space<vmem>>[vector<16xi32>, vector<16xi32>], vector<16xi32>,
            %bitcast3A_354 = vector.bitcast %gather3A_353 : vector<16xi32> to vector<32xbf16>
            %gather3A_355 = tpu.vector_load_idx %arg15[%add3A_253, %and3A_352] : memref<160x64xi32, #tpu.memory_space<vmem>>[vector<16xi32>, vector<16xi32>], vector<16xi32>,
            %bitcast3A_356 = vector.bitcast %gather3A_355 : vector<16xi32> to vector<32xbf16>
            %unpack3A_357 = tpu.unpack_subelements %bitcast3A_354, 0 {pack_format = #tpu.pack_format<interleaved>} : vector<32xbf16> -> vector<16xf32>
            %unpack3A_358 = tpu.unpack_subelements %bitcast3A_354, 1 {pack_format = #tpu.pack_format<interleaved>} : vector<32xbf16> -> vector<16xf32>
            %unpack3A_359 = tpu.unpack_subelements %bitcast3A_356, 0 {pack_format = #tpu.pack_format<interleaved>} : vector<32xbf16> -> vector<16xf32>
            %unpack3A_360 = tpu.unpack_subelements %bitcast3A_356, 1 {pack_format = #tpu.pack_format<interleaved>} : vector<32xbf16> -> vector<16xf32>
            %mul3A_361 = arith.mulf %unpack3A_357, %unpack3A_359 : vector<16xf32>
            %mul3A_362 = arith.mulf %unpack3A_358, %unpack3A_360 : vector<16xf32>
            %add3A_363 = arith.constant 3 : i32
            %add3A_364 = vector.broadcast %add3A_363 : i32 to vector<16xi32>
            %add3A_365 = arith.addi %scan3A_322, %add3A_364 : vector<16xi32>
            %and3A_366 = arith.constant 63 : i32
            %and3A_367 = vector.broadcast %and3A_366 : i32 to vector<16xi32>
            %and3A_368 = arith.andi %add3A_365, %and3A_367 : vector<16xi32>
            %gather3A_369 = tpu.vector_load_idx %arg15[%add3A_250, %and3A_368] : memref<160x64xi32, #tpu.memory_space<vmem>>[vector<16xi32>, vector<16xi32>], vector<16xi32>,
            %bitcast3A_370 = vector.bitcast %gather3A_369 : vector<16xi32> to vector<32xbf16>
            %gather3A_371 = tpu.vector_load_idx %arg15[%add3A_253, %and3A_368] : memref<160x64xi32, #tpu.memory_space<vmem>>[vector<16xi32>, vector<16xi32>], vector<16xi32>,
            %bitcast3A_372 = vector.bitcast %gather3A_371 : vector<16xi32> to vector<32xbf16>
            %unpack3A_373 = tpu.unpack_subelements %bitcast3A_370, 0 {pack_format = #tpu.pack_format<interleaved>} : vector<32xbf16> -> vector<16xf32>
            %unpack3A_374 = tpu.unpack_subelements %bitcast3A_370, 1 {pack_format = #tpu.pack_format<interleaved>} : vector<32xbf16> -> vector<16xf32>
            %unpack3A_375 = tpu.unpack_subelements %bitcast3A_372, 0 {pack_format = #tpu.pack_format<interleaved>} : vector<32xbf16> -> vector<16xf32>
            %unpack3A_376 = tpu.unpack_subelements %bitcast3A_372, 1 {pack_format = #tpu.pack_format<interleaved>} : vector<32xbf16> -> vector<16xf32>
            %mul3A_377 = arith.mulf %unpack3A_373, %unpack3A_375 : vector<16xf32>
            %mul3A_378 = arith.mulf %unpack3A_374, %unpack3A_376 : vector<16xf32>
            %add3A_379 = arith.addf %scan3A_314, %mul3A_329 : vector<16xf32>
            %add3A_380 = arith.addf %scan3A_315, %mul3A_330 : vector<16xf32>
            %add3A_381 = arith.addf %scan3A_316, %mul3A_345 : vector<16xf32>
            %add3A_382 = arith.addf %scan3A_317, %mul3A_346 : vector<16xf32>
            %add3A_383 = arith.addf %scan3A_318, %mul3A_361 : vector<16xf32>
            %add3A_384 = arith.addf %scan3A_319, %mul3A_362 : vector<16xf32>
            %add3A_385 = arith.addf %scan3A_320, %mul3A_377 : vector<16xf32>
            %add3A_386 = arith.addf %scan3A_321, %mul3A_378 : vector<16xf32>
            %add3A_387 = arith.constant 4 : i32
            %add3A_388 = vector.broadcast %add3A_387 : i32 to vector<16xi32>
            %add3A_389 = arith.addi %scan3A_322, %add3A_388 : vector<16xi32>
            %and3A_390 = arith.constant 63 : i32
            %and3A_391 = vector.broadcast %and3A_390 : i32 to vector<16xi32>
            %and3A_392 = arith.andi %add3A_389, %and3A_391 : vector<16xi32>
            %scan3A_393 = arith.constant 1 : i32
            %scan3A_394 = arith.addi %scan3A_313, %scan3A_393 : i32
            %gather3A_395 = tpu.vector_load_idx %arg15[%add3A_250, %and3A_392] : memref<160x64xi32, #tpu.memory_space<vmem>>[vector<16xi32>, vector<16xi32>], vector<16xi32>,
            %bitcast3A_396 = vector.bitcast %gather3A_395 : vector<16xi32> to vector<32xbf16>
            %gather3A_397 = tpu.vector_load_idx %arg15[%add3A_253, %and3A_392] : memref<160x64xi32, #tpu.memory_space<vmem>>[vector<16xi32>, vector<16xi32>], vector<16xi32>,
            %bitcast3A_398 = vector.bitcast %gather3A_397 : vector<16xi32> to vector<32xbf16>
            %unpack3A_399 = tpu.unpack_subelements %bitcast3A_396, 0 {pack_format = #tpu.pack_format<interleaved>} : vector<32xbf16> -> vector<16xf32>
            %unpack3A_400 = tpu.unpack_subelements %bitcast3A_396, 1 {pack_format = #tpu.pack_format<interleaved>} : vector<32xbf16> -> vector<16xf32>
            %unpack3A_401 = tpu.unpack_subelements %bitcast3A_398, 0 {pack_format = #tpu.pack_format<interleaved>} : vector<32xbf16> -> vector<16xf32>
            %unpack3A_402 = tpu.unpack_subelements %bitcast3A_398, 1 {pack_format = #tpu.pack_format<interleaved>} : vector<32xbf16> -> vector<16xf32>
            %mul3A_403 = arith.mulf %unpack3A_399, %unpack3A_401 : vector<16xf32>
            %mul3A_404 = arith.mulf %unpack3A_400, %unpack3A_402 : vector<16xf32>
            %add3A_405 = arith.constant 1 : i32
            %add3A_406 = vector.broadcast %add3A_405 : i32 to vector<16xi32>
            %add3A_407 = arith.addi %and3A_392, %add3A_406 : vector<16xi32>
            %and3A_408 = arith.constant 63 : i32
            %and3A_409 = vector.broadcast %and3A_408 : i32 to vector<16xi32>
            %and3A_410 = arith.andi %add3A_407, %and3A_409 : vector<16xi32>
            %gather3A_411 = tpu.vector_load_idx %arg15[%add3A_250, %and3A_410] : memref<160x64xi32, #tpu.memory_space<vmem>>[vector<16xi32>, vector<16xi32>], vector<16xi32>,
            %bitcast3A_412 = vector.bitcast %gather3A_411 : vector<16xi32> to vector<32xbf16>
            %gather3A_413 = tpu.vector_load_idx %arg15[%add3A_253, %and3A_410] : memref<160x64xi32, #tpu.memory_space<vmem>>[vector<16xi32>, vector<16xi32>], vector<16xi32>,
            %bitcast3A_414 = vector.bitcast %gather3A_413 : vector<16xi32> to vector<32xbf16>
            %unpack3A_415 = tpu.unpack_subelements %bitcast3A_412, 0 {pack_format = #tpu.pack_format<interleaved>} : vector<32xbf16> -> vector<16xf32>
            %unpack3A_416 = tpu.unpack_subelements %bitcast3A_412, 1 {pack_format = #tpu.pack_format<interleaved>} : vector<32xbf16> -> vector<16xf32>
            %unpack3A_417 = tpu.unpack_subelements %bitcast3A_414, 0 {pack_format = #tpu.pack_format<interleaved>} : vector<32xbf16> -> vector<16xf32>
            %unpack3A_418 = tpu.unpack_subelements %bitcast3A_414, 1 {pack_format = #tpu.pack_format<interleaved>} : vector<32xbf16> -> vector<16xf32>
            %mul3A_419 = arith.mulf %unpack3A_415, %unpack3A_417 : vector<16xf32>
            %mul3A_420 = arith.mulf %unpack3A_416, %unpack3A_418 : vector<16xf32>
            %add3A_421 = arith.constant 2 : i32
            %add3A_422 = vector.broadcast %add3A_421 : i32 to vector<16xi32>
            %add3A_423 = arith.addi %and3A_392, %add3A_422 : vector<16xi32>
            %and3A_424 = arith.constant 63 : i32
            %and3A_425 = vector.broadcast %and3A_424 : i32 to vector<16xi32>
            %and3A_426 = arith.andi %add3A_423, %and3A_425 : vector<16xi32>
            %gather3A_427 = tpu.vector_load_idx %arg15[%add3A_250, %and3A_426] : memref<160x64xi32, #tpu.memory_space<vmem>>[vector<16xi32>, vector<16xi32>], vector<16xi32>,
            %bitcast3A_428 = vector.bitcast %gather3A_427 : vector<16xi32> to vector<32xbf16>
            %gather3A_429 = tpu.vector_load_idx %arg15[%add3A_253, %and3A_426] : memref<160x64xi32, #tpu.memory_space<vmem>>[vector<16xi32>, vector<16xi32>], vector<16xi32>,
            %bitcast3A_430 = vector.bitcast %gather3A_429 : vector<16xi32> to vector<32xbf16>
            %unpack3A_431 = tpu.unpack_subelements %bitcast3A_428, 0 {pack_format = #tpu.pack_format<interleaved>} : vector<32xbf16> -> vector<16xf32>
            %unpack3A_432 = tpu.unpack_subelements %bitcast3A_428, 1 {pack_format = #tpu.pack_format<interleaved>} : vector<32xbf16> -> vector<16xf32>
            %unpack3A_433 = tpu.unpack_subelements %bitcast3A_430, 0 {pack_format = #tpu.pack_format<interleaved>} : vector<32xbf16> -> vector<16xf32>
            %unpack3A_434 = tpu.unpack_subelements %bitcast3A_430, 1 {pack_format = #tpu.pack_format<interleaved>} : vector<32xbf16> -> vector<16xf32>
            %mul3A_435 = arith.mulf %unpack3A_431, %unpack3A_433 : vector<16xf32>
            %mul3A_436 = arith.mulf %unpack3A_432, %unpack3A_434 : vector<16xf32>
            %add3A_437 = arith.constant 3 : i32
            %add3A_438 = vector.broadcast %add3A_437 : i32 to vector<16xi32>
            %add3A_439 = arith.addi %and3A_392, %add3A_438 : vector<16xi32>
            %and3A_440 = arith.constant 63 : i32
            %and3A_441 = vector.broadcast %and3A_440 : i32 to vector<16xi32>
            %and3A_442 = arith.andi %add3A_439, %and3A_441 : vector<16xi32>
            %gather3A_443 = tpu.vector_load_idx %arg15[%add3A_250, %and3A_442] : memref<160x64xi32, #tpu.memory_space<vmem>>[vector<16xi32>, vector<16xi32>], vector<16xi32>,
            %bitcast3A_444 = vector.bitcast %gather3A_443 : vector<16xi32> to vector<32xbf16>
            %gather3A_445 = tpu.vector_load_idx %arg15[%add3A_253, %and3A_442] : memref<160x64xi32, #tpu.memory_space<vmem>>[vector<16xi32>, vector<16xi32>], vector<16xi32>,
            %bitcast3A_446 = vector.bitcast %gather3A_445 : vector<16xi32> to vector<32xbf16>
            %unpack3A_447 = tpu.unpack_subelements %bitcast3A_444, 0 {pack_format = #tpu.pack_format<interleaved>} : vector<32xbf16> -> vector<16xf32>
            %unpack3A_448 = tpu.unpack_subelements %bitcast3A_444, 1 {pack_format = #tpu.pack_format<interleaved>} : vector<32xbf16> -> vector<16xf32>
            %unpack3A_449 = tpu.unpack_subelements %bitcast3A_446, 0 {pack_format = #tpu.pack_format<interleaved>} : vector<32xbf16> -> vector<16xf32>
            %unpack3A_450 = tpu.unpack_subelements %bitcast3A_446, 1 {pack_format = #tpu.pack_format<interleaved>} : vector<32xbf16> -> vector<16xf32>
            %mul3A_451 = arith.mulf %unpack3A_447, %unpack3A_449 : vector<16xf32>
            %mul3A_452 = arith.mulf %unpack3A_448, %unpack3A_450 : vector<16xf32>
            %add3A_453 = arith.addf %add3A_379, %mul3A_403 : vector<16xf32>
            %add3A_454 = arith.addf %add3A_380, %mul3A_404 : vector<16xf32>
            %add3A_455 = arith.addf %add3A_381, %mul3A_419 : vector<16xf32>
            %add3A_456 = arith.addf %add3A_382, %mul3A_420 : vector<16xf32>
            %add3A_457 = arith.addf %add3A_383, %mul3A_435 : vector<16xf32>
            %add3A_458 = arith.addf %add3A_384, %mul3A_436 : vector<16xf32>
            %add3A_459 = arith.addf %add3A_385, %mul3A_451 : vector<16xf32>
            %add3A_460 = arith.addf %add3A_386, %mul3A_452 : vector<16xf32>
            %add3A_461 = arith.constant 4 : i32
            %add3A_462 = vector.broadcast %add3A_461 : i32 to vector<16xi32>
            %add3A_463 = arith.addi %and3A_392, %add3A_462 : vector<16xi32>
            %and3A_464 = arith.constant 63 : i32
            %and3A_465 = vector.broadcast %and3A_464 : i32 to vector<16xi32>
            %and3A_466 = arith.andi %add3A_463, %and3A_465 : vector<16xi32>
            scf.yield %add3A_453, %add3A_454, %add3A_455, %add3A_456, %add3A_457, %add3A_458, %add3A_459, %add3A_460, %and3A_466 : vector<16xf32>, vector<16xf32>, vector<16xf32>, vector<16xf32>, vector<16xf32>, vector<16xf32>, vector<16xf32>, vector<16xf32>, vector<16xi32>
          }
          %scan3A_280 = arith.constant 16 : i32
          %add3A_281 = arith.addf %scan3A_279#0, %scan3A_279#1 : vector<16xf32>
          %add3A_282 = arith.addf %scan3A_279#2, %scan3A_279#3 : vector<16xf32>
          %add3A_283 = arith.addf %add3A_281, %add3A_282 : vector<16xf32>
          %add3A_284 = arith.addf %scan3A_279#4, %scan3A_279#5 : vector<16xf32>
          %add3A_285 = arith.addf %scan3A_279#6, %scan3A_279#7 : vector<16xf32>
          %add3A_286 = arith.addf %add3A_284, %add3A_285 : vector<16xf32>
          %add3A_287 = arith.addf %add3A_283, %add3A_286 : vector<16xf32>
          %gather3A = tpu.vector_load_idx %arg9[%get3A_264] : memref<10000xi32, #tpu.memory_space<vmem>>[vector<16xi32>], vector<16xi32>,
          %gather3A_288 = tpu.vector_load_idx %arg9[%get3A_273] : memref<10000xi32, #tpu.memory_space<vmem>>[vector<16xi32>], vector<16xi32>,
          %mul3A_289 = arith.constant 14.2857141 : f32
          %mul3A_290 = vector.broadcast %mul3A_289 : f32 to vector<16xf32>
          %mul3A_291 = arith.mulf %add3A_287, %mul3A_290 : vector<16xf32>
          %sub3A = arith.constant 14.2857141 : f32
          %sub3A_292 = vector.broadcast %sub3A : f32 to vector<16xf32>
          %sub3A_293 = arith.subf %mul3A_291, %sub3A_292 : vector<16xf32>
          %exp3A = math.exp %sub3A_293 : vector<16xf32>
          %eq3A_294 = arith.cmpi eq, %gather3A, %gather3A_288 : vector<16xi32>
          %ne3A = arith.constant -1 : i32
          %ne3A_295 = vector.broadcast %ne3A : i32 to vector<16xi32>
          %ne3A_296 = arith.cmpi ne, %gather3A, %ne3A_295 : vector<16xi32>
          %and3A = arith.andi %eq3A_294, %ne3A_296 : vector<16xi1>
          %ne3A_297 = arith.constant -1 : i32
          %ne3A_298 = vector.broadcast %ne3A_297 : i32 to vector<16xi32>
          %ne3A_299 = arith.cmpi ne, %gather3A_288, %ne3A_298 : vector<16xi32>
          %and3A_300 = arith.andi %and3A, %ne3A_299 : vector<16xi1>
          %swap3A = arith.index_cast %add3A_258 : i32 to index
          %swap3A_301 = tpu.vector_load %arg16[%swap3A] {strides = array<i32>} : memref<2000xf32, #tpu.memory_space<vmem>>, vector<16xf32>,
          tpu.vector_store %arg16[%swap3A], %exp3A {strides = array<i32>} : memref<2000xf32, #tpu.memory_space<vmem>>, vector<16xf32>,
          %jit3A = arith.constant 1.000000e+00 : f32
          %jit3A_302 = arith.constant 0.000000e+00 : f32
          %broadcast_in_dim3A_303 = vector.broadcast %jit3A : f32 to vector<16xf32>
          %broadcast_in_dim3A_304 = vector.broadcast %jit3A_302 : f32 to vector<16xf32>
          %select_n3A = arith.select %and3A_300, %broadcast_in_dim3A_303, %broadcast_in_dim3A_304 : vector<16xi1>, vector<16xf32>
          %swap3A_305 = arith.index_cast %add3A_258 : i32 to index
          %swap3A_306 = tpu.vector_load %arg17[%swap3A_305] {strides = array<i32>} : memref<2000xf32, #tpu.memory_space<vmem>>, vector<16xf32>,
          tpu.vector_store %arg17[%swap3A_305], %select_n3A {strides = array<i32>} : memref<2000xf32, #tpu.memory_space<vmem>>, vector<16xf32>,
          %jit3A_307 = arith.constant 0.000000e+00 : f32
          %broadcast_in_dim3A_308 = vector.broadcast %jit3A_307 : f32 to vector<16xf32>
          %select_n3A_309 = arith.select %and3A_300, %broadcast_in_dim3A_308, %exp3A : vector<16xi1>, vector<16xf32>
          %swap3A_310 = arith.index_cast %add3A_258 : i32 to index
          %swap3A_311 = tpu.vector_load %arg18[%swap3A_310] {strides = array<i32>} : memref<2000xf32, #tpu.memory_space<vmem>>, vector<16xf32>,
          tpu.vector_store %arg18[%swap3A_310], %select_n3A_309 {strides = array<i32>} : memref<2000xf32, #tpu.memory_space<vmem>>, vector<16xf32>,
          %scan3A_312 = arith.constant 0 : i32
          scf.yield %scan3A_312 : i32
        }
        %scan3A_243 = arith.constant 5 : i32
        %scan3A_244 = arith.constant 0 : i32
        scf.yield %scan3A_244 : i32
      }
      %scan3A_83 = arith.constant 6 : i32
      %dma_wait3A = arith.constant 0 : i32
      %dma_wait3A_84 = arith.constant 0 : i32
      %dma_wait3A_85 = tpu.memref_slice %arg12[%dma_wait3A, %dma_wait3A_84] : memref<160x64xi32, #tpu.memory_space<vmem>> -> memref<80x64xi32, #tpu.memory_space<vmem>>
      %dma_wait3A_86 = arith.constant 0 : i32
      %dma_wait3A_87 = tpu.memref_slice %arg10[%dma_wait3A_86] : memref<4000xi32, #tpu.memory_space<vmem>> -> memref<80xi32, #tpu.memory_space<vmem>>
      %dma_wait3A_88 = arith.constant 0 : i32
      %dma_wait3A_89 = arith.constant 0 : i32
      %dma_wait3A_90 = tpu.memref_slice %arg2[%dma_wait3A_88, %dma_wait3A_89] : memref<10000x64xi32, #tpu.memory_space<hbm>> -> memref<10000x64xi32, #tpu.memory_space<hbm>>
      tpu.wait_indirect_dma semaphore(%arg20 : memref<!tpu.dma_semaphore, #tpu.memory_space<semaphore_mem>>) src(%dma_wait3A_90 : memref<10000x64xi32, #tpu.memory_space<hbm>>) dst(%dma_wait3A_85 : memref<80x64xi32, #tpu.memory_space<vmem>>)
      %dma_wait3A_91 = arith.constant 80 : i32
      %dma_wait3A_92 = arith.constant 0 : i32
      %dma_wait3A_93 = tpu.memref_slice %arg12[%dma_wait3A_91, %dma_wait3A_92] : memref<160x64xi32, #tpu.memory_space<vmem>> -> memref<80x64xi32, #tpu.memory_space<vmem>>
      %dma_wait3A_94 = arith.constant 0 : i32
      %dma_wait3A_95 = tpu.memref_slice %arg10[%dma_wait3A_94] : memref<4000xi32, #tpu.memory_space<vmem>> -> memref<80xi32, #tpu.memory_space<vmem>>
      %dma_wait3A_96 = arith.constant 0 : i32
      %dma_wait3A_97 = arith.constant 0 : i32
      %dma_wait3A_98 = tpu.memref_slice %arg2[%dma_wait3A_96, %dma_wait3A_97] : memref<10000x64xi32, #tpu.memory_space<hbm>> -> memref<10000x64xi32, #tpu.memory_space<hbm>>
      tpu.wait_indirect_dma semaphore(%arg20 : memref<!tpu.dma_semaphore, #tpu.memory_space<semaphore_mem>>) src(%dma_wait3A_98 : memref<10000x64xi32, #tpu.memory_space<hbm>>) dst(%dma_wait3A_93 : memref<80x64xi32, #tpu.memory_space<vmem>>)
      %scan3A_99 = arith.constant 0 : i32
      %scan3A_100 = arith.constant 0 : i32
      %scan3A_101 = arith.constant 5 : i32
      %scan3A_102 = arith.addi %scan3A_100, %scan3A_101 : i32
      %scan3A_103 = arith.constant 1 : i32
      %scan3A_104 = scf.for %scan3A_107 = %scan3A_100 to %scan3A_102 step %scan3A_103 iter_args(%scan3A_108 = %scan3A_99) -> (i32)  : i32 {
        %mul3A_109 = arith.constant 16 : i32
        %mul3A_110 = arith.muli %scan3A_107, %mul3A_109 : i32
        %add3A_111 = vector.broadcast %mul3A_110 : i32 to vector<16xi32>
        %add3A_112 = arith.addi %iota3A, %add3A_111 : vector<16xi32>
        %add3A_113 = arith.constant 80 : i32
        %add3A_114 = vector.broadcast %add3A_113 : i32 to vector<16xi32>
        %add3A_115 = arith.addi %add3A_112, %add3A_114 : vector<16xi32>
        %mul3A_116 = arith.constant 16 : i32
        %mul3A_117 = arith.muli %scan3A_107, %mul3A_116 : i32
        %add3A_118 = arith.constant 1920 : i32
        %add3A_119 = arith.addi %add3A_118, %mul3A_117 : i32
        %mul3A_120 = arith.constant 16 : i32
        %mul3A_121 = arith.muli %scan3A_107, %mul3A_120 : i32
        %add3A_122 = arith.constant 3840 : i32
        %add3A_123 = arith.addi %add3A_122, %mul3A_121 : i32
        %get3A = arith.index_cast %add3A_123 : i32 to index
        %get3A_124 = tpu.vector_load %arg10[%get3A] {strides = array<i32>} : memref<4000xi32, #tpu.memory_space<vmem>>, vector<16xi32>,
        %mul3A_125 = arith.constant 16 : i32
        %mul3A_126 = arith.muli %scan3A_107, %mul3A_125 : i32
        %add3A_127 = arith.constant 3920 : i32
        %add3A_128 = arith.addi %add3A_127, %mul3A_126 : i32
        %get3A_129 = arith.index_cast %add3A_128 : i32 to index
        %get3A_130 = tpu.vector_load %arg10[%get3A_129] {strides = array<i32>} : memref<4000xi32, #tpu.memory_space<vmem>>, vector<16xi32>,
        %broadcast_in_dim3A = arith.constant 0.000000e+00 : f32
        %broadcast_in_dim3A_131 = vector.broadcast %broadcast_in_dim3A : f32 to vector<16xf32>
        %scan3A_132 = arith.constant 0 : i32
        %scan3A_133 = arith.constant 16 : i32
        %scan3A_134 = arith.addi %scan3A_132, %scan3A_133 : i32
        %scan3A_135 = arith.constant 2 : i32
        %scan3A_136:9 = scf.for %scan3A_170 = %scan3A_132 to %scan3A_134 step %scan3A_135 iter_args(%scan3A_171 = %broadcast_in_dim3A_131, %scan3A_172 = %broadcast_in_dim3A_131, %scan3A_173 = %broadcast_in_dim3A_131, %scan3A_174 = %broadcast_in_dim3A_131, %scan3A_175 = %broadcast_in_dim3A_131, %scan3A_176 = %broadcast_in_dim3A_131, %scan3A_177 = %broadcast_in_dim3A_131, %scan3A_178 = %broadcast_in_dim3A_131, %scan3A_179 = %iota3A) -> (vector<16xf32>, vector<16xf32>, vector<16xf32>, vector<16xf32>, vector<16xf32>, vector<16xf32>, vector<16xf32>, vector<16xf32>, vector<16xi32>)  : i32 {
          %gather3A_180 = tpu.vector_load_idx %arg12[%add3A_112, %scan3A_179] : memref<160x64xi32, #tpu.memory_space<vmem>>[vector<16xi32>, vector<16xi32>], vector<16xi32>,
          %bitcast3A = vector.bitcast %gather3A_180 : vector<16xi32> to vector<32xbf16>
          %gather3A_181 = tpu.vector_load_idx %arg12[%add3A_115, %scan3A_179] : memref<160x64xi32, #tpu.memory_space<vmem>>[vector<16xi32>, vector<16xi32>], vector<16xi32>,
          %bitcast3A_182 = vector.bitcast %gather3A_181 : vector<16xi32> to vector<32xbf16>
          %unpack3A = tpu.unpack_subelements %bitcast3A, 0 {pack_format = #tpu.pack_format<interleaved>} : vector<32xbf16> -> vector<16xf32>
          %unpack3A_183 = tpu.unpack_subelements %bitcast3A, 1 {pack_format = #tpu.pack_format<interleaved>} : vector<32xbf16> -> vector<16xf32>
          %unpack3A_184 = tpu.unpack_subelements %bitcast3A_182, 0 {pack_format = #tpu.pack_format<interleaved>} : vector<32xbf16> -> vector<16xf32>
          %unpack3A_185 = tpu.unpack_subelements %bitcast3A_182, 1 {pack_format = #tpu.pack_format<interleaved>} : vector<32xbf16> -> vector<16xf32>
          %mul3A_186 = arith.mulf %unpack3A, %unpack3A_184 : vector<16xf32>
          %mul3A_187 = arith.mulf %unpack3A_183, %unpack3A_185 : vector<16xf32>
          %add3A_188 = arith.constant 1 : i32
          %add3A_189 = vector.broadcast %add3A_188 : i32 to vector<16xi32>
          %add3A_190 = arith.addi %scan3A_179, %add3A_189 : vector<16xi32>
          %and3A_191 = arith.constant 63 : i32
          %and3A_192 = vector.broadcast %and3A_191 : i32 to vector<16xi32>
          %and3A_193 = arith.andi %add3A_190, %and3A_192 : vector<16xi32>
          %gather3A_194 = tpu.vector_load_idx %arg12[%add3A_112, %and3A_193] : memref<160x64xi32, #tpu.memory_space<vmem>>[vector<16xi32>, vector<16xi32>], vector<16xi32>,
          %bitcast3A_195 = vector.bitcast %gather3A_194 : vector<16xi32> to vector<32xbf16>
          %gather3A_196 = tpu.vector_load_idx %arg12[%add3A_115, %and3A_193] : memref<160x64xi32, #tpu.memory_space<vmem>>[vector<16xi32>, vector<16xi32>], vector<16xi32>,
          %bitcast3A_197 = vector.bitcast %gather3A_196 : vector<16xi32> to vector<32xbf16>
          %unpack3A_198 = tpu.unpack_subelements %bitcast3A_195, 0 {pack_format = #tpu.pack_format<interleaved>} : vector<32xbf16> -> vector<16xf32>
          %unpack3A_199 = tpu.unpack_subelements %bitcast3A_195, 1 {pack_format = #tpu.pack_format<interleaved>} : vector<32xbf16> -> vector<16xf32>
          %unpack3A_200 = tpu.unpack_subelements %bitcast3A_197, 0 {pack_format = #tpu.pack_format<interleaved>} : vector<32xbf16> -> vector<16xf32>
          %unpack3A_201 = tpu.unpack_subelements %bitcast3A_197, 1 {pack_format = #tpu.pack_format<interleaved>} : vector<32xbf16> -> vector<16xf32>
          %mul3A_202 = arith.mulf %unpack3A_198, %unpack3A_200 : vector<16xf32>
          %mul3A_203 = arith.mulf %unpack3A_199, %unpack3A_201 : vector<16xf32>
          %add3A_204 = arith.constant 2 : i32
          %add3A_205 = vector.broadcast %add3A_204 : i32 to vector<16xi32>
          %add3A_206 = arith.addi %scan3A_179, %add3A_205 : vector<16xi32>
          %and3A_207 = arith.constant 63 : i32
          %and3A_208 = vector.broadcast %and3A_207 : i32 to vector<16xi32>
          %and3A_209 = arith.andi %add3A_206, %and3A_208 : vector<16xi32>
          %gather3A_210 = tpu.vector_load_idx %arg12[%add3A_112, %and3A_209] : memref<160x64xi32, #tpu.memory_space<vmem>>[vector<16xi32>, vector<16xi32>], vector<16xi32>,
          %bitcast3A_211 = vector.bitcast %gather3A_210 : vector<16xi32> to vector<32xbf16>
          %gather3A_212 = tpu.vector_load_idx %arg12[%add3A_115, %and3A_209] : memref<160x64xi32, #tpu.memory_space<vmem>>[vector<16xi32>, vector<16xi32>], vector<16xi32>,
          %bitcast3A_213 = vector.bitcast %gather3A_212 : vector<16xi32> to vector<32xbf16>
          %unpack3A_214 = tpu.unpack_subelements %bitcast3A_211, 0 {pack_format = #tpu.pack_format<interleaved>} : vector<32xbf16> -> vector<16xf32>
          %unpack3A_215 = tpu.unpack_subelements %bitcast3A_211, 1 {pack_format = #tpu.pack_format<interleaved>} : vector<32xbf16> -> vector<16xf32>
          %unpack3A_216 = tpu.unpack_subelements %bitcast3A_213, 0 {pack_format = #tpu.pack_format<interleaved>} : vector<32xbf16> -> vector<16xf32>
          %unpack3A_217 = tpu.unpack_subelements %bitcast3A_213, 1 {pack_format = #tpu.pack_format<interleaved>} : vector<32xbf16> -> vector<16xf32>
          %mul3A_218 = arith.mulf %unpack3A_214, %unpack3A_216 : vector<16xf32>
          %mul3A_219 = arith.mulf %unpack3A_215, %unpack3A_217 : vector<16xf32>
          %add3A_220 = arith.constant 3 : i32
          %add3A_221 = vector.broadcast %add3A_220 : i32 to vector<16xi32>
          %add3A_222 = arith.addi %scan3A_179, %add3A_221 : vector<16xi32>
          %and3A_223 = arith.constant 63 : i32
          %and3A_224 = vector.broadcast %and3A_223 : i32 to vector<16xi32>
          %and3A_225 = arith.andi %add3A_222, %and3A_224 : vector<16xi32>
          %gather3A_226 = tpu.vector_load_idx %arg12[%add3A_112, %and3A_225] : memref<160x64xi32, #tpu.memory_space<vmem>>[vector<16xi32>, vector<16xi32>], vector<16xi32>,
          %bitcast3A_227 = vector.bitcast %gather3A_226 : vector<16xi32> to vector<32xbf16>
          %gather3A_228 = tpu.vector_load_idx %arg12[%add3A_115, %and3A_225] : memref<160x64xi32, #tpu.memory_space<vmem>>[vector<16xi32>, vector<16xi32>], vector<16xi32>,
          %bitcast3A_229 = vector.bitcast %gather3A_228 : vector<16xi32> to vector<32xbf16>
          %unpack3A_230 = tpu.unpack_subelements %bitcast3A_227, 0 {pack_format = #tpu.pack_format<interleaved>} : vector<32xbf16> -> vector<16xf32>
          %unpack3A_231 = tpu.unpack_subelements %bitcast3A_227, 1 {pack_format = #tpu.pack_format<interleaved>} : vector<32xbf16> -> vector<16xf32>
          %unpack3A_232 = tpu.unpack_subelements %bitcast3A_229, 0 {pack_format = #tpu.pack_format<interleaved>} : vector<32xbf16> -> vector<16xf32>
          %unpack3A_233 = tpu.unpack_subelements %bitcast3A_229, 1 {pack_format = #tpu.pack_format<interleaved>} : vector<32xbf16> -> vector<16xf32>
          %mul3A_234 = arith.mulf %unpack3A_230, %unpack3A_232 : vector<16xf32>
          %mul3A_235 = arith.mulf %unpack3A_231, %unpack3A_233 : vector<16xf32>
          %add3A_236 = arith.addf %scan3A_171, %mul3A_186 : vector<16xf32>
          %add3A_237 = arith.addf %scan3A_172, %mul3A_187 : vector<16xf32>
          %add3A_238 = arith.addf %scan3A_173, %mul3A_202 : vector<16xf32>
          %add3A_239 = arith.addf %scan3A_174, %mul3A_203 : vector<16xf32>
          %add3A_240 = arith.addf %scan3A_175, %mul3A_218 : vector<16xf32>
          %add3A_241 = arith.addf %scan3A_176, %mul3A_219 : vector<16xf32>
          %add3A_242 = arith.addf %scan3A_177, %mul3A_234 : vector<16xf32>
          %add3A_243 = arith.addf %scan3A_178, %mul3A_235 : vector<16xf32>
          %add3A_244 = arith.constant 4 : i32
          %add3A_245 = vector.broadcast %add3A_244 : i32 to vector<16xi32>
          %add3A_246 = arith.addi %scan3A_179, %add3A_245 : vector<16xi32>
          %and3A_247 = arith.constant 63 : i32
          %and3A_248 = vector.broadcast %and3A_247 : i32 to vector<16xi32>
          %and3A_249 = arith.andi %add3A_246, %and3A_248 : vector<16xi32>
          %scan3A_250 = arith.constant 1 : i32
          %scan3A_251 = arith.addi %scan3A_170, %scan3A_250 : i32
          %gather3A_252 = tpu.vector_load_idx %arg12[%add3A_112, %and3A_249] : memref<160x64xi32, #tpu.memory_space<vmem>>[vector<16xi32>, vector<16xi32>], vector<16xi32>,
          %bitcast3A_253 = vector.bitcast %gather3A_252 : vector<16xi32> to vector<32xbf16>
          %gather3A_254 = tpu.vector_load_idx %arg12[%add3A_115, %and3A_249] : memref<160x64xi32, #tpu.memory_space<vmem>>[vector<16xi32>, vector<16xi32>], vector<16xi32>,
          %bitcast3A_255 = vector.bitcast %gather3A_254 : vector<16xi32> to vector<32xbf16>
          %unpack3A_256 = tpu.unpack_subelements %bitcast3A_253, 0 {pack_format = #tpu.pack_format<interleaved>} : vector<32xbf16> -> vector<16xf32>
          %unpack3A_257 = tpu.unpack_subelements %bitcast3A_253, 1 {pack_format = #tpu.pack_format<interleaved>} : vector<32xbf16> -> vector<16xf32>
          %unpack3A_258 = tpu.unpack_subelements %bitcast3A_255, 0 {pack_format = #tpu.pack_format<interleaved>} : vector<32xbf16> -> vector<16xf32>
          %unpack3A_259 = tpu.unpack_subelements %bitcast3A_255, 1 {pack_format = #tpu.pack_format<interleaved>} : vector<32xbf16> -> vector<16xf32>
          %mul3A_260 = arith.mulf %unpack3A_256, %unpack3A_258 : vector<16xf32>
          %mul3A_261 = arith.mulf %unpack3A_257, %unpack3A_259 : vector<16xf32>
          %add3A_262 = arith.constant 1 : i32
          %add3A_263 = vector.broadcast %add3A_262 : i32 to vector<16xi32>
          %add3A_264 = arith.addi %and3A_249, %add3A_263 : vector<16xi32>
          %and3A_265 = arith.constant 63 : i32
          %and3A_266 = vector.broadcast %and3A_265 : i32 to vector<16xi32>
          %and3A_267 = arith.andi %add3A_264, %and3A_266 : vector<16xi32>
          %gather3A_268 = tpu.vector_load_idx %arg12[%add3A_112, %and3A_267] : memref<160x64xi32, #tpu.memory_space<vmem>>[vector<16xi32>, vector<16xi32>], vector<16xi32>,
          %bitcast3A_269 = vector.bitcast %gather3A_268 : vector<16xi32> to vector<32xbf16>
          %gather3A_270 = tpu.vector_load_idx %arg12[%add3A_115, %and3A_267] : memref<160x64xi32, #tpu.memory_space<vmem>>[vector<16xi32>, vector<16xi32>], vector<16xi32>,
          %bitcast3A_271 = vector.bitcast %gather3A_270 : vector<16xi32> to vector<32xbf16>
          %unpack3A_272 = tpu.unpack_subelements %bitcast3A_269, 0 {pack_format = #tpu.pack_format<interleaved>} : vector<32xbf16> -> vector<16xf32>
          %unpack3A_273 = tpu.unpack_subelements %bitcast3A_269, 1 {pack_format = #tpu.pack_format<interleaved>} : vector<32xbf16> -> vector<16xf32>
          %unpack3A_274 = tpu.unpack_subelements %bitcast3A_271, 0 {pack_format = #tpu.pack_format<interleaved>} : vector<32xbf16> -> vector<16xf32>
          %unpack3A_275 = tpu.unpack_subelements %bitcast3A_271, 1 {pack_format = #tpu.pack_format<interleaved>} : vector<32xbf16> -> vector<16xf32>
          %mul3A_276 = arith.mulf %unpack3A_272, %unpack3A_274 : vector<16xf32>
          %mul3A_277 = arith.mulf %unpack3A_273, %unpack3A_275 : vector<16xf32>
          %add3A_278 = arith.constant 2 : i32
          %add3A_279 = vector.broadcast %add3A_278 : i32 to vector<16xi32>
          %add3A_280 = arith.addi %and3A_249, %add3A_279 : vector<16xi32>
          %and3A_281 = arith.constant 63 : i32
          %and3A_282 = vector.broadcast %and3A_281 : i32 to vector<16xi32>
          %and3A_283 = arith.andi %add3A_280, %and3A_282 : vector<16xi32>
          %gather3A_284 = tpu.vector_load_idx %arg12[%add3A_112, %and3A_283] : memref<160x64xi32, #tpu.memory_space<vmem>>[vector<16xi32>, vector<16xi32>], vector<16xi32>,
          %bitcast3A_285 = vector.bitcast %gather3A_284 : vector<16xi32> to vector<32xbf16>
          %gather3A_286 = tpu.vector_load_idx %arg12[%add3A_115, %and3A_283] : memref<160x64xi32, #tpu.memory_space<vmem>>[vector<16xi32>, vector<16xi32>], vector<16xi32>,
          %bitcast3A_287 = vector.bitcast %gather3A_286 : vector<16xi32> to vector<32xbf16>
          %unpack3A_288 = tpu.unpack_subelements %bitcast3A_285, 0 {pack_format = #tpu.pack_format<interleaved>} : vector<32xbf16> -> vector<16xf32>
          %unpack3A_289 = tpu.unpack_subelements %bitcast3A_285, 1 {pack_format = #tpu.pack_format<interleaved>} : vector<32xbf16> -> vector<16xf32>
          %unpack3A_290 = tpu.unpack_subelements %bitcast3A_287, 0 {pack_format = #tpu.pack_format<interleaved>} : vector<32xbf16> -> vector<16xf32>
          %unpack3A_291 = tpu.unpack_subelements %bitcast3A_287, 1 {pack_format = #tpu.pack_format<interleaved>} : vector<32xbf16> -> vector<16xf32>
          %mul3A_292 = arith.mulf %unpack3A_288, %unpack3A_290 : vector<16xf32>
          %mul3A_293 = arith.mulf %unpack3A_289, %unpack3A_291 : vector<16xf32>
          %add3A_294 = arith.constant 3 : i32
          %add3A_295 = vector.broadcast %add3A_294 : i32 to vector<16xi32>
          %add3A_296 = arith.addi %and3A_249, %add3A_295 : vector<16xi32>
          %and3A_297 = arith.constant 63 : i32
          %and3A_298 = vector.broadcast %and3A_297 : i32 to vector<16xi32>
          %and3A_299 = arith.andi %add3A_296, %and3A_298 : vector<16xi32>
          %gather3A_300 = tpu.vector_load_idx %arg12[%add3A_112, %and3A_299] : memref<160x64xi32, #tpu.memory_space<vmem>>[vector<16xi32>, vector<16xi32>], vector<16xi32>,
          %bitcast3A_301 = vector.bitcast %gather3A_300 : vector<16xi32> to vector<32xbf16>
          %gather3A_302 = tpu.vector_load_idx %arg12[%add3A_115, %and3A_299] : memref<160x64xi32, #tpu.memory_space<vmem>>[vector<16xi32>, vector<16xi32>], vector<16xi32>,
          %bitcast3A_303 = vector.bitcast %gather3A_302 : vector<16xi32> to vector<32xbf16>
          %unpack3A_304 = tpu.unpack_subelements %bitcast3A_301, 0 {pack_format = #tpu.pack_format<interleaved>} : vector<32xbf16> -> vector<16xf32>
          %unpack3A_305 = tpu.unpack_subelements %bitcast3A_301, 1 {pack_format = #tpu.pack_format<interleaved>} : vector<32xbf16> -> vector<16xf32>
          %unpack3A_306 = tpu.unpack_subelements %bitcast3A_303, 0 {pack_format = #tpu.pack_format<interleaved>} : vector<32xbf16> -> vector<16xf32>
          %unpack3A_307 = tpu.unpack_subelements %bitcast3A_303, 1 {pack_format = #tpu.pack_format<interleaved>} : vector<32xbf16> -> vector<16xf32>
          %mul3A_308 = arith.mulf %unpack3A_304, %unpack3A_306 : vector<16xf32>
          %mul3A_309 = arith.mulf %unpack3A_305, %unpack3A_307 : vector<16xf32>
          %add3A_310 = arith.addf %add3A_236, %mul3A_260 : vector<16xf32>
          %add3A_311 = arith.addf %add3A_237, %mul3A_261 : vector<16xf32>
          %add3A_312 = arith.addf %add3A_238, %mul3A_276 : vector<16xf32>
          %add3A_313 = arith.addf %add3A_239, %mul3A_277 : vector<16xf32>
          %add3A_314 = arith.addf %add3A_240, %mul3A_292 : vector<16xf32>
          %add3A_315 = arith.addf %add3A_241, %mul3A_293 : vector<16xf32>
          %add3A_316 = arith.addf %add3A_242, %mul3A_308 : vector<16xf32>
          %add3A_317 = arith.addf %add3A_243, %mul3A_309 : vector<16xf32>
          %add3A_318 = arith.constant 4 : i32
          %add3A_319 = vector.broadcast %add3A_318 : i32 to vector<16xi32>
          %add3A_320 = arith.addi %and3A_249, %add3A_319 : vector<16xi32>
          %and3A_321 = arith.constant 63 : i32
          %and3A_322 = vector.broadcast %and3A_321 : i32 to vector<16xi32>
          %and3A_323 = arith.andi %add3A_320, %and3A_322 : vector<16xi32>
          scf.yield %add3A_310, %add3A_311, %add3A_312, %add3A_313, %add3A_314, %add3A_315, %add3A_316, %add3A_317, %and3A_323 : vector<16xf32>, vector<16xf32>, vector<16xf32>, vector<16xf32>, vector<16xf32>, vector<16xf32>, vector<16xf32>, vector<16xf32>, vector<16xi32>
        }
        %scan3A_137 = arith.constant 16 : i32
        %add3A_138 = arith.addf %scan3A_136#0, %scan3A_136#1 : vector<16xf32>
        %add3A_139 = arith.addf %scan3A_136#2, %scan3A_136#3 : vector<16xf32>
        %add3A_140 = arith.addf %add3A_138, %add3A_139 : vector<16xf32>
        %add3A_141 = arith.addf %scan3A_136#4, %scan3A_136#5 : vector<16xf32>
        %add3A_142 = arith.addf %scan3A_136#6, %scan3A_136#7 : vector<16xf32>
        %add3A_143 = arith.addf %add3A_141, %add3A_142 : vector<16xf32>
        %add3A_144 = arith.addf %add3A_140, %add3A_143 : vector<16xf32>
        %gather3A = tpu.vector_load_idx %arg9[%get3A_124] : memref<10000xi32, #tpu.memory_space<vmem>>[vector<16xi32>], vector<16xi32>,
        %gather3A_145 = tpu.vector_load_idx %arg9[%get3A_130] : memref<10000xi32, #tpu.memory_space<vmem>>[vector<16xi32>], vector<16xi32>,
        %mul3A_146 = arith.constant 14.2857141 : f32
        %mul3A_147 = vector.broadcast %mul3A_146 : f32 to vector<16xf32>
        %mul3A_148 = arith.mulf %add3A_144, %mul3A_147 : vector<16xf32>
        %sub3A = arith.constant 14.2857141 : f32
        %sub3A_149 = vector.broadcast %sub3A : f32 to vector<16xf32>
        %sub3A_150 = arith.subf %mul3A_148, %sub3A_149 : vector<16xf32>
        %exp3A = math.exp %sub3A_150 : vector<16xf32>
        %eq3A_151 = arith.cmpi eq, %gather3A, %gather3A_145 : vector<16xi32>
        %ne3A = arith.constant -1 : i32
        %ne3A_152 = vector.broadcast %ne3A : i32 to vector<16xi32>
        %ne3A_153 = arith.cmpi ne, %gather3A, %ne3A_152 : vector<16xi32>
        %and3A = arith.andi %eq3A_151, %ne3A_153 : vector<16xi1>
        %ne3A_154 = arith.constant -1 : i32
        %ne3A_155 = vector.broadcast %ne3A_154 : i32 to vector<16xi32>
        %ne3A_156 = arith.cmpi ne, %gather3A_145, %ne3A_155 : vector<16xi32>
        %and3A_157 = arith.andi %and3A, %ne3A_156 : vector<16xi1>
        %swap3A = arith.index_cast %add3A_119 : i32 to index
        %swap3A_158 = tpu.vector_load %arg16[%swap3A] {strides = array<i32>} : memref<2000xf32, #tpu.memory_space<vmem>>, vector<16xf32>,
        tpu.vector_store %arg16[%swap3A], %exp3A {strides = array<i32>} : memref<2000xf32, #tpu.memory_space<vmem>>, vector<16xf32>,
        %jit3A = arith.constant 1.000000e+00 : f32
        %jit3A_159 = arith.constant 0.000000e+00 : f32
        %broadcast_in_dim3A_160 = vector.broadcast %jit3A : f32 to vector<16xf32>
        %broadcast_in_dim3A_161 = vector.broadcast %jit3A_159 : f32 to vector<16xf32>
        %select_n3A = arith.select %and3A_157, %broadcast_in_dim3A_160, %broadcast_in_dim3A_161 : vector<16xi1>, vector<16xf32>
        %swap3A_162 = arith.index_cast %add3A_119 : i32 to index
        %swap3A_163 = tpu.vector_load %arg17[%swap3A_162] {strides = array<i32>} : memref<2000xf32, #tpu.memory_space<vmem>>, vector<16xf32>,
        tpu.vector_store %arg17[%swap3A_162], %select_n3A {strides = array<i32>} : memref<2000xf32, #tpu.memory_space<vmem>>, vector<16xf32>,
        %jit3A_164 = arith.constant 0.000000e+00 : f32
        %broadcast_in_dim3A_165 = vector.broadcast %jit3A_164 : f32 to vector<16xf32>
        %select_n3A_166 = arith.select %and3A_157, %broadcast_in_dim3A_165, %exp3A : vector<16xi1>, vector<16xf32>
        %swap3A_167 = arith.index_cast %add3A_119 : i32 to index
        %swap3A_168 = tpu.vector_load %arg18[%swap3A_167] {strides = array<i32>} : memref<2000xf32, #tpu.memory_space<vmem>>, vector<16xf32>,
        tpu.vector_store %arg18[%swap3A_167], %select_n3A_166 {strides = array<i32>} : memref<2000xf32, #tpu.memory_space<vmem>>, vector<16xf32>,
        %scan3A_169 = arith.constant 0 : i32
        scf.yield %scan3A_169 : i32
      }
      %scan3A_105 = arith.constant 5 : i32
      "tpu.region"() ({
        %run_scoped3A = tpu.sem_alloc : memref<!tpu.dma_semaphore, #tpu.memory_space<semaphore_mem>>
        %dma_start3A_107 = tpu.memref_slice %arg6[%multiple_of3A] : memref<320000xf32, #tpu.memory_space<hbm>> -> memref<2000xf32, #tpu.memory_space<hbm>>
        %dma_start3A_108 = tpu.memref_slice %arg6[%multiple_of3A] : memref<320000xf32, #tpu.memory_space<hbm>> -> memref<2000xf32, #tpu.memory_space<hbm>>
        tpu.enqueue_dma source(%arg16 : memref<2000xf32, #tpu.memory_space<vmem>>) target(%dma_start3A_108 : memref<2000xf32, #tpu.memory_space<hbm>>) target_semaphore(%run_scoped3A : memref<!tpu.dma_semaphore, #tpu.memory_space<semaphore_mem>>)
        %dma_wait3A_109 = tpu.memref_slice %arg6[%multiple_of3A] : memref<320000xf32, #tpu.memory_space<hbm>> -> memref<2000xf32, #tpu.memory_space<hbm>>
        %dma_wait3A_110 = tpu.memref_slice %arg6[%multiple_of3A] : memref<320000xf32, #tpu.memory_space<hbm>> -> memref<2000xf32, #tpu.memory_space<hbm>>
        tpu.wait_dma2 semaphore(%run_scoped3A : memref<!tpu.dma_semaphore, #tpu.memory_space<semaphore_mem>>) src(%arg16 : memref<2000xf32, #tpu.memory_space<vmem>>) dst(%dma_wait3A_110 : memref<2000xf32, #tpu.memory_space<hbm>>)
        tpu.yield
      }) : () -> ()
      "tpu.region"() ({
        %run_scoped3A = tpu.sem_alloc : memref<!tpu.dma_semaphore, #tpu.memory_space<semaphore_mem>>
        %dma_start3A_107 = tpu.memref_slice %arg7[%multiple_of3A] : memref<320000xf32, #tpu.memory_space<hbm>> -> memref<2000xf32, #tpu.memory_space<hbm>>
        %dma_start3A_108 = tpu.memref_slice %arg7[%multiple_of3A] : memref<320000xf32, #tpu.memory_space<hbm>> -> memref<2000xf32, #tpu.memory_space<hbm>>
        tpu.enqueue_dma source(%arg17 : memref<2000xf32, #tpu.memory_space<vmem>>) target(%dma_start3A_108 : memref<2000xf32, #tpu.memory_space<hbm>>) target_semaphore(%run_scoped3A : memref<!tpu.dma_semaphore, #tpu.memory_space<semaphore_mem>>)
        %dma_wait3A_109 = tpu.memref_slice %arg7[%multiple_of3A] : memref<320000xf32, #tpu.memory_space<hbm>> -> memref<2000xf32, #tpu.memory_space<hbm>>
        %dma_wait3A_110 = tpu.memref_slice %arg7[%multiple_of3A] : memref<320000xf32, #tpu.memory_space<hbm>> -> memref<2000xf32, #tpu.memory_space<hbm>>
        tpu.wait_dma2 semaphore(%run_scoped3A : memref<!tpu.dma_semaphore, #tpu.memory_space<semaphore_mem>>) src(%arg17 : memref<2000xf32, #tpu.memory_space<vmem>>) dst(%dma_wait3A_110 : memref<2000xf32, #tpu.memory_space<hbm>>)
        tpu.yield
      }) : () -> ()
      "tpu.region"() ({
        %run_scoped3A = tpu.sem_alloc : memref<!tpu.dma_semaphore, #tpu.memory_space<semaphore_mem>>
        %dma_start3A_107 = arith.constant 0 : i32
        %dma_start3A_108 = tpu.memref_slice %arg19[%dma_start3A_107] : memref<10000xf32, #tpu.memory_space<vmem_shared>> -> memref<10000xf32, #tpu.memory_space<vmem_shared>>
        tpu.enqueue_indirect_dma source(%arg18 : memref<2000xf32, #tpu.memory_space<vmem>>) target(%dma_start3A_108 : memref<10000xf32, #tpu.memory_space<vmem_shared>>) offsets(%arg11 : memref<2000xi32, #tpu.memory_space<vmem>>) semaphore(%run_scoped3A : memref<!tpu.dma_semaphore, #tpu.memory_space<semaphore_mem>>) {add = true}
        %dma_wait3A_109 = arith.constant 0 : i32
        %dma_wait3A_110 = tpu.memref_slice %arg19[%dma_wait3A_109] : memref<10000xf32, #tpu.memory_space<vmem_shared>> -> memref<10000xf32, #tpu.memory_space<vmem_shared>>
        tpu.wait_indirect_dma semaphore(%run_scoped3A : memref<!tpu.dma_semaphore, #tpu.memory_space<semaphore_mem>>) src(%arg18 : memref<2000xf32, #tpu.memory_space<vmem>>) dst(%dma_wait3A_110 : memref<10000xf32, #tpu.memory_space<vmem_shared>>)
        tpu.yield
      }) : () -> ()
      %scan3A_106 = arith.constant 0 : i32
      scf.yield %scan3A_106 : i32
    }
    %scan3A_8 = arith.constant 5 : i32
    %barrier3A_9 = arith.constant 0 : index
    tpu.barrier barrier_id(%barrier3A_9)
    %eq3A_10 = arith.constant 0 : i32
    %eq3A_11 = arith.cmpi eq, %arg1, %eq3A_10 : i32
    %convert_element_type3A_12 = arith.extui %eq3A_11 : i1 to i32
    %cond3A_13 = arith.constant 0 : i32
    %cond3A_14 = arith.cmpi ne, %convert_element_type3A_12, %cond3A_13 : i32
    scf.if %cond3A_14 {
      "tpu.region"() ({
        %run_scoped3A = tpu.sem_alloc : memref<!tpu.dma_semaphore, #tpu.memory_space<semaphore_mem>>
        %dma_start3A = arith.constant 0 : i32
        %dma_start3A_15 = tpu.memref_slice %arg8[%arg0, %dma_start3A] : memref<2x10000xf32, #tpu.memory_space<hbm>> -> memref<1x10000xf32, #tpu.memory_space<hbm>>
        %dma_start3A_16 = tpu.memref_squeeze %dma_start3A_15 : memref<1x10000xf32, #tpu.memory_space<hbm>> -> memref<10000xf32, #tpu.memory_space<hbm>>
        tpu.enqueue_dma source(%arg19 : memref<10000xf32, #tpu.memory_space<vmem_shared>>) target(%dma_start3A_16 : memref<10000xf32, #tpu.memory_space<hbm>>) target_semaphore(%run_scoped3A : memref<!tpu.dma_semaphore, #tpu.memory_space<semaphore_mem>>)
        %dma_wait3A = arith.constant 0 : i32
        %dma_wait3A_17 = tpu.memref_slice %arg8[%arg0, %dma_wait3A] : memref<2x10000xf32, #tpu.memory_space<hbm>> -> memref<1x10000xf32, #tpu.memory_space<hbm>>
        %dma_wait3A_18 = tpu.memref_squeeze %dma_wait3A_17 : memref<1x10000xf32, #tpu.memory_space<hbm>> -> memref<10000xf32, #tpu.memory_space<hbm>>
        tpu.wait_dma2 semaphore(%run_scoped3A : memref<!tpu.dma_semaphore, #tpu.memory_space<semaphore_mem>>) src(%arg19 : memref<10000xf32, #tpu.memory_space<vmem_shared>>) dst(%dma_wait3A_18 : memref<10000xf32, #tpu.memory_space<hbm>>)
        tpu.yield
      }) : () -> ()
    } else {
    }
    return
  }
}

module attributes {stable_mosaic.version = 14 : i64} {
  func.func @_prep_body(%arg0: memref<10000x128xf32, #tpu.memory_space<vmem>>, %arg1: memref<10000x64xi32, #tpu.memory_space<vmem>>) attributes {dimension_semantics = [], scalar_prefetch = 0 : i64, scratch_operands = 0 : i64, tpu.core_type = #tpu.core_type<tc>} {
    %get3A = arith.constant 0 : index
    %get3A_0 = arith.constant 0 : index
    %get3A_1 = vector.load %arg0[%get3A, %get3A_0] : memref<10000x128xf32, #tpu.memory_space<vmem>>, vector<10000x128xf32>
    %mul3A = arith.mulf %get3A_1, %get3A_1 : vector<10000x128xf32>
    %reduce_sum3A = arith.constant dense<0.000000e+00> : vector<10000xf32>
    %reduce_sum3A_2 = vector.multi_reduction <add>, %mul3A, %reduce_sum3A [1] : vector<10000x128xf32> to vector<10000xf32>
    %broadcast_in_dim3A = vector.shape_cast %reduce_sum3A_2 : vector<10000xf32> to vector<10000x1xf32>
    %sqrt3A = math.sqrt %broadcast_in_dim3A : vector<10000x1xf32>
    %gt3A = arith.constant 0.000000e+00 : f32
    %gt3A_3 = vector.broadcast %gt3A : f32 to vector<10000x1xf32>
    %gt3A_4 = arith.cmpf ogt, %sqrt3A, %gt3A_3 : vector<10000x1xf32>
    %max3A = arith.constant 1.000000e-30 : f32
    %max3A_5 = vector.broadcast %max3A : f32 to vector<10000x1xf32>
    %max3A_6 = arith.maximumf %sqrt3A, %max3A_5 : vector<10000x1xf32>
    %div3A = arith.constant 1.000000e+00 : f32
    %div3A_7 = vector.broadcast %div3A : f32 to vector<10000x1xf32>
    %div3A_8 = arith.divf %div3A_7, %max3A_6 : vector<10000x1xf32>
    %jit3A = arith.constant 0.000000e+00 : f32
    %broadcast_in_dim3A_9 = vector.broadcast %jit3A : f32 to vector<10000x1xf32>
    %select_n3A = arith.select %gt3A_4, %div3A_8, %broadcast_in_dim3A_9 : vector<10000x1xi1>, vector<10000x1xf32>
    %mul3A_10 = vector.broadcast %select_n3A : vector<10000x1xf32> to vector<10000x128xf32>
    %mul3A_11 = arith.mulf %get3A_1, %mul3A_10 : vector<10000x128xf32>
    %slice3A = vector.extract_strided_slice %mul3A_11 {offsets = [0, 0], sizes = [10000, 64], strides = [1, 1]} : vector<10000x128xf32> to vector<10000x64xf32>
    %convert_element_type3A = arith.truncf %slice3A : vector<10000x64xf32> to vector<10000x64xbf16>
    %bitcast_convert_type3A = tpu.bitcast %convert_element_type3A : vector<10000x64xbf16> -> vector<10000x64xi16>
    %convert_element_type3A_12 = arith.extui %bitcast_convert_type3A : vector<10000x64xi16> to vector<10000x64xi32>
    %slice3A_13 = vector.extract_strided_slice %mul3A_11 {offsets = [0, 64], sizes = [10000, 64], strides = [1, 1]} : vector<10000x128xf32> to vector<10000x64xf32>
    %convert_element_type3A_14 = arith.truncf %slice3A_13 : vector<10000x64xf32> to vector<10000x64xbf16>
    %bitcast_convert_type3A_15 = tpu.bitcast %convert_element_type3A_14 : vector<10000x64xbf16> -> vector<10000x64xi16>
    %convert_element_type3A_16 = arith.extui %bitcast_convert_type3A_15 : vector<10000x64xi16> to vector<10000x64xi32>
    %shift_left3A = arith.constant 16 : i32
    %shift_left3A_17 = vector.broadcast %shift_left3A : i32 to vector<10000x64xi32>
    %shift_left3A_18 = arith.shli %convert_element_type3A_16, %shift_left3A_17 : vector<10000x64xi32>
    %or3A = arith.ori %convert_element_type3A_12, %shift_left3A_18 : vector<10000x64xi32>
    %swap3A = arith.constant 0 : index
    %swap3A_19 = arith.constant 0 : index
    %swap3A_20 = vector.load %arg1[%swap3A, %swap3A_19] : memref<10000x64xi32, #tpu.memory_space<vmem>>, vector<10000x64xi32>
    tpu.vector_store %arg1[%swap3A, %swap3A_19], %or3A {strides = array<i32>} : memref<10000x64xi32, #tpu.memory_space<vmem>>, vector<10000x64xi32>,
    return
  }
}

module attributes {stable_mosaic.version = 14 : i64} {
  func.func @_loss_body(%arg0: memref<2500x128xf32, #tpu.memory_space<vmem>>, %arg1: memref<2500x128xf32, #tpu.memory_space<vmem>>, %arg2: memref<2500x128xf32, #tpu.memory_space<vmem>>, %arg3: memref<1x1xf32, #tpu.memory_space<smem>>) attributes {dimension_semantics = [], scalar_prefetch = 0 : i64, scratch_operands = 0 : i64, tpu.core_type = #tpu.core_type<tc>} {
    %get3A = arith.constant 0 : index
    %get3A_0 = arith.constant 0 : index
    %get3A_1 = vector.load %arg0[%get3A, %get3A_0] : memref<2500x128xf32, #tpu.memory_space<vmem>>, vector<2500x128xf32>
    %get3A_2 = arith.constant 0 : index
    %get3A_3 = arith.constant 0 : index
    %get3A_4 = vector.load %arg1[%get3A_2, %get3A_3] : memref<2500x128xf32, #tpu.memory_space<vmem>>, vector<2500x128xf32>
    %get3A_5 = arith.constant 0 : index
    %get3A_6 = arith.constant 0 : index
    %get3A_7 = vector.load %arg2[%get3A_5, %get3A_6] : memref<2500x128xf32, #tpu.memory_space<vmem>>, vector<2500x128xf32>
    %add3A = arith.addf %get3A_1, %get3A_4 : vector<2500x128xf32>
    %div3A = arith.divf %get3A_1, %add3A : vector<2500x128xf32>
    %log3A = math.log %div3A : vector<2500x128xf32>
    %neg3A = arith.constant 0.000000e+00 : f32
    %neg3A_8 = vector.broadcast %neg3A : f32 to vector<2500x128xf32>
    %neg3A_9 = arith.subf %neg3A_8, %log3A : vector<2500x128xf32>
    %mul3A = arith.mulf %neg3A_9, %get3A_7 : vector<2500x128xf32>
    %reduce_sum3A = vector.shape_cast %mul3A : vector<2500x128xf32> to vector<1x2500x128xf32>
    %reduce_sum3A_10 = arith.constant dense<0.000000e+00> : vector<1xf32>
    %reduce_sum3A_11 = vector.multi_reduction <add>, %reduce_sum3A, %reduce_sum3A_10 [1, 2] : vector<1x2500x128xf32> to vector<1xf32>
    %reduce_sum3A_12 = vector.shape_cast %reduce_sum3A_11 : vector<1xf32> to vector<1x1x1xf32>
    %reduce_sum3A_13 = vector.extract %reduce_sum3A_12[0, 0, 0] : f32 from vector<1x1x1xf32>
    %reduce_sum3A_14 = vector.shape_cast %get3A_7 : vector<2500x128xf32> to vector<1x2500x128xf32>
    %reduce_sum3A_15 = arith.constant dense<0.000000e+00> : vector<1xf32>
    %reduce_sum3A_16 = vector.multi_reduction <add>, %reduce_sum3A_14, %reduce_sum3A_15 [1, 2] : vector<1x2500x128xf32> to vector<1xf32>
    %reduce_sum3A_17 = vector.shape_cast %reduce_sum3A_16 : vector<1xf32> to vector<1x1x1xf32>
    %reduce_sum3A_18 = vector.extract %reduce_sum3A_17[0, 0, 0] : f32 from vector<1x1x1xf32>
    %div3A_19 = arith.divf %reduce_sum3A_13, %reduce_sum3A_18 : f32
    %swap3A = arith.constant 0 : index
    %swap3A_20 = arith.constant 0 : index
    %swap3A_21 = memref.load %arg3[%swap3A, %swap3A_20] : memref<1x1xf32, #tpu.memory_space<smem>>
    memref.store %div3A_19, %arg3[%swap3A, %swap3A_20] : memref<1x1xf32, #tpu.memory_space<smem>>
    return
  }
}

</mosaic_0001>

<sc_bundles>
// kernel: kernel.6.cloned.1.call-start
scs
__scs_entry_jumppad:
0x0: {  	(pc) =	sbr.rel $0x88, $3  }
0x1: {  	(tag) =	ssettag $0x0;
	lr =	simm.s32 $0x1  }
0x2: {  	[smem:$0x3F9E] =	sst lr;
	_ =	strace $0xD0000000  }
0x3: {  	_ = 	snop  }
0x4: {  	_ = 	snop  }
0x5: {  	_ = 	snop  }
0x6: {  	_ = 	snop  }
0x7: {  	_ = 	snop  }
__scs_overlays_trampoline_lowered:
0x8: {  	[smem:$0x3FAD] =	sst s0  }
0x9: {  	[smem:$0x3FAE] =	sst s1  }
0xa: {  	[smem:$0x3FAF] =	sst s2  }
0xb: {  	[smem:$0x3FB0] =	sst s3  }
0xc: {  	[smem:$0x3FB1] =	sst s4  }
0xd: {  	[smem:$0x3FB2] =	sst s5  }
0xe: {  	[smem:$0x3FB3] =	sst s6  }
0xf: {  	[smem:$0x3FB4] =	sst s7  }
0x10: {  	[smem:$0x3FB5] =	sst s8  }
0x11: {  	[smem:$0x3FB6] =	sst s9;
	s0 =	simm.s32 @!p0 $0x0  }
0x12: {  	s1 =	sld [smem:$0x3F9C];
	s0 =	simm.s32 @p0 $0x1  }
0x13: {  	[smem:$0x3FB7] =	sst s0;
	s0 =	simm.s32 @!p1 $0x0  }
0x14: {  	s2 =	sld [smem:$0x3F9B];
	s0 =	simm.s32 @p1 $0x1  }
0x15: {  	[smem:$0x3FB8] =	sst s0;
	s0 =	simm.s32 @!p2 $0x0  }
0x16: {  	s3 =	sld [smem:$0x3FDB];
	s0 =	simm.s32 @p2 $0x1  }
0x17: {  	s4 =	simm.s32 $0x1BF5;
	[smem:$0x3FBA] =	sst s0  }
0x18: {  	s0 =	sld [smem:$0x3F9D];
	_ =	swait.ge [sflag:s4], $0x0  }
0x19: {  	s7 =	sld [smem:$0x3F9E]  }
0x1a: {  	s8 =	sadd.s32 $0xFFFFE003, lr  }
0x1b: {  	s9 =	sadd.s32 $0xFFFFFEF7, lr;
	s5 =	simm.s32 $0xFFFFFFFF;
	p2 =	slt.u32 s8, $0xFFFFF086  }
0x1c: {  	p1 =	slt.u32 s9, $0xF7A;
	s5 =	simm.s32 @!p2 $0x0  }
0x1d: {  	s5 =	simm.s32 @p1 $0x1;
	p0 =	seq.s32 s7, s2  }
0x1e: {  	s7 =	smul.u32 @!p0 $0xF7A, s2;
	p2 =	seq.s32 @!p0 s5, $0x0  }
0x1f: {  	s9 =	smul.u32 $0xF7A, s1;
	s8 =	simm.s32 @!p0 $0x1BF5;
	p2 =	por !p2, p0  }
0x20: {  	[sflag:s8] =	ssyncset.s32 @!p0 $0xFFFFF086;
	s6 =	sadd.s32 @!p0 s3, s7;
	s7 =	simm.s32 @!p0 $0x108  }
0x21: {  	s3 =	sadd.s32 s3, s9;
	s6 =	sadd.s32 @!p0 $0x88, s6;
	s7 =	simm.s32 @p2 $0x1082  }
0x22: {  	[simem:s7], [sflag:s8] =	dma.local @!p0 [hbm:s6], $0xF7A  }
0x23: {  	s9 =	sor.u32 $0xD0000000, s2;
	s6 =	simm.s32 $0x108;
	_ =	swait.ge @!p0 [sflag:s8], $0x0  }
0x24: {  	s3 =	sadd.s32 $0x88, s3;
	s6 =	simm.s32 @!p1 $0x1082;
	[sflag:s4] =	ssyncset.s32 $0xFFFFF086  }
0x25: {  	[simem:s6], [sflag:s4] =	dma.local [hbm:s3], $0xF7A  }
0x26: {  	[smem:$0x3F9E] =	sst s1;
	(tag) =	ssettag s2;
	_ =	strace s9  }
0x27: {  	s1 =	sld [smem:$0x3FAE]  }
0x28: {  	s2 =	sld [smem:$0x3FAF]  }
0x29: {  	s4 =	sld [smem:$0x3FB1]  }
0x2a: {  	p0 =	seq.s32 s5, $0x0;
	s5 =	sld [smem:$0x3FB2]  }
0x2b: {  	s6 =	sld [smem:$0x3FB3]  }
0x2c: {  	s7 =	sld [smem:$0x3FB4]  }
0x2d: {  	s3 =	simm.s32 $0x108;
	s8 =	sld [smem:$0x3FB5]  }
0x2e: {  	s3 =	simm.s32 @!p0 $0x1082;
	s9 =	sld [smem:$0x3FB6]  }
0x2f: {  	lr =	sadd.s32 s0, s3;
	s0 =	sld [smem:$0x3FAD]  }
0x30: {  	s3 =	sld [smem:$0x3FB0]  }
0x31: {  	[smem:$0x3FB9] =	sst s10  }
0x32: {  	s10 =	sld [smem:$0x3FB7];
	_ =	sdelay $0x3  }
0x33: {  	p0 =	seq.s32 s10, $0x1;
	s10 =	sld [smem:$0x3FB9];
	_ =	sdelay $0x3  }
0x34: {  	[smem:$0x3FB9] =	sst s10  }
0x35: {  	s10 =	sld [smem:$0x3FB8];
	_ =	sdelay $0x3  }
0x36: {  	p1 =	seq.s32 s10, $0x1;
	s10 =	sld [smem:$0x3FB9];
	_ =	sdelay $0x3  }
0x37: {  	[smem:$0x3FB9] =	sst s10  }
0x38: {  	s10 =	sld [smem:$0x3FBA]  }
0x39: {  	_ = 	snop;
	(pc) =	sbr.ind lr, $3  }
0x3a: {  	_ = 	snop  }
0x3b: {  	_ = 	snop  }
0x3c: {  	p2 =	seq.s32 s10, $0x1;
	s10 =	sld [smem:$0x3FB9]  }
0x3d: {  	_ =	shalt  }
0x3e: {  	_ =	shalt  }
0x3f: {  	_ =	shalt  }
0x40: {  	_ =	shalt  }
0x41: {  	_ =	shalt  }
0x42: {  	_ =	shalt  }
0x43: {  	_ =	shalt  }
0x44: {  	_ =	shalt  }
0x45: {  	_ =	shalt  }
0x46: {  	_ =	shalt  }
0x47: {  	_ =	shalt  }
0x48: {  	_ =	shalt  }
0x49: {  	_ =	shalt  }
0x4a: {  	_ =	shalt  }
0x4b: {  	_ =	shalt  }
0x4c: {  	_ =	shalt  }
0x4d: {  	_ =	shalt  }
0x4e: {  	_ =	shalt  }
0x4f: {  	_ =	shalt  }
0x50: {  	_ =	shalt  }
0x51: {  	_ =	shalt  }
0x52: {  	_ =	shalt  }
0x53: {  	_ =	shalt  }
0x54: {  	_ =	shalt  }
0x55: {  	_ =	shalt  }
0x56: {  	_ =	shalt  }
0x57: {  	_ =	shalt  }
0x58: {  	_ =	shalt  }
0x59: {  	_ =	shalt  }
0x5a: {  	_ =	shalt  }
0x5b: {  	_ =	shalt  }
0x5c: {  	_ =	shalt  }
0x5d: {  	_ =	shalt  }
0x5e: {  	_ =	shalt  }
0x5f: {  	_ =	shalt  }
0x60: {  	_ =	shalt  }
0x61: {  	_ =	shalt  }
0x62: {  	_ =	shalt  }
0x63: {  	_ =	shalt  }
0x64: {  	_ =	shalt  }
0x65: {  	_ =	shalt  }
0x66: {  	_ =	shalt  }
0x67: {  	_ =	shalt  }
0x68: {  	_ =	shalt  }
0x69: {  	_ =	shalt  }
0x6a: {  	_ =	shalt  }
0x6b: {  	_ =	shalt  }
0x6c: {  	_ =	shalt  }
0x6d: {  	_ =	shalt  }
0x6e: {  	_ =	shalt  }
0x6f: {  	_ =	shalt  }
0x70: {  	_ =	shalt  }
0x71: {  	_ =	shalt  }
0x72: {  	_ =	shalt  }
0x73: {  	_ =	shalt  }
0x74: {  	_ =	shalt  }
0x75: {  	_ =	shalt  }
0x76: {  	_ =	shalt  }
0x77: {  	_ =	shalt  }
0x78: {  	_ =	shalt  }
0x79: {  	_ =	shalt  }
0x7a: {  	_ =	shalt  }
0x7b: {  	_ =	shalt  }
0x7c: {  	_ =	shalt  }
0x7d: {  	_ =	shalt  }
0x7e: {  	_ =	shalt  }
0x7f: {  	_ =	shalt  }
0x80: {  	_ =	shalt  }
0x81: {  	_ =	shalt  }
0x82: {  	_ =	shalt  }
0x83: {  	_ =	shalt  }
0x84: {  	_ =	shalt  }
0x85: {  	_ =	shalt  }
0x86: {  	_ =	shalt  }
0x87: {  	_ =	shalt  }
.Lfunc_end0:
.L_simem_size_0:
called_computation_lowered:
.L_overlay_start_0:
0x88: {  	s2 =	sld [smem:$0x3FD9]  }
0x89: {  	s3 =	sld [smem:$0x3FFE];
	_ =	sdelay $0x1  }
0x8a: {  	s1 =	srdreg.scid  }
0x8b: {  	s0 =	sand.u32 $0x1, s1  }
0x8c: {  	s17 =	sshll.u32 s0, $0xA;
	s2 =	sadd.s32 s3, s2  }
0x8d: {  	s2 =	sadd.s32 s2, s17  }
0x8e: {  	[smem:$0x3FC5] =	sst s2  }
0x8f: {  	_ = 	snop  }
0x90: {  	s2 =	sld [smem:$0x3FC7];
	(tm) =	ssettm $0x1  }
0x91: {  	s18 =	sld [smem:$0x3FFB];
	_ =	sdelay $0x3  }
0x92: {  	_ =	strace s18  }
0x93: {  	s3 =	sld [smem:$0x3FFC];
	_ =	sdelay $0x3  }
0x94: {  	_ =	strace s3  }
0x95: {  	s3 =	sld [smem:$0x3FFD];
	_ =	sdelay $0x3  }
0x96: {  	_ =	strace s3  }
0x97: {  	_ =	strace $0x8FFFFFFF  }
0x98: {  	s19 =	sld [smem:$0x3FDB];
	_ =	sdelay $0x1  }
0x99: {  	s4 =	simm.s32 $_scs_section_size  }
0x9a: {  	s5 =	simm.s32 $_size__tile_overlayer_lowered;
	s6 =	simm.s32 $_tile_overlayer_lowered  }
0x9b: {  	s22 =	simm.s32 $0x1BFF;
	s21 =	sshll.u32 s6, $0x1;
	s3 =	sadd.s32 s4, s19  }
0x9c: {  	s7 =	simm.s32 $0x0;
	s20 =	sshll.u32 s5, $0x1;
	s5 =	sadd.s32 s21, s3  }
0x9d: {  	[timem:s7], [sflag:s22] =	dma.local [hbm:s5], s20  }
0x9e: {  	_ =	swait.ge [sflag:s22], s20  }
0x9f: {  	s4 =	ssub.s32 $0x0, s20;
	[sflag:s22] =	ssyncset.done $0x0  }
0xa0: {  	[sflag:s22] =	ssyncadd.s32 s4;
	_ =	sdelay $0x1  }
0xa1: {  	s23 =	simm.s32 $0x1B8B  }
0xa2: {  	_ =	swait.ge [sflag:s23], $0x1  }
0xa3: {  	[sflag:s23] =	ssyncset.done $0x0  }
0xa4: {  	s25 =	simm.s32 $0x1B8E;
	s24 =	sld [smem:$0x3FFE];
	[sflag:s23] =	ssyncadd.s32 $0xFFFFFFFF  }
0xa5: {  	s26 =	simm.s32 $execute0_lowered;
	[smem:$0x3FD2] =	sst s25  }
0xa6: {  	s5 =	sshll.u32 s26, $0x1;
	_ =	strace $0x80000046;
	[dreg:$0x1] =	wrdreg $0xFFFFFFFF  }
0xa7: {  	s28 =	simm.s32 $_size_execute0_lowered;
	s3 =	sadd.s32 s3, s5;
	[dreg:$0x0] =	wrdreg $0x0  }
0xa8: {  	s5 =	sshll.u32 s28, $0x1;
	[dreg:$0x2] =	wrdreg s3  }
0xa9: {  	[dreg:$0x3] =	wrdreg s5  }
0xaa: {  	[dreg:$0x4] =	wrdreg $0xC0  }
0xab: {  	_ =	task [dreg:s7], $0x5FFFF  }
0xac: {  	[dreg:$0x1] =	wrdreg $0xFFFFFFFF  }
0xad: {  	[dreg:$0x0] =	wrdreg $0x60  }
0xae: {  	[dreg:$0x2] =	wrdreg s24  }
0xaf: {  	[dreg:$0x3] =	wrdreg s2  }
0xb0: {  	[dreg:$0x4] =	wrdreg $0xF5F00  }
0xb1: {  	[dreg:$0x5] =	wrdreg $0x9  }
0xb2: {  	_ =	task.clear_ibuf [dreg:s7], $0x6FFFF;
	_ =	strace $0x90000046  }
0xb3: {  	s29 =	simm.s32 $0x9;
	_ =	strace $0x80000048  }
0xb4: {  	_ =	swait.ge [sflag:s29], $0x1  }
0xb5: {  	[sflag:s29] =	ssyncadd.s32 $0xFFFFFFFF  }
0xb6: {  	_ =	strace $0x90000048  }
0xb7: {  	_ =	sfence  }
0xb8: {  	s30 =	sld [smem:$0x0];
	_ =	sdelay $0x2  }
0xb9: {  	s31 =	sshll.u32 s1, $0xD;
	s1 =	sshrl.u32 s1, $0x2  }
0xba: {  	s3 =	sand.u32 $0x4000, s31;
	s1 =	sadd.s32 s1, s30  }
0xbb: {  	s0 =	sor.u32 s3, s0;
	s1 =	sshll.u32 s1, $0x11  }
0xbc: {  	s0 =	sor.u32 s1, s0  }
0xbd: {  	s0 =	sadd.s32 $0x8F2B, s0  }
0xbe: {  	[sflag:s0] =	ssyncadd.remote.s32 $0x1  }
0xbf: {  	_ =	sfence.sel $0xFFFF  }
0xc0: {  	[dreg:$0x0] =	wrdreg $0xFFFFFFFF;
	(pc) =	sbr.abs _section_cstart, $3  }
0xc1: {  	[dreg:$0x1] =	wrdreg $0xFFFFFFFF  }
0xc2: {  	_ =	task.clear_ibuf [dreg:s7], $0x2FFFF;
	_ =	strace $0x9FFFFFFF  }
0xc3: {  	(tm) =	ssettm $0x7FFFFFFF  }
tec
execute0_lowered:
.L_overlay_start_1:
0x0: {  	(tag) =	ssettag $0x1  }
0x1: {  	s0 =	rddreg [dreg:$0x0]  }
0x2: {  	s7 =	rddreg [dreg:$0x2];
	s3 =	simm.s32 $0x0;
	s1 =	srdreg.scid  }
0x3: {  	s23 =	stileid.u32;
	s8 =	simm.s32 $0xDE80;
	s17 =	simm.s32 $0x5  }
0x4: {  	s18 =	simm.s32 $0x2710;
	s19 =	simm.s32 $0x36B0;
	s30 =	simm.s32 $0x8E80  }
0x5: {  	s10 =	simm.s32 $0xCA80;
	s11 =	simm.s32 $0x1;
	s12 =	simm.s32 $0x2  }
0x6: {  	s14 =	simm.s32 $0x4;
	[smem:$0x7FF] =	sst s3;
	s2 =	sadd.s32 $0xB200, s0  }
0x7: {  	s20 =	sadd.s32 $0x1400, s0;
	_ =	strace $0x80000047;
	[dreg:$0x4] =	wrdreg s2  }
0x8: {  	s4 =	sadd.s32 $0x1EC00, s0;
	s21 =	sadd.s32 $0x33000, s0;
	[dreg:$0x5] =	wrdreg s20  }
0x9: {  	s1 =	sand.u32 $0x1, s1;
	s5 =	sadd.s32 $0x3CE00, s0;
	[dreg:$0x6] =	wrdreg s21  }
0xa: {  	s9 =	sshll.u32 s23, $0x1;
	s25 =	sadd.s32 $0x7D0, s7;
	[dreg:$0xd] =	wrdreg s5  }
0xb: {  	s26 =	sadd.s32 $0xFA0, s7;
	s28 =	sadd.s32 $0x1770, s7;
	[dreg:$0x7] =	wrdreg s25  }
0xc: {  	s29 =	sadd.s32 $0x1F40, s7;
	p0 =	sne.s32 s23, $0x0;
	[dreg:$0x8] =	wrdreg s26  }
0xd: {  	s23 =	simm.s32 $0x5280;
	s22 =	smul.u32 $0x4E2, s1;
	[dreg:$0x9] =	wrdreg s28  }
0xe: {  	s6 =	ssub.s32 $0x2, s1;
	s1 =	sor.u32 s1, s9;
	[dreg:$0xa] =	wrdreg s29  }
0xf: {  	s20 =	simm.s32 $0x50;
	s21 =	simm.s32 $0x3E80;
	s25 =	simm.s32 $0x6680  }
0x10: {  	s9 =	simm.s32 $0xB680;
	s24 =	sshrl.u32 s6, $0x1;
	s0 =	sadd.s32 s22, s0  }
0x11: {  	s5 =	simm.s32 $0x0;
	s2 =	ssub.s32 s6, s24;
	s0 =	sadd.s32 $0x32600, s0  }
0x12: {  	s26 =	simm.s32 $0x0;
	s31 =	smax.u32 s2, $0x1;
	[dreg:$0xb] =	wrdreg s0  }
0x13: {  	v0 =	vimm.f32 $0.0e+00;
	s13 =	smul.u32 $0x2710, s1;
	s1 =	simm.s32 $0x3;
	[dreg:$0xc] =	wrdreg s31  }
.LBB2_1:
.Ltmp0:
0x14: {  	(pc) =	sbr.rel @p0 .LBB2_5-.Ltmp0, $1  }
0x15: {  	_ =	sdelay $0x3  }
0x16: {  	s0 =	simm.s32 $0xDEC0  }
0x17: {  	[tilespmem:s0+$0xFFFFFFC0] =	vst v0  }
0x18: {  	[tilespmem:s0+$0x30] =	vst v0  }
0x19: {  	[tilespmem:s0+$0x20] =	vst v0  }
0x1a: {  	[tilespmem:s0+$0x10] =	vst v0  }
0x1b: {  	[tilespmem:s0+$0x0] =	vst v0  }
0x1c: {  	[tilespmem:s0+$0xFFFFFFF0] =	vst v0  }
0x1d: {  	s2 =	simm.s32 $0x0;
	[tilespmem:s0+$0xFFFFFFE0] =	vst v0  }
.LBB2_3:
0x1e: {  	s2 =	sadd.s32 $0x8, s2;
	[tilespmem:s0+$0xFFFFFFD0] =	vst v0;
	s0 =	sadd.s32 $0x80, s0  }
0x1f: {  	[tilespmem:s0+$0xFFFFFFC0] =	vst v0;
	p1 =	slt.u32 s2, $0x70  }
0x20: {  	[tilespmem:s0+$0x30] =	vst v0  }
.Ltmp1:
0x21: {  	[tilespmem:s0+$0x20] =	vst v0;
	(pc) =	sbr.rel @p1 .LBB2_3-.Ltmp1, $4  }
0x22: {  	[tilespmem:s0+$0x10] =	vst v0  }
0x23: {  	[tilespmem:s0+$0x0] =	vst v0  }
0x24: {  	[tilespmem:s0+$0xFFFFFFF0] =	vst v0  }
0x25: {  	[tilespmem:s0+$0xFFFFFFE0] =	vst v0  }
0x26: {  	[tilespmem:s0+$0xFFFFFFD0] =	vst v0  }
0x27: {  	[tilespmem:$0xE600] =	vst v0  }
0x28: {  	[tilespmem:$0xE610] =	vst v0  }
0x29: {  	[tilespmem:$0xE620] =	vst v0  }
0x2a: {  	[tilespmem:$0xE630] =	vst v0  }
0x2b: {  	s22 =	rddreg [dreg:$0x2];
	s2 =	simm.s32 $0xDE80;
	[tilespmem:$0xE640] =	vst v0  }
0x2c: {  	[spmem:s22] =	stream.linear.scatter [tilespmem:s2], [sflag:$0x5], $0x7D0, $0x38;
	[tilespmem:$0xF868] =	vst v63  }
0x2d: {  	_ =	swait.ge [sflag:s17], $0x7D0  }
0x2e: {  	[sflag:s17] =	ssyncset.done $0x0  }
0x2f: {  	s24 =	rddreg [dreg:$0x7];
	[sflag:s17] =	ssyncadd.s32 $0xFFFFF830  }
0x30: {  	[spmem:s24] =	stream.linear.scatter [tilespmem:s2], [sflag:$0x5], $0x7D0, $0x38;
	[tilespmem:$0xF868] =	vst v63  }
0x31: {  	_ =	swait.ge [sflag:s17], $0x7D0  }
0x32: {  	[sflag:s17] =	ssyncset.done $0x0  }
0x33: {  	s28 =	rddreg [dreg:$0x8];
	[sflag:s17] =	ssyncadd.s32 $0xFFFFF830  }
0x34: {  	[spmem:s28] =	stream.linear.scatter [tilespmem:s2], [sflag:$0x5], $0x7D0, $0x38;
	[tilespmem:$0xF868] =	vst v63  }
0x35: {  	_ =	swait.ge [sflag:s17], $0x7D0  }
0x36: {  	[sflag:s17] =	ssyncset.done $0x0  }
0x37: {  	s29 =	rddreg [dreg:$0x9];
	[sflag:s17] =	ssyncadd.s32 $0xFFFFF830  }
0x38: {  	[spmem:s29] =	stream.linear.scatter [tilespmem:s2], [sflag:$0x5], $0x7D0, $0x38;
	[tilespmem:$0xF868] =	vst v63  }
0x39: {  	_ =	swait.ge [sflag:s17], $0x7D0  }
0x3a: {  	[sflag:s17] =	ssyncset.done $0x0  }
0x3b: {  	s31 =	rddreg [dreg:$0xa];
	[sflag:s17] =	ssyncadd.s32 $0xFFFFF830  }
0x3c: {  	[spmem:s31] =	stream.linear.scatter [tilespmem:s2], [sflag:$0x5], $0x7D0, $0x38;
	[tilespmem:$0xF868] =	vst v63  }
0x3d: {  	_ =	swait.ge [sflag:s17], $0x7D0  }
0x3e: {  	[sflag:s17] =	ssyncset.done $0x0  }
0x3f: {  	s8 =	simm.s32 $0xDE80;
	[sflag:s17] =	ssyncadd.s32 $0xFFFFF830  }
.LBB2_5:
0x40: {  	[dreg:$0xe] =	wrdreg s5  }
0x41: {  	[bflag:$0x0] =	sbarrier.arrive $0xFFFF  }
0x42: {  	s0 =	rddreg [dreg:$0x1]  }
0x43: {  	[tilespmem:s26], [sflag:$0x5] =	stream.linear.gather [hbm4b:s0+s26], $0x2710, $0x38;
	[tilespmem:$0xF868] =	vst v63  }
0x44: {  	_ =	swait.ge [sflag:s17], $0x2710  }
0x45: {  	[sflag:s17] =	ssyncset.done $0x0  }
0x46: {  	s28 =	simm.s32 $0x0;
	[sflag:s17] =	ssyncadd.s32 $0xFFFFD8F0  }
.LBB2_6:
0x47: {  	s0 =	smul.u32 $0x7D0, s28;
	_ =	sdelay $0x1  }
0x48: {  	s0 =	sadd.s32 s13, s0  }
0x49: {  	s5 =	rddreg [dreg:$0x4];
	s2 =	sshrl.u32 s0, $0x2  }
0x4a: {  	s2 =	sadd.s32 s5, s2  }
0x4b: {  	[tilespmem:s18], [sflag:$0x5] =	stream.linear.gather [hbm4b:s2+s26], $0xFA0, $0x38;
	[tilespmem:$0xF868] =	vst v63  }
0x4c: {  	_ =	swait.ge [sflag:s17], $0xFA0  }
0x4d: {  	s29 =	sshrl.u32 s0, $0x3;
	[sflag:s17] =	ssyncset.done $0x0;
	s2 =	rddreg [dreg:$0x5]  }
0x4e: {  	[sflag:s17] =	ssyncadd.s32 $0xFFFFF060;
	s0 =	sadd.s32 s2, s29  }
0x4f: {  	[tilespmem:s19], [sflag:$0x5] =	stream.linear.gather [hbm4b:s0+s26], $0x7D0, $0x38;
	[tilespmem:$0xF868] =	vst v63  }
0x50: {  	_ =	swait.ge [sflag:s17], $0x7D0  }
0x51: {  	[sflag:s17] =	ssyncset.done $0x0  }
0x52: {  	[sflag:s17] =	ssyncadd.s32 $0xFFFFF830  }
0x53: {  	[tilespmem:s21], [sflag:$0x1] =	stream.indirect.gather [hbm4b:s4+s20], $0x40, s18, s20, $0xb8;
	[tilespmem:$0xF868] =	vst v63  }
0x54: {  	s5 =	simm.s32 $0x2760  }
0x55: {  	[tilespmem:s23], [sflag:$0x1] =	stream.indirect.gather [hbm4b:s4+s20], $0x40, s5, s20, $0xb8;
	[tilespmem:$0xF868] =	vst v63  }
0x56: {  	s6 =	simm.s32 $0x27B0  }
0x57: {  	[tilespmem:s25], [sflag:$0x2] =	stream.indirect.gather [hbm4b:s4+s20], $0x40, s6, s20, $0xb8;
	[tilespmem:$0xF868] =	vst v63  }
0x58: {  	s7 =	simm.s32 $0x2800;
	s15 =	simm.s32 $0x7A80  }
0x59: {  	[tilespmem:s15], [sflag:$0x2] =	stream.indirect.gather [hbm4b:s4+s20], $0x40, s7, s20, $0xb8;
	[tilespmem:$0xF868] =	vst v63  }
0x5a: {  	s16 =	simm.s32 $0x2850  }
0x5b: {  	[tilespmem:s30], [sflag:$0x3] =	stream.indirect.gather [hbm4b:s4+s20], $0x40, s16, s20, $0xb8;
	[tilespmem:$0xF868] =	vst v63  }
0x5c: {  	s22 =	simm.s32 $0x28A0;
	s24 =	simm.s32 $0xA280;
	s31 =	simm.s32 $0x0  }
0x5d: {  	[tilespmem:s24], [sflag:$0x3] =	stream.indirect.gather [hbm4b:s4+s20], $0x40, s22, s20, $0xb8;
	[tilespmem:$0xF868] =	vst v63  }
.LBB2_7:
0x5e: {  	s15 =	sshllo.u32 s31, $0x2  }
0x5f: {  	s0 =	smul.u32 $0x280, s15;
	_ =	sdelay $0x1  }
0x60: {  	s2 =	sshra.s32 s0, $0x2  }
0x61: {  	s0 =	sadd.s32 $0x2710, s2  }
0x62: {  	[tilespmem:s9], [sflag:$0x4] =	stream.indirect.gather [hbm4b:s4+s20], $0x40, s0, s20, $0xb8;
	[tilespmem:$0xF868] =	vst v63  }
0x63: {  	s22 =	sadd.s32 $0x2760, s2  }
0x64: {  	[tilespmem:s10], [sflag:$0x4] =	stream.indirect.gather [hbm4b:s4+s20], $0x40, s22, s20, $0xb8;
	[tilespmem:$0xF868] =	vst v63  }
0x65: {  	_ =	swait.ge [sflag:s11], $0x1400  }
0x66: {  	s24 =	smul.u32 $0xA00, s31;
	[sflag:s11] =	ssyncset.done $0x0  }
0x67: {  	[sflag:s11] =	ssyncadd.s32 $0xFFFFEC00  }
0x68: {  	s5 =	smul.u32 $0x140, s31;
	s24 =	sshra.s32 s24, $0x2;
	_ =	swait.ge [sflag:s11], $0x1400  }
0x69: {  	s6 =	sadd.s32 $0x2710, s24;
	s7 =	sadd.s32 $0x2760, s24;
	[sflag:s11] =	ssyncset.done $0x0  }
0x6a: {  	s16 =	simm.s32 $0x0;
	v3 =	vmov s5;
	s2 =	sshll.u32 s31, $0x2;
	v1 =	vmov s6;
	v2 =	vmov s7;
	[sflag:s11] =	ssyncadd.s32 $0xFFFFEC00  }
.LBB2_8:
0x6b: {  	s5 =	sshll.u32 s16, $0x4;
	v8 =	vlaneseq.u32  }
0x6c: {  	v4 =	vmov s5;
	v5 =	vmul.u32 $0x40, v8  }
0x6d: {  	v4 =	vshll.u32 v4, $0x6  }
0x6e: {  	v10 =	vadd.s32 $0x3, v8;
	v6 =	vor.u32 v5, v4;
	v5 =	vor.u32 $0x1400, v5  }
0x6f: {  	v10 =	vand.u32 $0x3F, v10;
	v7 =	vadd.s32 v5, v4;
	v4 =	vor.u32 v6, v8  }
0x70: {  	v14 =	vor.u32 v6, v10  }
0x71: {  	v9 =	vadd.s32 $0x2, v8;
	v5 =	vor.u32 v7, v8  }
0x72: {  	v12 =	vadd.s32 $0x1, v8;
	v9 =	vand.u32 $0x3F, v9  }
0x73: {  	v12 =	vand.u32 $0x3F, v12;
	v11 =	vor.u32 v7, v9  }
0x74: {  	v15 =	vor.u32 v6, v12;
	v13 =	vld.idx.msk [tilespmem:v4+s21+$0x0], $0xffff  }
0x75: {  	v18 =	vor.u32 v7, v12;
	v14 =	vld.idx.msk [tilespmem:v14+s21+$0x0], $0xffff  }
0x76: {  	v10 =	vor.u32 v7, v10;
	v17 =	vld.idx.msk [tilespmem:v5+s21+$0x0], $0xffff;
	v5 =	vadd.s32 $0x7, v8  }
0x77: {  	v12 =	vadd.s32 $0x4, v8;
	v9 =	vor.u32 v6, v9;
	v4 =	vld.idx.msk [tilespmem:v1+s5+$0x0 ss:$0x1], $0xffff;
	v19 =	vand.u32 $0x3F, v5  }
0x78: {  	v16 =	vimm.f32 $0.0e+00;
	v12 =	vand.u32 $0x3F, v12;
	v11 =	vld.idx.msk [tilespmem:v11+s21+$0x0], $0xffff;
	v20 =	vor.u32 v7, v19  }
0x79: {  	v27 =	vimm.f32 $0.0e+00;
	v21 =	vor.u32 v6, v12;
	v24 =	vor.u32 v7, v12;
	v12 =	vld.idx.msk [tilespmem:v15+s21+$0x0], $0xffff  }
0x7a: {  	v32 =	vadd.s32 $0x5, v8;
	v18 =	vld.idx.msk [tilespmem:v18+s21+$0x0], $0xffff;
	v19 =	vor.u32 v6, v19;
	v15 =	vunpack.i.u.bf16.f32 v13  }
0x7b: {  	v25 =	vld.idx.msk [tilespmem:v10+s21+$0x0], $0xffff;
	v13 =	vunpack.i.l.bf16.f32 v13;
	v31 =	vunpack.i.l.bf16.f32 v14;
	v22 =	vunpack.i.l.bf16.f32 v17  }
0x7c: {  	v23 =	vld.idx.msk [tilespmem:v9+s21+$0x0], $0xffff;
	v17 =	vunpack.i.u.bf16.f32 v17;
	v26 =	vmul.f32 v22, v13;
	v13 =	vadd.s32 $0x6, v8  }
0x7d: {  	v10 =	vmul.f32 v17, v15;
	v22 =	vunpack.i.l.bf16.f32 v11;
	v13 =	vand.u32 $0x3F, v13;
	v28 =	vld.idx.msk [tilespmem:v20+s21+$0x0], $0xffff  }
0x7e: {  	v15 =	vimm.f32 $0.0e+00;
	v20 =	vunpack.i.u.bf16.f32 v11;
	v11 =	vld.idx.msk [tilespmem:v21+s21+$0x0], $0xffff;
	v30 =	vor.u32 v6, v13  }
0x7f: {  	v21 =	vunpack.i.u.bf16.f32 v14;
	v17 =	vld.idx.msk [tilespmem:v19+s21+$0x0], $0xffff;
	v19 =	vimm.f32 $0.0e+00;
	v29 =	vor.u32 v7, v13  }
0x80: {  	v5 =	vld.idx.msk [tilespmem:v2+s5+$0x0 ss:$0x1], $0xffff;
	v14 =	vimm.f32 $0.0e+00;
	v13 =	vadd.s32 $0x8, v8;
	v8 =	vadd.f32 v10, v16  }
0x81: {  	s6 =	simm.s32 $0x0;
	v24 =	vld.idx.msk [tilespmem:v24+s21+$0x0], $0xffff;
	v10 =	vimm.f32 $0.0e+00;
	v9 =	vand.u32 $0x3F, v13;
	v13 =	vimm.f32 $0.0e+00  }
.LBB2_9:
0x82: {  	s6 =	sadd.s32 $0x2, s6;
	v33 =	vunpack.i.u.bf16.f32 v25;
	v16 =	vadd.f32 v26, v16;
	v26 =	vunpack.i.l.bf16.f32 v28  }
0x83: {  	v25 =	vunpack.i.l.bf16.f32 v25;
	v32 =	vand.u32 $0x3F, v32;
	v28 =	vunpack.i.u.bf16.f32 v28;
	p1 =	slt.u32 s6, $0xE;
	v30 =	vld.idx.msk [tilespmem:v30+s21+$0x0], $0xffff  }
0x84: {  	v34 =	vunpack.i.l.bf16.f32 v18;
	v36 =	vunpack.i.l.bf16.f32 v11;
	v35 =	vunpack.i.l.bf16.f32 v23;
	v29 =	vld.idx.msk [tilespmem:v29+s21+$0x0], $0xffff  }
0x85: {  	v18 =	vunpack.i.u.bf16.f32 v18;
	v25 =	vmul.f32 v25, v31;
	v31 =	vor.u32 v7, v32  }
0x86: {  	v37 =	vunpack.i.u.bf16.f32 v12;
	v22 =	vmul.f32 v22, v35;
	v35 =	vunpack.i.u.bf16.f32 v24  }
0x87: {  	v23 =	vunpack.i.u.bf16.f32 v23;
	v27 =	vadd.f32 v25, v27;
	v25 =	vunpack.i.u.bf16.f32 v17  }
0x88: {  	v12 =	vunpack.i.l.bf16.f32 v12;
	v21 =	vmul.f32 v33, v21;
	v20 =	vmul.f32 v20, v23  }
0x89: {  	v23 =	vunpack.i.l.bf16.f32 v24;
	v24 =	vor.u32 v6, v32;
	v32 =	vunpack.i.u.bf16.f32 v30  }
0x8a: {  	v13 =	vadd.f32 v21, v13;
	v19 =	vadd.f32 v22, v19;
	v22 =	vunpack.i.l.bf16.f32 v29;
	v21 =	vld.idx.msk [tilespmem:v31+s21+$0x0], $0xffff  }
0x8b: {  	v18 =	vmul.f32 v18, v37;
	v14 =	vadd.f32 v20, v14;
	v20 =	vunpack.i.u.bf16.f32 v29  }
0x8c: {  	v12 =	vmul.f32 v34, v12;
	v17 =	vunpack.i.l.bf16.f32 v17;
	v29 =	vunpack.i.l.bf16.f32 v30  }
0x8d: {  	v25 =	vmul.f32 v28, v25;
	v30 =	vadd.s32 $0x3, v9;
	v20 =	vmul.f32 v20, v32  }
0x8e: {  	v28 =	vor.u32 v6, v9;
	v30 =	vand.u32 $0x3F, v30;
	v31 =	vmul.f32 v26, v17;
	v24 =	vld.idx.msk [tilespmem:v24+s21+$0x0], $0xffff  }
0x8f: {  	v11 =	vunpack.i.u.bf16.f32 v11;
	v17 =	vor.u32 v7, v9;
	v26 =	vadd.s32 $0x4, v9  }
0x90: {  	v33 =	vadd.s32 $0x2, v9;
	v11 =	vmul.f32 v35, v11;
	v32 =	vadd.s32 $0x1, v9  }
0x91: {  	v33 =	vand.u32 $0x3F, v33;
	v23 =	vmul.f32 v23, v36;
	v32 =	vand.u32 $0x3F, v32  }
0x92: {  	v15 =	vadd.f32 v18, v15;
	v34 =	vor.u32 v6, v32;
	v32 =	vor.u32 v7, v32  }
0x93: {  	v10 =	vadd.f32 v12, v10;
	v35 =	vor.u32 v6, v33;
	v18 =	vld.idx.msk [tilespmem:v28+s21+$0x0], $0xffff;
	v28 =	vor.u32 v7, v33  }
0x94: {  	v16 =	vadd.f32 v23, v16;
	v13 =	vadd.f32 v25, v13;
	v26 =	vand.u32 $0x3F, v26;
	v17 =	vld.idx.msk [tilespmem:v17+s21+$0x0], $0xffff  }
0x95: {  	v12 =	vadd.s32 $0x7, v9;
	v23 =	vor.u32 v6, v30;
	v33 =	vunpack.i.u.bf16.f32 v21  }
0x96: {  	v25 =	vor.u32 v7, v30;
	v30 =	vand.u32 $0x3F, v12;
	v14 =	vadd.f32 v20, v14  }
0x97: {  	v20 =	vor.u32 v7, v30;
	v21 =	vunpack.i.l.bf16.f32 v21;
	v12 =	vld.idx.msk [tilespmem:v34+s21+$0x0], $0xffff;
	v34 =	vor.u32 v6, v30  }
0x98: {  	v37 =	vor.u32 v7, v26;
	v38 =	vunpack.i.u.bf16.f32 v24;
	v30 =	vor.u32 v6, v26;
	v36 =	vld.idx.msk [tilespmem:v28+s21+$0x0], $0xffff  }
0x99: {  	v24 =	vunpack.i.l.bf16.f32 v24;
	v28 =	vunpack.i.u.bf16.f32 v18;
	v26 =	vunpack.i.l.bf16.f32 v18;
	v18 =	vld.idx.msk [tilespmem:v32+s21+$0x0], $0xffff  }
0x9a: {  	v21 =	vmul.f32 v21, v24;
	v32 =	vunpack.i.u.bf16.f32 v17;
	v17 =	vunpack.i.l.bf16.f32 v17;
	v39 =	vld.idx.msk [tilespmem:v23+s21+$0x0], $0xffff  }
0x9b: {  	v8 =	vadd.f32 v11, v8;
	v26 =	vmul.f32 v17, v26;
	v17 =	vmul.f32 v22, v29;
	v25 =	vld.idx.msk [tilespmem:v25+s21+$0x0], $0xffff  }
0x9c: {  	v24 =	vmul.f32 v33, v38;
	v40 =	vmul.f32 v32, v28;
	v22 =	vadd.s32 $0x6, v9;
	v28 =	vld.idx.msk [tilespmem:v20+s21+$0x0], $0xffff  }
.Ltmp2:
0x9d: {  	v10 =	vadd.f32 v21, v10;
	v20 =	vand.u32 $0x3F, v22;
	v19 =	vadd.f32 v17, v19;
	v11 =	vld.idx.msk [tilespmem:v30+s21+$0x0], $0xffff;
	(pc) =	sbr.rel @p1 .LBB2_9-.Ltmp2, $4  }
0x9e: {  	v22 =	vunpack.i.l.bf16.f32 v36;
	v30 =	vor.u32 v6, v20;
	v29 =	vor.u32 v7, v20;
	v23 =	vld.idx.msk [tilespmem:v35+s21+$0x0], $0xffff  }
0x9f: {  	v27 =	vadd.f32 v31, v27;
	v15 =	vadd.f32 v24, v15;
	v20 =	vunpack.i.u.bf16.f32 v36;
	v17 =	vld.idx.msk [tilespmem:v34+s21+$0x0], $0xffff  }
0xa0: {  	v32 =	vadd.s32 $0x5, v9;
	v9 =	vadd.s32 $0x8, v9;
	v21 =	vunpack.i.u.bf16.f32 v39;
	v24 =	vld.idx.msk [tilespmem:v37+s21+$0x0], $0xffff  }
0xa1: {  	v9 =	vand.u32 $0x3F, v9;
	v8 =	vadd.f32 v40, v8;
	v31 =	vunpack.i.l.bf16.f32 v39  }
0xa2: {  	v9 =	vunpack.i.u.bf16.f32 v25  }
0xa3: {  	v16 =	vadd.f32 v26, v16;
	v40 =	vunpack.i.l.bf16.f32 v28;
	v41 =	vunpack.i.l.bf16.f32 v25  }
0xa4: {  	v32 =	vand.u32 $0x3F, v32;
	v42 =	vunpack.i.u.bf16.f32 v28;
	v33 =	vunpack.i.l.bf16.f32 v18  }
0xa5: {  	v35 =	vunpack.i.l.bf16.f32 v11;
	v43 =	vunpack.i.u.bf16.f32 v18;
	v44 =	vunpack.i.u.bf16.f32 v12  }
0xa6: {  	v48 =	vunpack.i.l.bf16.f32 v12;
	v56 =	vunpack.i.u.bf16.f32 v11;
	v34 =	vunpack.i.l.bf16.f32 v23  }
0xa7: {  	v25 =	vmul.f32 v41, v31;
	v7 =	vor.u32 v7, v32;
	v6 =	vor.u32 v6, v32  }
0xa8: {  	v46 =	vunpack.i.u.bf16.f32 v23;
	v9 =	vmul.f32 v9, v21;
	v18 =	vmul.f32 v43, v44  }
0xa9: {  	v30 =	vld.idx.msk [tilespmem:v30+s21+$0x0], $0xffff;
	v12 =	vmul.f32 v33, v48;
	v22 =	vmul.f32 v22, v34;
	v47 =	vunpack.i.u.bf16.f32 v17  }
0xaa: {  	v29 =	vld.idx.msk [tilespmem:v29+s21+$0x0], $0xffff;
	v20 =	vmul.f32 v20, v46;
	v54 =	vunpack.i.l.bf16.f32 v17;
	v45 =	vunpack.i.u.bf16.f32 v24  }
0xab: {  	v25 =	vadd.f32 v25, v27;
	v49 =	vunpack.i.l.bf16.f32 v24;
	v9 =	vadd.f32 v9, v13  }
0xac: {  	v55 =	vmul.f32 v42, v47;
	v15 =	vadd.f32 v18, v15;
	v10 =	vadd.f32 v12, v10;
	v7 =	vld.idx.msk [tilespmem:v7+s21+$0x0], $0xffff  }
0xad: {  	v17 =	vmul.f32 v40, v54;
	v19 =	vadd.f32 v22, v19;
	v14 =	vadd.f32 v20, v14;
	v6 =	vld.idx.msk [tilespmem:v6+s21+$0x0], $0xffff  }
0xae: {  	v21 =	vmul.f32 v49, v35;
	v11 =	vmul.f32 v45, v56;
	v50 =	vunpack.i.u.bf16.f32 v30  }
0xaf: {  	v51 =	vunpack.i.l.bf16.f32 v29;
	v52 =	vunpack.i.u.bf16.f32 v29;
	v53 =	vunpack.i.l.bf16.f32 v30  }
0xb0: {  	v9 =	vadd.f32 v55, v9;
	v62 =	vadd.f32 v17, v25;
	v20 =	vmul.f32 v52, v50  }
0xb1: {  	v57 =	vadd.f32 v21, v16;
	v13 =	vmul.f32 v51, v53;
	v58 =	vunpack.i.u.bf16.f32 v7  }
0xb2: {  	v7 =	vunpack.i.l.bf16.f32 v7;
	v59 =	vunpack.i.u.bf16.f32 v6;
	v6 =	vunpack.i.l.bf16.f32 v6  }
0xb3: {  	v8 =	vadd.f32 v11, v8;
	v6 =	vmul.f32 v7, v6;
	v60 =	vmul.f32 v58, v59  }
0xb4: {  	v14 =	vadd.f32 v20, v14;
	v61 =	vadd.f32 v13, v19  }
0xb5: {  	v6 =	vadd.f32 v6, v10;
	v7 =	vadd.f32 v60, v15  }
0xb6: {  	v9 =	vadd.f32 v9, v62;
	v8 =	vadd.f32 v8, v57  }
0xb7: {  	v63 =	vadd.f32 v14, v61;
	v6 =	vadd.f32 v7, v6;
	_ =	sdelay $0x1  }
0xb8: {  	v7 =	vadd.f32 v9, v63;
	v6 =	vadd.f32 v6, v8;
	_ =	sdelay $0x1  }
0xb9: {  	v6 =	vadd.f32 v7, v6;
	_ =	sdelay $0x1  }
0xba: {  	v6 =	vmul.f32 $1.428571410e+01, v6;
	_ =	sdelay $0x1  }
0xbb: {  	v6 =	vadd.f32 $-1.428571410e+01, v6;
	_ =	sdelay $0x1  }
0xbc: {  	v6 =	vmul.f32 $1.442695020e+00, v6;
	_ =	sdelay $0x1  }
0xbd: {  	(erf) = vpow2.f32 v6  }
0xbe: {  	v4 =	vld.idx.msk [tilespmem:v4+s3+$0x0], $0xffff  }
0xbf: {  	v5 =	vld.idx.msk [tilespmem:v5+s3+$0x0], $0xffff;
	_ =	sdelay $0x3  }
0xc0: {  	s16 =	sadd.s32 $0x1, s16  }
0xc1: {  	p1 =	sne.s32 s16, $0x5;
	vm0 =	vne.s32 v4, $0xFFFFFFFF;
	vm1 =	vne.s32 v5, $0xFFFFFFFF  }
.Ltmp3:
0xc2: {  	vm2 =	veq.s32 v4, v5;
	vm0 =	vmand vm0, vm1;
	(pc) =	sbr.rel @p1 .LBB2_8-.Ltmp3, $4  }
0xc3: {  	vm0 =	vmand vm0, vm2;
	v4 =	vpop (erf)  }
0xc4: {  	v5 =	vsel vm0, $0x3F800000, v0;
	[tilespmem:v3+s5+$0xDE80 ss:$0x1] =	vst.idx.msk $0xffff, v4  }
0xc5: {  	v4 =	vsel vm0, $0x0, v4;
	[tilespmem:v3+s5+$0xE650 ss:$0x1] =	vst.idx.msk $0xffff, v5  }
0xc6: {  	[tilespmem:v3+s5+$0xEE20 ss:$0x1] =	vst.idx.msk $0xffff, v4  }
0xc7: {  	s5 =	sadd.s32 $0x2990, s24  }
0xc8: {  	[tilespmem:s21], [sflag:$0x1] =	stream.indirect.gather [hbm4b:s4+s20], $0x40, s5, s20, $0xb8;
	[tilespmem:$0xF868] =	vst v63  }
0xc9: {  	s7 =	sadd.s32 $0x29E0, s24  }
0xca: {  	[tilespmem:s23], [sflag:$0x1] =	stream.indirect.gather [hbm4b:s4+s20], $0x40, s7, s20, $0xb8;
	[tilespmem:$0xF868] =	vst v63  }
0xcb: {  	s16 =	sor.u32 $0x1, s2;
	_ =	swait.ge [sflag:s12], $0x1400  }
0xcc: {  	s6 =	smul.u32 $0x280, s16;
	[sflag:s12] =	ssyncset.done $0x0  }
0xcd: {  	[sflag:s12] =	ssyncadd.s32 $0xFFFFEC00  }
0xce: {  	s5 =	smul.u32 $0x50, s16;
	s6 =	sshra.s32 s6, $0x2;
	_ =	swait.ge [sflag:s12], $0x1400  }
0xcf: {  	s7 =	sadd.s32 $0x2710, s6;
	s6 =	sadd.s32 $0x2760, s6;
	[sflag:s12] =	ssyncset.done $0x0  }
0xd0: {  	s16 =	simm.s32 $0x0;
	v3 =	vmov s5;
	v1 =	vmov s7;
	v2 =	vmov s6;
	[sflag:s12] =	ssyncadd.s32 $0xFFFFEC00  }
.LBB2_12:
0xd1: {  	s5 =	sshll.u32 s16, $0x4;
	v8 =	vlaneseq.u32  }
0xd2: {  	v4 =	vmov s5;
	v5 =	vmul.u32 $0x40, v8  }
0xd3: {  	v4 =	vshll.u32 v4, $0x6  }
0xd4: {  	v10 =	vadd.s32 $0x3, v8;
	v6 =	vor.u32 v5, v4;
	v5 =	vor.u32 $0x1400, v5  }
0xd5: {  	v10 =	vand.u32 $0x3F, v10;
	v7 =	vadd.s32 v5, v4;
	v4 =	vor.u32 v6, v8  }
0xd6: {  	v14 =	vor.u32 v6, v10  }
0xd7: {  	v9 =	vadd.s32 $0x2, v8;
	v5 =	vor.u32 v7, v8  }
0xd8: {  	v12 =	vadd.s32 $0x1, v8;
	v9 =	vand.u32 $0x3F, v9  }
0xd9: {  	v12 =	vand.u32 $0x3F, v12;
	v11 =	vor.u32 v7, v9  }
0xda: {  	v15 =	vor.u32 v6, v12;
	v13 =	vld.idx.msk [tilespmem:v4+s25+$0x0], $0xffff  }
0xdb: {  	v18 =	vor.u32 v7, v12;
	v14 =	vld.idx.msk [tilespmem:v14+s25+$0x0], $0xffff  }
0xdc: {  	v10 =	vor.u32 v7, v10;
	v17 =	vld.idx.msk [tilespmem:v5+s25+$0x0], $0xffff;
	v5 =	vadd.s32 $0x7, v8  }
0xdd: {  	v12 =	vadd.s32 $0x4, v8;
	v9 =	vor.u32 v6, v9;
	v4 =	vld.idx.msk [tilespmem:v1+s5+$0x0 ss:$0x1], $0xffff;
	v19 =	vand.u32 $0x3F, v5  }
0xde: {  	v16 =	vimm.f32 $0.0e+00;
	v12 =	vand.u32 $0x3F, v12;
	v11 =	vld.idx.msk [tilespmem:v11+s25+$0x0], $0xffff;
	v20 =	vor.u32 v7, v19  }
0xdf: {  	v27 =	vimm.f32 $0.0e+00;
	v21 =	vor.u32 v6, v12;
	v24 =	vor.u32 v7, v12;
	v12 =	vld.idx.msk [tilespmem:v15+s25+$0x0], $0xffff  }
0xe0: {  	v32 =	vadd.s32 $0x5, v8;
	v18 =	vld.idx.msk [tilespmem:v18+s25+$0x0], $0xffff;
	v19 =	vor.u32 v6, v19;
	v15 =	vunpack.i.u.bf16.f32 v13  }
0xe1: {  	v25 =	vld.idx.msk [tilespmem:v10+s25+$0x0], $0xffff;
	v13 =	vunpack.i.l.bf16.f32 v13;
	v31 =	vunpack.i.l.bf16.f32 v14;
	v22 =	vunpack.i.l.bf16.f32 v17  }
0xe2: {  	v23 =	vld.idx.msk [tilespmem:v9+s25+$0x0], $0xffff;
	v17 =	vunpack.i.u.bf16.f32 v17;
	v26 =	vmul.f32 v22, v13;
	v13 =	vadd.s32 $0x6, v8  }
0xe3: {  	v10 =	vmul.f32 v17, v15;
	v22 =	vunpack.i.l.bf16.f32 v11;
	v13 =	vand.u32 $0x3F, v13;
	v28 =	vld.idx.msk [tilespmem:v20+s25+$0x0], $0xffff  }
0xe4: {  	v15 =	vimm.f32 $0.0e+00;
	v20 =	vunpack.i.u.bf16.f32 v11;
	v11 =	vld.idx.msk [tilespmem:v21+s25+$0x0], $0xffff;
	v30 =	vor.u32 v6, v13  }
0xe5: {  	v21 =	vunpack.i.u.bf16.f32 v14;
	v17 =	vld.idx.msk [tilespmem:v19+s25+$0x0], $0xffff;
	v19 =	vimm.f32 $0.0e+00;
	v29 =	vor.u32 v7, v13  }
0xe6: {  	v5 =	vld.idx.msk [tilespmem:v2+s5+$0x0 ss:$0x1], $0xffff;
	v14 =	vimm.f32 $0.0e+00;
	v13 =	vadd.s32 $0x8, v8;
	v8 =	vadd.f32 v10, v16  }
0xe7: {  	s6 =	simm.s32 $0x0;
	v24 =	vld.idx.msk [tilespmem:v24+s25+$0x0], $0xffff;
	v10 =	vimm.f32 $0.0e+00;
	v9 =	vand.u32 $0x3F, v13;
	v13 =	vimm.f32 $0.0e+00  }
.LBB2_13:
0xe8: {  	s6 =	sadd.s32 $0x2, s6;
	v33 =	vunpack.i.u.bf16.f32 v25;
	v16 =	vadd.f32 v26, v16;
	v26 =	vunpack.i.l.bf16.f32 v28  }
0xe9: {  	v25 =	vunpack.i.l.bf16.f32 v25;
	v32 =	vand.u32 $0x3F, v32;
	v28 =	vunpack.i.u.bf16.f32 v28;
	p1 =	slt.u32 s6, $0xE;
	v30 =	vld.idx.msk [tilespmem:v30+s25+$0x0], $0xffff  }
0xea: {  	v34 =	vunpack.i.l.bf16.f32 v18;
	v36 =	vunpack.i.l.bf16.f32 v11;
	v35 =	vunpack.i.l.bf16.f32 v23;
	v29 =	vld.idx.msk [tilespmem:v29+s25+$0x0], $0xffff  }
0xeb: {  	v18 =	vunpack.i.u.bf16.f32 v18;
	v25 =	vmul.f32 v25, v31;
	v31 =	vor.u32 v7, v32  }
0xec: {  	v37 =	vunpack.i.u.bf16.f32 v12;
	v22 =	vmul.f32 v22, v35;
	v35 =	vunpack.i.u.bf16.f32 v24  }
0xed: {  	v23 =	vunpack.i.u.bf16.f32 v23;
	v27 =	vadd.f32 v25, v27;
	v25 =	vunpack.i.u.bf16.f32 v17  }
0xee: {  	v12 =	vunpack.i.l.bf16.f32 v12;
	v21 =	vmul.f32 v33, v21;
	v20 =	vmul.f32 v20, v23  }
0xef: {  	v23 =	vunpack.i.l.bf16.f32 v24;
	v24 =	vor.u32 v6, v32;
	v32 =	vunpack.i.u.bf16.f32 v30  }
0xf0: {  	v13 =	vadd.f32 v21, v13;
	v19 =	vadd.f32 v22, v19;
	v22 =	vunpack.i.l.bf16.f32 v29;
	v21 =	vld.idx.msk [tilespmem:v31+s25+$0x0], $0xffff  }
0xf1: {  	v18 =	vmul.f32 v18, v37;
	v14 =	vadd.f32 v20, v14;
	v20 =	vunpack.i.u.bf16.f32 v29  }
0xf2: {  	v12 =	vmul.f32 v34, v12;
	v17 =	vunpack.i.l.bf16.f32 v17;
	v29 =	vunpack.i.l.bf16.f32 v30  }
0xf3: {  	v25 =	vmul.f32 v28, v25;
	v30 =	vadd.s32 $0x3, v9;
	v20 =	vmul.f32 v20, v32  }
0xf4: {  	v28 =	vor.u32 v6, v9;
	v30 =	vand.u32 $0x3F, v30;
	v31 =	vmul.f32 v26, v17;
	v24 =	vld.idx.msk [tilespmem:v24+s25+$0x0], $0xffff  }
0xf5: {  	v11 =	vunpack.i.u.bf16.f32 v11;
	v17 =	vor.u32 v7, v9;
	v26 =	vadd.s32 $0x4, v9  }
0xf6: {  	v33 =	vadd.s32 $0x2, v9;
	v11 =	vmul.f32 v35, v11;
	v32 =	vadd.s32 $0x1, v9  }
0xf7: {  	v33 =	vand.u32 $0x3F, v33;
	v23 =	vmul.f32 v23, v36;
	v32 =	vand.u32 $0x3F, v32  }
0xf8: {  	v15 =	vadd.f32 v18, v15;
	v34 =	vor.u32 v6, v32;
	v32 =	vor.u32 v7, v32  }
0xf9: {  	v10 =	vadd.f32 v12, v10;
	v35 =	vor.u32 v6, v33;
	v18 =	vld.idx.msk [tilespmem:v28+s25+$0x0], $0xffff;
	v28 =	vor.u32 v7, v33  }
0xfa: {  	v16 =	vadd.f32 v23, v16;
	v13 =	vadd.f32 v25, v13;
	v26 =	vand.u32 $0x3F, v26;
	v17 =	vld.idx.msk [tilespmem:v17+s25+$0x0], $0xffff  }
0xfb: {  	v12 =	vadd.s32 $0x7, v9;
	v23 =	vor.u32 v6, v30;
	v33 =	vunpack.i.u.bf16.f32 v21  }
0xfc: {  	v25 =	vor.u32 v7, v30;
	v30 =	vand.u32 $0x3F, v12;
	v14 =	vadd.f32 v20, v14  }
0xfd: {  	v20 =	vor.u32 v7, v30;
	v21 =	vunpack.i.l.bf16.f32 v21;
	v12 =	vld.idx.msk [tilespmem:v34+s25+$0x0], $0xffff;
	v34 =	vor.u32 v6, v30  }
0xfe: {  	v37 =	vor.u32 v7, v26;
	v38 =	vunpack.i.u.bf16.f32 v24;
	v30 =	vor.u32 v6, v26;
	v36 =	vld.idx.msk [tilespmem:v28+s25+$0x0], $0xffff  }
0xff: {  	v24 =	vunpack.i.l.bf16.f32 v24;
	v28 =	vunpack.i.u.bf16.f32 v18;
	v26 =	vunpack.i.l.bf16.f32 v18;
	v18 =	vld.idx.msk [tilespmem:v32+s25+$0x0], $0xffff  }
0x100: {  	v21 =	vmul.f32 v21, v24;
	v32 =	vunpack.i.u.bf16.f32 v17;
	v17 =	vunpack.i.l.bf16.f32 v17;
	v39 =	vld.idx.msk [tilespmem:v23+s25+$0x0], $0xffff  }
0x101: {  	v8 =	vadd.f32 v11, v8;
	v26 =	vmul.f32 v17, v26;
	v17 =	vmul.f32 v22, v29;
	v25 =	vld.idx.msk [tilespmem:v25+s25+$0x0], $0xffff  }
0x102: {  	v24 =	vmul.f32 v33, v38;
	v40 =	vmul.f32 v32, v28;
	v22 =	vadd.s32 $0x6, v9;
	v28 =	vld.idx.msk [tilespmem:v20+s25+$0x0], $0xffff  }
.Ltmp4:
0x103: {  	v10 =	vadd.f32 v21, v10;
	v20 =	vand.u32 $0x3F, v22;
	v19 =	vadd.f32 v17, v19;
	v11 =	vld.idx.msk [tilespmem:v30+s25+$0x0], $0xffff;
	(pc) =	sbr.rel @p1 .LBB2_13-.Ltmp4, $4  }
0x104: {  	v22 =	vunpack.i.l.bf16.f32 v36;
	v30 =	vor.u32 v6, v20;
	v29 =	vor.u32 v7, v20;
	v23 =	vld.idx.msk [tilespmem:v35+s25+$0x0], $0xffff  }
0x105: {  	v27 =	vadd.f32 v31, v27;
	v15 =	vadd.f32 v24, v15;
	v20 =	vunpack.i.u.bf16.f32 v36;
	v17 =	vld.idx.msk [tilespmem:v34+s25+$0x0], $0xffff  }
0x106: {  	v32 =	vadd.s32 $0x5, v9;
	v9 =	vadd.s32 $0x8, v9;
	v21 =	vunpack.i.u.bf16.f32 v39;
	v24 =	vld.idx.msk [tilespmem:v37+s25+$0x0], $0xffff  }
0x107: {  	v9 =	vand.u32 $0x3F, v9;
	v8 =	vadd.f32 v40, v8;
	v31 =	vunpack.i.l.bf16.f32 v39  }
0x108: {  	v9 =	vunpack.i.u.bf16.f32 v25  }
0x109: {  	v16 =	vadd.f32 v26, v16;
	v40 =	vunpack.i.l.bf16.f32 v28;
	v41 =	vunpack.i.l.bf16.f32 v25  }
0x10a: {  	v32 =	vand.u32 $0x3F, v32;
	v42 =	vunpack.i.u.bf16.f32 v28;
	v33 =	vunpack.i.l.bf16.f32 v18  }
0x10b: {  	v35 =	vunpack.i.l.bf16.f32 v11;
	v43 =	vunpack.i.u.bf16.f32 v18;
	v44 =	vunpack.i.u.bf16.f32 v12  }
0x10c: {  	v48 =	vunpack.i.l.bf16.f32 v12;
	v56 =	vunpack.i.u.bf16.f32 v11;
	v34 =	vunpack.i.l.bf16.f32 v23  }
0x10d: {  	v25 =	vmul.f32 v41, v31;
	v7 =	vor.u32 v7, v32;
	v6 =	vor.u32 v6, v32  }
0x10e: {  	v46 =	vunpack.i.u.bf16.f32 v23;
	v9 =	vmul.f32 v9, v21;
	v18 =	vmul.f32 v43, v44  }
0x10f: {  	v30 =	vld.idx.msk [tilespmem:v30+s25+$0x0], $0xffff;
	v12 =	vmul.f32 v33, v48;
	v22 =	vmul.f32 v22, v34;
	v47 =	vunpack.i.u.bf16.f32 v17  }
0x110: {  	v29 =	vld.idx.msk [tilespmem:v29+s25+$0x0], $0xffff;
	v20 =	vmul.f32 v20, v46;
	v54 =	vunpack.i.l.bf16.f32 v17;
	v45 =	vunpack.i.u.bf16.f32 v24  }
0x111: {  	v25 =	vadd.f32 v25, v27;
	v49 =	vunpack.i.l.bf16.f32 v24;
	v9 =	vadd.f32 v9, v13  }
0x112: {  	v55 =	vmul.f32 v42, v47;
	v15 =	vadd.f32 v18, v15;
	v10 =	vadd.f32 v12, v10;
	v7 =	vld.idx.msk [tilespmem:v7+s25+$0x0], $0xffff  }
0x113: {  	v17 =	vmul.f32 v40, v54;
	v19 =	vadd.f32 v22, v19;
	v14 =	vadd.f32 v20, v14;
	v6 =	vld.idx.msk [tilespmem:v6+s25+$0x0], $0xffff  }
0x114: {  	v21 =	vmul.f32 v49, v35;
	v11 =	vmul.f32 v45, v56;
	v50 =	vunpack.i.u.bf16.f32 v30  }
0x115: {  	v51 =	vunpack.i.l.bf16.f32 v29;
	v52 =	vunpack.i.u.bf16.f32 v29;
	v53 =	vunpack.i.l.bf16.f32 v30  }
0x116: {  	v9 =	vadd.f32 v55, v9;
	v62 =	vadd.f32 v17, v25;
	v20 =	vmul.f32 v52, v50  }
0x117: {  	v57 =	vadd.f32 v21, v16;
	v13 =	vmul.f32 v51, v53;
	v58 =	vunpack.i.u.bf16.f32 v7  }
0x118: {  	v7 =	vunpack.i.l.bf16.f32 v7;
	v59 =	vunpack.i.u.bf16.f32 v6;
	v6 =	vunpack.i.l.bf16.f32 v6  }
0x119: {  	v8 =	vadd.f32 v11, v8;
	v6 =	vmul.f32 v7, v6;
	v60 =	vmul.f32 v58, v59  }
0x11a: {  	v14 =	vadd.f32 v20, v14;
	v61 =	vadd.f32 v13, v19  }
0x11b: {  	v6 =	vadd.f32 v6, v10;
	v7 =	vadd.f32 v60, v15  }
0x11c: {  	v9 =	vadd.f32 v9, v62;
	v8 =	vadd.f32 v8, v57  }
0x11d: {  	v63 =	vadd.f32 v14, v61;
	v6 =	vadd.f32 v7, v6;
	_ =	sdelay $0x1  }
0x11e: {  	v7 =	vadd.f32 v9, v63;
	v6 =	vadd.f32 v6, v8;
	_ =	sdelay $0x1  }
0x11f: {  	v6 =	vadd.f32 v7, v6;
	_ =	sdelay $0x1  }
0x120: {  	v6 =	vmul.f32 $1.428571410e+01, v6;
	_ =	sdelay $0x1  }
0x121: {  	v6 =	vadd.f32 $-1.428571410e+01, v6;
	_ =	sdelay $0x1  }
0x122: {  	v6 =	vmul.f32 $1.442695020e+00, v6;
	_ =	sdelay $0x1  }
0x123: {  	(erf) = vpow2.f32 v6  }
0x124: {  	v4 =	vld.idx.msk [tilespmem:v4+s3+$0x0], $0xffff  }
0x125: {  	v5 =	vld.idx.msk [tilespmem:v5+s3+$0x0], $0xffff;
	_ =	sdelay $0x3  }
0x126: {  	s16 =	sadd.s32 $0x1, s16  }
0x127: {  	p1 =	sne.s32 s16, $0x5;
	vm0 =	vne.s32 v4, $0xFFFFFFFF;
	vm1 =	vne.s32 v5, $0xFFFFFFFF  }
.Ltmp5:
0x128: {  	vm2 =	veq.s32 v4, v5;
	vm0 =	vmand vm0, vm1;
	(pc) =	sbr.rel @p1 .LBB2_12-.Ltmp5, $4  }
0x129: {  	vm0 =	vmand vm0, vm2;
	v4 =	vpop (erf)  }
0x12a: {  	v5 =	vsel vm0, $0x3F800000, v0;
	[tilespmem:v3+s5+$0xDE80 ss:$0x1] =	vst.idx.msk $0xffff, v4  }
0x12b: {  	v4 =	vsel vm0, $0x0, v4;
	[tilespmem:v3+s5+$0xE650 ss:$0x1] =	vst.idx.msk $0xffff, v5  }
0x12c: {  	[tilespmem:v3+s5+$0xEE20 ss:$0x1] =	vst.idx.msk $0xffff, v4  }
0x12d: {  	p1 =	seq.s32 s31, $0x5  }
0x12e: {  	s5 =	sadd.s32 @!p1 $0x2A30, s24;
	s6 =	simm.s32 @!p1 $0x50;
	s7 =	simm.s32 @!p1 $0x6680  }
0x12f: {  	[tilespmem:s7], [sflag:$0x2] =	stream.indirect.gather @!p1 [hbm4b:s4+s6], $0x40, s5, s6, $0xb8;
	[tilespmem:$0xF868] =	vst v63  }
0x130: {  	s5 =	sadd.s32 @!p1 $0x2A80, s24;
	s7 =	simm.s32 @!p1 $0x7A80  }
0x131: {  	[tilespmem:s7], [sflag:$0x2] =	stream.indirect.gather @!p1 [hbm4b:s4+s6], $0x40, s5, s6, $0xb8;
	[tilespmem:$0xF868] =	vst v63  }
0x132: {  	s2 =	sor.u32 $0x2, s2;
	_ =	swait.ge [sflag:s1], $0x1400  }
0x133: {  	s16 =	smul.u32 $0x280, s2;
	[sflag:s1] =	ssyncset.done $0x0  }
0x134: {  	[sflag:s1] =	ssyncadd.s32 $0xFFFFEC00  }
0x135: {  	s6 =	smul.u32 $0x50, s2;
	s7 =	sshra.s32 s16, $0x2;
	_ =	swait.ge [sflag:s1], $0x1400  }
0x136: {  	s5 =	sadd.s32 $0x2710, s7;
	s16 =	sadd.s32 $0x2760, s7;
	[sflag:s1] =	ssyncset.done $0x0  }
0x137: {  	s2 =	simm.s32 $0x0;
	v1 =	vmov s5;
	v2 =	vmov s16;
	v3 =	vmov s6;
	[sflag:s1] =	ssyncadd.s32 $0xFFFFEC00  }
.LBB2_16:
0x138: {  	s5 =	sshll.u32 s2, $0x4;
	v8 =	vlaneseq.u32  }
0x139: {  	v4 =	vmov s5;
	v5 =	vmul.u32 $0x40, v8  }
0x13a: {  	v4 =	vshll.u32 v4, $0x6  }
0x13b: {  	v10 =	vadd.s32 $0x3, v8;
	v6 =	vor.u32 v5, v4;
	v5 =	vor.u32 $0x1400, v5  }
0x13c: {  	v10 =	vand.u32 $0x3F, v10;
	v7 =	vadd.s32 v5, v4;
	v4 =	vor.u32 v6, v8  }
0x13d: {  	v14 =	vor.u32 v6, v10  }
0x13e: {  	v9 =	vadd.s32 $0x2, v8;
	v5 =	vor.u32 v7, v8  }
0x13f: {  	v12 =	vadd.s32 $0x1, v8;
	v9 =	vand.u32 $0x3F, v9  }
0x140: {  	v12 =	vand.u32 $0x3F, v12;
	v11 =	vor.u32 v7, v9  }
0x141: {  	v15 =	vor.u32 v6, v12;
	v13 =	vld.idx.msk [tilespmem:v4+s30+$0x0], $0xffff  }
0x142: {  	v18 =	vor.u32 v7, v12;
	v14 =	vld.idx.msk [tilespmem:v14+s30+$0x0], $0xffff  }
0x143: {  	v10 =	vor.u32 v7, v10;
	v17 =	vld.idx.msk [tilespmem:v5+s30+$0x0], $0xffff;
	v5 =	vadd.s32 $0x7, v8  }
0x144: {  	v12 =	vadd.s32 $0x4, v8;
	v9 =	vor.u32 v6, v9;
	v4 =	vld.idx.msk [tilespmem:v1+s5+$0x0 ss:$0x1], $0xffff;
	v19 =	vand.u32 $0x3F, v5  }
0x145: {  	v16 =	vimm.f32 $0.0e+00;
	v12 =	vand.u32 $0x3F, v12;
	v11 =	vld.idx.msk [tilespmem:v11+s30+$0x0], $0xffff;
	v20 =	vor.u32 v7, v19  }
0x146: {  	v27 =	vimm.f32 $0.0e+00;
	v21 =	vor.u32 v6, v12;
	v24 =	vor.u32 v7, v12;
	v12 =	vld.idx.msk [tilespmem:v15+s30+$0x0], $0xffff  }
0x147: {  	v32 =	vadd.s32 $0x5, v8;
	v18 =	vld.idx.msk [tilespmem:v18+s30+$0x0], $0xffff;
	v19 =	vor.u32 v6, v19;
	v15 =	vunpack.i.u.bf16.f32 v13  }
0x148: {  	v25 =	vld.idx.msk [tilespmem:v10+s30+$0x0], $0xffff;
	v13 =	vunpack.i.l.bf16.f32 v13;
	v31 =	vunpack.i.l.bf16.f32 v14;
	v22 =	vunpack.i.l.bf16.f32 v17  }
0x149: {  	v23 =	vld.idx.msk [tilespmem:v9+s30+$0x0], $0xffff;
	v17 =	vunpack.i.u.bf16.f32 v17;
	v26 =	vmul.f32 v22, v13;
	v13 =	vadd.s32 $0x6, v8  }
0x14a: {  	v10 =	vmul.f32 v17, v15;
	v22 =	vunpack.i.l.bf16.f32 v11;
	v13 =	vand.u32 $0x3F, v13;
	v28 =	vld.idx.msk [tilespmem:v20+s30+$0x0], $0xffff  }
0x14b: {  	v15 =	vimm.f32 $0.0e+00;
	v20 =	vunpack.i.u.bf16.f32 v11;
	v11 =	vld.idx.msk [tilespmem:v21+s30+$0x0], $0xffff;
	v30 =	vor.u32 v6, v13  }
0x14c: {  	v21 =	vunpack.i.u.bf16.f32 v14;
	v17 =	vld.idx.msk [tilespmem:v19+s30+$0x0], $0xffff;
	v19 =	vimm.f32 $0.0e+00;
	v29 =	vor.u32 v7, v13  }
0x14d: {  	v5 =	vld.idx.msk [tilespmem:v2+s5+$0x0 ss:$0x1], $0xffff;
	v14 =	vimm.f32 $0.0e+00;
	v13 =	vadd.s32 $0x8, v8;
	v8 =	vadd.f32 v10, v16  }
0x14e: {  	s6 =	simm.s32 $0x0;
	v24 =	vld.idx.msk [tilespmem:v24+s30+$0x0], $0xffff;
	v10 =	vimm.f32 $0.0e+00;
	v9 =	vand.u32 $0x3F, v13;
	v13 =	vimm.f32 $0.0e+00  }
.LBB2_17:
0x14f: {  	s6 =	sadd.s32 $0x2, s6;
	v33 =	vunpack.i.u.bf16.f32 v25;
	v16 =	vadd.f32 v26, v16;
	v26 =	vunpack.i.l.bf16.f32 v28  }
0x150: {  	v25 =	vunpack.i.l.bf16.f32 v25;
	v32 =	vand.u32 $0x3F, v32;
	v28 =	vunpack.i.u.bf16.f32 v28;
	p2 =	slt.u32 s6, $0xE;
	v30 =	vld.idx.msk [tilespmem:v30+s30+$0x0], $0xffff  }
0x151: {  	v34 =	vunpack.i.l.bf16.f32 v18;
	v36 =	vunpack.i.l.bf16.f32 v11;
	v35 =	vunpack.i.l.bf16.f32 v23;
	v29 =	vld.idx.msk [tilespmem:v29+s30+$0x0], $0xffff  }
0x152: {  	v18 =	vunpack.i.u.bf16.f32 v18;
	v25 =	vmul.f32 v25, v31;
	v31 =	vor.u32 v7, v32  }
0x153: {  	v37 =	vunpack.i.u.bf16.f32 v12;
	v22 =	vmul.f32 v22, v35;
	v35 =	vunpack.i.u.bf16.f32 v24  }
0x154: {  	v23 =	vunpack.i.u.bf16.f32 v23;
	v27 =	vadd.f32 v25, v27;
	v25 =	vunpack.i.u.bf16.f32 v17  }
0x155: {  	v12 =	vunpack.i.l.bf16.f32 v12;
	v21 =	vmul.f32 v33, v21;
	v20 =	vmul.f32 v20, v23  }
0x156: {  	v23 =	vunpack.i.l.bf16.f32 v24;
	v24 =	vor.u32 v6, v32;
	v32 =	vunpack.i.u.bf16.f32 v30  }
0x157: {  	v13 =	vadd.f32 v21, v13;
	v19 =	vadd.f32 v22, v19;
	v22 =	vunpack.i.l.bf16.f32 v29;
	v21 =	vld.idx.msk [tilespmem:v31+s30+$0x0], $0xffff  }
0x158: {  	v18 =	vmul.f32 v18, v37;
	v14 =	vadd.f32 v20, v14;
	v20 =	vunpack.i.u.bf16.f32 v29  }
0x159: {  	v12 =	vmul.f32 v34, v12;
	v17 =	vunpack.i.l.bf16.f32 v17;
	v29 =	vunpack.i.l.bf16.f32 v30  }
0x15a: {  	v25 =	vmul.f32 v28, v25;
	v30 =	vadd.s32 $0x3, v9;
	v20 =	vmul.f32 v20, v32  }
0x15b: {  	v28 =	vor.u32 v6, v9;
	v30 =	vand.u32 $0x3F, v30;
	v31 =	vmul.f32 v26, v17;
	v24 =	vld.idx.msk [tilespmem:v24+s30+$0x0], $0xffff  }
0x15c: {  	v11 =	vunpack.i.u.bf16.f32 v11;
	v17 =	vor.u32 v7, v9;
	v26 =	vadd.s32 $0x4, v9  }
0x15d: {  	v33 =	vadd.s32 $0x2, v9;
	v11 =	vmul.f32 v35, v11;
	v32 =	vadd.s32 $0x1, v9  }
0x15e: {  	v33 =	vand.u32 $0x3F, v33;
	v23 =	vmul.f32 v23, v36;
	v32 =	vand.u32 $0x3F, v32  }
0x15f: {  	v15 =	vadd.f32 v18, v15;
	v34 =	vor.u32 v6, v32;
	v32 =	vor.u32 v7, v32  }
0x160: {  	v10 =	vadd.f32 v12, v10;
	v35 =	vor.u32 v6, v33;
	v18 =	vld.idx.msk [tilespmem:v28+s30+$0x0], $0xffff;
	v28 =	vor.u32 v7, v33  }
0x161: {  	v16 =	vadd.f32 v23, v16;
	v13 =	vadd.f32 v25, v13;
	v26 =	vand.u32 $0x3F, v26;
	v17 =	vld.idx.msk [tilespmem:v17+s30+$0x0], $0xffff  }
0x162: {  	v12 =	vadd.s32 $0x7, v9;
	v23 =	vor.u32 v6, v30;
	v33 =	vunpack.i.u.bf16.f32 v21  }
0x163: {  	v25 =	vor.u32 v7, v30;
	v30 =	vand.u32 $0x3F, v12;
	v14 =	vadd.f32 v20, v14  }
0x164: {  	v20 =	vor.u32 v7, v30;
	v21 =	vunpack.i.l.bf16.f32 v21;
	v12 =	vld.idx.msk [tilespmem:v34+s30+$0x0], $0xffff;
	v34 =	vor.u32 v6, v30  }
0x165: {  	v37 =	vor.u32 v7, v26;
	v38 =	vunpack.i.u.bf16.f32 v24;
	v30 =	vor.u32 v6, v26;
	v36 =	vld.idx.msk [tilespmem:v28+s30+$0x0], $0xffff  }
0x166: {  	v24 =	vunpack.i.l.bf16.f32 v24;
	v28 =	vunpack.i.u.bf16.f32 v18;
	v26 =	vunpack.i.l.bf16.f32 v18;
	v18 =	vld.idx.msk [tilespmem:v32+s30+$0x0], $0xffff  }
0x167: {  	v21 =	vmul.f32 v21, v24;
	v32 =	vunpack.i.u.bf16.f32 v17;
	v17 =	vunpack.i.l.bf16.f32 v17;
	v39 =	vld.idx.msk [tilespmem:v23+s30+$0x0], $0xffff  }
0x168: {  	v8 =	vadd.f32 v11, v8;
	v26 =	vmul.f32 v17, v26;
	v17 =	vmul.f32 v22, v29;
	v25 =	vld.idx.msk [tilespmem:v25+s30+$0x0], $0xffff  }
0x169: {  	v24 =	vmul.f32 v33, v38;
	v40 =	vmul.f32 v32, v28;
	v22 =	vadd.s32 $0x6, v9;
	v28 =	vld.idx.msk [tilespmem:v20+s30+$0x0], $0xffff  }
.Ltmp6:
0x16a: {  	v10 =	vadd.f32 v21, v10;
	v20 =	vand.u32 $0x3F, v22;
	v19 =	vadd.f32 v17, v19;
	v11 =	vld.idx.msk [tilespmem:v30+s30+$0x0], $0xffff;
	(pc) =	sbr.rel @p2 .LBB2_17-.Ltmp6, $4  }
0x16b: {  	v22 =	vunpack.i.l.bf16.f32 v36;
	v30 =	vor.u32 v6, v20;
	v29 =	vor.u32 v7, v20;
	v23 =	vld.idx.msk [tilespmem:v35+s30+$0x0], $0xffff  }
0x16c: {  	v27 =	vadd.f32 v31, v27;
	v15 =	vadd.f32 v24, v15;
	v20 =	vunpack.i.u.bf16.f32 v36;
	v17 =	vld.idx.msk [tilespmem:v34+s30+$0x0], $0xffff  }
0x16d: {  	v32 =	vadd.s32 $0x5, v9;
	v9 =	vadd.s32 $0x8, v9;
	v21 =	vunpack.i.u.bf16.f32 v39;
	v24 =	vld.idx.msk [tilespmem:v37+s30+$0x0], $0xffff  }
0x16e: {  	v9 =	vand.u32 $0x3F, v9;
	v8 =	vadd.f32 v40, v8;
	v31 =	vunpack.i.l.bf16.f32 v39  }
0x16f: {  	v9 =	vunpack.i.u.bf16.f32 v25  }
0x170: {  	v16 =	vadd.f32 v26, v16;
	v40 =	vunpack.i.l.bf16.f32 v28;
	v41 =	vunpack.i.l.bf16.f32 v25  }
0x171: {  	v32 =	vand.u32 $0x3F, v32;
	v42 =	vunpack.i.u.bf16.f32 v28;
	v33 =	vunpack.i.l.bf16.f32 v18  }
0x172: {  	v35 =	vunpack.i.l.bf16.f32 v11;
	v43 =	vunpack.i.u.bf16.f32 v18;
	v44 =	vunpack.i.u.bf16.f32 v12  }
0x173: {  	v48 =	vunpack.i.l.bf16.f32 v12;
	v56 =	vunpack.i.u.bf16.f32 v11;
	v34 =	vunpack.i.l.bf16.f32 v23  }
0x174: {  	v25 =	vmul.f32 v41, v31;
	v7 =	vor.u32 v7, v32;
	v6 =	vor.u32 v6, v32  }
0x175: {  	v46 =	vunpack.i.u.bf16.f32 v23;
	v9 =	vmul.f32 v9, v21;
	v18 =	vmul.f32 v43, v44  }
0x176: {  	v30 =	vld.idx.msk [tilespmem:v30+s30+$0x0], $0xffff;
	v12 =	vmul.f32 v33, v48;
	v22 =	vmul.f32 v22, v34;
	v47 =	vunpack.i.u.bf16.f32 v17  }
0x177: {  	v29 =	vld.idx.msk [tilespmem:v29+s30+$0x0], $0xffff;
	v20 =	vmul.f32 v20, v46;
	v54 =	vunpack.i.l.bf16.f32 v17;
	v45 =	vunpack.i.u.bf16.f32 v24  }
0x178: {  	v25 =	vadd.f32 v25, v27;
	v49 =	vunpack.i.l.bf16.f32 v24;
	v9 =	vadd.f32 v9, v13  }
0x179: {  	v55 =	vmul.f32 v42, v47;
	v15 =	vadd.f32 v18, v15;
	v10 =	vadd.f32 v12, v10;
	v7 =	vld.idx.msk [tilespmem:v7+s30+$0x0], $0xffff  }
0x17a: {  	v17 =	vmul.f32 v40, v54;
	v19 =	vadd.f32 v22, v19;
	v14 =	vadd.f32 v20, v14;
	v6 =	vld.idx.msk [tilespmem:v6+s30+$0x0], $0xffff  }
0x17b: {  	v21 =	vmul.f32 v49, v35;
	v11 =	vmul.f32 v45, v56;
	v50 =	vunpack.i.u.bf16.f32 v30  }
0x17c: {  	v51 =	vunpack.i.l.bf16.f32 v29;
	v52 =	vunpack.i.u.bf16.f32 v29;
	v53 =	vunpack.i.l.bf16.f32 v30  }
0x17d: {  	v9 =	vadd.f32 v55, v9;
	v62 =	vadd.f32 v17, v25;
	v20 =	vmul.f32 v52, v50  }
0x17e: {  	v57 =	vadd.f32 v21, v16;
	v13 =	vmul.f32 v51, v53;
	v58 =	vunpack.i.u.bf16.f32 v7  }
0x17f: {  	v7 =	vunpack.i.l.bf16.f32 v7;
	v59 =	vunpack.i.u.bf16.f32 v6;
	v6 =	vunpack.i.l.bf16.f32 v6  }
0x180: {  	v8 =	vadd.f32 v11, v8;
	v6 =	vmul.f32 v7, v6;
	v60 =	vmul.f32 v58, v59  }
0x181: {  	v14 =	vadd.f32 v20, v14;
	v61 =	vadd.f32 v13, v19  }
0x182: {  	v6 =	vadd.f32 v6, v10;
	v7 =	vadd.f32 v60, v15  }
0x183: {  	v9 =	vadd.f32 v9, v62;
	v8 =	vadd.f32 v8, v57  }
0x184: {  	v63 =	vadd.f32 v14, v61;
	v6 =	vadd.f32 v7, v6;
	_ =	sdelay $0x1  }
0x185: {  	v7 =	vadd.f32 v9, v63;
	v6 =	vadd.f32 v6, v8;
	_ =	sdelay $0x1  }
0x186: {  	v6 =	vadd.f32 v7, v6;
	_ =	sdelay $0x1  }
0x187: {  	v6 =	vmul.f32 $1.428571410e+01, v6;
	_ =	sdelay $0x1  }
0x188: {  	v6 =	vadd.f32 $-1.428571410e+01, v6;
	_ =	sdelay $0x1  }
0x189: {  	v6 =	vmul.f32 $1.442695020e+00, v6;
	_ =	sdelay $0x1  }
0x18a: {  	(erf) = vpow2.f32 v6  }
0x18b: {  	v4 =	vld.idx.msk [tilespmem:v4+s3+$0x0], $0xffff  }
0x18c: {  	v5 =	vld.idx.msk [tilespmem:v5+s3+$0x0], $0xffff;
	_ =	sdelay $0x3  }
0x18d: {  	s2 =	sadd.s32 $0x1, s2  }
0x18e: {  	p2 =	sne.s32 s2, $0x5;
	vm0 =	vne.s32 v4, $0xFFFFFFFF;
	vm1 =	vne.s32 v5, $0xFFFFFFFF  }
.Ltmp7:
0x18f: {  	vm2 =	veq.s32 v4, v5;
	vm0 =	vmand vm0, vm1;
	(pc) =	sbr.rel @p2 .LBB2_16-.Ltmp7, $4  }
0x190: {  	vm0 =	vmand vm0, vm2;
	v4 =	vpop (erf)  }
0x191: {  	v5 =	vsel vm0, $0x3F800000, v0;
	[tilespmem:v3+s5+$0xDE80 ss:$0x1] =	vst.idx.msk $0xffff, v4  }
0x192: {  	v4 =	vsel vm0, $0x0, v4;
	[tilespmem:v3+s5+$0xE650 ss:$0x1] =	vst.idx.msk $0xffff, v5  }
0x193: {  	[tilespmem:v3+s5+$0xEE20 ss:$0x1] =	vst.idx.msk $0xffff, v4  }
0x194: {  	s2 =	sadd.s32 @!p1 $0x2AD0, s24;
	s5 =	simm.s32 @!p1 $0x50;
	s6 =	simm.s32 @!p1 $0x8E80  }
0x195: {  	[tilespmem:s6], [sflag:$0x3] =	stream.indirect.gather @!p1 [hbm4b:s4+s5], $0x40, s2, s5, $0xb8;
	[tilespmem:$0xF868] =	vst v63  }
0x196: {  	s2 =	sadd.s32 @!p1 $0x2B20, s24;
	s6 =	simm.s32 @!p1 $0xA280  }
0x197: {  	[tilespmem:s6], [sflag:$0x3] =	stream.indirect.gather @!p1 [hbm4b:s4+s5], $0x40, s2, s5, $0xb8;
	[tilespmem:$0xF868] =	vst v63  }
0x198: {  	_ =	swait.ge [sflag:s14], $0x1400  }
0x199: {  	[sflag:s14] =	ssyncset.done $0x0  }
0x19a: {  	[sflag:s14] =	ssyncadd.s32 $0xFFFFEC00  }
0x19b: {  	s24 =	smul.u32 $0x50, s15;
	_ =	swait.ge [sflag:s14], $0x1400  }
0x19c: {  	[sflag:s14] =	ssyncset.done $0x0  }
0x19d: {  	v1 =	vmov s0;
	v2 =	vmov s22;
	s2 =	simm.s32 $0x0;
	v3 =	vmov s24;
	[sflag:s14] =	ssyncadd.s32 $0xFFFFEC00  }
.LBB2_20:
0x19e: {  	s0 =	sshll.u32 s2, $0x4;
	v8 =	vlaneseq.u32  }
0x19f: {  	v4 =	vmov s0;
	v5 =	vmul.u32 $0x40, v8  }
0x1a0: {  	v4 =	vshll.u32 v4, $0x6  }
0x1a1: {  	v10 =	vadd.s32 $0x3, v8;
	v6 =	vor.u32 v5, v4;
	v5 =	vor.u32 $0x1400, v5  }
0x1a2: {  	v10 =	vand.u32 $0x3F, v10;
	v7 =	vadd.s32 v5, v4;
	v4 =	vor.u32 v6, v8  }
0x1a3: {  	v14 =	vor.u32 v6, v10  }
0x1a4: {  	v9 =	vadd.s32 $0x2, v8;
	v5 =	vor.u32 v7, v8  }
0x1a5: {  	v12 =	vadd.s32 $0x1, v8;
	v9 =	vand.u32 $0x3F, v9  }
0x1a6: {  	v12 =	vand.u32 $0x3F, v12;
	v11 =	vor.u32 v7, v9  }
0x1a7: {  	v15 =	vor.u32 v6, v12;
	v13 =	vld.idx.msk [tilespmem:v4+s9+$0x0], $0xffff  }
0x1a8: {  	v18 =	vor.u32 v7, v12;
	v14 =	vld.idx.msk [tilespmem:v14+s9+$0x0], $0xffff  }
0x1a9: {  	v10 =	vor.u32 v7, v10;
	v17 =	vld.idx.msk [tilespmem:v5+s9+$0x0], $0xffff;
	v5 =	vadd.s32 $0x7, v8  }
0x1aa: {  	v12 =	vadd.s32 $0x4, v8;
	v9 =	vor.u32 v6, v9;
	v4 =	vld.idx.msk [tilespmem:v1+s0+$0x0 ss:$0x1], $0xffff;
	v19 =	vand.u32 $0x3F, v5  }
0x1ab: {  	v16 =	vimm.f32 $0.0e+00;
	v12 =	vand.u32 $0x3F, v12;
	v11 =	vld.idx.msk [tilespmem:v11+s9+$0x0], $0xffff;
	v20 =	vor.u32 v7, v19  }
0x1ac: {  	v27 =	vimm.f32 $0.0e+00;
	v21 =	vor.u32 v6, v12;
	v24 =	vor.u32 v7, v12;
	v12 =	vld.idx.msk [tilespmem:v15+s9+$0x0], $0xffff  }
0x1ad: {  	v32 =	vadd.s32 $0x5, v8;
	v18 =	vld.idx.msk [tilespmem:v18+s9+$0x0], $0xffff;
	v19 =	vor.u32 v6, v19;
	v15 =	vunpack.i.u.bf16.f32 v13  }
0x1ae: {  	v25 =	vld.idx.msk [tilespmem:v10+s9+$0x0], $0xffff;
	v13 =	vunpack.i.l.bf16.f32 v13;
	v31 =	vunpack.i.l.bf16.f32 v14;
	v22 =	vunpack.i.l.bf16.f32 v17  }
0x1af: {  	v23 =	vld.idx.msk [tilespmem:v9+s9+$0x0], $0xffff;
	v17 =	vunpack.i.u.bf16.f32 v17;
	v26 =	vmul.f32 v22, v13;
	v13 =	vadd.s32 $0x6, v8  }
0x1b0: {  	v10 =	vmul.f32 v17, v15;
	v22 =	vunpack.i.l.bf16.f32 v11;
	v13 =	vand.u32 $0x3F, v13;
	v28 =	vld.idx.msk [tilespmem:v20+s9+$0x0], $0xffff  }
0x1b1: {  	v15 =	vimm.f32 $0.0e+00;
	v20 =	vunpack.i.u.bf16.f32 v11;
	v11 =	vld.idx.msk [tilespmem:v21+s9+$0x0], $0xffff;
	v30 =	vor.u32 v6, v13  }
0x1b2: {  	v21 =	vunpack.i.u.bf16.f32 v14;
	v17 =	vld.idx.msk [tilespmem:v19+s9+$0x0], $0xffff;
	v19 =	vimm.f32 $0.0e+00;
	v29 =	vor.u32 v7, v13  }
0x1b3: {  	v5 =	vld.idx.msk [tilespmem:v2+s0+$0x0 ss:$0x1], $0xffff;
	v14 =	vimm.f32 $0.0e+00;
	v13 =	vadd.s32 $0x8, v8;
	v8 =	vadd.f32 v10, v16  }
0x1b4: {  	s5 =	simm.s32 $0x0;
	v24 =	vld.idx.msk [tilespmem:v24+s9+$0x0], $0xffff;
	v10 =	vimm.f32 $0.0e+00;
	v9 =	vand.u32 $0x3F, v13;
	v13 =	vimm.f32 $0.0e+00  }
.LBB2_21:
0x1b5: {  	s5 =	sadd.s32 $0x2, s5;
	v33 =	vunpack.i.u.bf16.f32 v25;
	v16 =	vadd.f32 v26, v16;
	v26 =	vunpack.i.l.bf16.f32 v28  }
0x1b6: {  	v25 =	vunpack.i.l.bf16.f32 v25;
	v32 =	vand.u32 $0x3F, v32;
	v28 =	vunpack.i.u.bf16.f32 v28;
	p1 =	slt.u32 s5, $0xE;
	v30 =	vld.idx.msk [tilespmem:v30+s9+$0x0], $0xffff  }
0x1b7: {  	v34 =	vunpack.i.l.bf16.f32 v18;
	v36 =	vunpack.i.l.bf16.f32 v11;
	v35 =	vunpack.i.l.bf16.f32 v23;
	v29 =	vld.idx.msk [tilespmem:v29+s9+$0x0], $0xffff  }
0x1b8: {  	v18 =	vunpack.i.u.bf16.f32 v18;
	v25 =	vmul.f32 v25, v31;
	v31 =	vor.u32 v7, v32  }
0x1b9: {  	v37 =	vunpack.i.u.bf16.f32 v12;
	v22 =	vmul.f32 v22, v35;
	v35 =	vunpack.i.u.bf16.f32 v24  }
0x1ba: {  	v23 =	vunpack.i.u.bf16.f32 v23;
	v27 =	vadd.f32 v25, v27;
	v25 =	vunpack.i.u.bf16.f32 v17  }
0x1bb: {  	v12 =	vunpack.i.l.bf16.f32 v12;
	v21 =	vmul.f32 v33, v21;
	v20 =	vmul.f32 v20, v23  }
0x1bc: {  	v23 =	vunpack.i.l.bf16.f32 v24;
	v24 =	vor.u32 v6, v32;
	v32 =	vunpack.i.u.bf16.f32 v30  }
0x1bd: {  	v13 =	vadd.f32 v21, v13;
	v19 =	vadd.f32 v22, v19;
	v22 =	vunpack.i.l.bf16.f32 v29;
	v21 =	vld.idx.msk [tilespmem:v31+s9+$0x0], $0xffff  }
0x1be: {  	v18 =	vmul.f32 v18, v37;
	v14 =	vadd.f32 v20, v14;
	v20 =	vunpack.i.u.bf16.f32 v29  }
0x1bf: {  	v12 =	vmul.f32 v34, v12;
	v17 =	vunpack.i.l.bf16.f32 v17;
	v29 =	vunpack.i.l.bf16.f32 v30  }
0x1c0: {  	v25 =	vmul.f32 v28, v25;
	v30 =	vadd.s32 $0x3, v9;
	v20 =	vmul.f32 v20, v32  }
0x1c1: {  	v28 =	vor.u32 v6, v9;
	v30 =	vand.u32 $0x3F, v30;
	v31 =	vmul.f32 v26, v17;
	v24 =	vld.idx.msk [tilespmem:v24+s9+$0x0], $0xffff  }
0x1c2: {  	v11 =	vunpack.i.u.bf16.f32 v11;
	v17 =	vor.u32 v7, v9;
	v26 =	vadd.s32 $0x4, v9  }
0x1c3: {  	v33 =	vadd.s32 $0x2, v9;
	v11 =	vmul.f32 v35, v11;
	v32 =	vadd.s32 $0x1, v9  }
0x1c4: {  	v33 =	vand.u32 $0x3F, v33;
	v23 =	vmul.f32 v23, v36;
	v32 =	vand.u32 $0x3F, v32  }
0x1c5: {  	v15 =	vadd.f32 v18, v15;
	v34 =	vor.u32 v6, v32;
	v32 =	vor.u32 v7, v32  }
0x1c6: {  	v10 =	vadd.f32 v12, v10;
	v35 =	vor.u32 v6, v33;
	v18 =	vld.idx.msk [tilespmem:v28+s9+$0x0], $0xffff;
	v28 =	vor.u32 v7, v33  }
0x1c7: {  	v16 =	vadd.f32 v23, v16;
	v13 =	vadd.f32 v25, v13;
	v26 =	vand.u32 $0x3F, v26;
	v17 =	vld.idx.msk [tilespmem:v17+s9+$0x0], $0xffff  }
0x1c8: {  	v12 =	vadd.s32 $0x7, v9;
	v23 =	vor.u32 v6, v30;
	v33 =	vunpack.i.u.bf16.f32 v21  }
0x1c9: {  	v25 =	vor.u32 v7, v30;
	v30 =	vand.u32 $0x3F, v12;
	v14 =	vadd.f32 v20, v14  }
0x1ca: {  	v20 =	vor.u32 v7, v30;
	v21 =	vunpack.i.l.bf16.f32 v21;
	v12 =	vld.idx.msk [tilespmem:v34+s9+$0x0], $0xffff;
	v34 =	vor.u32 v6, v30  }
0x1cb: {  	v37 =	vor.u32 v7, v26;
	v38 =	vunpack.i.u.bf16.f32 v24;
	v30 =	vor.u32 v6, v26;
	v36 =	vld.idx.msk [tilespmem:v28+s9+$0x0], $0xffff  }
0x1cc: {  	v24 =	vunpack.i.l.bf16.f32 v24;
	v28 =	vunpack.i.u.bf16.f32 v18;
	v26 =	vunpack.i.l.bf16.f32 v18;
	v18 =	vld.idx.msk [tilespmem:v32+s9+$0x0], $0xffff  }
0x1cd: {  	v21 =	vmul.f32 v21, v24;
	v32 =	vunpack.i.u.bf16.f32 v17;
	v17 =	vunpack.i.l.bf16.f32 v17;
	v39 =	vld.idx.msk [tilespmem:v23+s9+$0x0], $0xffff  }
0x1ce: {  	v8 =	vadd.f32 v11, v8;
	v26 =	vmul.f32 v17, v26;
	v17 =	vmul.f32 v22, v29;
	v25 =	vld.idx.msk [tilespmem:v25+s9+$0x0], $0xffff  }
0x1cf: {  	v24 =	vmul.f32 v33, v38;
	v40 =	vmul.f32 v32, v28;
	v22 =	vadd.s32 $0x6, v9;
	v28 =	vld.idx.msk [tilespmem:v20+s9+$0x0], $0xffff  }
.Ltmp8:
0x1d0: {  	v10 =	vadd.f32 v21, v10;
	v20 =	vand.u32 $0x3F, v22;
	v19 =	vadd.f32 v17, v19;
	v11 =	vld.idx.msk [tilespmem:v30+s9+$0x0], $0xffff;
	(pc) =	sbr.rel @p1 .LBB2_21-.Ltmp8, $4  }
0x1d1: {  	v22 =	vunpack.i.l.bf16.f32 v36;
	v30 =	vor.u32 v6, v20;
	v29 =	vor.u32 v7, v20;
	v23 =	vld.idx.msk [tilespmem:v35+s9+$0x0], $0xffff  }
0x1d2: {  	v27 =	vadd.f32 v31, v27;
	v15 =	vadd.f32 v24, v15;
	v20 =	vunpack.i.u.bf16.f32 v36;
	v17 =	vld.idx.msk [tilespmem:v34+s9+$0x0], $0xffff  }
0x1d3: {  	v32 =	vadd.s32 $0x5, v9;
	v9 =	vadd.s32 $0x8, v9;
	v21 =	vunpack.i.u.bf16.f32 v39;
	v24 =	vld.idx.msk [tilespmem:v37+s9+$0x0], $0xffff  }
0x1d4: {  	v9 =	vand.u32 $0x3F, v9;
	v8 =	vadd.f32 v40, v8;
	v31 =	vunpack.i.l.bf16.f32 v39  }
0x1d5: {  	v9 =	vunpack.i.u.bf16.f32 v25  }
0x1d6: {  	v16 =	vadd.f32 v26, v16;
	v40 =	vunpack.i.l.bf16.f32 v28;
	v41 =	vunpack.i.l.bf16.f32 v25  }
0x1d7: {  	v32 =	vand.u32 $0x3F, v32;
	v42 =	vunpack.i.u.bf16.f32 v28;
	v33 =	vunpack.i.l.bf16.f32 v18  }
0x1d8: {  	v35 =	vunpack.i.l.bf16.f32 v11;
	v43 =	vunpack.i.u.bf16.f32 v18;
	v44 =	vunpack.i.u.bf16.f32 v12  }
0x1d9: {  	v48 =	vunpack.i.l.bf16.f32 v12;
	v56 =	vunpack.i.u.bf16.f32 v11;
	v34 =	vunpack.i.l.bf16.f32 v23  }
0x1da: {  	v25 =	vmul.f32 v41, v31;
	v7 =	vor.u32 v7, v32;
	v6 =	vor.u32 v6, v32  }
0x1db: {  	v46 =	vunpack.i.u.bf16.f32 v23;
	v9 =	vmul.f32 v9, v21;
	v18 =	vmul.f32 v43, v44  }
0x1dc: {  	v30 =	vld.idx.msk [tilespmem:v30+s9+$0x0], $0xffff;
	v12 =	vmul.f32 v33, v48;
	v22 =	vmul.f32 v22, v34;
	v47 =	vunpack.i.u.bf16.f32 v17  }
0x1dd: {  	v29 =	vld.idx.msk [tilespmem:v29+s9+$0x0], $0xffff;
	v20 =	vmul.f32 v20, v46;
	v54 =	vunpack.i.l.bf16.f32 v17;
	v45 =	vunpack.i.u.bf16.f32 v24  }
0x1de: {  	v25 =	vadd.f32 v25, v27;
	v49 =	vunpack.i.l.bf16.f32 v24;
	v9 =	vadd.f32 v9, v13  }
0x1df: {  	v55 =	vmul.f32 v42, v47;
	v15 =	vadd.f32 v18, v15;
	v10 =	vadd.f32 v12, v10;
	v7 =	vld.idx.msk [tilespmem:v7+s9+$0x0], $0xffff  }
0x1e0: {  	v17 =	vmul.f32 v40, v54;
	v19 =	vadd.f32 v22, v19;
	v14 =	vadd.f32 v20, v14;
	v6 =	vld.idx.msk [tilespmem:v6+s9+$0x0], $0xffff  }
0x1e1: {  	v21 =	vmul.f32 v49, v35;
	v11 =	vmul.f32 v45, v56;
	v50 =	vunpack.i.u.bf16.f32 v30  }
0x1e2: {  	v51 =	vunpack.i.l.bf16.f32 v29;
	v52 =	vunpack.i.u.bf16.f32 v29;
	v53 =	vunpack.i.l.bf16.f32 v30  }
0x1e3: {  	v9 =	vadd.f32 v55, v9;
	v62 =	vadd.f32 v17, v25;
	v20 =	vmul.f32 v52, v50  }
0x1e4: {  	v57 =	vadd.f32 v21, v16;
	v13 =	vmul.f32 v51, v53;
	v58 =	vunpack.i.u.bf16.f32 v7  }
0x1e5: {  	v7 =	vunpack.i.l.bf16.f32 v7;
	v59 =	vunpack.i.u.bf16.f32 v6;
	v6 =	vunpack.i.l.bf16.f32 v6  }
0x1e6: {  	v8 =	vadd.f32 v11, v8;
	v6 =	vmul.f32 v7, v6;
	v60 =	vmul.f32 v58, v59  }
0x1e7: {  	v14 =	vadd.f32 v20, v14;
	v61 =	vadd.f32 v13, v19  }
0x1e8: {  	v6 =	vadd.f32 v6, v10;
	v7 =	vadd.f32 v60, v15  }
0x1e9: {  	v9 =	vadd.f32 v9, v62;
	v8 =	vadd.f32 v8, v57  }
0x1ea: {  	v63 =	vadd.f32 v14, v61;
	v6 =	vadd.f32 v7, v6;
	_ =	sdelay $0x1  }
0x1eb: {  	v7 =	vadd.f32 v9, v63;
	v6 =	vadd.f32 v6, v8;
	_ =	sdelay $0x1  }
0x1ec: {  	v6 =	vadd.f32 v7, v6;
	_ =	sdelay $0x1  }
0x1ed: {  	v6 =	vmul.f32 $1.428571410e+01, v6;
	_ =	sdelay $0x1  }
0x1ee: {  	v6 =	vadd.f32 $-1.428571410e+01, v6;
	_ =	sdelay $0x1  }
0x1ef: {  	v6 =	vmul.f32 $1.442695020e+00, v6;
	_ =	sdelay $0x1  }
0x1f0: {  	(erf) = vpow2.f32 v6  }
0x1f1: {  	v4 =	vld.idx.msk [tilespmem:v4+s3+$0x0], $0xffff  }
0x1f2: {  	v5 =	vld.idx.msk [tilespmem:v5+s3+$0x0], $0xffff;
	_ =	sdelay $0x3  }
0x1f3: {  	s2 =	sadd.s32 $0x1, s2  }
0x1f4: {  	p1 =	sne.s32 s2, $0x5;
	vm0 =	vne.s32 v4, $0xFFFFFFFF;
	vm1 =	vne.s32 v5, $0xFFFFFFFF  }
.Ltmp9:
0x1f5: {  	vm2 =	veq.s32 v4, v5;
	vm0 =	vmand vm0, vm1;
	(pc) =	sbr.rel @p1 .LBB2_20-.Ltmp9, $4  }
0x1f6: {  	vm0 =	vmand vm0, vm2;
	v4 =	vpop (erf)  }
0x1f7: {  	v5 =	vsel vm0, $0x3F800000, v0;
	[tilespmem:v3+s0+$0xDE80 ss:$0x1] =	vst.idx.msk $0xffff, v4  }
0x1f8: {  	v4 =	vsel vm0, $0x0, v4;
	[tilespmem:v3+s0+$0xE650 ss:$0x1] =	vst.idx.msk $0xffff, v5  }
0x1f9: {  	[tilespmem:v3+s0+$0xEE20 ss:$0x1] =	vst.idx.msk $0xffff, v4  }
0x1fa: {  	s31 =	sadd.s32 $0x1, s31  }
0x1fb: {  	p1 =	sne.s32 s31, $0x6  }
.Ltmp10:
0x1fc: {  	_ = 	snop;
	(pc) =	sbr.rel @p1 .LBB2_7-.Ltmp10, $1  }
0x1fd: {  	_ =	sdelay $0x3  }
0x1fe: {  	_ =	swait.ge [sflag:s11], $0x1400  }
0x1ff: {  	[sflag:s11] =	ssyncset.done $0x0  }
0x200: {  	[sflag:s11] =	ssyncadd.s32 $0xFFFFEC00  }
0x201: {  	_ =	swait.ge [sflag:s11], $0x1400  }
0x202: {  	[sflag:s11] =	ssyncset.done $0x0  }
0x203: {  	s0 =	simm.s32 $0x0;
	[sflag:s11] =	ssyncadd.s32 $0xFFFFEC00  }
.LBB2_25:
0x204: {  	s2 =	sshll.u32 s0, $0x4;
	v5 =	vlaneseq.u32  }
0x205: {  	v1 =	vmov s2;
	v2 =	vmul.u32 $0x40, v5  }
0x206: {  	v1 =	vshll.u32 v1, $0x6  }
0x207: {  	v7 =	vadd.s32 $0x3, v5;
	v3 =	vor.u32 v2, v1;
	v2 =	vor.u32 $0x1400, v2  }
0x208: {  	v7 =	vand.u32 $0x3F, v7;
	v4 =	vadd.s32 v2, v1;
	v1 =	vor.u32 v3, v5  }
0x209: {  	v11 =	vor.u32 v3, v7  }
0x20a: {  	v6 =	vadd.s32 $0x2, v5;
	v2 =	vor.u32 v4, v5  }
0x20b: {  	v9 =	vadd.s32 $0x1, v5;
	v6 =	vand.u32 $0x3F, v6  }
0x20c: {  	v9 =	vand.u32 $0x3F, v9;
	v8 =	vor.u32 v4, v6  }
0x20d: {  	v12 =	vor.u32 v3, v9;
	v10 =	vld.idx.msk [tilespmem:v1+s21+$0x0], $0xffff  }
0x20e: {  	v15 =	vor.u32 v4, v9;
	v11 =	vld.idx.msk [tilespmem:v11+s21+$0x0], $0xffff  }
0x20f: {  	v7 =	vor.u32 v4, v7;
	v14 =	vld.idx.msk [tilespmem:v2+s21+$0x0], $0xffff;
	v2 =	vadd.s32 $0x7, v5  }
0x210: {  	v9 =	vadd.s32 $0x4, v5;
	v6 =	vor.u32 v3, v6;
	v1 =	vld [tilespmem:s2+$0x3610];
	v16 =	vand.u32 $0x3F, v2  }
0x211: {  	v13 =	vimm.f32 $0.0e+00;
	v9 =	vand.u32 $0x3F, v9;
	v8 =	vld.idx.msk [tilespmem:v8+s21+$0x0], $0xffff;
	v17 =	vor.u32 v4, v16  }
0x212: {  	v24 =	vimm.f32 $0.0e+00;
	v18 =	vor.u32 v3, v9;
	v21 =	vor.u32 v4, v9;
	v9 =	vld.idx.msk [tilespmem:v12+s21+$0x0], $0xffff  }
0x213: {  	v29 =	vadd.s32 $0x5, v5;
	v15 =	vld.idx.msk [tilespmem:v15+s21+$0x0], $0xffff;
	v16 =	vor.u32 v3, v16;
	v12 =	vunpack.i.u.bf16.f32 v10  }
0x214: {  	v22 =	vld.idx.msk [tilespmem:v7+s21+$0x0], $0xffff;
	v10 =	vunpack.i.l.bf16.f32 v10;
	v28 =	vunpack.i.l.bf16.f32 v11;
	v19 =	vunpack.i.l.bf16.f32 v14  }
0x215: {  	v20 =	vld.idx.msk [tilespmem:v6+s21+$0x0], $0xffff;
	v14 =	vunpack.i.u.bf16.f32 v14;
	v23 =	vmul.f32 v19, v10;
	v10 =	vadd.s32 $0x6, v5  }
0x216: {  	v7 =	vmul.f32 v14, v12;
	v19 =	vunpack.i.l.bf16.f32 v8;
	v10 =	vand.u32 $0x3F, v10;
	v25 =	vld.idx.msk [tilespmem:v17+s21+$0x0], $0xffff  }
0x217: {  	v12 =	vimm.f32 $0.0e+00;
	v17 =	vunpack.i.u.bf16.f32 v8;
	v8 =	vld.idx.msk [tilespmem:v18+s21+$0x0], $0xffff;
	v27 =	vor.u32 v3, v10  }
0x218: {  	v18 =	vunpack.i.u.bf16.f32 v11;
	v14 =	vld.idx.msk [tilespmem:v16+s21+$0x0], $0xffff;
	v16 =	vimm.f32 $0.0e+00;
	v26 =	vor.u32 v4, v10  }
0x219: {  	v2 =	vld [tilespmem:s2+$0x3660];
	v11 =	vimm.f32 $0.0e+00;
	v10 =	vadd.s32 $0x8, v5;
	v5 =	vadd.f32 v7, v13  }
0x21a: {  	s5 =	simm.s32 $0x0;
	v21 =	vld.idx.msk [tilespmem:v21+s21+$0x0], $0xffff;
	v7 =	vimm.f32 $0.0e+00;
	v6 =	vand.u32 $0x3F, v10;
	v10 =	vimm.f32 $0.0e+00  }
.LBB2_26:
0x21b: {  	s5 =	sadd.s32 $0x2, s5;
	v30 =	vunpack.i.u.bf16.f32 v22;
	v13 =	vadd.f32 v23, v13;
	v23 =	vunpack.i.l.bf16.f32 v25  }
0x21c: {  	v22 =	vunpack.i.l.bf16.f32 v22;
	v29 =	vand.u32 $0x3F, v29;
	v25 =	vunpack.i.u.bf16.f32 v25;
	p1 =	slt.u32 s5, $0xE;
	v27 =	vld.idx.msk [tilespmem:v27+s21+$0x0], $0xffff  }
0x21d: {  	v31 =	vunpack.i.l.bf16.f32 v15;
	v33 =	vunpack.i.l.bf16.f32 v8;
	v32 =	vunpack.i.l.bf16.f32 v20;
	v26 =	vld.idx.msk [tilespmem:v26+s21+$0x0], $0xffff  }
0x21e: {  	v15 =	vunpack.i.u.bf16.f32 v15;
	v22 =	vmul.f32 v22, v28;
	v28 =	vor.u32 v4, v29  }
0x21f: {  	v34 =	vunpack.i.u.bf16.f32 v9;
	v19 =	vmul.f32 v19, v32;
	v32 =	vunpack.i.u.bf16.f32 v21  }
0x220: {  	v20 =	vunpack.i.u.bf16.f32 v20;
	v24 =	vadd.f32 v22, v24;
	v22 =	vunpack.i.u.bf16.f32 v14  }
0x221: {  	v9 =	vunpack.i.l.bf16.f32 v9;
	v18 =	vmul.f32 v30, v18;
	v17 =	vmul.f32 v17, v20  }
0x222: {  	v20 =	vunpack.i.l.bf16.f32 v21;
	v21 =	vor.u32 v3, v29;
	v29 =	vunpack.i.u.bf16.f32 v27  }
0x223: {  	v10 =	vadd.f32 v18, v10;
	v16 =	vadd.f32 v19, v16;
	v19 =	vunpack.i.l.bf16.f32 v26;
	v18 =	vld.idx.msk [tilespmem:v28+s21+$0x0], $0xffff  }
0x224: {  	v15 =	vmul.f32 v15, v34;
	v11 =	vadd.f32 v17, v11;
	v17 =	vunpack.i.u.bf16.f32 v26  }
0x225: {  	v9 =	vmul.f32 v31, v9;
	v14 =	vunpack.i.l.bf16.f32 v14;
	v26 =	vunpack.i.l.bf16.f32 v27  }
0x226: {  	v22 =	vmul.f32 v25, v22;
	v27 =	vadd.s32 $0x3, v6;
	v17 =	vmul.f32 v17, v29  }
0x227: {  	v25 =	vor.u32 v3, v6;
	v27 =	vand.u32 $0x3F, v27;
	v28 =	vmul.f32 v23, v14;
	v21 =	vld.idx.msk [tilespmem:v21+s21+$0x0], $0xffff  }
0x228: {  	v8 =	vunpack.i.u.bf16.f32 v8;
	v14 =	vor.u32 v4, v6;
	v23 =	vadd.s32 $0x4, v6  }
0x229: {  	v30 =	vadd.s32 $0x2, v6;
	v8 =	vmul.f32 v32, v8;
	v29 =	vadd.s32 $0x1, v6  }
0x22a: {  	v30 =	vand.u32 $0x3F, v30;
	v20 =	vmul.f32 v20, v33;
	v29 =	vand.u32 $0x3F, v29  }
0x22b: {  	v12 =	vadd.f32 v15, v12;
	v31 =	vor.u32 v3, v29;
	v29 =	vor.u32 v4, v29  }
0x22c: {  	v7 =	vadd.f32 v9, v7;
	v32 =	vor.u32 v3, v30;
	v15 =	vld.idx.msk [tilespmem:v25+s21+$0x0], $0xffff;
	v25 =	vor.u32 v4, v30  }
0x22d: {  	v13 =	vadd.f32 v20, v13;
	v10 =	vadd.f32 v22, v10;
	v23 =	vand.u32 $0x3F, v23;
	v14 =	vld.idx.msk [tilespmem:v14+s21+$0x0], $0xffff  }
0x22e: {  	v9 =	vadd.s32 $0x7, v6;
	v20 =	vor.u32 v3, v27;
	v30 =	vunpack.i.u.bf16.f32 v18  }
0x22f: {  	v22 =	vor.u32 v4, v27;
	v27 =	vand.u32 $0x3F, v9;
	v11 =	vadd.f32 v17, v11  }
0x230: {  	v17 =	vor.u32 v4, v27;
	v18 =	vunpack.i.l.bf16.f32 v18;
	v9 =	vld.idx.msk [tilespmem:v31+s21+$0x0], $0xffff;
	v31 =	vor.u32 v3, v27  }
0x231: {  	v34 =	vor.u32 v4, v23;
	v35 =	vunpack.i.u.bf16.f32 v21;
	v27 =	vor.u32 v3, v23;
	v33 =	vld.idx.msk [tilespmem:v25+s21+$0x0], $0xffff  }
0x232: {  	v21 =	vunpack.i.l.bf16.f32 v21;
	v25 =	vunpack.i.u.bf16.f32 v15;
	v23 =	vunpack.i.l.bf16.f32 v15;
	v15 =	vld.idx.msk [tilespmem:v29+s21+$0x0], $0xffff  }
0x233: {  	v18 =	vmul.f32 v18, v21;
	v29 =	vunpack.i.u.bf16.f32 v14;
	v14 =	vunpack.i.l.bf16.f32 v14;
	v36 =	vld.idx.msk [tilespmem:v20+s21+$0x0], $0xffff  }
0x234: {  	v5 =	vadd.f32 v8, v5;
	v23 =	vmul.f32 v14, v23;
	v14 =	vmul.f32 v19, v26;
	v22 =	vld.idx.msk [tilespmem:v22+s21+$0x0], $0xffff  }
0x235: {  	v21 =	vmul.f32 v30, v35;
	v37 =	vmul.f32 v29, v25;
	v19 =	vadd.s32 $0x6, v6;
	v25 =	vld.idx.msk [tilespmem:v17+s21+$0x0], $0xffff  }
.Ltmp11:
0x236: {  	v7 =	vadd.f32 v18, v7;
	v17 =	vand.u32 $0x3F, v19;
	v16 =	vadd.f32 v14, v16;
	v8 =	vld.idx.msk [tilespmem:v27+s21+$0x0], $0xffff;
	(pc) =	sbr.rel @p1 .LBB2_26-.Ltmp11, $4  }
0x237: {  	v19 =	vunpack.i.l.bf16.f32 v33;
	v27 =	vor.u32 v3, v17;
	v26 =	vor.u32 v4, v17;
	v20 =	vld.idx.msk [tilespmem:v32+s21+$0x0], $0xffff  }
0x238: {  	v24 =	vadd.f32 v28, v24;
	v12 =	vadd.f32 v21, v12;
	v17 =	vunpack.i.u.bf16.f32 v33;
	v14 =	vld.idx.msk [tilespmem:v31+s21+$0x0], $0xffff  }
0x239: {  	v29 =	vadd.s32 $0x5, v6;
	v6 =	vadd.s32 $0x8, v6;
	v18 =	vunpack.i.u.bf16.f32 v36;
	v21 =	vld.idx.msk [tilespmem:v34+s21+$0x0], $0xffff  }
0x23a: {  	v6 =	vand.u32 $0x3F, v6;
	v5 =	vadd.f32 v37, v5;
	v28 =	vunpack.i.l.bf16.f32 v36  }
0x23b: {  	v6 =	vunpack.i.u.bf16.f32 v22  }
0x23c: {  	v13 =	vadd.f32 v23, v13;
	v40 =	vunpack.i.l.bf16.f32 v25;
	v41 =	vunpack.i.l.bf16.f32 v22  }
0x23d: {  	v29 =	vand.u32 $0x3F, v29;
	v42 =	vunpack.i.u.bf16.f32 v25;
	v30 =	vunpack.i.l.bf16.f32 v15  }
0x23e: {  	v32 =	vunpack.i.l.bf16.f32 v8;
	v43 =	vunpack.i.u.bf16.f32 v15;
	v44 =	vunpack.i.u.bf16.f32 v9  }
0x23f: {  	v48 =	vunpack.i.l.bf16.f32 v9;
	v56 =	vunpack.i.u.bf16.f32 v8;
	v31 =	vunpack.i.l.bf16.f32 v20  }
0x240: {  	v22 =	vmul.f32 v41, v28;
	v4 =	vor.u32 v4, v29;
	v3 =	vor.u32 v3, v29  }
0x241: {  	v46 =	vunpack.i.u.bf16.f32 v20;
	v6 =	vmul.f32 v6, v18;
	v15 =	vmul.f32 v43, v44  }
0x242: {  	v27 =	vld.idx.msk [tilespmem:v27+s21+$0x0], $0xffff;
	v9 =	vmul.f32 v30, v48;
	v19 =	vmul.f32 v19, v31;
	v47 =	vunpack.i.u.bf16.f32 v14  }
0x243: {  	v26 =	vld.idx.msk [tilespmem:v26+s21+$0x0], $0xffff;
	v17 =	vmul.f32 v17, v46;
	v54 =	vunpack.i.l.bf16.f32 v14;
	v45 =	vunpack.i.u.bf16.f32 v21  }
0x244: {  	v22 =	vadd.f32 v22, v24;
	v49 =	vunpack.i.l.bf16.f32 v21;
	v6 =	vadd.f32 v6, v10  }
0x245: {  	v55 =	vmul.f32 v42, v47;
	v12 =	vadd.f32 v15, v12;
	v7 =	vadd.f32 v9, v7;
	v4 =	vld.idx.msk [tilespmem:v4+s21+$0x0], $0xffff  }
0x246: {  	v14 =	vmul.f32 v40, v54;
	v16 =	vadd.f32 v19, v16;
	v11 =	vadd.f32 v17, v11;
	v3 =	vld.idx.msk [tilespmem:v3+s21+$0x0], $0xffff  }
0x247: {  	v18 =	vmul.f32 v49, v32;
	v8 =	vmul.f32 v45, v56;
	v50 =	vunpack.i.u.bf16.f32 v27  }
0x248: {  	v51 =	vunpack.i.l.bf16.f32 v26;
	v52 =	vunpack.i.u.bf16.f32 v26;
	v53 =	vunpack.i.l.bf16.f32 v27  }
0x249: {  	v6 =	vadd.f32 v55, v6;
	v62 =	vadd.f32 v14, v22;
	v17 =	vmul.f32 v52, v50  }
0x24a: {  	v57 =	vadd.f32 v18, v13;
	v10 =	vmul.f32 v51, v53;
	v58 =	vunpack.i.u.bf16.f32 v4  }
0x24b: {  	v4 =	vunpack.i.l.bf16.f32 v4;
	v59 =	vunpack.i.u.bf16.f32 v3;
	v3 =	vunpack.i.l.bf16.f32 v3  }
0x24c: {  	v5 =	vadd.f32 v8, v5;
	v3 =	vmul.f32 v4, v3;
	v60 =	vmul.f32 v58, v59  }
0x24d: {  	v11 =	vadd.f32 v17, v11;
	v61 =	vadd.f32 v10, v16  }
0x24e: {  	v3 =	vadd.f32 v3, v7;
	v4 =	vadd.f32 v60, v12  }
0x24f: {  	v6 =	vadd.f32 v6, v62;
	v5 =	vadd.f32 v5, v57  }
0x250: {  	v63 =	vadd.f32 v11, v61;
	v3 =	vadd.f32 v4, v3;
	_ =	sdelay $0x1  }
0x251: {  	v4 =	vadd.f32 v6, v63;
	v3 =	vadd.f32 v3, v5;
	_ =	sdelay $0x1  }
0x252: {  	v3 =	vadd.f32 v4, v3;
	_ =	sdelay $0x1  }
0x253: {  	v3 =	vmul.f32 $1.428571410e+01, v3;
	_ =	sdelay $0x1  }
0x254: {  	v3 =	vadd.f32 $-1.428571410e+01, v3;
	_ =	sdelay $0x1  }
0x255: {  	v3 =	vmul.f32 $1.442695020e+00, v3  }
0x256: {  	v1 =	vld.idx.msk [tilespmem:v1+s3+$0x0], $0xffff  }
0x257: {  	v2 =	vld.idx.msk [tilespmem:v2+s3+$0x0], $0xffff;
	(erf) = vpow2.f32 v3;
	_ =	sdelay $0x4  }
0x258: {  	s0 =	sadd.s32 $0x1, s0;
	vm0 =	vne.s32 v1, $0xFFFFFFFF;
	vm1 =	vne.s32 v2, $0xFFFFFFFF  }
0x259: {  	p1 =	sne.s32 s0, $0x5;
	vm2 =	veq.s32 v1, v2;
	vm0 =	vmand vm0, vm1  }
.Ltmp12:
0x25a: {  	vm0 =	vmand vm0, vm2;
	(pc) =	sbr.rel @p1 .LBB2_25-.Ltmp12, $4  }
0x25b: {  	v2 =	vsel vm0, $0x3F800000, v0  }
0x25c: {  	[tilespmem:s2+$0xEDD0] =	vst v2;
	v1 =	vpop (erf)  }
0x25d: {  	[tilespmem:s2+$0xE600] =	vst v1;
	v1 =	vsel vm0, $0x0, v1  }
0x25e: {  	[tilespmem:s2+$0xF5A0] =	vst v1  }
0x25f: {  	s0 =	rddreg [dreg:$0x6]  }
0x260: {  	s0 =	sadd.s32 s0, s29  }
0x261: {  	[hbm4b:s0+s3] =	stream.linear.scatter [tilespmem:s8], [sflag:$0x5], $0x7D0, $0x38;
	[tilespmem:$0xF868] =	vst v63  }
0x262: {  	_ =	swait.ge [sflag:s17], $0x7D0  }
0x263: {  	[sflag:s17] =	ssyncset.done $0x0;
	s24 =	rddreg [dreg:$0xd]  }
0x264: {  	s2 =	simm.s32 $0xE650;
	[sflag:s17] =	ssyncadd.s32 $0xFFFFF830;
	s0 =	sadd.s32 s24, s29  }
0x265: {  	[hbm4b:s0+s3] =	stream.linear.scatter [tilespmem:s2], [sflag:$0x5], $0x7D0, $0x38;
	[tilespmem:$0xF868] =	vst v63  }
0x266: {  	_ =	swait.ge [sflag:s17], $0x7D0  }
0x267: {  	s28 =	sadd.s32 $0x1, s28;
	[sflag:s17] =	ssyncset.done $0x0  }
0x268: {  	s31 =	simm.s32 $0x7D0;
	p1 =	sne.s32 s28, $0x5;
	[sflag:s17] =	ssyncadd.s32 $0xFFFFF830  }
.Ltmp13:
0x269: {  	s5 =	simm.s32 $0xEE20;
	s29 =	rddreg [dreg:$0x2];
	(pc) =	sbr.rel @p1 .LBB2_6-.Ltmp13, $4  }
0x26a: {  	[spmem:s29] =	stream.indirect.scatter.add.f32 [tilespmem:s5], [sflag:$0x5], $0x1, s19, s31, $0xb8;
	[tilespmem:$0xF868] =	vst v63  }
0x26b: {  	_ =	swait.ge [sflag:s17], $0x7D0  }
0x26c: {  	[sflag:s17] =	ssyncset.done $0x0  }
0x26d: {  	[sflag:s17] =	ssyncadd.s32 $0xFFFFF830  }
0x26e: {  	[bflag:$0x0] =	sbarrier.arrive $0xFFFF  }
0x26f: {  	s0 =	rddreg [dreg:$0x2]  }
0x270: {  	s2 =	simm.s32 @!p0 $0x1C05;
	s5 =	rddreg [dreg:$0xb];
	s0 =	sshrl.u32 @!p0 s0, $0x3  }
0x271: {  	[hbm:s5], [sflag:s2] =	dma.local @!p0 [spmem:s0], $0x4E2  }
0x272: {  	s0 =	simm.s32 @!p0 $0x5  }
0x273: {  	_ =	swait.ge @!p0 [sflag:s0], $0x4E2  }
0x274: {  	s29 =	rddreg [dreg:$0xe]  }
0x275: {  	s31 =	rddreg [dreg:$0xc];
	s5 =	sadd.s32 $0x1, s29  }
0x276: {  	p1 =	sne.s32 s5, s31  }
.Ltmp14:
0x277: {  	_ = 	snop;
	(pc) =	sbr.rel @p1 .LBB2_1-.Ltmp14, $3  }
0x278: {  	_ =	sdelay $0x1  }
0x279: {  	[sflag:s0] =	ssyncset.done @!p0 $0x0  }
0x27a: {  	[sflag:s0] =	ssyncadd.s32 @!p0 $0xFFFFFB1E  }
0x27b: {  	_ =	sfence.sel $0x180000  }
0x27c: {  	[bflag:$0x0] =	sbarrier.arrive $0xFFFF  }
0x27d: {  	_ =	strace $0x90000047  }
0x27e: {  	[bflag:$0x2] =	sbarrier.arrive $0xFFFF  }
0x27f: {  	s0 =	rddreg [dreg:$0x3]  }
0x280: {  	s0 =	sadd.s32 @!p0 $0x100000, s0  }
0x281: {  	[sflag:s0] =	ssyncadd.tile.s32 @!p0 $0x1;
	_ =	shalt  }
.Lfunc_end2:
_tile_overlayer_lowered:
.L_overlay_start_2:
0x282: {  	(tag) =	ssettag $0x2  }
0x283: {  	s0 =	rddreg [dreg:$0x0];
	s2 =	stileid.u32  }
0x284: {  	s1 =	rddreg [dreg:$0x1];
	p0 =	sne.s32 s2, $0x0  }
0x285: {  	s3 =	rddreg [dreg:$0x2];
	[bflag:$0x3] =	sbarrier.arrive $0xFFFF;
	s2 =	simm.s32 @!p0 $0x1C05  }
0x286: {  	[timem:s3], [sflag:s2] =	dma.local @!p0 [hbm:s0], s1  }
0x287: {  	s0 =	simm.s32 @!p0 $0x5  }
0x288: {  	_ =	swait.ge @!p0 [sflag:s0], s1  }
0x289: {  	s1 =	ssub.s32 @!p0 $0x0, s1;
	[sflag:s0] =	ssyncset.done @!p0 $0x0  }
0x28a: {  	[sflag:s0] =	ssyncadd.s32 @!p0 s1  }
0x28b: {  	[bflag:$0x3] =	sbarrier.arrive $0xFFFF  }
0x28c: {  	_ =	shalt  }

// kernel: kernel.9.cloned.1.call-start
scs
__scs_entry_jumppad:
0x0: {  	(pc) =	sbr.rel $0x88, $3  }
0x1: {  	(tag) =	ssettag $0x0;
	lr =	simm.s32 $0x1  }
0x2: {  	[smem:$0x3F9E] =	sst lr;
	_ =	strace $0xD0000000  }
0x3: {  	_ = 	snop  }
0x4: {  	_ = 	snop  }
0x5: {  	_ = 	snop  }
0x6: {  	_ = 	snop  }
0x7: {  	_ = 	snop  }
__scs_overlays_trampoline_lowered:
0x8: {  	[smem:$0x3FAD] =	sst s0  }
0x9: {  	[smem:$0x3FAE] =	sst s1  }
0xa: {  	[smem:$0x3FAF] =	sst s2  }
0xb: {  	[smem:$0x3FB0] =	sst s3  }
0xc: {  	[smem:$0x3FB1] =	sst s4  }
0xd: {  	[smem:$0x3FB2] =	sst s5  }
0xe: {  	[smem:$0x3FB3] =	sst s6  }
0xf: {  	[smem:$0x3FB4] =	sst s7  }
0x10: {  	[smem:$0x3FB5] =	sst s8  }
0x11: {  	[smem:$0x3FB6] =	sst s9;
	s0 =	simm.s32 @!p0 $0x0  }
0x12: {  	s1 =	sld [smem:$0x3F9C];
	s0 =	simm.s32 @p0 $0x1  }
0x13: {  	[smem:$0x3FB7] =	sst s0;
	s0 =	simm.s32 @!p1 $0x0  }
0x14: {  	s2 =	sld [smem:$0x3F9B];
	s0 =	simm.s32 @p1 $0x1  }
0x15: {  	[smem:$0x3FB8] =	sst s0;
	s0 =	simm.s32 @!p2 $0x0  }
0x16: {  	s3 =	sld [smem:$0x3FDB];
	s0 =	simm.s32 @p2 $0x1  }
0x17: {  	s4 =	simm.s32 $0x1BF5;
	[smem:$0x3FBA] =	sst s0  }
0x18: {  	s0 =	sld [smem:$0x3F9D];
	_ =	swait.ge [sflag:s4], $0x0  }
0x19: {  	s7 =	sld [smem:$0x3F9E]  }
0x1a: {  	s8 =	sadd.s32 $0xFFFFE003, lr  }
0x1b: {  	s9 =	sadd.s32 $0xFFFFFEF7, lr;
	s5 =	simm.s32 $0xFFFFFFFF;
	p2 =	slt.u32 s8, $0xFFFFF086  }
0x1c: {  	p1 =	slt.u32 s9, $0xF7A;
	s5 =	simm.s32 @!p2 $0x0  }
0x1d: {  	s5 =	simm.s32 @p1 $0x1;
	p0 =	seq.s32 s7, s2  }
0x1e: {  	s7 =	smul.u32 @!p0 $0xF7A, s2;
	p2 =	seq.s32 @!p0 s5, $0x0  }
0x1f: {  	s9 =	smul.u32 $0xF7A, s1;
	s8 =	simm.s32 @!p0 $0x1BF5;
	p2 =	por !p2, p0  }
0x20: {  	[sflag:s8] =	ssyncset.s32 @!p0 $0xFFFFF086;
	s6 =	sadd.s32 @!p0 s3, s7;
	s7 =	simm.s32 @!p0 $0x108  }
0x21: {  	s3 =	sadd.s32 s3, s9;
	s6 =	sadd.s32 @!p0 $0x88, s6;
	s7 =	simm.s32 @p2 $0x1082  }
0x22: {  	[simem:s7], [sflag:s8] =	dma.local @!p0 [hbm:s6], $0xF7A  }
0x23: {  	s9 =	sor.u32 $0xD0000000, s2;
	s6 =	simm.s32 $0x108;
	_ =	swait.ge @!p0 [sflag:s8], $0x0  }
0x24: {  	s3 =	sadd.s32 $0x88, s3;
	s6 =	simm.s32 @!p1 $0x1082;
	[sflag:s4] =	ssyncset.s32 $0xFFFFF086  }
0x25: {  	[simem:s6], [sflag:s4] =	dma.local [hbm:s3], $0xF7A  }
0x26: {  	[smem:$0x3F9E] =	sst s1;
	(tag) =	ssettag s2;
	_ =	strace s9  }
0x27: {  	s1 =	sld [smem:$0x3FAE]  }
0x28: {  	s2 =	sld [smem:$0x3FAF]  }
0x29: {  	s4 =	sld [smem:$0x3FB1]  }
0x2a: {  	p0 =	seq.s32 s5, $0x0;
	s5 =	sld [smem:$0x3FB2]  }
0x2b: {  	s6 =	sld [smem:$0x3FB3]  }
0x2c: {  	s7 =	sld [smem:$0x3FB4]  }
0x2d: {  	s3 =	simm.s32 $0x108;
	s8 =	sld [smem:$0x3FB5]  }
0x2e: {  	s3 =	simm.s32 @!p0 $0x1082;
	s9 =	sld [smem:$0x3FB6]  }
0x2f: {  	lr =	sadd.s32 s0, s3;
	s0 =	sld [smem:$0x3FAD]  }
0x30: {  	s3 =	sld [smem:$0x3FB0]  }
0x31: {  	[smem:$0x3FB9] =	sst s10  }
0x32: {  	s10 =	sld [smem:$0x3FB7];
	_ =	sdelay $0x3  }
0x33: {  	p0 =	seq.s32 s10, $0x1;
	s10 =	sld [smem:$0x3FB9];
	_ =	sdelay $0x3  }
0x34: {  	[smem:$0x3FB9] =	sst s10  }
0x35: {  	s10 =	sld [smem:$0x3FB8];
	_ =	sdelay $0x3  }
0x36: {  	p1 =	seq.s32 s10, $0x1;
	s10 =	sld [smem:$0x3FB9];
	_ =	sdelay $0x3  }
0x37: {  	[smem:$0x3FB9] =	sst s10  }
0x38: {  	s10 =	sld [smem:$0x3FBA]  }
0x39: {  	_ = 	snop;
	(pc) =	sbr.ind lr, $3  }
0x3a: {  	_ = 	snop  }
0x3b: {  	_ = 	snop  }
0x3c: {  	p2 =	seq.s32 s10, $0x1;
	s10 =	sld [smem:$0x3FB9]  }
0x3d: {  	_ =	shalt  }
0x3e: {  	_ =	shalt  }
0x3f: {  	_ =	shalt  }
0x40: {  	_ =	shalt  }
0x41: {  	_ =	shalt  }
0x42: {  	_ =	shalt  }
0x43: {  	_ =	shalt  }
0x44: {  	_ =	shalt  }
0x45: {  	_ =	shalt  }
0x46: {  	_ =	shalt  }
0x47: {  	_ =	shalt  }
0x48: {  	_ =	shalt  }
0x49: {  	_ =	shalt  }
0x4a: {  	_ =	shalt  }
0x4b: {  	_ =	shalt  }
0x4c: {  	_ =	shalt  }
0x4d: {  	_ =	shalt  }
0x4e: {  	_ =	shalt  }
0x4f: {  	_ =	shalt  }
0x50: {  	_ =	shalt  }
0x51: {  	_ =	shalt  }
0x52: {  	_ =	shalt  }
0x53: {  	_ =	shalt  }
0x54: {  	_ =	shalt  }
0x55: {  	_ =	shalt  }
0x56: {  	_ =	shalt  }
0x57: {  	_ =	shalt  }
0x58: {  	_ =	shalt  }
0x59: {  	_ =	shalt  }
0x5a: {  	_ =	shalt  }
0x5b: {  	_ =	shalt  }
0x5c: {  	_ =	shalt  }
0x5d: {  	_ =	shalt  }
0x5e: {  	_ =	shalt  }
0x5f: {  	_ =	shalt  }
0x60: {  	_ =	shalt  }
0x61: {  	_ =	shalt  }
0x62: {  	_ =	shalt  }
0x63: {  	_ =	shalt  }
0x64: {  	_ =	shalt  }
0x65: {  	_ =	shalt  }
0x66: {  	_ =	shalt  }
0x67: {  	_ =	shalt  }
0x68: {  	_ =	shalt  }
0x69: {  	_ =	shalt  }
0x6a: {  	_ =	shalt  }
0x6b: {  	_ =	shalt  }
0x6c: {  	_ =	shalt  }
0x6d: {  	_ =	shalt  }
0x6e: {  	_ =	shalt  }
0x6f: {  	_ =	shalt  }
0x70: {  	_ =	shalt  }
0x71: {  	_ =	shalt  }
0x72: {  	_ =	shalt  }
0x73: {  	_ =	shalt  }
0x74: {  	_ =	shalt  }
0x75: {  	_ =	shalt  }
0x76: {  	_ =	shalt  }
0x77: {  	_ =	shalt  }
0x78: {  	_ =	shalt  }
0x79: {  	_ =	shalt  }
0x7a: {  	_ =	shalt  }
0x7b: {  	_ =	shalt  }
0x7c: {  	_ =	shalt  }
0x7d: {  	_ =	shalt  }
0x7e: {  	_ =	shalt  }
0x7f: {  	_ =	shalt  }
0x80: {  	_ =	shalt  }
0x81: {  	_ =	shalt  }
0x82: {  	_ =	shalt  }
0x83: {  	_ =	shalt  }
0x84: {  	_ =	shalt  }
0x85: {  	_ =	shalt  }
0x86: {  	_ =	shalt  }
0x87: {  	_ =	shalt  }
.Lfunc_end0:
.L_simem_size_0:
called_computation.1_lowered:
.L_overlay_start_0:
0x88: {  	s2 =	sld [smem:$0x3FD9]  }
0x89: {  	s3 =	sld [smem:$0x3FFE];
	_ =	sdelay $0x1  }
0x8a: {  	s1 =	srdreg.scid  }
0x8b: {  	s0 =	sand.u32 $0x1, s1  }
0x8c: {  	s16 =	sshll.u32 s0, $0xA;
	s2 =	sadd.s32 s3, s2  }
0x8d: {  	s2 =	sadd.s32 s2, s16  }
0x8e: {  	[smem:$0x3FC5] =	sst s2  }
0x8f: {  	_ = 	snop  }
0x90: {  	(tm) =	ssettm $0x1  }
0x91: {  	s17 =	sld [smem:$0x3FFB];
	_ =	sdelay $0x3  }
0x92: {  	_ =	strace s17  }
0x93: {  	s2 =	sld [smem:$0x3FFC];
	_ =	sdelay $0x3  }
0x94: {  	_ =	strace s2  }
0x95: {  	s2 =	sld [smem:$0x3FFD];
	_ =	sdelay $0x3  }
0x96: {  	_ =	strace s2  }
0x97: {  	_ =	strace $0x8FFFFFFF  }
0x98: {  	s18 =	sld [smem:$0x3FDB];
	_ =	sdelay $0x1  }
0x99: {  	s19 =	simm.s32 $_scs_section_size  }
0x9a: {  	s4 =	simm.s32 $_size__tile_overlayer_lowered;
	s5 =	simm.s32 $_tile_overlayer_lowered  }
0x9b: {  	s22 =	simm.s32 $0x1BFF;
	s21 =	sshll.u32 s5, $0x1;
	s2 =	sadd.s32 s19, s18  }
0x9c: {  	s6 =	simm.s32 $0x0;
	s20 =	sshll.u32 s4, $0x1;
	s4 =	sadd.s32 s21, s2  }
0x9d: {  	[timem:s6], [sflag:s22] =	dma.local [hbm:s4], s20  }
0x9e: {  	_ =	swait.ge [sflag:s22], s20  }
0x9f: {  	s3 =	ssub.s32 $0x0, s20;
	[sflag:s22] =	ssyncset.done $0x0  }
0xa0: {  	[sflag:s22] =	ssyncadd.s32 s3;
	_ =	sdelay $0x1  }
0xa1: {  	s23 =	simm.s32 $0x1B8B  }
0xa2: {  	_ =	swait.ge [sflag:s23], $0x1  }
0xa3: {  	[sflag:s23] =	ssyncset.done $0x0  }
0xa4: {  	s25 =	simm.s32 $0x1B8E;
	s24 =	sld [smem:$0x3FFE];
	[sflag:s23] =	ssyncadd.s32 $0xFFFFFFFF  }
0xa5: {  	s26 =	simm.s32 $execute0_lowered;
	[smem:$0x3FD2] =	sst s25  }
0xa6: {  	s4 =	sshll.u32 s26, $0x1;
	_ =	strace $0x80000049;
	[dreg:$0x1] =	wrdreg $0xFFFFFFFF  }
0xa7: {  	s28 =	simm.s32 $_size_execute0_lowered;
	s2 =	sadd.s32 s2, s4;
	[dreg:$0x0] =	wrdreg $0x0  }
0xa8: {  	s4 =	sshll.u32 s28, $0x1;
	[dreg:$0x2] =	wrdreg s2  }
0xa9: {  	[dreg:$0x3] =	wrdreg s4  }
0xaa: {  	[dreg:$0x4] =	wrdreg $0xC0  }
0xab: {  	_ =	task [dreg:s6], $0x5FFFF  }
0xac: {  	[dreg:$0x1] =	wrdreg $0xFFFFFFFF  }
0xad: {  	[dreg:$0x0] =	wrdreg $0x60  }
0xae: {  	[dreg:$0x2] =	wrdreg s24  }
0xaf: {  	[dreg:$0x3] =	wrdreg $0x9  }
0xb0: {  	_ =	task.clear_ibuf [dreg:s6], $0x4FFFF;
	_ =	strace $0x90000049  }
0xb1: {  	s29 =	simm.s32 $0x9;
	_ =	strace $0x8000004B  }
0xb2: {  	_ =	swait.ge [sflag:s29], $0x1  }
0xb3: {  	[sflag:s29] =	ssyncadd.s32 $0xFFFFFFFF  }
0xb4: {  	_ =	strace $0x9000004B  }
0xb5: {  	_ =	sfence  }
0xb6: {  	s30 =	sld [smem:$0x0];
	_ =	sdelay $0x2  }
0xb7: {  	s31 =	sshll.u32 s1, $0xD;
	s1 =	sshrl.u32 s1, $0x2  }
0xb8: {  	s3 =	sand.u32 $0x4000, s31;
	s1 =	sadd.s32 s1, s30  }
0xb9: {  	s0 =	sor.u32 s3, s0;
	s1 =	sshll.u32 s1, $0x11  }
0xba: {  	s0 =	sor.u32 s1, s0  }
0xbb: {  	s0 =	sadd.s32 $0x8F2B, s0  }
0xbc: {  	[sflag:s0] =	ssyncadd.remote.s32 $0x1  }
0xbd: {  	_ =	sfence.sel $0xFFFF  }
0xbe: {  	[dreg:$0x0] =	wrdreg $0xFFFFFFFF;
	(pc) =	sbr.abs _section_cstart, $3  }
0xbf: {  	[dreg:$0x1] =	wrdreg $0xFFFFFFFF  }
0xc0: {  	_ =	task.clear_ibuf [dreg:s6], $0x2FFFF;
	_ =	strace $0x9FFFFFFF  }
0xc1: {  	(tm) =	ssettm $0x7FFFFFFF  }
tec
execute0_lowered:
.L_overlay_start_1:
0x0: {  	(tag) =	ssettag $0x1  }
0x1: {  	s6 =	rddreg [dreg:$0x0]  }
0x2: {  	s0 =	rddreg [dreg:$0x1]  }
0x3: {  	s1 =	simm.s32 $0x0;
	s2 =	srdreg.scid;
	s11 =	simm.s32 $0x1  }
0x4: {  	s12 =	simm.s32 $0x2780;
	s13 =	simm.s32 $0x4F00;
	s14 =	simm.s32 $0x5700  }
0x5: {  	s15 =	simm.s32 $0x0;
	[smem:$0x7FF] =	sst s1;
	s3 =	sadd.s32 $0xB200, s6  }
0x6: {  	s7 =	sand.u32 $0x1, s2;
	s4 =	sadd.s32 $0x1400, s6;
	s2 =	stileid.u32  }
0x7: {  	s5 =	sadd.s32 $0xBC00, s6;
	s6 =	sadd.s32 $0xB210, s6;
	s8 =	ssub.s32 $0x2, s7  }
0x8: {  	_ =	strace $0x8000004A;
	s10 =	sshll.u32 s2, $0x1;
	s9 =	sshrl.u32 s8, $0x1  }
0x9: {  	s7 =	sor.u32 s7, s10;
	s10 =	simm.s32 $0x100;
	s8 =	ssub.s32 s8, s9  }
0xa: {  	s7 =	smul.u32 $0x2710, s7;
	s9 =	simm.s32 $0x80;
	s8 =	smax.u32 s8, $0x1  }
.LBB2_1:
0xb: {  	[tilespmem:s1], [sflag:$0x1] =	stream.strided.gather [hbm4b:s3+s9], $0x2780, s10, s9, $0x38;
	[tilespmem:$0x5F00] =	vst v63  }
0xc: {  	_ =	swait.ge [sflag:s11], $0x2780  }
0xd: {  	[sflag:s11] =	ssyncset.done $0x0  }
0xe: {  	[sflag:s11] =	ssyncadd.s32 $0xFFFFD880  }
0xf: {  	[tilespmem:s12], [sflag:$0x1] =	stream.strided.gather [hbm4b:s6+s9], $0x2780, s10, s9, $0x38;
	[tilespmem:$0x5F00] =	vst v63  }
0x10: {  	_ =	swait.ge [sflag:s11], $0x2780  }
0x11: {  	[sflag:s11] =	ssyncset.done $0x0  }
0x12: {  	s16 =	simm.s32 $0x40;
	[sflag:s11] =	ssyncadd.s32 $0xFFFFD880  }
0x13: {  	s17 =	simm.s32 $0x27C0;
	v0 =	vld [tilespmem:s16+$0xFFFFFFC0]  }
0x14: {  	v1 =	vld [tilespmem:s17+$0xFFFFFFC0];
	_ =	sdelay $0x4  }
0x15: {  	v0 =	vadd.f32 v1, v0;
	_ =	sdelay $0x1  }
0x16: {  	v0 =	vmax.f32 v0, $0.0e+00  }
0x17: {  	[tilespmem:s16+$0xFFFFFFC0] =	vst v0;
	v0 =	vld [tilespmem:s16+$0xFFFFFFD0]  }
0x18: {  	v1 =	vld [tilespmem:s17+$0xFFFFFFD0];
	_ =	sdelay $0x4  }
0x19: {  	v0 =	vadd.f32 v1, v0;
	_ =	sdelay $0x1  }
0x1a: {  	v0 =	vmax.f32 v0, $0.0e+00  }
0x1b: {  	[tilespmem:s16+$0xFFFFFFD0] =	vst v0;
	v0 =	vld [tilespmem:s16+$0xFFFFFFE0]  }
0x1c: {  	v1 =	vld [tilespmem:s17+$0xFFFFFFE0];
	_ =	sdelay $0x4  }
0x1d: {  	v0 =	vadd.f32 v1, v0;
	_ =	sdelay $0x1  }
0x1e: {  	v0 =	vmax.f32 v0, $0.0e+00  }
0x1f: {  	[tilespmem:s16+$0xFFFFFFE0] =	vst v0;
	v0 =	vld [tilespmem:s16+$0xFFFFFFF0]  }
0x20: {  	v1 =	vld [tilespmem:s17+$0xFFFFFFF0];
	_ =	sdelay $0x4  }
0x21: {  	v0 =	vadd.f32 v1, v0;
	_ =	sdelay $0x1  }
0x22: {  	v0 =	vmax.f32 v0, $0.0e+00  }
0x23: {  	[tilespmem:s16+$0xFFFFFFF0] =	vst v0;
	v0 =	vld [tilespmem:s16+$0x0]  }
0x24: {  	v1 =	vld [tilespmem:s17+$0x0];
	_ =	sdelay $0x4  }
0x25: {  	v0 =	vadd.f32 v1, v0;
	_ =	sdelay $0x1  }
0x26: {  	v0 =	vmax.f32 v0, $0.0e+00  }
0x27: {  	[tilespmem:s16+$0x0] =	vst v0;
	v0 =	vld [tilespmem:s16+$0x10]  }
0x28: {  	v1 =	vld [tilespmem:s17+$0x10];
	_ =	sdelay $0x4  }
0x29: {  	v0 =	vadd.f32 v1, v0;
	_ =	sdelay $0x1  }
0x2a: {  	v0 =	vmax.f32 v0, $0.0e+00  }
0x2b: {  	[tilespmem:s16+$0x10] =	vst v0;
	v0 =	vld [tilespmem:s16+$0x20]  }
0x2c: {  	v1 =	vld [tilespmem:s17+$0x20];
	_ =	sdelay $0x4  }
0x2d: {  	v0 =	vadd.f32 v1, v0;
	_ =	sdelay $0x1  }
0x2e: {  	v0 =	vmax.f32 v0, $0.0e+00  }
0x2f: {  	[tilespmem:s16+$0x20] =	vst v0;
	v0 =	vld [tilespmem:s16+$0x30]  }
0x30: {  	v1 =	vld [tilespmem:s17+$0x30];
	_ =	sdelay $0x4  }
0x31: {  	v0 =	vadd.f32 v1, v0;
	_ =	sdelay $0x1  }
0x32: {  	s18 =	simm.s32 $0x0;
	s19 =	simm.s32 $0xC0;
	v0 =	vmax.f32 v0, $0.0e+00  }
.LBB2_2:
0x33: {  	v1 =	vld [tilespmem:s19+$0xFFFFFFC0];
	[tilespmem:s16+$0x30] =	vst v0;
	s17 =	sadd.s32 $0x80, s17;
	s16 =	smov.u32 s19  }
0x34: {  	s18 =	sadd.s32 $0x8, s18;
	v0 =	vld [tilespmem:s17+$0xFFFFFFC0]  }
0x35: {  	p0 =	slt.u32 s18, $0x268;
	_ =	sdelay $0x3  }
0x36: {  	v0 =	vadd.f32 v0, v1;
	_ =	sdelay $0x1  }
0x37: {  	v0 =	vmax.f32 v0, $0.0e+00  }
0x38: {  	[tilespmem:s19+$0xFFFFFFC0] =	vst v0;
	v0 =	vld [tilespmem:s19+$0xFFFFFFD0]  }
0x39: {  	v1 =	vld [tilespmem:s17+$0xFFFFFFD0];
	_ =	sdelay $0x4  }
0x3a: {  	v0 =	vadd.f32 v1, v0;
	_ =	sdelay $0x1  }
0x3b: {  	v0 =	vmax.f32 v0, $0.0e+00  }
0x3c: {  	[tilespmem:s19+$0xFFFFFFD0] =	vst v0;
	v0 =	vld [tilespmem:s19+$0xFFFFFFE0]  }
0x3d: {  	v1 =	vld [tilespmem:s17+$0xFFFFFFE0];
	_ =	sdelay $0x4  }
0x3e: {  	v0 =	vadd.f32 v1, v0;
	_ =	sdelay $0x1  }
0x3f: {  	v0 =	vmax.f32 v0, $0.0e+00  }
0x40: {  	[tilespmem:s19+$0xFFFFFFE0] =	vst v0;
	v0 =	vld [tilespmem:s19+$0xFFFFFFF0]  }
0x41: {  	v1 =	vld [tilespmem:s17+$0xFFFFFFF0];
	_ =	sdelay $0x4  }
0x42: {  	v0 =	vadd.f32 v1, v0;
	_ =	sdelay $0x1  }
0x43: {  	v0 =	vmax.f32 v0, $0.0e+00  }
0x44: {  	[tilespmem:s19+$0xFFFFFFF0] =	vst v0;
	v0 =	vld [tilespmem:s19+$0x0]  }
0x45: {  	v1 =	vld [tilespmem:s17+$0x0];
	_ =	sdelay $0x4  }
0x46: {  	v0 =	vadd.f32 v1, v0;
	_ =	sdelay $0x1  }
0x47: {  	v0 =	vmax.f32 v0, $0.0e+00  }
0x48: {  	[tilespmem:s19+$0x0] =	vst v0;
	v0 =	vld [tilespmem:s19+$0x10]  }
0x49: {  	v1 =	vld [tilespmem:s17+$0x10];
	_ =	sdelay $0x4  }
0x4a: {  	v0 =	vadd.f32 v1, v0;
	_ =	sdelay $0x1  }
0x4b: {  	v0 =	vmax.f32 v0, $0.0e+00  }
0x4c: {  	[tilespmem:s19+$0x10] =	vst v0;
	v0 =	vld [tilespmem:s19+$0x20]  }
0x4d: {  	v1 =	vld [tilespmem:s17+$0x20];
	_ =	sdelay $0x4  }
0x4e: {  	v0 =	vadd.f32 v1, v0;
	_ =	sdelay $0x1  }
0x4f: {  	v0 =	vmax.f32 v0, $0.0e+00  }
0x50: {  	[tilespmem:s19+$0x20] =	vst v0;
	v0 =	vld [tilespmem:s19+$0x30]  }
0x51: {  	v1 =	vld [tilespmem:s17+$0x30];
	_ =	sdelay $0x2  }
.Ltmp0:
0x52: {  	(pc) =	sbr.rel @p0 .LBB2_2-.Ltmp0, $3  }
0x53: {  	_ = 	snop  }
0x54: {  	v0 =	vadd.f32 v1, v0;
	_ =	sdelay $0x1  }
0x55: {  	s19 =	sadd.s32 $0x80, s19;
	v0 =	vmax.f32 v0, $0.0e+00  }
0x56: {  	[tilespmem:s16+$0x30] =	vst v0  }
0x57: {  	v0 =	vld [tilespmem:$0x2700]  }
0x58: {  	v1 =	vld [tilespmem:$0x4E80];
	_ =	sdelay $0x4  }
0x59: {  	v0 =	vadd.f32 v1, v0;
	_ =	sdelay $0x1  }
0x5a: {  	v0 =	vmax.f32 v0, $0.0e+00  }
0x5b: {  	s16 =	simm.s32 $0x0;
	[tilespmem:$0x2700] =	vst v0  }
.LBB2_4:
0x5c: {  	s17 =	smul.u32 $0x7D0, s16;
	_ =	sdelay $0x1  }
0x5d: {  	s17 =	sadd.s32 s7, s17  }
0x5e: {  	s17 =	sshrl.u32 s17, $0x3  }
0x5f: {  	s18 =	sadd.s32 s4, s17  }
0x60: {  	[tilespmem:s13], [sflag:$0x1] =	stream.linear.gather [hbm4b:s18+s1], $0x7D0, $0x38;
	[tilespmem:$0x5F00] =	vst v63  }
0x61: {  	_ =	swait.ge [sflag:s11], $0x7D0  }
0x62: {  	s19 =	simm.s32 $0x4F40;
	[sflag:s11] =	ssyncset.done $0x0  }
0x63: {  	s20 =	simm.s32 $0x5740;
	s18 =	simm.s32 $0xFFFFFFF8;
	[sflag:s11] =	ssyncadd.s32 $0xFFFFF830  }
.LBB2_5:
0x64: {  	v0 =	vld [tilespmem:s19+$0xFFFFFFC0];
	_ =	sdelay $0x7  }
0x65: {  	v0 =	vld.idx.msk [tilespmem:v0+s1+$0x0], $0xffff;
	_ =	sdelay $0x4  }
0x66: {  	[tilespmem:s20+$0xFFFFFFC0] =	vst v0  }
0x67: {  	v0 =	vld [tilespmem:s19+$0xFFFFFFD0];
	_ =	sdelay $0x7  }
0x68: {  	v0 =	vld.idx.msk [tilespmem:v0+s1+$0x0], $0xffff;
	_ =	sdelay $0x4  }
0x69: {  	[tilespmem:s20+$0xFFFFFFD0] =	vst v0  }
0x6a: {  	v0 =	vld [tilespmem:s19+$0xFFFFFFE0];
	_ =	sdelay $0x7  }
0x6b: {  	v0 =	vld.idx.msk [tilespmem:v0+s1+$0x0], $0xffff;
	_ =	sdelay $0x4  }
0x6c: {  	[tilespmem:s20+$0xFFFFFFE0] =	vst v0  }
0x6d: {  	v0 =	vld [tilespmem:s19+$0xFFFFFFF0];
	_ =	sdelay $0x7  }
0x6e: {  	v0 =	vld.idx.msk [tilespmem:v0+s1+$0x0], $0xffff;
	_ =	sdelay $0x4  }
0x6f: {  	[tilespmem:s20+$0xFFFFFFF0] =	vst v0  }
0x70: {  	v0 =	vld [tilespmem:s19+$0x0];
	_ =	sdelay $0x7  }
0x71: {  	v0 =	vld.idx.msk [tilespmem:v0+s1+$0x0], $0xffff;
	_ =	sdelay $0x4  }
0x72: {  	[tilespmem:s20+$0x0] =	vst v0  }
0x73: {  	v0 =	vld [tilespmem:s19+$0x10];
	_ =	sdelay $0x7  }
0x74: {  	v0 =	vld.idx.msk [tilespmem:v0+s1+$0x0], $0xffff;
	_ =	sdelay $0x4  }
0x75: {  	[tilespmem:s20+$0x10] =	vst v0  }
0x76: {  	v0 =	vld [tilespmem:s19+$0x20];
	_ =	sdelay $0x7  }
0x77: {  	v0 =	vld.idx.msk [tilespmem:v0+s1+$0x0], $0xffff;
	_ =	sdelay $0x4  }
0x78: {  	[tilespmem:s20+$0x20] =	vst v0  }
0x79: {  	v0 =	vld [tilespmem:s19+$0x30];
	_ =	sdelay $0x6  }
0x7a: {  	s18 =	sadd.s32 $0x8, s18  }
0x7b: {  	p0 =	slt.u32 s18, $0x70;
	v0 =	vld.idx.msk [tilespmem:v0+s1+$0x0], $0xffff  }
.Ltmp1:
0x7c: {  	_ = 	snop;
	(pc) =	sbr.rel @p0 .LBB2_5-.Ltmp1, $2  }
0x7d: {  	_ =	sdelay $0x2  }
0x7e: {  	s19 =	sadd.s32 $0x80, s19;
	[tilespmem:s20+$0x30] =	vst v0;
	s20 =	sadd.s32 $0x80, s20  }
0x7f: {  	v0 =	vld [tilespmem:$0x5680];
	_ =	sdelay $0x5  }
0x80: {  	v1 =	vld [tilespmem:$0x5690];
	_ =	sdelay $0x1  }
0x81: {  	v0 =	vld.idx.msk [tilespmem:v0+s1+$0x0], $0xffff;
	_ =	sdelay $0x3  }
0x82: {  	v2 =	vld [tilespmem:$0x56A0]  }
0x83: {  	[tilespmem:$0x5E80] =	vst v0  }
0x84: {  	v0 =	vld.idx.msk [tilespmem:v1+s1+$0x0], $0xffff;
	_ =	sdelay $0x3  }
0x85: {  	v62 =	vld [tilespmem:$0x56B0]  }
0x86: {  	[tilespmem:$0x5E90] =	vst v0  }
0x87: {  	v0 =	vld.idx.msk [tilespmem:v2+s1+$0x0], $0xffff;
	_ =	sdelay $0x3  }
0x88: {  	v63 =	vld [tilespmem:$0x56C0]  }
0x89: {  	[tilespmem:$0x5EA0] =	vst v0  }
0x8a: {  	v0 =	vld.idx.msk [tilespmem:v62+s1+$0x0], $0xffff;
	_ =	sdelay $0x4  }
0x8b: {  	[tilespmem:$0x5EB0] =	vst v0  }
0x8c: {  	v0 =	vld.idx.msk [tilespmem:v63+s1+$0x0], $0xffff;
	_ =	sdelay $0x2  }
0x8d: {  	s16 =	sadd.s32 $0x1, s16  }
0x8e: {  	p0 =	sne.s32 s16, $0x5  }
.Ltmp2:
0x8f: {  	s17 =	sadd.s32 s5, s17;
	[tilespmem:$0x5EC0] =	vst v0;
	(pc) =	sbr.rel @p0 .LBB2_4-.Ltmp2, $4  }
0x90: {  	[hbm4b:s17+s1] =	stream.linear.scatter [tilespmem:s14], [sflag:$0x1], $0x7D0, $0x38;
	[tilespmem:$0x5F00] =	vst v63  }
0x91: {  	_ =	swait.ge [sflag:s11], $0x7D0  }
0x92: {  	[sflag:s11] =	ssyncset.done $0x0  }
0x93: {  	[sflag:s11] =	ssyncadd.s32 $0xFFFFF830  }
0x94: {  	s15 =	sadd.s32 $0x1, s15  }
0x95: {  	p0 =	sne.s32 s15, s8  }
.Ltmp3:
0x96: {  	_ = 	snop;
	(pc) =	sbr.rel @p0 .LBB2_1-.Ltmp3, $1  }
0x97: {  	_ =	sdelay $0x3  }
0x98: {  	_ =	sfence.sel $0x180000  }
0x99: {  	[bflag:$0x0] =	sbarrier.arrive $0xFFFF  }
0x9a: {  	p0 =	sne.s32 s2, $0x0;
	_ =	strace $0x9000004A  }
0x9b: {  	s0 =	sadd.s32 @!p0 $0x100000, s0;
	[bflag:$0x2] =	sbarrier.arrive $0xFFFF  }
0x9c: {  	[sflag:s0] =	ssyncadd.tile.s32 @!p0 $0x1;
	_ =	shalt  }
.Lfunc_end2:
_tile_overlayer_lowered:
.L_overlay_start_2:
0x9d: {  	(tag) =	ssettag $0x2  }
0x9e: {  	s0 =	rddreg [dreg:$0x0];
	s2 =	stileid.u32  }
0x9f: {  	s1 =	rddreg [dreg:$0x1];
	p0 =	sne.s32 s2, $0x0  }
0xa0: {  	s3 =	rddreg [dreg:$0x2];
	[bflag:$0x3] =	sbarrier.arrive $0xFFFF;
	s2 =	simm.s32 @!p0 $0x1C01  }
0xa1: {  	[timem:s3], [sflag:s2] =	dma.local @!p0 [hbm:s0], s1  }
0xa2: {  	s0 =	simm.s32 @!p0 $0x1  }
0xa3: {  	_ =	swait.ge @!p0 [sflag:s0], s1  }
0xa4: {  	s1 =	ssub.s32 @!p0 $0x0, s1;
	[sflag:s0] =	ssyncset.done @!p0 $0x0  }
0xa5: {  	[sflag:s0] =	ssyncadd.s32 @!p0 s1  }
0xa6: {  	[bflag:$0x3] =	sbarrier.arrive $0xFFFF  }
0xa7: {  	_ =	shalt  }

</sc_bundles>
